<compile_context>
chip_gen: v7x
topology: tpu7x:2x2x1
jax: 0.10.2.dev20260603
libtpu: 0.0.44.dev20260713+nightly
codegen_flags: <defaults>
</compile_context>

<pallas_src>
import functools

import jax
import jax.numpy as jnp
from jax import lax
from jax.experimental import pallas as pl
from jax.experimental.pallas import tpu as pltpu
from jax.experimental.pallas import tpu_sc as plsc

D = 64
DP = 2 * D
B = 16384
NC = 2
NS = 16
NW = NC * NS
BW = B // NW
BH = BW // 2
CH = 128
NCH = BH // CH
L = 16


def _sc_body(h_hbm, r_hbm, t_hbm, ent_hbm, rel_hbm, out_hbm,
             hi_v, ri_v, ti_v, hrows, rrows, trows, out_v, sem):
    wid = lax.axis_index("s") * NC + lax.axis_index("c")
    iota16 = lax.iota(jnp.int32, L)

    for half in range(2):
        base = wid * BW + half * BH

        for j in range(NCH):
            pltpu.sync_copy(h_hbm.at[pl.ds(base + j * CH, CH)], hi_v.at[j])
            pltpu.sync_copy(r_hbm.at[pl.ds(base + j * CH, CH)], ri_v.at[j])
            pltpu.sync_copy(t_hbm.at[pl.ds(base + j * CH, CH)], ti_v.at[j])

        copies = []
        for j in range(NCH):
            copies.append(pltpu.async_copy(
                ent_hbm.at[hi_v.at[j]], hrows.at[pl.ds(j * CH, CH)], sem))
            copies.append(pltpu.async_copy(
                rel_hbm.at[ri_v.at[j]], rrows.at[pl.ds(j * CH, CH)], sem))
            copies.append(pltpu.async_copy(
                ent_hbm.at[ti_v.at[j]], trows.at[pl.ds(j * CH, CH)], sem))
        for c in copies:
            c.wait()

        def group(g, carry):
            res = jnp.zeros((L,), jnp.float32)
            for rr in range(L):
                i = g * L + rr
                acc = jnp.zeros((L,), jnp.float32)
                for c in range(D // L):
                    h = hrows[i, pl.ds(c * L, L)]
                    r = rrows[i, pl.ds(c * L, L)]
                    t = trows[i, pl.ds(c * L, L)]
                    acc = acc + jnp.abs(h + r - t)
                s = jnp.sum(acc)
                res = jnp.where(iota16 == rr, s, res)
            out_v[pl.ds(half * BH + g * L, L)] = res
            return carry

        lax.fori_loop(0, BH // L, group, 0)

    pltpu.sync_copy(out_v, out_hbm.at[pl.ds(wid * BW, BW)])


@functools.partial(jax.jit)
def _run(head_indices, relation_indices, tail_indices, entity_table,
         relation_table):
    ent_pad = jnp.pad(entity_table, ((0, 0), (0, D)))
    rel_pad = jnp.pad(relation_table, ((0, 0), (0, D)))
    mesh = plsc.VectorSubcoreMesh(core_axis_name="c", subcore_axis_name="s")
    kfn = functools.partial(
        pl.kernel,
        mesh=mesh,
        compiler_params=pltpu.CompilerParams(
            needs_layout_passes=False,
        ),
        out_type=jax.ShapeDtypeStruct((B,), jnp.float32),
        scratch_types=[
            pltpu.VMEM((NCH, CH), jnp.int32),
            pltpu.VMEM((NCH, CH), jnp.int32),
            pltpu.VMEM((NCH, CH), jnp.int32),
            pltpu.VMEM((BH, DP), jnp.float32),
            pltpu.VMEM((BH, DP), jnp.float32),
            pltpu.VMEM((BH, DP), jnp.float32),
            pltpu.VMEM((BW,), jnp.float32),
            pltpu.SemaphoreType.DMA,
        ],
    )(_sc_body)
    return kfn(head_indices, relation_indices, tail_indices, ent_pad,
               rel_pad)


def kernel(head_indices, relation_indices, tail_indices, entity_table,
           relation_table):
    return _run(head_indices, relation_indices, tail_indices, entity_table,
                relation_table)

# --- scband reference (transcript-rebuilt; emitter-appended) ---
"""Pipeline reference for scband-graph-encoder-82274393522866 (READ-ONLY COPY).

The authoritative reference and input builder live on the scoring server;
editing this copy changes nothing except your own understanding.
"""

import jax, jax.numpy as jnp
import numpy as np

NUM_ENTITIES = 1000000
NUM_RELATIONS = 1000
EMBED_DIM = 64
BATCH = 16384

def setup_inputs(seed: int = 0) -> dict:
    key = jax.random.key(seed)
    k1, k2, k3, k4, k5 = jax.random.split(key, 5)
    head_indices = jax.random.randint(k1, (BATCH,), 0, NUM_ENTITIES, dtype=jnp.int32)
    relation_indices = jax.random.randint(k2, (BATCH,), 0, NUM_RELATIONS, dtype=jnp.int32)
    tail_indices = jax.random.randint(k3, (BATCH,), 0, NUM_ENTITIES, dtype=jnp.int32)
    entity_table = jax.random.normal(k4, (NUM_ENTITIES, EMBED_DIM), dtype=jnp.float32)
    relation_table = jax.random.normal(k5, (NUM_RELATIONS, EMBED_DIM), dtype=jnp.float32)
    return {
        "head_indices": head_indices,
        "relation_indices": relation_indices,
        "tail_indices": tail_indices,
        "entity_table": entity_table,
        "relation_table": relation_table,
    }

def reference(head_indices, relation_indices, tail_indices, entity_table, relation_table):
    head_embed = jnp.take(entity_table, head_indices, axis=0)
    relation_embed = jnp.take(relation_table, relation_indices, axis=0)
    tail_embed = jnp.take(entity_table, tail_indices, axis=0)
    score = head_embed + relation_embed - tail_embed
    score = jnp.sum(jnp.abs(score), axis=1)  # L1 norm over dim=1
    return score

if __name__ == "__main__":
    import jax
    _d = setup_inputs()
    print(jax.jit(kernel)(*tuple(_d.values())))

</pallas_src>

<mosaic_0001>
#map = affine_map<(d0, d1) -> (0)>
#map1 = affine_map<(d0, d1) -> (0, 0)>
module attributes {stable_mosaic.version = 14 : i64} {
  func.func @_sc_body(%arg0: i32, %arg1: i32, %arg2: memref<16384xi32, #tpu.memory_space<hbm>>, %arg3: memref<16384xi32, #tpu.memory_space<hbm>>, %arg4: memref<16384xi32, #tpu.memory_space<hbm>>, %arg5: memref<1000000x128xf32, #tpu.memory_space<hbm>>, %arg6: memref<1000x128xf32, #tpu.memory_space<hbm>>, %arg7: memref<16384xf32, #tpu.memory_space<hbm>>, %arg8: memref<2x128xi32, #tpu.memory_space<vmem>>, %arg9: memref<2x128xi32, #tpu.memory_space<vmem>>, %arg10: memref<2x128xi32, #tpu.memory_space<vmem>>, %arg11: memref<256x128xf32, #tpu.memory_space<vmem>>, %arg12: memref<256x128xf32, #tpu.memory_space<vmem>>, %arg13: memref<256x128xf32, #tpu.memory_space<vmem>>, %arg14: memref<512xf32, #tpu.memory_space<vmem>>, %arg15: memref<!tpu.dma_semaphore, #tpu.memory_space<semaphore_mem>>) attributes {dimension_semantics = [#tpu.dimension_semantics<core_parallel>, #tpu.dimension_semantics<subcore_parallel>], iteration_bounds = array<i64: 2, 16>, scalar_prefetch = 0 : i64, scratch_operands = 8 : i64, tpu.core_type = #tpu.core_type<sc_vector_subcore>, window_params = [{transform_indices = #map}, {transform_indices = #map}, {transform_indices = #map}, {transform_indices = #map1}, {transform_indices = #map1}, {transform_indices = #map}]} {
    %mul3A = arith.constant 2 : i32
    %mul3A_0 = arith.muli %arg1, %mul3A : i32
    %add3A = arith.addi %mul3A_0, %arg0 : i32
    %iota3A = tpu.iota {dimensions = array<i32: 0>} : vector<16xi32>
    %mul3A_1 = arith.constant 512 : i32
    %mul3A_2 = arith.muli %add3A, %mul3A_1 : i32
    %add3A_3 = arith.constant 0 : i32
    %add3A_4 = arith.addi %mul3A_2, %add3A_3 : i32
    %add3A_5 = arith.constant 0 : i32
    %add3A_6 = arith.addi %add3A_4, %add3A_5 : i32
    %run_scoped3A = arith.constant 0 : i32
    "tpu.region"() ({
      %run_scoped3A_295 = tpu.sem_alloc : memref<!tpu.dma_semaphore, #tpu.memory_space<semaphore_mem>>
      %dma_start3A_296 = arith.constant 0 : i32
      %dma_start3A_297 = tpu.memref_slice %arg8[%run_scoped3A, %dma_start3A_296] : memref<2x128xi32, #tpu.memory_space<vmem>> -> memref<1x128xi32, #tpu.memory_space<vmem>>
      %dma_start3A_298 = tpu.memref_squeeze %dma_start3A_297 : memref<1x128xi32, #tpu.memory_space<vmem>> -> memref<128xi32, #tpu.memory_space<vmem>>
      %dma_start3A_299 = tpu.memref_slice %arg2[%add3A_6] : memref<16384xi32, #tpu.memory_space<hbm>> -> memref<128xi32, #tpu.memory_space<hbm>>
      %dma_start3A_300 = arith.constant 0 : i32
      %dma_start3A_301 = tpu.memref_slice %arg8[%run_scoped3A, %dma_start3A_300] : memref<2x128xi32, #tpu.memory_space<vmem>> -> memref<1x128xi32, #tpu.memory_space<vmem>>
      %dma_start3A_302 = tpu.memref_squeeze %dma_start3A_301 : memref<1x128xi32, #tpu.memory_space<vmem>> -> memref<128xi32, #tpu.memory_space<vmem>>
      %dma_start3A_303 = tpu.memref_slice %arg2[%add3A_6] : memref<16384xi32, #tpu.memory_space<hbm>> -> memref<128xi32, #tpu.memory_space<hbm>>
      tpu.enqueue_dma source(%dma_start3A_303 : memref<128xi32, #tpu.memory_space<hbm>>) target(%dma_start3A_302 : memref<128xi32, #tpu.memory_space<vmem>>) target_semaphore(%run_scoped3A_295 : memref<!tpu.dma_semaphore, #tpu.memory_space<semaphore_mem>>)
      %dma_wait3A_304 = arith.constant 0 : i32
      %dma_wait3A_305 = tpu.memref_slice %arg8[%run_scoped3A, %dma_wait3A_304] : memref<2x128xi32, #tpu.memory_space<vmem>> -> memref<1x128xi32, #tpu.memory_space<vmem>>
      %dma_wait3A_306 = tpu.memref_squeeze %dma_wait3A_305 : memref<1x128xi32, #tpu.memory_space<vmem>> -> memref<128xi32, #tpu.memory_space<vmem>>
      %dma_wait3A_307 = tpu.memref_slice %arg2[%add3A_6] : memref<16384xi32, #tpu.memory_space<hbm>> -> memref<128xi32, #tpu.memory_space<hbm>>
      %dma_wait3A_308 = arith.constant 0 : i32
      %dma_wait3A_309 = tpu.memref_slice %arg8[%run_scoped3A, %dma_wait3A_308] : memref<2x128xi32, #tpu.memory_space<vmem>> -> memref<1x128xi32, #tpu.memory_space<vmem>>
      %dma_wait3A_310 = tpu.memref_squeeze %dma_wait3A_309 : memref<1x128xi32, #tpu.memory_space<vmem>> -> memref<128xi32, #tpu.memory_space<vmem>>
      %dma_wait3A_311 = tpu.memref_slice %arg2[%add3A_6] : memref<16384xi32, #tpu.memory_space<hbm>> -> memref<128xi32, #tpu.memory_space<hbm>>
      tpu.wait_dma2 semaphore(%run_scoped3A_295 : memref<!tpu.dma_semaphore, #tpu.memory_space<semaphore_mem>>) src(%dma_wait3A_311 : memref<128xi32, #tpu.memory_space<hbm>>) dst(%dma_wait3A_310 : memref<128xi32, #tpu.memory_space<vmem>>)
      tpu.yield
    }) : () -> ()
    %add3A_7 = arith.constant 0 : i32
    %add3A_8 = arith.addi %add3A_4, %add3A_7 : i32
    %run_scoped3A_9 = arith.constant 0 : i32
    "tpu.region"() ({
      %run_scoped3A_295 = tpu.sem_alloc : memref<!tpu.dma_semaphore, #tpu.memory_space<semaphore_mem>>
      %dma_start3A_296 = arith.constant 0 : i32
      %dma_start3A_297 = tpu.memref_slice %arg9[%run_scoped3A_9, %dma_start3A_296] : memref<2x128xi32, #tpu.memory_space<vmem>> -> memref<1x128xi32, #tpu.memory_space<vmem>>
      %dma_start3A_298 = tpu.memref_squeeze %dma_start3A_297 : memref<1x128xi32, #tpu.memory_space<vmem>> -> memref<128xi32, #tpu.memory_space<vmem>>
      %dma_start3A_299 = tpu.memref_slice %arg3[%add3A_8] : memref<16384xi32, #tpu.memory_space<hbm>> -> memref<128xi32, #tpu.memory_space<hbm>>
      %dma_start3A_300 = arith.constant 0 : i32
      %dma_start3A_301 = tpu.memref_slice %arg9[%run_scoped3A_9, %dma_start3A_300] : memref<2x128xi32, #tpu.memory_space<vmem>> -> memref<1x128xi32, #tpu.memory_space<vmem>>
      %dma_start3A_302 = tpu.memref_squeeze %dma_start3A_301 : memref<1x128xi32, #tpu.memory_space<vmem>> -> memref<128xi32, #tpu.memory_space<vmem>>
      %dma_start3A_303 = tpu.memref_slice %arg3[%add3A_8] : memref<16384xi32, #tpu.memory_space<hbm>> -> memref<128xi32, #tpu.memory_space<hbm>>
      tpu.enqueue_dma source(%dma_start3A_303 : memref<128xi32, #tpu.memory_space<hbm>>) target(%dma_start3A_302 : memref<128xi32, #tpu.memory_space<vmem>>) target_semaphore(%run_scoped3A_295 : memref<!tpu.dma_semaphore, #tpu.memory_space<semaphore_mem>>)
      %dma_wait3A_304 = arith.constant 0 : i32
      %dma_wait3A_305 = tpu.memref_slice %arg9[%run_scoped3A_9, %dma_wait3A_304] : memref<2x128xi32, #tpu.memory_space<vmem>> -> memref<1x128xi32, #tpu.memory_space<vmem>>
      %dma_wait3A_306 = tpu.memref_squeeze %dma_wait3A_305 : memref<1x128xi32, #tpu.memory_space<vmem>> -> memref<128xi32, #tpu.memory_space<vmem>>
      %dma_wait3A_307 = tpu.memref_slice %arg3[%add3A_8] : memref<16384xi32, #tpu.memory_space<hbm>> -> memref<128xi32, #tpu.memory_space<hbm>>
      %dma_wait3A_308 = arith.constant 0 : i32
      %dma_wait3A_309 = tpu.memref_slice %arg9[%run_scoped3A_9, %dma_wait3A_308] : memref<2x128xi32, #tpu.memory_space<vmem>> -> memref<1x128xi32, #tpu.memory_space<vmem>>
      %dma_wait3A_310 = tpu.memref_squeeze %dma_wait3A_309 : memref<1x128xi32, #tpu.memory_space<vmem>> -> memref<128xi32, #tpu.memory_space<vmem>>
      %dma_wait3A_311 = tpu.memref_slice %arg3[%add3A_8] : memref<16384xi32, #tpu.memory_space<hbm>> -> memref<128xi32, #tpu.memory_space<hbm>>
      tpu.wait_dma2 semaphore(%run_scoped3A_295 : memref<!tpu.dma_semaphore, #tpu.memory_space<semaphore_mem>>) src(%dma_wait3A_311 : memref<128xi32, #tpu.memory_space<hbm>>) dst(%dma_wait3A_310 : memref<128xi32, #tpu.memory_space<vmem>>)
      tpu.yield
    }) : () -> ()
    %add3A_10 = arith.constant 0 : i32
    %add3A_11 = arith.addi %add3A_4, %add3A_10 : i32
    %run_scoped3A_12 = arith.constant 0 : i32
    "tpu.region"() ({
      %run_scoped3A_295 = tpu.sem_alloc : memref<!tpu.dma_semaphore, #tpu.memory_space<semaphore_mem>>
      %dma_start3A_296 = arith.constant 0 : i32
      %dma_start3A_297 = tpu.memref_slice %arg10[%run_scoped3A_12, %dma_start3A_296] : memref<2x128xi32, #tpu.memory_space<vmem>> -> memref<1x128xi32, #tpu.memory_space<vmem>>
      %dma_start3A_298 = tpu.memref_squeeze %dma_start3A_297 : memref<1x128xi32, #tpu.memory_space<vmem>> -> memref<128xi32, #tpu.memory_space<vmem>>
      %dma_start3A_299 = tpu.memref_slice %arg4[%add3A_11] : memref<16384xi32, #tpu.memory_space<hbm>> -> memref<128xi32, #tpu.memory_space<hbm>>
      %dma_start3A_300 = arith.constant 0 : i32
      %dma_start3A_301 = tpu.memref_slice %arg10[%run_scoped3A_12, %dma_start3A_300] : memref<2x128xi32, #tpu.memory_space<vmem>> -> memref<1x128xi32, #tpu.memory_space<vmem>>
      %dma_start3A_302 = tpu.memref_squeeze %dma_start3A_301 : memref<1x128xi32, #tpu.memory_space<vmem>> -> memref<128xi32, #tpu.memory_space<vmem>>
      %dma_start3A_303 = tpu.memref_slice %arg4[%add3A_11] : memref<16384xi32, #tpu.memory_space<hbm>> -> memref<128xi32, #tpu.memory_space<hbm>>
      tpu.enqueue_dma source(%dma_start3A_303 : memref<128xi32, #tpu.memory_space<hbm>>) target(%dma_start3A_302 : memref<128xi32, #tpu.memory_space<vmem>>) target_semaphore(%run_scoped3A_295 : memref<!tpu.dma_semaphore, #tpu.memory_space<semaphore_mem>>)
      %dma_wait3A_304 = arith.constant 0 : i32
      %dma_wait3A_305 = tpu.memref_slice %arg10[%run_scoped3A_12, %dma_wait3A_304] : memref<2x128xi32, #tpu.memory_space<vmem>> -> memref<1x128xi32, #tpu.memory_space<vmem>>
      %dma_wait3A_306 = tpu.memref_squeeze %dma_wait3A_305 : memref<1x128xi32, #tpu.memory_space<vmem>> -> memref<128xi32, #tpu.memory_space<vmem>>
      %dma_wait3A_307 = tpu.memref_slice %arg4[%add3A_11] : memref<16384xi32, #tpu.memory_space<hbm>> -> memref<128xi32, #tpu.memory_space<hbm>>
      %dma_wait3A_308 = arith.constant 0 : i32
      %dma_wait3A_309 = tpu.memref_slice %arg10[%run_scoped3A_12, %dma_wait3A_308] : memref<2x128xi32, #tpu.memory_space<vmem>> -> memref<1x128xi32, #tpu.memory_space<vmem>>
      %dma_wait3A_310 = tpu.memref_squeeze %dma_wait3A_309 : memref<1x128xi32, #tpu.memory_space<vmem>> -> memref<128xi32, #tpu.memory_space<vmem>>
      %dma_wait3A_311 = tpu.memref_slice %arg4[%add3A_11] : memref<16384xi32, #tpu.memory_space<hbm>> -> memref<128xi32, #tpu.memory_space<hbm>>
      tpu.wait_dma2 semaphore(%run_scoped3A_295 : memref<!tpu.dma_semaphore, #tpu.memory_space<semaphore_mem>>) src(%dma_wait3A_311 : memref<128xi32, #tpu.memory_space<hbm>>) dst(%dma_wait3A_310 : memref<128xi32, #tpu.memory_space<vmem>>)
      tpu.yield
    }) : () -> ()
    %add3A_13 = arith.constant 128 : i32
    %add3A_14 = arith.addi %add3A_4, %add3A_13 : i32
    %run_scoped3A_15 = arith.constant 1 : i32
    "tpu.region"() ({
      %run_scoped3A_295 = tpu.sem_alloc : memref<!tpu.dma_semaphore, #tpu.memory_space<semaphore_mem>>
      %dma_start3A_296 = arith.constant 0 : i32
      %dma_start3A_297 = tpu.memref_slice %arg8[%run_scoped3A_15, %dma_start3A_296] : memref<2x128xi32, #tpu.memory_space<vmem>> -> memref<1x128xi32, #tpu.memory_space<vmem>>
      %dma_start3A_298 = tpu.memref_squeeze %dma_start3A_297 : memref<1x128xi32, #tpu.memory_space<vmem>> -> memref<128xi32, #tpu.memory_space<vmem>>
      %dma_start3A_299 = tpu.memref_slice %arg2[%add3A_14] : memref<16384xi32, #tpu.memory_space<hbm>> -> memref<128xi32, #tpu.memory_space<hbm>>
      %dma_start3A_300 = arith.constant 0 : i32
      %dma_start3A_301 = tpu.memref_slice %arg8[%run_scoped3A_15, %dma_start3A_300] : memref<2x128xi32, #tpu.memory_space<vmem>> -> memref<1x128xi32, #tpu.memory_space<vmem>>
      %dma_start3A_302 = tpu.memref_squeeze %dma_start3A_301 : memref<1x128xi32, #tpu.memory_space<vmem>> -> memref<128xi32, #tpu.memory_space<vmem>>
      %dma_start3A_303 = tpu.memref_slice %arg2[%add3A_14] : memref<16384xi32, #tpu.memory_space<hbm>> -> memref<128xi32, #tpu.memory_space<hbm>>
      tpu.enqueue_dma source(%dma_start3A_303 : memref<128xi32, #tpu.memory_space<hbm>>) target(%dma_start3A_302 : memref<128xi32, #tpu.memory_space<vmem>>) target_semaphore(%run_scoped3A_295 : memref<!tpu.dma_semaphore, #tpu.memory_space<semaphore_mem>>)
      %dma_wait3A_304 = arith.constant 0 : i32
      %dma_wait3A_305 = tpu.memref_slice %arg8[%run_scoped3A_15, %dma_wait3A_304] : memref<2x128xi32, #tpu.memory_space<vmem>> -> memref<1x128xi32, #tpu.memory_space<vmem>>
      %dma_wait3A_306 = tpu.memref_squeeze %dma_wait3A_305 : memref<1x128xi32, #tpu.memory_space<vmem>> -> memref<128xi32, #tpu.memory_space<vmem>>
      %dma_wait3A_307 = tpu.memref_slice %arg2[%add3A_14] : memref<16384xi32, #tpu.memory_space<hbm>> -> memref<128xi32, #tpu.memory_space<hbm>>
      %dma_wait3A_308 = arith.constant 0 : i32
      %dma_wait3A_309 = tpu.memref_slice %arg8[%run_scoped3A_15, %dma_wait3A_308] : memref<2x128xi32, #tpu.memory_space<vmem>> -> memref<1x128xi32, #tpu.memory_space<vmem>>
      %dma_wait3A_310 = tpu.memref_squeeze %dma_wait3A_309 : memref<1x128xi32, #tpu.memory_space<vmem>> -> memref<128xi32, #tpu.memory_space<vmem>>
      %dma_wait3A_311 = tpu.memref_slice %arg2[%add3A_14] : memref<16384xi32, #tpu.memory_space<hbm>> -> memref<128xi32, #tpu.memory_space<hbm>>
      tpu.wait_dma2 semaphore(%run_scoped3A_295 : memref<!tpu.dma_semaphore, #tpu.memory_space<semaphore_mem>>) src(%dma_wait3A_311 : memref<128xi32, #tpu.memory_space<hbm>>) dst(%dma_wait3A_310 : memref<128xi32, #tpu.memory_space<vmem>>)
      tpu.yield
    }) : () -> ()
    %add3A_16 = arith.constant 128 : i32
    %add3A_17 = arith.addi %add3A_4, %add3A_16 : i32
    %run_scoped3A_18 = arith.constant 1 : i32
    "tpu.region"() ({
      %run_scoped3A_295 = tpu.sem_alloc : memref<!tpu.dma_semaphore, #tpu.memory_space<semaphore_mem>>
      %dma_start3A_296 = arith.constant 0 : i32
      %dma_start3A_297 = tpu.memref_slice %arg9[%run_scoped3A_18, %dma_start3A_296] : memref<2x128xi32, #tpu.memory_space<vmem>> -> memref<1x128xi32, #tpu.memory_space<vmem>>
      %dma_start3A_298 = tpu.memref_squeeze %dma_start3A_297 : memref<1x128xi32, #tpu.memory_space<vmem>> -> memref<128xi32, #tpu.memory_space<vmem>>
      %dma_start3A_299 = tpu.memref_slice %arg3[%add3A_17] : memref<16384xi32, #tpu.memory_space<hbm>> -> memref<128xi32, #tpu.memory_space<hbm>>
      %dma_start3A_300 = arith.constant 0 : i32
      %dma_start3A_301 = tpu.memref_slice %arg9[%run_scoped3A_18, %dma_start3A_300] : memref<2x128xi32, #tpu.memory_space<vmem>> -> memref<1x128xi32, #tpu.memory_space<vmem>>
      %dma_start3A_302 = tpu.memref_squeeze %dma_start3A_301 : memref<1x128xi32, #tpu.memory_space<vmem>> -> memref<128xi32, #tpu.memory_space<vmem>>
      %dma_start3A_303 = tpu.memref_slice %arg3[%add3A_17] : memref<16384xi32, #tpu.memory_space<hbm>> -> memref<128xi32, #tpu.memory_space<hbm>>
      tpu.enqueue_dma source(%dma_start3A_303 : memref<128xi32, #tpu.memory_space<hbm>>) target(%dma_start3A_302 : memref<128xi32, #tpu.memory_space<vmem>>) target_semaphore(%run_scoped3A_295 : memref<!tpu.dma_semaphore, #tpu.memory_space<semaphore_mem>>)
      %dma_wait3A_304 = arith.constant 0 : i32
      %dma_wait3A_305 = tpu.memref_slice %arg9[%run_scoped3A_18, %dma_wait3A_304] : memref<2x128xi32, #tpu.memory_space<vmem>> -> memref<1x128xi32, #tpu.memory_space<vmem>>
      %dma_wait3A_306 = tpu.memref_squeeze %dma_wait3A_305 : memref<1x128xi32, #tpu.memory_space<vmem>> -> memref<128xi32, #tpu.memory_space<vmem>>
      %dma_wait3A_307 = tpu.memref_slice %arg3[%add3A_17] : memref<16384xi32, #tpu.memory_space<hbm>> -> memref<128xi32, #tpu.memory_space<hbm>>
      %dma_wait3A_308 = arith.constant 0 : i32
      %dma_wait3A_309 = tpu.memref_slice %arg9[%run_scoped3A_18, %dma_wait3A_308] : memref<2x128xi32, #tpu.memory_space<vmem>> -> memref<1x128xi32, #tpu.memory_space<vmem>>
      %dma_wait3A_310 = tpu.memref_squeeze %dma_wait3A_309 : memref<1x128xi32, #tpu.memory_space<vmem>> -> memref<128xi32, #tpu.memory_space<vmem>>
      %dma_wait3A_311 = tpu.memref_slice %arg3[%add3A_17] : memref<16384xi32, #tpu.memory_space<hbm>> -> memref<128xi32, #tpu.memory_space<hbm>>
      tpu.wait_dma2 semaphore(%run_scoped3A_295 : memref<!tpu.dma_semaphore, #tpu.memory_space<semaphore_mem>>) src(%dma_wait3A_311 : memref<128xi32, #tpu.memory_space<hbm>>) dst(%dma_wait3A_310 : memref<128xi32, #tpu.memory_space<vmem>>)
      tpu.yield
    }) : () -> ()
    %add3A_19 = arith.constant 128 : i32
    %add3A_20 = arith.addi %add3A_4, %add3A_19 : i32
    %run_scoped3A_21 = arith.constant 1 : i32
    "tpu.region"() ({
      %run_scoped3A_295 = tpu.sem_alloc : memref<!tpu.dma_semaphore, #tpu.memory_space<semaphore_mem>>
      %dma_start3A_296 = arith.constant 0 : i32
      %dma_start3A_297 = tpu.memref_slice %arg10[%run_scoped3A_21, %dma_start3A_296] : memref<2x128xi32, #tpu.memory_space<vmem>> -> memref<1x128xi32, #tpu.memory_space<vmem>>
      %dma_start3A_298 = tpu.memref_squeeze %dma_start3A_297 : memref<1x128xi32, #tpu.memory_space<vmem>> -> memref<128xi32, #tpu.memory_space<vmem>>
      %dma_start3A_299 = tpu.memref_slice %arg4[%add3A_20] : memref<16384xi32, #tpu.memory_space<hbm>> -> memref<128xi32, #tpu.memory_space<hbm>>
      %dma_start3A_300 = arith.constant 0 : i32
      %dma_start3A_301 = tpu.memref_slice %arg10[%run_scoped3A_21, %dma_start3A_300] : memref<2x128xi32, #tpu.memory_space<vmem>> -> memref<1x128xi32, #tpu.memory_space<vmem>>
      %dma_start3A_302 = tpu.memref_squeeze %dma_start3A_301 : memref<1x128xi32, #tpu.memory_space<vmem>> -> memref<128xi32, #tpu.memory_space<vmem>>
      %dma_start3A_303 = tpu.memref_slice %arg4[%add3A_20] : memref<16384xi32, #tpu.memory_space<hbm>> -> memref<128xi32, #tpu.memory_space<hbm>>
      tpu.enqueue_dma source(%dma_start3A_303 : memref<128xi32, #tpu.memory_space<hbm>>) target(%dma_start3A_302 : memref<128xi32, #tpu.memory_space<vmem>>) target_semaphore(%run_scoped3A_295 : memref<!tpu.dma_semaphore, #tpu.memory_space<semaphore_mem>>)
      %dma_wait3A_304 = arith.constant 0 : i32
      %dma_wait3A_305 = tpu.memref_slice %arg10[%run_scoped3A_21, %dma_wait3A_304] : memref<2x128xi32, #tpu.memory_space<vmem>> -> memref<1x128xi32, #tpu.memory_space<vmem>>
      %dma_wait3A_306 = tpu.memref_squeeze %dma_wait3A_305 : memref<1x128xi32, #tpu.memory_space<vmem>> -> memref<128xi32, #tpu.memory_space<vmem>>
      %dma_wait3A_307 = tpu.memref_slice %arg4[%add3A_20] : memref<16384xi32, #tpu.memory_space<hbm>> -> memref<128xi32, #tpu.memory_space<hbm>>
      %dma_wait3A_308 = arith.constant 0 : i32
      %dma_wait3A_309 = tpu.memref_slice %arg10[%run_scoped3A_21, %dma_wait3A_308] : memref<2x128xi32, #tpu.memory_space<vmem>> -> memref<1x128xi32, #tpu.memory_space<vmem>>
      %dma_wait3A_310 = tpu.memref_squeeze %dma_wait3A_309 : memref<1x128xi32, #tpu.memory_space<vmem>> -> memref<128xi32, #tpu.memory_space<vmem>>
      %dma_wait3A_311 = tpu.memref_slice %arg4[%add3A_20] : memref<16384xi32, #tpu.memory_space<hbm>> -> memref<128xi32, #tpu.memory_space<hbm>>
      tpu.wait_dma2 semaphore(%run_scoped3A_295 : memref<!tpu.dma_semaphore, #tpu.memory_space<semaphore_mem>>) src(%dma_wait3A_311 : memref<128xi32, #tpu.memory_space<hbm>>) dst(%dma_wait3A_310 : memref<128xi32, #tpu.memory_space<vmem>>)
      tpu.yield
    }) : () -> ()
    %dma_start3A = arith.constant 0 : i32
    %dma_start3A_22 = arith.constant 0 : i32
    %dma_start3A_23 = arith.constant 0 : i32
    %dma_start3A_24 = tpu.memref_slice %arg11[%dma_start3A_22, %dma_start3A_23] : memref<256x128xf32, #tpu.memory_space<vmem>> -> memref<128x128xf32, #tpu.memory_space<vmem>>
    %dma_start3A_25 = arith.constant 0 : i32
    %dma_start3A_26 = tpu.memref_slice %arg8[%dma_start3A, %dma_start3A_25] : memref<2x128xi32, #tpu.memory_space<vmem>> -> memref<1x128xi32, #tpu.memory_space<vmem>>
    %dma_start3A_27 = tpu.memref_squeeze %dma_start3A_26 : memref<1x128xi32, #tpu.memory_space<vmem>> -> memref<128xi32, #tpu.memory_space<vmem>>
    %dma_start3A_28 = arith.constant 0 : i32
    %dma_start3A_29 = arith.constant 0 : i32
    %dma_start3A_30 = tpu.memref_slice %arg5[%dma_start3A_28, %dma_start3A_29] : memref<1000000x128xf32, #tpu.memory_space<hbm>> -> memref<1000000x128xf32, #tpu.memory_space<hbm>>
    tpu.enqueue_indirect_dma source(%dma_start3A_30 : memref<1000000x128xf32, #tpu.memory_space<hbm>>) target(%dma_start3A_24 : memref<128x128xf32, #tpu.memory_space<vmem>>) offsets(%dma_start3A_27 : memref<128xi32, #tpu.memory_space<vmem>>) semaphore(%arg15 : memref<!tpu.dma_semaphore, #tpu.memory_space<semaphore_mem>>)
    %dma_start3A_31 = arith.constant 0 : i32
    %dma_start3A_32 = arith.constant 0 : i32
    %dma_start3A_33 = arith.constant 0 : i32
    %dma_start3A_34 = tpu.memref_slice %arg12[%dma_start3A_32, %dma_start3A_33] : memref<256x128xf32, #tpu.memory_space<vmem>> -> memref<128x128xf32, #tpu.memory_space<vmem>>
    %dma_start3A_35 = arith.constant 0 : i32
    %dma_start3A_36 = tpu.memref_slice %arg9[%dma_start3A_31, %dma_start3A_35] : memref<2x128xi32, #tpu.memory_space<vmem>> -> memref<1x128xi32, #tpu.memory_space<vmem>>
    %dma_start3A_37 = tpu.memref_squeeze %dma_start3A_36 : memref<1x128xi32, #tpu.memory_space<vmem>> -> memref<128xi32, #tpu.memory_space<vmem>>
    %dma_start3A_38 = arith.constant 0 : i32
    %dma_start3A_39 = arith.constant 0 : i32
    %dma_start3A_40 = tpu.memref_slice %arg6[%dma_start3A_38, %dma_start3A_39] : memref<1000x128xf32, #tpu.memory_space<hbm>> -> memref<1000x128xf32, #tpu.memory_space<hbm>>
    tpu.enqueue_indirect_dma source(%dma_start3A_40 : memref<1000x128xf32, #tpu.memory_space<hbm>>) target(%dma_start3A_34 : memref<128x128xf32, #tpu.memory_space<vmem>>) offsets(%dma_start3A_37 : memref<128xi32, #tpu.memory_space<vmem>>) semaphore(%arg15 : memref<!tpu.dma_semaphore, #tpu.memory_space<semaphore_mem>>)
    %dma_start3A_41 = arith.constant 0 : i32
    %dma_start3A_42 = arith.constant 0 : i32
    %dma_start3A_43 = arith.constant 0 : i32
    %dma_start3A_44 = tpu.memref_slice %arg13[%dma_start3A_42, %dma_start3A_43] : memref<256x128xf32, #tpu.memory_space<vmem>> -> memref<128x128xf32, #tpu.memory_space<vmem>>
    %dma_start3A_45 = arith.constant 0 : i32
    %dma_start3A_46 = tpu.memref_slice %arg10[%dma_start3A_41, %dma_start3A_45] : memref<2x128xi32, #tpu.memory_space<vmem>> -> memref<1x128xi32, #tpu.memory_space<vmem>>
    %dma_start3A_47 = tpu.memref_squeeze %dma_start3A_46 : memref<1x128xi32, #tpu.memory_space<vmem>> -> memref<128xi32, #tpu.memory_space<vmem>>
    %dma_start3A_48 = arith.constant 0 : i32
    %dma_start3A_49 = arith.constant 0 : i32
    %dma_start3A_50 = tpu.memref_slice %arg5[%dma_start3A_48, %dma_start3A_49] : memref<1000000x128xf32, #tpu.memory_space<hbm>> -> memref<1000000x128xf32, #tpu.memory_space<hbm>>
    tpu.enqueue_indirect_dma source(%dma_start3A_50 : memref<1000000x128xf32, #tpu.memory_space<hbm>>) target(%dma_start3A_44 : memref<128x128xf32, #tpu.memory_space<vmem>>) offsets(%dma_start3A_47 : memref<128xi32, #tpu.memory_space<vmem>>) semaphore(%arg15 : memref<!tpu.dma_semaphore, #tpu.memory_space<semaphore_mem>>)
    %dma_start3A_51 = arith.constant 1 : i32
    %dma_start3A_52 = arith.constant 128 : i32
    %dma_start3A_53 = arith.constant 0 : i32
    %dma_start3A_54 = tpu.memref_slice %arg11[%dma_start3A_52, %dma_start3A_53] : memref<256x128xf32, #tpu.memory_space<vmem>> -> memref<128x128xf32, #tpu.memory_space<vmem>>
    %dma_start3A_55 = arith.constant 0 : i32
    %dma_start3A_56 = tpu.memref_slice %arg8[%dma_start3A_51, %dma_start3A_55] : memref<2x128xi32, #tpu.memory_space<vmem>> -> memref<1x128xi32, #tpu.memory_space<vmem>>
    %dma_start3A_57 = tpu.memref_squeeze %dma_start3A_56 : memref<1x128xi32, #tpu.memory_space<vmem>> -> memref<128xi32, #tpu.memory_space<vmem>>
    %dma_start3A_58 = arith.constant 0 : i32
    %dma_start3A_59 = arith.constant 0 : i32
    %dma_start3A_60 = tpu.memref_slice %arg5[%dma_start3A_58, %dma_start3A_59] : memref<1000000x128xf32, #tpu.memory_space<hbm>> -> memref<1000000x128xf32, #tpu.memory_space<hbm>>
    tpu.enqueue_indirect_dma source(%dma_start3A_60 : memref<1000000x128xf32, #tpu.memory_space<hbm>>) target(%dma_start3A_54 : memref<128x128xf32, #tpu.memory_space<vmem>>) offsets(%dma_start3A_57 : memref<128xi32, #tpu.memory_space<vmem>>) semaphore(%arg15 : memref<!tpu.dma_semaphore, #tpu.memory_space<semaphore_mem>>)
    %dma_start3A_61 = arith.constant 1 : i32
    %dma_start3A_62 = arith.constant 128 : i32
    %dma_start3A_63 = arith.constant 0 : i32
    %dma_start3A_64 = tpu.memref_slice %arg12[%dma_start3A_62, %dma_start3A_63] : memref<256x128xf32, #tpu.memory_space<vmem>> -> memref<128x128xf32, #tpu.memory_space<vmem>>
    %dma_start3A_65 = arith.constant 0 : i32
    %dma_start3A_66 = tpu.memref_slice %arg9[%dma_start3A_61, %dma_start3A_65] : memref<2x128xi32, #tpu.memory_space<vmem>> -> memref<1x128xi32, #tpu.memory_space<vmem>>
    %dma_start3A_67 = tpu.memref_squeeze %dma_start3A_66 : memref<1x128xi32, #tpu.memory_space<vmem>> -> memref<128xi32, #tpu.memory_space<vmem>>
    %dma_start3A_68 = arith.constant 0 : i32
    %dma_start3A_69 = arith.constant 0 : i32
    %dma_start3A_70 = tpu.memref_slice %arg6[%dma_start3A_68, %dma_start3A_69] : memref<1000x128xf32, #tpu.memory_space<hbm>> -> memref<1000x128xf32, #tpu.memory_space<hbm>>
    tpu.enqueue_indirect_dma source(%dma_start3A_70 : memref<1000x128xf32, #tpu.memory_space<hbm>>) target(%dma_start3A_64 : memref<128x128xf32, #tpu.memory_space<vmem>>) offsets(%dma_start3A_67 : memref<128xi32, #tpu.memory_space<vmem>>) semaphore(%arg15 : memref<!tpu.dma_semaphore, #tpu.memory_space<semaphore_mem>>)
    %dma_start3A_71 = arith.constant 1 : i32
    %dma_start3A_72 = arith.constant 128 : i32
    %dma_start3A_73 = arith.constant 0 : i32
    %dma_start3A_74 = tpu.memref_slice %arg13[%dma_start3A_72, %dma_start3A_73] : memref<256x128xf32, #tpu.memory_space<vmem>> -> memref<128x128xf32, #tpu.memory_space<vmem>>
    %dma_start3A_75 = arith.constant 0 : i32
    %dma_start3A_76 = tpu.memref_slice %arg10[%dma_start3A_71, %dma_start3A_75] : memref<2x128xi32, #tpu.memory_space<vmem>> -> memref<1x128xi32, #tpu.memory_space<vmem>>
    %dma_start3A_77 = tpu.memref_squeeze %dma_start3A_76 : memref<1x128xi32, #tpu.memory_space<vmem>> -> memref<128xi32, #tpu.memory_space<vmem>>
    %dma_start3A_78 = arith.constant 0 : i32
    %dma_start3A_79 = arith.constant 0 : i32
    %dma_start3A_80 = tpu.memref_slice %arg5[%dma_start3A_78, %dma_start3A_79] : memref<1000000x128xf32, #tpu.memory_space<hbm>> -> memref<1000000x128xf32, #tpu.memory_space<hbm>>
    tpu.enqueue_indirect_dma source(%dma_start3A_80 : memref<1000000x128xf32, #tpu.memory_space<hbm>>) target(%dma_start3A_74 : memref<128x128xf32, #tpu.memory_space<vmem>>) offsets(%dma_start3A_77 : memref<128xi32, #tpu.memory_space<vmem>>) semaphore(%arg15 : memref<!tpu.dma_semaphore, #tpu.memory_space<semaphore_mem>>)
    %dma_wait3A = arith.constant 0 : i32
    %dma_wait3A_81 = arith.constant 0 : i32
    %dma_wait3A_82 = arith.constant 0 : i32
    %dma_wait3A_83 = tpu.memref_slice %arg11[%dma_wait3A_81, %dma_wait3A_82] : memref<256x128xf32, #tpu.memory_space<vmem>> -> memref<128x128xf32, #tpu.memory_space<vmem>>
    %dma_wait3A_84 = arith.constant 0 : i32
    %dma_wait3A_85 = tpu.memref_slice %arg8[%dma_wait3A, %dma_wait3A_84] : memref<2x128xi32, #tpu.memory_space<vmem>> -> memref<1x128xi32, #tpu.memory_space<vmem>>
    %dma_wait3A_86 = tpu.memref_squeeze %dma_wait3A_85 : memref<1x128xi32, #tpu.memory_space<vmem>> -> memref<128xi32, #tpu.memory_space<vmem>>
    %dma_wait3A_87 = arith.constant 0 : i32
    %dma_wait3A_88 = arith.constant 0 : i32
    %dma_wait3A_89 = tpu.memref_slice %arg5[%dma_wait3A_87, %dma_wait3A_88] : memref<1000000x128xf32, #tpu.memory_space<hbm>> -> memref<1000000x128xf32, #tpu.memory_space<hbm>>
    tpu.wait_indirect_dma semaphore(%arg15 : memref<!tpu.dma_semaphore, #tpu.memory_space<semaphore_mem>>) src(%dma_wait3A_89 : memref<1000000x128xf32, #tpu.memory_space<hbm>>) dst(%dma_wait3A_83 : memref<128x128xf32, #tpu.memory_space<vmem>>)
    %dma_wait3A_90 = arith.constant 0 : i32
    %dma_wait3A_91 = arith.constant 0 : i32
    %dma_wait3A_92 = arith.constant 0 : i32
    %dma_wait3A_93 = tpu.memref_slice %arg12[%dma_wait3A_91, %dma_wait3A_92] : memref<256x128xf32, #tpu.memory_space<vmem>> -> memref<128x128xf32, #tpu.memory_space<vmem>>
    %dma_wait3A_94 = arith.constant 0 : i32
    %dma_wait3A_95 = tpu.memref_slice %arg9[%dma_wait3A_90, %dma_wait3A_94] : memref<2x128xi32, #tpu.memory_space<vmem>> -> memref<1x128xi32, #tpu.memory_space<vmem>>
    %dma_wait3A_96 = tpu.memref_squeeze %dma_wait3A_95 : memref<1x128xi32, #tpu.memory_space<vmem>> -> memref<128xi32, #tpu.memory_space<vmem>>
    %dma_wait3A_97 = arith.constant 0 : i32
    %dma_wait3A_98 = arith.constant 0 : i32
    %dma_wait3A_99 = tpu.memref_slice %arg6[%dma_wait3A_97, %dma_wait3A_98] : memref<1000x128xf32, #tpu.memory_space<hbm>> -> memref<1000x128xf32, #tpu.memory_space<hbm>>
    tpu.wait_indirect_dma semaphore(%arg15 : memref<!tpu.dma_semaphore, #tpu.memory_space<semaphore_mem>>) src(%dma_wait3A_99 : memref<1000x128xf32, #tpu.memory_space<hbm>>) dst(%dma_wait3A_93 : memref<128x128xf32, #tpu.memory_space<vmem>>)
    %dma_wait3A_100 = arith.constant 0 : i32
    %dma_wait3A_101 = arith.constant 0 : i32
    %dma_wait3A_102 = arith.constant 0 : i32
    %dma_wait3A_103 = tpu.memref_slice %arg13[%dma_wait3A_101, %dma_wait3A_102] : memref<256x128xf32, #tpu.memory_space<vmem>> -> memref<128x128xf32, #tpu.memory_space<vmem>>
    %dma_wait3A_104 = arith.constant 0 : i32
    %dma_wait3A_105 = tpu.memref_slice %arg10[%dma_wait3A_100, %dma_wait3A_104] : memref<2x128xi32, #tpu.memory_space<vmem>> -> memref<1x128xi32, #tpu.memory_space<vmem>>
    %dma_wait3A_106 = tpu.memref_squeeze %dma_wait3A_105 : memref<1x128xi32, #tpu.memory_space<vmem>> -> memref<128xi32, #tpu.memory_space<vmem>>
    %dma_wait3A_107 = arith.constant 0 : i32
    %dma_wait3A_108 = arith.constant 0 : i32
    %dma_wait3A_109 = tpu.memref_slice %arg5[%dma_wait3A_107, %dma_wait3A_108] : memref<1000000x128xf32, #tpu.memory_space<hbm>> -> memref<1000000x128xf32, #tpu.memory_space<hbm>>
    tpu.wait_indirect_dma semaphore(%arg15 : memref<!tpu.dma_semaphore, #tpu.memory_space<semaphore_mem>>) src(%dma_wait3A_109 : memref<1000000x128xf32, #tpu.memory_space<hbm>>) dst(%dma_wait3A_103 : memref<128x128xf32, #tpu.memory_space<vmem>>)
    %dma_wait3A_110 = arith.constant 1 : i32
    %dma_wait3A_111 = arith.constant 128 : i32
    %dma_wait3A_112 = arith.constant 0 : i32
    %dma_wait3A_113 = tpu.memref_slice %arg11[%dma_wait3A_111, %dma_wait3A_112] : memref<256x128xf32, #tpu.memory_space<vmem>> -> memref<128x128xf32, #tpu.memory_space<vmem>>
    %dma_wait3A_114 = arith.constant 0 : i32
    %dma_wait3A_115 = tpu.memref_slice %arg8[%dma_wait3A_110, %dma_wait3A_114] : memref<2x128xi32, #tpu.memory_space<vmem>> -> memref<1x128xi32, #tpu.memory_space<vmem>>
    %dma_wait3A_116 = tpu.memref_squeeze %dma_wait3A_115 : memref<1x128xi32, #tpu.memory_space<vmem>> -> memref<128xi32, #tpu.memory_space<vmem>>
    %dma_wait3A_117 = arith.constant 0 : i32
    %dma_wait3A_118 = arith.constant 0 : i32
    %dma_wait3A_119 = tpu.memref_slice %arg5[%dma_wait3A_117, %dma_wait3A_118] : memref<1000000x128xf32, #tpu.memory_space<hbm>> -> memref<1000000x128xf32, #tpu.memory_space<hbm>>
    tpu.wait_indirect_dma semaphore(%arg15 : memref<!tpu.dma_semaphore, #tpu.memory_space<semaphore_mem>>) src(%dma_wait3A_119 : memref<1000000x128xf32, #tpu.memory_space<hbm>>) dst(%dma_wait3A_113 : memref<128x128xf32, #tpu.memory_space<vmem>>)
    %dma_wait3A_120 = arith.constant 1 : i32
    %dma_wait3A_121 = arith.constant 128 : i32
    %dma_wait3A_122 = arith.constant 0 : i32
    %dma_wait3A_123 = tpu.memref_slice %arg12[%dma_wait3A_121, %dma_wait3A_122] : memref<256x128xf32, #tpu.memory_space<vmem>> -> memref<128x128xf32, #tpu.memory_space<vmem>>
    %dma_wait3A_124 = arith.constant 0 : i32
    %dma_wait3A_125 = tpu.memref_slice %arg9[%dma_wait3A_120, %dma_wait3A_124] : memref<2x128xi32, #tpu.memory_space<vmem>> -> memref<1x128xi32, #tpu.memory_space<vmem>>
    %dma_wait3A_126 = tpu.memref_squeeze %dma_wait3A_125 : memref<1x128xi32, #tpu.memory_space<vmem>> -> memref<128xi32, #tpu.memory_space<vmem>>
    %dma_wait3A_127 = arith.constant 0 : i32
    %dma_wait3A_128 = arith.constant 0 : i32
    %dma_wait3A_129 = tpu.memref_slice %arg6[%dma_wait3A_127, %dma_wait3A_128] : memref<1000x128xf32, #tpu.memory_space<hbm>> -> memref<1000x128xf32, #tpu.memory_space<hbm>>
    tpu.wait_indirect_dma semaphore(%arg15 : memref<!tpu.dma_semaphore, #tpu.memory_space<semaphore_mem>>) src(%dma_wait3A_129 : memref<1000x128xf32, #tpu.memory_space<hbm>>) dst(%dma_wait3A_123 : memref<128x128xf32, #tpu.memory_space<vmem>>)
    %dma_wait3A_130 = arith.constant 1 : i32
    %dma_wait3A_131 = arith.constant 128 : i32
    %dma_wait3A_132 = arith.constant 0 : i32
    %dma_wait3A_133 = tpu.memref_slice %arg13[%dma_wait3A_131, %dma_wait3A_132] : memref<256x128xf32, #tpu.memory_space<vmem>> -> memref<128x128xf32, #tpu.memory_space<vmem>>
    %dma_wait3A_134 = arith.constant 0 : i32
    %dma_wait3A_135 = tpu.memref_slice %arg10[%dma_wait3A_130, %dma_wait3A_134] : memref<2x128xi32, #tpu.memory_space<vmem>> -> memref<1x128xi32, #tpu.memory_space<vmem>>
    %dma_wait3A_136 = tpu.memref_squeeze %dma_wait3A_135 : memref<1x128xi32, #tpu.memory_space<vmem>> -> memref<128xi32, #tpu.memory_space<vmem>>
    %dma_wait3A_137 = arith.constant 0 : i32
    %dma_wait3A_138 = arith.constant 0 : i32
    %dma_wait3A_139 = tpu.memref_slice %arg5[%dma_wait3A_137, %dma_wait3A_138] : memref<1000000x128xf32, #tpu.memory_space<hbm>> -> memref<1000000x128xf32, #tpu.memory_space<hbm>>
    tpu.wait_indirect_dma semaphore(%arg15 : memref<!tpu.dma_semaphore, #tpu.memory_space<semaphore_mem>>) src(%dma_wait3A_139 : memref<1000000x128xf32, #tpu.memory_space<hbm>>) dst(%dma_wait3A_133 : memref<128x128xf32, #tpu.memory_space<vmem>>)
    %scan3A = arith.constant 0 : i32
    %scan3A_140 = arith.constant 0 : i32
    %scan3A_141 = arith.constant 16 : i32
    %scan3A_142 = arith.addi %scan3A_140, %scan3A_141 : i32
    %scan3A_143 = arith.constant 1 : i32
    scf.for %scan3A_295 = %scan3A_140 to %scan3A_142 step %scan3A_143  : i32 {
      %broadcast_in_dim3A = arith.constant 0.000000e+00 : f32
      %broadcast_in_dim3A_296 = vector.broadcast %broadcast_in_dim3A : f32 to vector<16xf32>
      %mul3A_297 = arith.constant 16 : i32
      %mul3A_298 = arith.muli %scan3A_295, %mul3A_297 : i32
      %add3A_299 = arith.constant 0 : i32
      %add3A_300 = arith.addi %mul3A_298, %add3A_299 : i32
      %broadcast_in_dim3A_301 = arith.constant 0.000000e+00 : f32
      %broadcast_in_dim3A_302 = vector.broadcast %broadcast_in_dim3A_301 : f32 to vector<16xf32>
      %get3A = arith.index_cast %add3A_300 : i32 to index
      %get3A_303 = arith.constant 0 : index
      %get3A_304 = tpu.vector_load %arg11[%get3A, %get3A_303] {strides = array<i32>} : memref<256x128xf32, #tpu.memory_space<vmem>>, vector<16xf32>,
      %get3A_305 = arith.index_cast %add3A_300 : i32 to index
      %get3A_306 = arith.constant 0 : index
      %get3A_307 = tpu.vector_load %arg12[%get3A_305, %get3A_306] {strides = array<i32>} : memref<256x128xf32, #tpu.memory_space<vmem>>, vector<16xf32>,
      %get3A_308 = arith.index_cast %add3A_300 : i32 to index
      %get3A_309 = arith.constant 0 : index
      %get3A_310 = tpu.vector_load %arg13[%get3A_308, %get3A_309] {strides = array<i32>} : memref<256x128xf32, #tpu.memory_space<vmem>>, vector<16xf32>,
      %add3A_311 = arith.addf %get3A_304, %get3A_307 : vector<16xf32>
      %sub3A = arith.subf %add3A_311, %get3A_310 : vector<16xf32>
      %abs3A = math.absf %sub3A : vector<16xf32>
      %add3A_312 = arith.addf %broadcast_in_dim3A_302, %abs3A : vector<16xf32>
      %get3A_313 = arith.index_cast %add3A_300 : i32 to index
      %get3A_314 = arith.constant 16 : index
      %get3A_315 = tpu.vector_load %arg11[%get3A_313, %get3A_314] {strides = array<i32>} : memref<256x128xf32, #tpu.memory_space<vmem>>, vector<16xf32>,
      %get3A_316 = arith.index_cast %add3A_300 : i32 to index
      %get3A_317 = arith.constant 16 : index
      %get3A_318 = tpu.vector_load %arg12[%get3A_316, %get3A_317] {strides = array<i32>} : memref<256x128xf32, #tpu.memory_space<vmem>>, vector<16xf32>,
      %get3A_319 = arith.index_cast %add3A_300 : i32 to index
      %get3A_320 = arith.constant 16 : index
      %get3A_321 = tpu.vector_load %arg13[%get3A_319, %get3A_320] {strides = array<i32>} : memref<256x128xf32, #tpu.memory_space<vmem>>, vector<16xf32>,
      %add3A_322 = arith.addf %get3A_315, %get3A_318 : vector<16xf32>
      %sub3A_323 = arith.subf %add3A_322, %get3A_321 : vector<16xf32>
      %abs3A_324 = math.absf %sub3A_323 : vector<16xf32>
      %add3A_325 = arith.addf %add3A_312, %abs3A_324 : vector<16xf32>
      %get3A_326 = arith.index_cast %add3A_300 : i32 to index
      %get3A_327 = arith.constant 32 : index
      %get3A_328 = tpu.vector_load %arg11[%get3A_326, %get3A_327] {strides = array<i32>} : memref<256x128xf32, #tpu.memory_space<vmem>>, vector<16xf32>,
      %get3A_329 = arith.index_cast %add3A_300 : i32 to index
      %get3A_330 = arith.constant 32 : index
      %get3A_331 = tpu.vector_load %arg12[%get3A_329, %get3A_330] {strides = array<i32>} : memref<256x128xf32, #tpu.memory_space<vmem>>, vector<16xf32>,
      %get3A_332 = arith.index_cast %add3A_300 : i32 to index
      %get3A_333 = arith.constant 32 : index
      %get3A_334 = tpu.vector_load %arg13[%get3A_332, %get3A_333] {strides = array<i32>} : memref<256x128xf32, #tpu.memory_space<vmem>>, vector<16xf32>,
      %add3A_335 = arith.addf %get3A_328, %get3A_331 : vector<16xf32>
      %sub3A_336 = arith.subf %add3A_335, %get3A_334 : vector<16xf32>
      %abs3A_337 = math.absf %sub3A_336 : vector<16xf32>
      %add3A_338 = arith.addf %add3A_325, %abs3A_337 : vector<16xf32>
      %get3A_339 = arith.index_cast %add3A_300 : i32 to index
      %get3A_340 = arith.constant 48 : index
      %get3A_341 = tpu.vector_load %arg11[%get3A_339, %get3A_340] {strides = array<i32>} : memref<256x128xf32, #tpu.memory_space<vmem>>, vector<16xf32>,
      %get3A_342 = arith.index_cast %add3A_300 : i32 to index
      %get3A_343 = arith.constant 48 : index
      %get3A_344 = tpu.vector_load %arg12[%get3A_342, %get3A_343] {strides = array<i32>} : memref<256x128xf32, #tpu.memory_space<vmem>>, vector<16xf32>,
      %get3A_345 = arith.index_cast %add3A_300 : i32 to index
      %get3A_346 = arith.constant 48 : index
      %get3A_347 = tpu.vector_load %arg13[%get3A_345, %get3A_346] {strides = array<i32>} : memref<256x128xf32, #tpu.memory_space<vmem>>, vector<16xf32>,
      %add3A_348 = arith.addf %get3A_341, %get3A_344 : vector<16xf32>
      %sub3A_349 = arith.subf %add3A_348, %get3A_347 : vector<16xf32>
      %abs3A_350 = math.absf %sub3A_349 : vector<16xf32>
      %add3A_351 = arith.addf %add3A_338, %abs3A_350 : vector<16xf32>
      %reduce_sum3A = arith.constant true
      %reduce_sum3A_352 = vector.broadcast %reduce_sum3A : i1 to vector<16xi1>
      %reduce_sum3A_353 = tpu.scan <sum>, %add3A_351 masked %reduce_sum3A_352 : vector<16xf32>, vector<16xi1> -> vector<16xf32>
      %reduce_sum3A_354 = vector.extract %reduce_sum3A_353[15] : f32 from vector<16xf32>
      %eq3A = arith.constant 0 : i32
      %eq3A_355 = vector.broadcast %eq3A : i32 to vector<16xi32>
      %eq3A_356 = arith.cmpi eq, %iota3A, %eq3A_355 : vector<16xi32>
      %broadcast_in_dim3A_357 = vector.broadcast %reduce_sum3A_354 : f32 to vector<16xf32>
      %select_n3A = arith.select %eq3A_356, %broadcast_in_dim3A_357, %broadcast_in_dim3A_296 : vector<16xi1>, vector<16xf32>
      %mul3A_358 = arith.constant 16 : i32
      %mul3A_359 = arith.muli %scan3A_295, %mul3A_358 : i32
      %add3A_360 = arith.constant 1 : i32
      %add3A_361 = arith.addi %mul3A_359, %add3A_360 : i32
      %broadcast_in_dim3A_362 = arith.constant 0.000000e+00 : f32
      %broadcast_in_dim3A_363 = vector.broadcast %broadcast_in_dim3A_362 : f32 to vector<16xf32>
      %get3A_364 = arith.index_cast %add3A_361 : i32 to index
      %get3A_365 = arith.constant 0 : index
      %get3A_366 = tpu.vector_load %arg11[%get3A_364, %get3A_365] {strides = array<i32>} : memref<256x128xf32, #tpu.memory_space<vmem>>, vector<16xf32>,
      %get3A_367 = arith.index_cast %add3A_361 : i32 to index
      %get3A_368 = arith.constant 0 : index
      %get3A_369 = tpu.vector_load %arg12[%get3A_367, %get3A_368] {strides = array<i32>} : memref<256x128xf32, #tpu.memory_space<vmem>>, vector<16xf32>,
      %get3A_370 = arith.index_cast %add3A_361 : i32 to index
      %get3A_371 = arith.constant 0 : index
      %get3A_372 = tpu.vector_load %arg13[%get3A_370, %get3A_371] {strides = array<i32>} : memref<256x128xf32, #tpu.memory_space<vmem>>, vector<16xf32>,
      %add3A_373 = arith.addf %get3A_366, %get3A_369 : vector<16xf32>
      %sub3A_374 = arith.subf %add3A_373, %get3A_372 : vector<16xf32>
      %abs3A_375 = math.absf %sub3A_374 : vector<16xf32>
      %add3A_376 = arith.addf %broadcast_in_dim3A_363, %abs3A_375 : vector<16xf32>
      %get3A_377 = arith.index_cast %add3A_361 : i32 to index
      %get3A_378 = arith.constant 16 : index
      %get3A_379 = tpu.vector_load %arg11[%get3A_377, %get3A_378] {strides = array<i32>} : memref<256x128xf32, #tpu.memory_space<vmem>>, vector<16xf32>,
      %get3A_380 = arith.index_cast %add3A_361 : i32 to index
      %get3A_381 = arith.constant 16 : index
      %get3A_382 = tpu.vector_load %arg12[%get3A_380, %get3A_381] {strides = array<i32>} : memref<256x128xf32, #tpu.memory_space<vmem>>, vector<16xf32>,
      %get3A_383 = arith.index_cast %add3A_361 : i32 to index
      %get3A_384 = arith.constant 16 : index
      %get3A_385 = tpu.vector_load %arg13[%get3A_383, %get3A_384] {strides = array<i32>} : memref<256x128xf32, #tpu.memory_space<vmem>>, vector<16xf32>,
      %add3A_386 = arith.addf %get3A_379, %get3A_382 : vector<16xf32>
      %sub3A_387 = arith.subf %add3A_386, %get3A_385 : vector<16xf32>
      %abs3A_388 = math.absf %sub3A_387 : vector<16xf32>
      %add3A_389 = arith.addf %add3A_376, %abs3A_388 : vector<16xf32>
      %get3A_390 = arith.index_cast %add3A_361 : i32 to index
      %get3A_391 = arith.constant 32 : index
      %get3A_392 = tpu.vector_load %arg11[%get3A_390, %get3A_391] {strides = array<i32>} : memref<256x128xf32, #tpu.memory_space<vmem>>, vector<16xf32>,
      %get3A_393 = arith.index_cast %add3A_361 : i32 to index
      %get3A_394 = arith.constant 32 : index
      %get3A_395 = tpu.vector_load %arg12[%get3A_393, %get3A_394] {strides = array<i32>} : memref<256x128xf32, #tpu.memory_space<vmem>>, vector<16xf32>,
      %get3A_396 = arith.index_cast %add3A_361 : i32 to index
      %get3A_397 = arith.constant 32 : index
      %get3A_398 = tpu.vector_load %arg13[%get3A_396, %get3A_397] {strides = array<i32>} : memref<256x128xf32, #tpu.memory_space<vmem>>, vector<16xf32>,
      %add3A_399 = arith.addf %get3A_392, %get3A_395 : vector<16xf32>
      %sub3A_400 = arith.subf %add3A_399, %get3A_398 : vector<16xf32>
      %abs3A_401 = math.absf %sub3A_400 : vector<16xf32>
      %add3A_402 = arith.addf %add3A_389, %abs3A_401 : vector<16xf32>
      %get3A_403 = arith.index_cast %add3A_361 : i32 to index
      %get3A_404 = arith.constant 48 : index
      %get3A_405 = tpu.vector_load %arg11[%get3A_403, %get3A_404] {strides = array<i32>} : memref<256x128xf32, #tpu.memory_space<vmem>>, vector<16xf32>,
      %get3A_406 = arith.index_cast %add3A_361 : i32 to index
      %get3A_407 = arith.constant 48 : index
      %get3A_408 = tpu.vector_load %arg12[%get3A_406, %get3A_407] {strides = array<i32>} : memref<256x128xf32, #tpu.memory_space<vmem>>, vector<16xf32>,
      %get3A_409 = arith.index_cast %add3A_361 : i32 to index
      %get3A_410 = arith.constant 48 : index
      %get3A_411 = tpu.vector_load %arg13[%get3A_409, %get3A_410] {strides = array<i32>} : memref<256x128xf32, #tpu.memory_space<vmem>>, vector<16xf32>,
      %add3A_412 = arith.addf %get3A_405, %get3A_408 : vector<16xf32>
      %sub3A_413 = arith.subf %add3A_412, %get3A_411 : vector<16xf32>
      %abs3A_414 = math.absf %sub3A_413 : vector<16xf32>
      %add3A_415 = arith.addf %add3A_402, %abs3A_414 : vector<16xf32>
      %reduce_sum3A_416 = arith.constant true
      %reduce_sum3A_417 = vector.broadcast %reduce_sum3A_416 : i1 to vector<16xi1>
      %reduce_sum3A_418 = tpu.scan <sum>, %add3A_415 masked %reduce_sum3A_417 : vector<16xf32>, vector<16xi1> -> vector<16xf32>
      %reduce_sum3A_419 = vector.extract %reduce_sum3A_418[15] : f32 from vector<16xf32>
      %eq3A_420 = arith.constant 1 : i32
      %eq3A_421 = vector.broadcast %eq3A_420 : i32 to vector<16xi32>
      %eq3A_422 = arith.cmpi eq, %iota3A, %eq3A_421 : vector<16xi32>
      %broadcast_in_dim3A_423 = vector.broadcast %reduce_sum3A_419 : f32 to vector<16xf32>
      %select_n3A_424 = arith.select %eq3A_422, %broadcast_in_dim3A_423, %select_n3A : vector<16xi1>, vector<16xf32>
      %mul3A_425 = arith.constant 16 : i32
      %mul3A_426 = arith.muli %scan3A_295, %mul3A_425 : i32
      %add3A_427 = arith.constant 2 : i32
      %add3A_428 = arith.addi %mul3A_426, %add3A_427 : i32
      %broadcast_in_dim3A_429 = arith.constant 0.000000e+00 : f32
      %broadcast_in_dim3A_430 = vector.broadcast %broadcast_in_dim3A_429 : f32 to vector<16xf32>
      %get3A_431 = arith.index_cast %add3A_428 : i32 to index
      %get3A_432 = arith.constant 0 : index
      %get3A_433 = tpu.vector_load %arg11[%get3A_431, %get3A_432] {strides = array<i32>} : memref<256x128xf32, #tpu.memory_space<vmem>>, vector<16xf32>,
      %get3A_434 = arith.index_cast %add3A_428 : i32 to index
      %get3A_435 = arith.constant 0 : index
      %get3A_436 = tpu.vector_load %arg12[%get3A_434, %get3A_435] {strides = array<i32>} : memref<256x128xf32, #tpu.memory_space<vmem>>, vector<16xf32>,
      %get3A_437 = arith.index_cast %add3A_428 : i32 to index
      %get3A_438 = arith.constant 0 : index
      %get3A_439 = tpu.vector_load %arg13[%get3A_437, %get3A_438] {strides = array<i32>} : memref<256x128xf32, #tpu.memory_space<vmem>>, vector<16xf32>,
      %add3A_440 = arith.addf %get3A_433, %get3A_436 : vector<16xf32>
      %sub3A_441 = arith.subf %add3A_440, %get3A_439 : vector<16xf32>
      %abs3A_442 = math.absf %sub3A_441 : vector<16xf32>
      %add3A_443 = arith.addf %broadcast_in_dim3A_430, %abs3A_442 : vector<16xf32>
      %get3A_444 = arith.index_cast %add3A_428 : i32 to index
      %get3A_445 = arith.constant 16 : index
      %get3A_446 = tpu.vector_load %arg11[%get3A_444, %get3A_445] {strides = array<i32>} : memref<256x128xf32, #tpu.memory_space<vmem>>, vector<16xf32>,
      %get3A_447 = arith.index_cast %add3A_428 : i32 to index
      %get3A_448 = arith.constant 16 : index
      %get3A_449 = tpu.vector_load %arg12[%get3A_447, %get3A_448] {strides = array<i32>} : memref<256x128xf32, #tpu.memory_space<vmem>>, vector<16xf32>,
      %get3A_450 = arith.index_cast %add3A_428 : i32 to index
      %get3A_451 = arith.constant 16 : index
      %get3A_452 = tpu.vector_load %arg13[%get3A_450, %get3A_451] {strides = array<i32>} : memref<256x128xf32, #tpu.memory_space<vmem>>, vector<16xf32>,
      %add3A_453 = arith.addf %get3A_446, %get3A_449 : vector<16xf32>
      %sub3A_454 = arith.subf %add3A_453, %get3A_452 : vector<16xf32>
      %abs3A_455 = math.absf %sub3A_454 : vector<16xf32>
      %add3A_456 = arith.addf %add3A_443, %abs3A_455 : vector<16xf32>
      %get3A_457 = arith.index_cast %add3A_428 : i32 to index
      %get3A_458 = arith.constant 32 : index
      %get3A_459 = tpu.vector_load %arg11[%get3A_457, %get3A_458] {strides = array<i32>} : memref<256x128xf32, #tpu.memory_space<vmem>>, vector<16xf32>,
      %get3A_460 = arith.index_cast %add3A_428 : i32 to index
      %get3A_461 = arith.constant 32 : index
      %get3A_462 = tpu.vector_load %arg12[%get3A_460, %get3A_461] {strides = array<i32>} : memref<256x128xf32, #tpu.memory_space<vmem>>, vector<16xf32>,
      %get3A_463 = arith.index_cast %add3A_428 : i32 to index
      %get3A_464 = arith.constant 32 : index
      %get3A_465 = tpu.vector_load %arg13[%get3A_463, %get3A_464] {strides = array<i32>} : memref<256x128xf32, #tpu.memory_space<vmem>>, vector<16xf32>,
      %add3A_466 = arith.addf %get3A_459, %get3A_462 : vector<16xf32>
      %sub3A_467 = arith.subf %add3A_466, %get3A_465 : vector<16xf32>
      %abs3A_468 = math.absf %sub3A_467 : vector<16xf32>
      %add3A_469 = arith.addf %add3A_456, %abs3A_468 : vector<16xf32>
      %get3A_470 = arith.index_cast %add3A_428 : i32 to index
      %get3A_471 = arith.constant 48 : index
      %get3A_472 = tpu.vector_load %arg11[%get3A_470, %get3A_471] {strides = array<i32>} : memref<256x128xf32, #tpu.memory_space<vmem>>, vector<16xf32>,
      %get3A_473 = arith.index_cast %add3A_428 : i32 to index
      %get3A_474 = arith.constant 48 : index
      %get3A_475 = tpu.vector_load %arg12[%get3A_473, %get3A_474] {strides = array<i32>} : memref<256x128xf32, #tpu.memory_space<vmem>>, vector<16xf32>,
      %get3A_476 = arith.index_cast %add3A_428 : i32 to index
      %get3A_477 = arith.constant 48 : index
      %get3A_478 = tpu.vector_load %arg13[%get3A_476, %get3A_477] {strides = array<i32>} : memref<256x128xf32, #tpu.memory_space<vmem>>, vector<16xf32>,
      %add3A_479 = arith.addf %get3A_472, %get3A_475 : vector<16xf32>
      %sub3A_480 = arith.subf %add3A_479, %get3A_478 : vector<16xf32>
      %abs3A_481 = math.absf %sub3A_480 : vector<16xf32>
      %add3A_482 = arith.addf %add3A_469, %abs3A_481 : vector<16xf32>
      %reduce_sum3A_483 = arith.constant true
      %reduce_sum3A_484 = vector.broadcast %reduce_sum3A_483 : i1 to vector<16xi1>
      %reduce_sum3A_485 = tpu.scan <sum>, %add3A_482 masked %reduce_sum3A_484 : vector<16xf32>, vector<16xi1> -> vector<16xf32>
      %reduce_sum3A_486 = vector.extract %reduce_sum3A_485[15] : f32 from vector<16xf32>
      %eq3A_487 = arith.constant 2 : i32
      %eq3A_488 = vector.broadcast %eq3A_487 : i32 to vector<16xi32>
      %eq3A_489 = arith.cmpi eq, %iota3A, %eq3A_488 : vector<16xi32>
      %broadcast_in_dim3A_490 = vector.broadcast %reduce_sum3A_486 : f32 to vector<16xf32>
      %select_n3A_491 = arith.select %eq3A_489, %broadcast_in_dim3A_490, %select_n3A_424 : vector<16xi1>, vector<16xf32>
      %mul3A_492 = arith.constant 16 : i32
      %mul3A_493 = arith.muli %scan3A_295, %mul3A_492 : i32
      %add3A_494 = arith.constant 3 : i32
      %add3A_495 = arith.addi %mul3A_493, %add3A_494 : i32
      %broadcast_in_dim3A_496 = arith.constant 0.000000e+00 : f32
      %broadcast_in_dim3A_497 = vector.broadcast %broadcast_in_dim3A_496 : f32 to vector<16xf32>
      %get3A_498 = arith.index_cast %add3A_495 : i32 to index
      %get3A_499 = arith.constant 0 : index
      %get3A_500 = tpu.vector_load %arg11[%get3A_498, %get3A_499] {strides = array<i32>} : memref<256x128xf32, #tpu.memory_space<vmem>>, vector<16xf32>,
      %get3A_501 = arith.index_cast %add3A_495 : i32 to index
      %get3A_502 = arith.constant 0 : index
      %get3A_503 = tpu.vector_load %arg12[%get3A_501, %get3A_502] {strides = array<i32>} : memref<256x128xf32, #tpu.memory_space<vmem>>, vector<16xf32>,
      %get3A_504 = arith.index_cast %add3A_495 : i32 to index
      %get3A_505 = arith.constant 0 : index
      %get3A_506 = tpu.vector_load %arg13[%get3A_504, %get3A_505] {strides = array<i32>} : memref<256x128xf32, #tpu.memory_space<vmem>>, vector<16xf32>,
      %add3A_507 = arith.addf %get3A_500, %get3A_503 : vector<16xf32>
      %sub3A_508 = arith.subf %add3A_507, %get3A_506 : vector<16xf32>
      %abs3A_509 = math.absf %sub3A_508 : vector<16xf32>
      %add3A_510 = arith.addf %broadcast_in_dim3A_497, %abs3A_509 : vector<16xf32>
      %get3A_511 = arith.index_cast %add3A_495 : i32 to index
      %get3A_512 = arith.constant 16 : index
      %get3A_513 = tpu.vector_load %arg11[%get3A_511, %get3A_512] {strides = array<i32>} : memref<256x128xf32, #tpu.memory_space<vmem>>, vector<16xf32>,
      %get3A_514 = arith.index_cast %add3A_495 : i32 to index
      %get3A_515 = arith.constant 16 : index
      %get3A_516 = tpu.vector_load %arg12[%get3A_514, %get3A_515] {strides = array<i32>} : memref<256x128xf32, #tpu.memory_space<vmem>>, vector<16xf32>,
      %get3A_517 = arith.index_cast %add3A_495 : i32 to index
      %get3A_518 = arith.constant 16 : index
      %get3A_519 = tpu.vector_load %arg13[%get3A_517, %get3A_518] {strides = array<i32>} : memref<256x128xf32, #tpu.memory_space<vmem>>, vector<16xf32>,
      %add3A_520 = arith.addf %get3A_513, %get3A_516 : vector<16xf32>
      %sub3A_521 = arith.subf %add3A_520, %get3A_519 : vector<16xf32>
      %abs3A_522 = math.absf %sub3A_521 : vector<16xf32>
      %add3A_523 = arith.addf %add3A_510, %abs3A_522 : vector<16xf32>
      %get3A_524 = arith.index_cast %add3A_495 : i32 to index
      %get3A_525 = arith.constant 32 : index
      %get3A_526 = tpu.vector_load %arg11[%get3A_524, %get3A_525] {strides = array<i32>} : memref<256x128xf32, #tpu.memory_space<vmem>>, vector<16xf32>,
      %get3A_527 = arith.index_cast %add3A_495 : i32 to index
      %get3A_528 = arith.constant 32 : index
      %get3A_529 = tpu.vector_load %arg12[%get3A_527, %get3A_528] {strides = array<i32>} : memref<256x128xf32, #tpu.memory_space<vmem>>, vector<16xf32>,
      %get3A_530 = arith.index_cast %add3A_495 : i32 to index
      %get3A_531 = arith.constant 32 : index
      %get3A_532 = tpu.vector_load %arg13[%get3A_530, %get3A_531] {strides = array<i32>} : memref<256x128xf32, #tpu.memory_space<vmem>>, vector<16xf32>,
      %add3A_533 = arith.addf %get3A_526, %get3A_529 : vector<16xf32>
      %sub3A_534 = arith.subf %add3A_533, %get3A_532 : vector<16xf32>
      %abs3A_535 = math.absf %sub3A_534 : vector<16xf32>
      %add3A_536 = arith.addf %add3A_523, %abs3A_535 : vector<16xf32>
      %get3A_537 = arith.index_cast %add3A_495 : i32 to index
      %get3A_538 = arith.constant 48 : index
      %get3A_539 = tpu.vector_load %arg11[%get3A_537, %get3A_538] {strides = array<i32>} : memref<256x128xf32, #tpu.memory_space<vmem>>, vector<16xf32>,
      %get3A_540 = arith.index_cast %add3A_495 : i32 to index
      %get3A_541 = arith.constant 48 : index
      %get3A_542 = tpu.vector_load %arg12[%get3A_540, %get3A_541] {strides = array<i32>} : memref<256x128xf32, #tpu.memory_space<vmem>>, vector<16xf32>,
      %get3A_543 = arith.index_cast %add3A_495 : i32 to index
      %get3A_544 = arith.constant 48 : index
      %get3A_545 = tpu.vector_load %arg13[%get3A_543, %get3A_544] {strides = array<i32>} : memref<256x128xf32, #tpu.memory_space<vmem>>, vector<16xf32>,
      %add3A_546 = arith.addf %get3A_539, %get3A_542 : vector<16xf32>
      %sub3A_547 = arith.subf %add3A_546, %get3A_545 : vector<16xf32>
      %abs3A_548 = math.absf %sub3A_547 : vector<16xf32>
      %add3A_549 = arith.addf %add3A_536, %abs3A_548 : vector<16xf32>
      %reduce_sum3A_550 = arith.constant true
      %reduce_sum3A_551 = vector.broadcast %reduce_sum3A_550 : i1 to vector<16xi1>
      %reduce_sum3A_552 = tpu.scan <sum>, %add3A_549 masked %reduce_sum3A_551 : vector<16xf32>, vector<16xi1> -> vector<16xf32>
      %reduce_sum3A_553 = vector.extract %reduce_sum3A_552[15] : f32 from vector<16xf32>
      %eq3A_554 = arith.constant 3 : i32
      %eq3A_555 = vector.broadcast %eq3A_554 : i32 to vector<16xi32>
      %eq3A_556 = arith.cmpi eq, %iota3A, %eq3A_555 : vector<16xi32>
      %broadcast_in_dim3A_557 = vector.broadcast %reduce_sum3A_553 : f32 to vector<16xf32>
      %select_n3A_558 = arith.select %eq3A_556, %broadcast_in_dim3A_557, %select_n3A_491 : vector<16xi1>, vector<16xf32>
      %mul3A_559 = arith.constant 16 : i32
      %mul3A_560 = arith.muli %scan3A_295, %mul3A_559 : i32
      %add3A_561 = arith.constant 4 : i32
      %add3A_562 = arith.addi %mul3A_560, %add3A_561 : i32
      %broadcast_in_dim3A_563 = arith.constant 0.000000e+00 : f32
      %broadcast_in_dim3A_564 = vector.broadcast %broadcast_in_dim3A_563 : f32 to vector<16xf32>
      %get3A_565 = arith.index_cast %add3A_562 : i32 to index
      %get3A_566 = arith.constant 0 : index
      %get3A_567 = tpu.vector_load %arg11[%get3A_565, %get3A_566] {strides = array<i32>} : memref<256x128xf32, #tpu.memory_space<vmem>>, vector<16xf32>,
      %get3A_568 = arith.index_cast %add3A_562 : i32 to index
      %get3A_569 = arith.constant 0 : index
      %get3A_570 = tpu.vector_load %arg12[%get3A_568, %get3A_569] {strides = array<i32>} : memref<256x128xf32, #tpu.memory_space<vmem>>, vector<16xf32>,
      %get3A_571 = arith.index_cast %add3A_562 : i32 to index
      %get3A_572 = arith.constant 0 : index
      %get3A_573 = tpu.vector_load %arg13[%get3A_571, %get3A_572] {strides = array<i32>} : memref<256x128xf32, #tpu.memory_space<vmem>>, vector<16xf32>,
      %add3A_574 = arith.addf %get3A_567, %get3A_570 : vector<16xf32>
      %sub3A_575 = arith.subf %add3A_574, %get3A_573 : vector<16xf32>
      %abs3A_576 = math.absf %sub3A_575 : vector<16xf32>
      %add3A_577 = arith.addf %broadcast_in_dim3A_564, %abs3A_576 : vector<16xf32>
      %get3A_578 = arith.index_cast %add3A_562 : i32 to index
      %get3A_579 = arith.constant 16 : index
      %get3A_580 = tpu.vector_load %arg11[%get3A_578, %get3A_579] {strides = array<i32>} : memref<256x128xf32, #tpu.memory_space<vmem>>, vector<16xf32>,
      %get3A_581 = arith.index_cast %add3A_562 : i32 to index
      %get3A_582 = arith.constant 16 : index
      %get3A_583 = tpu.vector_load %arg12[%get3A_581, %get3A_582] {strides = array<i32>} : memref<256x128xf32, #tpu.memory_space<vmem>>, vector<16xf32>,
      %get3A_584 = arith.index_cast %add3A_562 : i32 to index
      %get3A_585 = arith.constant 16 : index
      %get3A_586 = tpu.vector_load %arg13[%get3A_584, %get3A_585] {strides = array<i32>} : memref<256x128xf32, #tpu.memory_space<vmem>>, vector<16xf32>,
      %add3A_587 = arith.addf %get3A_580, %get3A_583 : vector<16xf32>
      %sub3A_588 = arith.subf %add3A_587, %get3A_586 : vector<16xf32>
      %abs3A_589 = math.absf %sub3A_588 : vector<16xf32>
      %add3A_590 = arith.addf %add3A_577, %abs3A_589 : vector<16xf32>
      %get3A_591 = arith.index_cast %add3A_562 : i32 to index
      %get3A_592 = arith.constant 32 : index
      %get3A_593 = tpu.vector_load %arg11[%get3A_591, %get3A_592] {strides = array<i32>} : memref<256x128xf32, #tpu.memory_space<vmem>>, vector<16xf32>,
      %get3A_594 = arith.index_cast %add3A_562 : i32 to index
      %get3A_595 = arith.constant 32 : index
      %get3A_596 = tpu.vector_load %arg12[%get3A_594, %get3A_595] {strides = array<i32>} : memref<256x128xf32, #tpu.memory_space<vmem>>, vector<16xf32>,
      %get3A_597 = arith.index_cast %add3A_562 : i32 to index
      %get3A_598 = arith.constant 32 : index
      %get3A_599 = tpu.vector_load %arg13[%get3A_597, %get3A_598] {strides = array<i32>} : memref<256x128xf32, #tpu.memory_space<vmem>>, vector<16xf32>,
      %add3A_600 = arith.addf %get3A_593, %get3A_596 : vector<16xf32>
      %sub3A_601 = arith.subf %add3A_600, %get3A_599 : vector<16xf32>
      %abs3A_602 = math.absf %sub3A_601 : vector<16xf32>
      %add3A_603 = arith.addf %add3A_590, %abs3A_602 : vector<16xf32>
      %get3A_604 = arith.index_cast %add3A_562 : i32 to index
      %get3A_605 = arith.constant 48 : index
      %get3A_606 = tpu.vector_load %arg11[%get3A_604, %get3A_605] {strides = array<i32>} : memref<256x128xf32, #tpu.memory_space<vmem>>, vector<16xf32>,
      %get3A_607 = arith.index_cast %add3A_562 : i32 to index
      %get3A_608 = arith.constant 48 : index
      %get3A_609 = tpu.vector_load %arg12[%get3A_607, %get3A_608] {strides = array<i32>} : memref<256x128xf32, #tpu.memory_space<vmem>>, vector<16xf32>,
      %get3A_610 = arith.index_cast %add3A_562 : i32 to index
      %get3A_611 = arith.constant 48 : index
      %get3A_612 = tpu.vector_load %arg13[%get3A_610, %get3A_611] {strides = array<i32>} : memref<256x128xf32, #tpu.memory_space<vmem>>, vector<16xf32>,
      %add3A_613 = arith.addf %get3A_606, %get3A_609 : vector<16xf32>
      %sub3A_614 = arith.subf %add3A_613, %get3A_612 : vector<16xf32>
      %abs3A_615 = math.absf %sub3A_614 : vector<16xf32>
      %add3A_616 = arith.addf %add3A_603, %abs3A_615 : vector<16xf32>
      %reduce_sum3A_617 = arith.constant true
      %reduce_sum3A_618 = vector.broadcast %reduce_sum3A_617 : i1 to vector<16xi1>
      %reduce_sum3A_619 = tpu.scan <sum>, %add3A_616 masked %reduce_sum3A_618 : vector<16xf32>, vector<16xi1> -> vector<16xf32>
      %reduce_sum3A_620 = vector.extract %reduce_sum3A_619[15] : f32 from vector<16xf32>
      %eq3A_621 = arith.constant 4 : i32
      %eq3A_622 = vector.broadcast %eq3A_621 : i32 to vector<16xi32>
      %eq3A_623 = arith.cmpi eq, %iota3A, %eq3A_622 : vector<16xi32>
      %broadcast_in_dim3A_624 = vector.broadcast %reduce_sum3A_620 : f32 to vector<16xf32>
      %select_n3A_625 = arith.select %eq3A_623, %broadcast_in_dim3A_624, %select_n3A_558 : vector<16xi1>, vector<16xf32>
      %mul3A_626 = arith.constant 16 : i32
      %mul3A_627 = arith.muli %scan3A_295, %mul3A_626 : i32
      %add3A_628 = arith.constant 5 : i32
      %add3A_629 = arith.addi %mul3A_627, %add3A_628 : i32
      %broadcast_in_dim3A_630 = arith.constant 0.000000e+00 : f32
      %broadcast_in_dim3A_631 = vector.broadcast %broadcast_in_dim3A_630 : f32 to vector<16xf32>
      %get3A_632 = arith.index_cast %add3A_629 : i32 to index
      %get3A_633 = arith.constant 0 : index
      %get3A_634 = tpu.vector_load %arg11[%get3A_632, %get3A_633] {strides = array<i32>} : memref<256x128xf32, #tpu.memory_space<vmem>>, vector<16xf32>,
      %get3A_635 = arith.index_cast %add3A_629 : i32 to index
      %get3A_636 = arith.constant 0 : index
      %get3A_637 = tpu.vector_load %arg12[%get3A_635, %get3A_636] {strides = array<i32>} : memref<256x128xf32, #tpu.memory_space<vmem>>, vector<16xf32>,
      %get3A_638 = arith.index_cast %add3A_629 : i32 to index
      %get3A_639 = arith.constant 0 : index
      %get3A_640 = tpu.vector_load %arg13[%get3A_638, %get3A_639] {strides = array<i32>} : memref<256x128xf32, #tpu.memory_space<vmem>>, vector<16xf32>,
      %add3A_641 = arith.addf %get3A_634, %get3A_637 : vector<16xf32>
      %sub3A_642 = arith.subf %add3A_641, %get3A_640 : vector<16xf32>
      %abs3A_643 = math.absf %sub3A_642 : vector<16xf32>
      %add3A_644 = arith.addf %broadcast_in_dim3A_631, %abs3A_643 : vector<16xf32>
      %get3A_645 = arith.index_cast %add3A_629 : i32 to index
      %get3A_646 = arith.constant 16 : index
      %get3A_647 = tpu.vector_load %arg11[%get3A_645, %get3A_646] {strides = array<i32>} : memref<256x128xf32, #tpu.memory_space<vmem>>, vector<16xf32>,
      %get3A_648 = arith.index_cast %add3A_629 : i32 to index
      %get3A_649 = arith.constant 16 : index
      %get3A_650 = tpu.vector_load %arg12[%get3A_648, %get3A_649] {strides = array<i32>} : memref<256x128xf32, #tpu.memory_space<vmem>>, vector<16xf32>,
      %get3A_651 = arith.index_cast %add3A_629 : i32 to index
      %get3A_652 = arith.constant 16 : index
      %get3A_653 = tpu.vector_load %arg13[%get3A_651, %get3A_652] {strides = array<i32>} : memref<256x128xf32, #tpu.memory_space<vmem>>, vector<16xf32>,
      %add3A_654 = arith.addf %get3A_647, %get3A_650 : vector<16xf32>
      %sub3A_655 = arith.subf %add3A_654, %get3A_653 : vector<16xf32>
      %abs3A_656 = math.absf %sub3A_655 : vector<16xf32>
      %add3A_657 = arith.addf %add3A_644, %abs3A_656 : vector<16xf32>
      %get3A_658 = arith.index_cast %add3A_629 : i32 to index
      %get3A_659 = arith.constant 32 : index
      %get3A_660 = tpu.vector_load %arg11[%get3A_658, %get3A_659] {strides = array<i32>} : memref<256x128xf32, #tpu.memory_space<vmem>>, vector<16xf32>,
      %get3A_661 = arith.index_cast %add3A_629 : i32 to index
      %get3A_662 = arith.constant 32 : index
      %get3A_663 = tpu.vector_load %arg12[%get3A_661, %get3A_662] {strides = array<i32>} : memref<256x128xf32, #tpu.memory_space<vmem>>, vector<16xf32>,
      %get3A_664 = arith.index_cast %add3A_629 : i32 to index
      %get3A_665 = arith.constant 32 : index
      %get3A_666 = tpu.vector_load %arg13[%get3A_664, %get3A_665] {strides = array<i32>} : memref<256x128xf32, #tpu.memory_space<vmem>>, vector<16xf32>,
      %add3A_667 = arith.addf %get3A_660, %get3A_663 : vector<16xf32>
      %sub3A_668 = arith.subf %add3A_667, %get3A_666 : vector<16xf32>
      %abs3A_669 = math.absf %sub3A_668 : vector<16xf32>
      %add3A_670 = arith.addf %add3A_657, %abs3A_669 : vector<16xf32>
      %get3A_671 = arith.index_cast %add3A_629 : i32 to index
      %get3A_672 = arith.constant 48 : index
      %get3A_673 = tpu.vector_load %arg11[%get3A_671, %get3A_672] {strides = array<i32>} : memref<256x128xf32, #tpu.memory_space<vmem>>, vector<16xf32>,
      %get3A_674 = arith.index_cast %add3A_629 : i32 to index
      %get3A_675 = arith.constant 48 : index
      %get3A_676 = tpu.vector_load %arg12[%get3A_674, %get3A_675] {strides = array<i32>} : memref<256x128xf32, #tpu.memory_space<vmem>>, vector<16xf32>,
      %get3A_677 = arith.index_cast %add3A_629 : i32 to index
      %get3A_678 = arith.constant 48 : index
      %get3A_679 = tpu.vector_load %arg13[%get3A_677, %get3A_678] {strides = array<i32>} : memref<256x128xf32, #tpu.memory_space<vmem>>, vector<16xf32>,
      %add3A_680 = arith.addf %get3A_673, %get3A_676 : vector<16xf32>
      %sub3A_681 = arith.subf %add3A_680, %get3A_679 : vector<16xf32>
      %abs3A_682 = math.absf %sub3A_681 : vector<16xf32>
      %add3A_683 = arith.addf %add3A_670, %abs3A_682 : vector<16xf32>
      %reduce_sum3A_684 = arith.constant true
      %reduce_sum3A_685 = vector.broadcast %reduce_sum3A_684 : i1 to vector<16xi1>
      %reduce_sum3A_686 = tpu.scan <sum>, %add3A_683 masked %reduce_sum3A_685 : vector<16xf32>, vector<16xi1> -> vector<16xf32>
      %reduce_sum3A_687 = vector.extract %reduce_sum3A_686[15] : f32 from vector<16xf32>
      %eq3A_688 = arith.constant 5 : i32
      %eq3A_689 = vector.broadcast %eq3A_688 : i32 to vector<16xi32>
      %eq3A_690 = arith.cmpi eq, %iota3A, %eq3A_689 : vector<16xi32>
      %broadcast_in_dim3A_691 = vector.broadcast %reduce_sum3A_687 : f32 to vector<16xf32>
      %select_n3A_692 = arith.select %eq3A_690, %broadcast_in_dim3A_691, %select_n3A_625 : vector<16xi1>, vector<16xf32>
      %mul3A_693 = arith.constant 16 : i32
      %mul3A_694 = arith.muli %scan3A_295, %mul3A_693 : i32
      %add3A_695 = arith.constant 6 : i32
      %add3A_696 = arith.addi %mul3A_694, %add3A_695 : i32
      %broadcast_in_dim3A_697 = arith.constant 0.000000e+00 : f32
      %broadcast_in_dim3A_698 = vector.broadcast %broadcast_in_dim3A_697 : f32 to vector<16xf32>
      %get3A_699 = arith.index_cast %add3A_696 : i32 to index
      %get3A_700 = arith.constant 0 : index
      %get3A_701 = tpu.vector_load %arg11[%get3A_699, %get3A_700] {strides = array<i32>} : memref<256x128xf32, #tpu.memory_space<vmem>>, vector<16xf32>,
      %get3A_702 = arith.index_cast %add3A_696 : i32 to index
      %get3A_703 = arith.constant 0 : index
      %get3A_704 = tpu.vector_load %arg12[%get3A_702, %get3A_703] {strides = array<i32>} : memref<256x128xf32, #tpu.memory_space<vmem>>, vector<16xf32>,
      %get3A_705 = arith.index_cast %add3A_696 : i32 to index
      %get3A_706 = arith.constant 0 : index
      %get3A_707 = tpu.vector_load %arg13[%get3A_705, %get3A_706] {strides = array<i32>} : memref<256x128xf32, #tpu.memory_space<vmem>>, vector<16xf32>,
      %add3A_708 = arith.addf %get3A_701, %get3A_704 : vector<16xf32>
      %sub3A_709 = arith.subf %add3A_708, %get3A_707 : vector<16xf32>
      %abs3A_710 = math.absf %sub3A_709 : vector<16xf32>
      %add3A_711 = arith.addf %broadcast_in_dim3A_698, %abs3A_710 : vector<16xf32>
      %get3A_712 = arith.index_cast %add3A_696 : i32 to index
      %get3A_713 = arith.constant 16 : index
      %get3A_714 = tpu.vector_load %arg11[%get3A_712, %get3A_713] {strides = array<i32>} : memref<256x128xf32, #tpu.memory_space<vmem>>, vector<16xf32>,
      %get3A_715 = arith.index_cast %add3A_696 : i32 to index
      %get3A_716 = arith.constant 16 : index
      %get3A_717 = tpu.vector_load %arg12[%get3A_715, %get3A_716] {strides = array<i32>} : memref<256x128xf32, #tpu.memory_space<vmem>>, vector<16xf32>,
      %get3A_718 = arith.index_cast %add3A_696 : i32 to index
      %get3A_719 = arith.constant 16 : index
      %get3A_720 = tpu.vector_load %arg13[%get3A_718, %get3A_719] {strides = array<i32>} : memref<256x128xf32, #tpu.memory_space<vmem>>, vector<16xf32>,
      %add3A_721 = arith.addf %get3A_714, %get3A_717 : vector<16xf32>
      %sub3A_722 = arith.subf %add3A_721, %get3A_720 : vector<16xf32>
      %abs3A_723 = math.absf %sub3A_722 : vector<16xf32>
      %add3A_724 = arith.addf %add3A_711, %abs3A_723 : vector<16xf32>
      %get3A_725 = arith.index_cast %add3A_696 : i32 to index
      %get3A_726 = arith.constant 32 : index
      %get3A_727 = tpu.vector_load %arg11[%get3A_725, %get3A_726] {strides = array<i32>} : memref<256x128xf32, #tpu.memory_space<vmem>>, vector<16xf32>,
      %get3A_728 = arith.index_cast %add3A_696 : i32 to index
      %get3A_729 = arith.constant 32 : index
      %get3A_730 = tpu.vector_load %arg12[%get3A_728, %get3A_729] {strides = array<i32>} : memref<256x128xf32, #tpu.memory_space<vmem>>, vector<16xf32>,
      %get3A_731 = arith.index_cast %add3A_696 : i32 to index
      %get3A_732 = arith.constant 32 : index
      %get3A_733 = tpu.vector_load %arg13[%get3A_731, %get3A_732] {strides = array<i32>} : memref<256x128xf32, #tpu.memory_space<vmem>>, vector<16xf32>,
      %add3A_734 = arith.addf %get3A_727, %get3A_730 : vector<16xf32>
      %sub3A_735 = arith.subf %add3A_734, %get3A_733 : vector<16xf32>
      %abs3A_736 = math.absf %sub3A_735 : vector<16xf32>
      %add3A_737 = arith.addf %add3A_724, %abs3A_736 : vector<16xf32>
      %get3A_738 = arith.index_cast %add3A_696 : i32 to index
      %get3A_739 = arith.constant 48 : index
      %get3A_740 = tpu.vector_load %arg11[%get3A_738, %get3A_739] {strides = array<i32>} : memref<256x128xf32, #tpu.memory_space<vmem>>, vector<16xf32>,
      %get3A_741 = arith.index_cast %add3A_696 : i32 to index
      %get3A_742 = arith.constant 48 : index
      %get3A_743 = tpu.vector_load %arg12[%get3A_741, %get3A_742] {strides = array<i32>} : memref<256x128xf32, #tpu.memory_space<vmem>>, vector<16xf32>,
      %get3A_744 = arith.index_cast %add3A_696 : i32 to index
      %get3A_745 = arith.constant 48 : index
      %get3A_746 = tpu.vector_load %arg13[%get3A_744, %get3A_745] {strides = array<i32>} : memref<256x128xf32, #tpu.memory_space<vmem>>, vector<16xf32>,
      %add3A_747 = arith.addf %get3A_740, %get3A_743 : vector<16xf32>
      %sub3A_748 = arith.subf %add3A_747, %get3A_746 : vector<16xf32>
      %abs3A_749 = math.absf %sub3A_748 : vector<16xf32>
      %add3A_750 = arith.addf %add3A_737, %abs3A_749 : vector<16xf32>
      %reduce_sum3A_751 = arith.constant true
      %reduce_sum3A_752 = vector.broadcast %reduce_sum3A_751 : i1 to vector<16xi1>
      %reduce_sum3A_753 = tpu.scan <sum>, %add3A_750 masked %reduce_sum3A_752 : vector<16xf32>, vector<16xi1> -> vector<16xf32>
      %reduce_sum3A_754 = vector.extract %reduce_sum3A_753[15] : f32 from vector<16xf32>
      %eq3A_755 = arith.constant 6 : i32
      %eq3A_756 = vector.broadcast %eq3A_755 : i32 to vector<16xi32>
      %eq3A_757 = arith.cmpi eq, %iota3A, %eq3A_756 : vector<16xi32>
      %broadcast_in_dim3A_758 = vector.broadcast %reduce_sum3A_754 : f32 to vector<16xf32>
      %select_n3A_759 = arith.select %eq3A_757, %broadcast_in_dim3A_758, %select_n3A_692 : vector<16xi1>, vector<16xf32>
      %mul3A_760 = arith.constant 16 : i32
      %mul3A_761 = arith.muli %scan3A_295, %mul3A_760 : i32
      %add3A_762 = arith.constant 7 : i32
      %add3A_763 = arith.addi %mul3A_761, %add3A_762 : i32
      %broadcast_in_dim3A_764 = arith.constant 0.000000e+00 : f32
      %broadcast_in_dim3A_765 = vector.broadcast %broadcast_in_dim3A_764 : f32 to vector<16xf32>
      %get3A_766 = arith.index_cast %add3A_763 : i32 to index
      %get3A_767 = arith.constant 0 : index
      %get3A_768 = tpu.vector_load %arg11[%get3A_766, %get3A_767] {strides = array<i32>} : memref<256x128xf32, #tpu.memory_space<vmem>>, vector<16xf32>,
      %get3A_769 = arith.index_cast %add3A_763 : i32 to index
      %get3A_770 = arith.constant 0 : index
      %get3A_771 = tpu.vector_load %arg12[%get3A_769, %get3A_770] {strides = array<i32>} : memref<256x128xf32, #tpu.memory_space<vmem>>, vector<16xf32>,
      %get3A_772 = arith.index_cast %add3A_763 : i32 to index
      %get3A_773 = arith.constant 0 : index
      %get3A_774 = tpu.vector_load %arg13[%get3A_772, %get3A_773] {strides = array<i32>} : memref<256x128xf32, #tpu.memory_space<vmem>>, vector<16xf32>,
      %add3A_775 = arith.addf %get3A_768, %get3A_771 : vector<16xf32>
      %sub3A_776 = arith.subf %add3A_775, %get3A_774 : vector<16xf32>
      %abs3A_777 = math.absf %sub3A_776 : vector<16xf32>
      %add3A_778 = arith.addf %broadcast_in_dim3A_765, %abs3A_777 : vector<16xf32>
      %get3A_779 = arith.index_cast %add3A_763 : i32 to index
      %get3A_780 = arith.constant 16 : index
      %get3A_781 = tpu.vector_load %arg11[%get3A_779, %get3A_780] {strides = array<i32>} : memref<256x128xf32, #tpu.memory_space<vmem>>, vector<16xf32>,
      %get3A_782 = arith.index_cast %add3A_763 : i32 to index
      %get3A_783 = arith.constant 16 : index
      %get3A_784 = tpu.vector_load %arg12[%get3A_782, %get3A_783] {strides = array<i32>} : memref<256x128xf32, #tpu.memory_space<vmem>>, vector<16xf32>,
      %get3A_785 = arith.index_cast %add3A_763 : i32 to index
      %get3A_786 = arith.constant 16 : index
      %get3A_787 = tpu.vector_load %arg13[%get3A_785, %get3A_786] {strides = array<i32>} : memref<256x128xf32, #tpu.memory_space<vmem>>, vector<16xf32>,
      %add3A_788 = arith.addf %get3A_781, %get3A_784 : vector<16xf32>
      %sub3A_789 = arith.subf %add3A_788, %get3A_787 : vector<16xf32>
      %abs3A_790 = math.absf %sub3A_789 : vector<16xf32>
      %add3A_791 = arith.addf %add3A_778, %abs3A_790 : vector<16xf32>
      %get3A_792 = arith.index_cast %add3A_763 : i32 to index
      %get3A_793 = arith.constant 32 : index
      %get3A_794 = tpu.vector_load %arg11[%get3A_792, %get3A_793] {strides = array<i32>} : memref<256x128xf32, #tpu.memory_space<vmem>>, vector<16xf32>,
      %get3A_795 = arith.index_cast %add3A_763 : i32 to index
      %get3A_796 = arith.constant 32 : index
      %get3A_797 = tpu.vector_load %arg12[%get3A_795, %get3A_796] {strides = array<i32>} : memref<256x128xf32, #tpu.memory_space<vmem>>, vector<16xf32>,
      %get3A_798 = arith.index_cast %add3A_763 : i32 to index
      %get3A_799 = arith.constant 32 : index
      %get3A_800 = tpu.vector_load %arg13[%get3A_798, %get3A_799] {strides = array<i32>} : memref<256x128xf32, #tpu.memory_space<vmem>>, vector<16xf32>,
      %add3A_801 = arith.addf %get3A_794, %get3A_797 : vector<16xf32>
      %sub3A_802 = arith.subf %add3A_801, %get3A_800 : vector<16xf32>
      %abs3A_803 = math.absf %sub3A_802 : vector<16xf32>
      %add3A_804 = arith.addf %add3A_791, %abs3A_803 : vector<16xf32>
      %get3A_805 = arith.index_cast %add3A_763 : i32 to index
      %get3A_806 = arith.constant 48 : index
      %get3A_807 = tpu.vector_load %arg11[%get3A_805, %get3A_806] {strides = array<i32>} : memref<256x128xf32, #tpu.memory_space<vmem>>, vector<16xf32>,
      %get3A_808 = arith.index_cast %add3A_763 : i32 to index
      %get3A_809 = arith.constant 48 : index
      %get3A_810 = tpu.vector_load %arg12[%get3A_808, %get3A_809] {strides = array<i32>} : memref<256x128xf32, #tpu.memory_space<vmem>>, vector<16xf32>,
      %get3A_811 = arith.index_cast %add3A_763 : i32 to index
      %get3A_812 = arith.constant 48 : index
      %get3A_813 = tpu.vector_load %arg13[%get3A_811, %get3A_812] {strides = array<i32>} : memref<256x128xf32, #tpu.memory_space<vmem>>, vector<16xf32>,
      %add3A_814 = arith.addf %get3A_807, %get3A_810 : vector<16xf32>
      %sub3A_815 = arith.subf %add3A_814, %get3A_813 : vector<16xf32>
      %abs3A_816 = math.absf %sub3A_815 : vector<16xf32>
      %add3A_817 = arith.addf %add3A_804, %abs3A_816 : vector<16xf32>
      %reduce_sum3A_818 = arith.constant true
      %reduce_sum3A_819 = vector.broadcast %reduce_sum3A_818 : i1 to vector<16xi1>
      %reduce_sum3A_820 = tpu.scan <sum>, %add3A_817 masked %reduce_sum3A_819 : vector<16xf32>, vector<16xi1> -> vector<16xf32>
      %reduce_sum3A_821 = vector.extract %reduce_sum3A_820[15] : f32 from vector<16xf32>
      %eq3A_822 = arith.constant 7 : i32
      %eq3A_823 = vector.broadcast %eq3A_822 : i32 to vector<16xi32>
      %eq3A_824 = arith.cmpi eq, %iota3A, %eq3A_823 : vector<16xi32>
      %broadcast_in_dim3A_825 = vector.broadcast %reduce_sum3A_821 : f32 to vector<16xf32>
      %select_n3A_826 = arith.select %eq3A_824, %broadcast_in_dim3A_825, %select_n3A_759 : vector<16xi1>, vector<16xf32>
      %mul3A_827 = arith.constant 16 : i32
      %mul3A_828 = arith.muli %scan3A_295, %mul3A_827 : i32
      %add3A_829 = arith.constant 8 : i32
      %add3A_830 = arith.addi %mul3A_828, %add3A_829 : i32
      %broadcast_in_dim3A_831 = arith.constant 0.000000e+00 : f32
      %broadcast_in_dim3A_832 = vector.broadcast %broadcast_in_dim3A_831 : f32 to vector<16xf32>
      %get3A_833 = arith.index_cast %add3A_830 : i32 to index
      %get3A_834 = arith.constant 0 : index
      %get3A_835 = tpu.vector_load %arg11[%get3A_833, %get3A_834] {strides = array<i32>} : memref<256x128xf32, #tpu.memory_space<vmem>>, vector<16xf32>,
      %get3A_836 = arith.index_cast %add3A_830 : i32 to index
      %get3A_837 = arith.constant 0 : index
      %get3A_838 = tpu.vector_load %arg12[%get3A_836, %get3A_837] {strides = array<i32>} : memref<256x128xf32, #tpu.memory_space<vmem>>, vector<16xf32>,
      %get3A_839 = arith.index_cast %add3A_830 : i32 to index
      %get3A_840 = arith.constant 0 : index
      %get3A_841 = tpu.vector_load %arg13[%get3A_839, %get3A_840] {strides = array<i32>} : memref<256x128xf32, #tpu.memory_space<vmem>>, vector<16xf32>,
      %add3A_842 = arith.addf %get3A_835, %get3A_838 : vector<16xf32>
      %sub3A_843 = arith.subf %add3A_842, %get3A_841 : vector<16xf32>
      %abs3A_844 = math.absf %sub3A_843 : vector<16xf32>
      %add3A_845 = arith.addf %broadcast_in_dim3A_832, %abs3A_844 : vector<16xf32>
      %get3A_846 = arith.index_cast %add3A_830 : i32 to index
      %get3A_847 = arith.constant 16 : index
      %get3A_848 = tpu.vector_load %arg11[%get3A_846, %get3A_847] {strides = array<i32>} : memref<256x128xf32, #tpu.memory_space<vmem>>, vector<16xf32>,
      %get3A_849 = arith.index_cast %add3A_830 : i32 to index
      %get3A_850 = arith.constant 16 : index
      %get3A_851 = tpu.vector_load %arg12[%get3A_849, %get3A_850] {strides = array<i32>} : memref<256x128xf32, #tpu.memory_space<vmem>>, vector<16xf32>,
      %get3A_852 = arith.index_cast %add3A_830 : i32 to index
      %get3A_853 = arith.constant 16 : index
      %get3A_854 = tpu.vector_load %arg13[%get3A_852, %get3A_853] {strides = array<i32>} : memref<256x128xf32, #tpu.memory_space<vmem>>, vector<16xf32>,
      %add3A_855 = arith.addf %get3A_848, %get3A_851 : vector<16xf32>
      %sub3A_856 = arith.subf %add3A_855, %get3A_854 : vector<16xf32>
      %abs3A_857 = math.absf %sub3A_856 : vector<16xf32>
      %add3A_858 = arith.addf %add3A_845, %abs3A_857 : vector<16xf32>
      %get3A_859 = arith.index_cast %add3A_830 : i32 to index
      %get3A_860 = arith.constant 32 : index
      %get3A_861 = tpu.vector_load %arg11[%get3A_859, %get3A_860] {strides = array<i32>} : memref<256x128xf32, #tpu.memory_space<vmem>>, vector<16xf32>,
      %get3A_862 = arith.index_cast %add3A_830 : i32 to index
      %get3A_863 = arith.constant 32 : index
      %get3A_864 = tpu.vector_load %arg12[%get3A_862, %get3A_863] {strides = array<i32>} : memref<256x128xf32, #tpu.memory_space<vmem>>, vector<16xf32>,
      %get3A_865 = arith.index_cast %add3A_830 : i32 to index
      %get3A_866 = arith.constant 32 : index
      %get3A_867 = tpu.vector_load %arg13[%get3A_865, %get3A_866] {strides = array<i32>} : memref<256x128xf32, #tpu.memory_space<vmem>>, vector<16xf32>,
      %add3A_868 = arith.addf %get3A_861, %get3A_864 : vector<16xf32>
      %sub3A_869 = arith.subf %add3A_868, %get3A_867 : vector<16xf32>
      %abs3A_870 = math.absf %sub3A_869 : vector<16xf32>
      %add3A_871 = arith.addf %add3A_858, %abs3A_870 : vector<16xf32>
      %get3A_872 = arith.index_cast %add3A_830 : i32 to index
      %get3A_873 = arith.constant 48 : index
      %get3A_874 = tpu.vector_load %arg11[%get3A_872, %get3A_873] {strides = array<i32>} : memref<256x128xf32, #tpu.memory_space<vmem>>, vector<16xf32>,
      %get3A_875 = arith.index_cast %add3A_830 : i32 to index
      %get3A_876 = arith.constant 48 : index
      %get3A_877 = tpu.vector_load %arg12[%get3A_875, %get3A_876] {strides = array<i32>} : memref<256x128xf32, #tpu.memory_space<vmem>>, vector<16xf32>,
      %get3A_878 = arith.index_cast %add3A_830 : i32 to index
      %get3A_879 = arith.constant 48 : index
      %get3A_880 = tpu.vector_load %arg13[%get3A_878, %get3A_879] {strides = array<i32>} : memref<256x128xf32, #tpu.memory_space<vmem>>, vector<16xf32>,
      %add3A_881 = arith.addf %get3A_874, %get3A_877 : vector<16xf32>
      %sub3A_882 = arith.subf %add3A_881, %get3A_880 : vector<16xf32>
      %abs3A_883 = math.absf %sub3A_882 : vector<16xf32>
      %add3A_884 = arith.addf %add3A_871, %abs3A_883 : vector<16xf32>
      %reduce_sum3A_885 = arith.constant true
      %reduce_sum3A_886 = vector.broadcast %reduce_sum3A_885 : i1 to vector<16xi1>
      %reduce_sum3A_887 = tpu.scan <sum>, %add3A_884 masked %reduce_sum3A_886 : vector<16xf32>, vector<16xi1> -> vector<16xf32>
      %reduce_sum3A_888 = vector.extract %reduce_sum3A_887[15] : f32 from vector<16xf32>
      %eq3A_889 = arith.constant 8 : i32
      %eq3A_890 = vector.broadcast %eq3A_889 : i32 to vector<16xi32>
      %eq3A_891 = arith.cmpi eq, %iota3A, %eq3A_890 : vector<16xi32>
      %broadcast_in_dim3A_892 = vector.broadcast %reduce_sum3A_888 : f32 to vector<16xf32>
      %select_n3A_893 = arith.select %eq3A_891, %broadcast_in_dim3A_892, %select_n3A_826 : vector<16xi1>, vector<16xf32>
      %mul3A_894 = arith.constant 16 : i32
      %mul3A_895 = arith.muli %scan3A_295, %mul3A_894 : i32
      %add3A_896 = arith.constant 9 : i32
      %add3A_897 = arith.addi %mul3A_895, %add3A_896 : i32
      %broadcast_in_dim3A_898 = arith.constant 0.000000e+00 : f32
      %broadcast_in_dim3A_899 = vector.broadcast %broadcast_in_dim3A_898 : f32 to vector<16xf32>
      %get3A_900 = arith.index_cast %add3A_897 : i32 to index
      %get3A_901 = arith.constant 0 : index
      %get3A_902 = tpu.vector_load %arg11[%get3A_900, %get3A_901] {strides = array<i32>} : memref<256x128xf32, #tpu.memory_space<vmem>>, vector<16xf32>,
      %get3A_903 = arith.index_cast %add3A_897 : i32 to index
      %get3A_904 = arith.constant 0 : index
      %get3A_905 = tpu.vector_load %arg12[%get3A_903, %get3A_904] {strides = array<i32>} : memref<256x128xf32, #tpu.memory_space<vmem>>, vector<16xf32>,
      %get3A_906 = arith.index_cast %add3A_897 : i32 to index
      %get3A_907 = arith.constant 0 : index
      %get3A_908 = tpu.vector_load %arg13[%get3A_906, %get3A_907] {strides = array<i32>} : memref<256x128xf32, #tpu.memory_space<vmem>>, vector<16xf32>,
      %add3A_909 = arith.addf %get3A_902, %get3A_905 : vector<16xf32>
      %sub3A_910 = arith.subf %add3A_909, %get3A_908 : vector<16xf32>
      %abs3A_911 = math.absf %sub3A_910 : vector<16xf32>
      %add3A_912 = arith.addf %broadcast_in_dim3A_899, %abs3A_911 : vector<16xf32>
      %get3A_913 = arith.index_cast %add3A_897 : i32 to index
      %get3A_914 = arith.constant 16 : index
      %get3A_915 = tpu.vector_load %arg11[%get3A_913, %get3A_914] {strides = array<i32>} : memref<256x128xf32, #tpu.memory_space<vmem>>, vector<16xf32>,
      %get3A_916 = arith.index_cast %add3A_897 : i32 to index
      %get3A_917 = arith.constant 16 : index
      %get3A_918 = tpu.vector_load %arg12[%get3A_916, %get3A_917] {strides = array<i32>} : memref<256x128xf32, #tpu.memory_space<vmem>>, vector<16xf32>,
      %get3A_919 = arith.index_cast %add3A_897 : i32 to index
      %get3A_920 = arith.constant 16 : index
      %get3A_921 = tpu.vector_load %arg13[%get3A_919, %get3A_920] {strides = array<i32>} : memref<256x128xf32, #tpu.memory_space<vmem>>, vector<16xf32>,
      %add3A_922 = arith.addf %get3A_915, %get3A_918 : vector<16xf32>
      %sub3A_923 = arith.subf %add3A_922, %get3A_921 : vector<16xf32>
      %abs3A_924 = math.absf %sub3A_923 : vector<16xf32>
      %add3A_925 = arith.addf %add3A_912, %abs3A_924 : vector<16xf32>
      %get3A_926 = arith.index_cast %add3A_897 : i32 to index
      %get3A_927 = arith.constant 32 : index
      %get3A_928 = tpu.vector_load %arg11[%get3A_926, %get3A_927] {strides = array<i32>} : memref<256x128xf32, #tpu.memory_space<vmem>>, vector<16xf32>,
      %get3A_929 = arith.index_cast %add3A_897 : i32 to index
      %get3A_930 = arith.constant 32 : index
      %get3A_931 = tpu.vector_load %arg12[%get3A_929, %get3A_930] {strides = array<i32>} : memref<256x128xf32, #tpu.memory_space<vmem>>, vector<16xf32>,
      %get3A_932 = arith.index_cast %add3A_897 : i32 to index
      %get3A_933 = arith.constant 32 : index
      %get3A_934 = tpu.vector_load %arg13[%get3A_932, %get3A_933] {strides = array<i32>} : memref<256x128xf32, #tpu.memory_space<vmem>>, vector<16xf32>,
      %add3A_935 = arith.addf %get3A_928, %get3A_931 : vector<16xf32>
      %sub3A_936 = arith.subf %add3A_935, %get3A_934 : vector<16xf32>
      %abs3A_937 = math.absf %sub3A_936 : vector<16xf32>
      %add3A_938 = arith.addf %add3A_925, %abs3A_937 : vector<16xf32>
      %get3A_939 = arith.index_cast %add3A_897 : i32 to index
      %get3A_940 = arith.constant 48 : index
      %get3A_941 = tpu.vector_load %arg11[%get3A_939, %get3A_940] {strides = array<i32>} : memref<256x128xf32, #tpu.memory_space<vmem>>, vector<16xf32>,
      %get3A_942 = arith.index_cast %add3A_897 : i32 to index
      %get3A_943 = arith.constant 48 : index
      %get3A_944 = tpu.vector_load %arg12[%get3A_942, %get3A_943] {strides = array<i32>} : memref<256x128xf32, #tpu.memory_space<vmem>>, vector<16xf32>,
      %get3A_945 = arith.index_cast %add3A_897 : i32 to index
      %get3A_946 = arith.constant 48 : index
      %get3A_947 = tpu.vector_load %arg13[%get3A_945, %get3A_946] {strides = array<i32>} : memref<256x128xf32, #tpu.memory_space<vmem>>, vector<16xf32>,
      %add3A_948 = arith.addf %get3A_941, %get3A_944 : vector<16xf32>
      %sub3A_949 = arith.subf %add3A_948, %get3A_947 : vector<16xf32>
      %abs3A_950 = math.absf %sub3A_949 : vector<16xf32>
      %add3A_951 = arith.addf %add3A_938, %abs3A_950 : vector<16xf32>
      %reduce_sum3A_952 = arith.constant true
      %reduce_sum3A_953 = vector.broadcast %reduce_sum3A_952 : i1 to vector<16xi1>
      %reduce_sum3A_954 = tpu.scan <sum>, %add3A_951 masked %reduce_sum3A_953 : vector<16xf32>, vector<16xi1> -> vector<16xf32>
      %reduce_sum3A_955 = vector.extract %reduce_sum3A_954[15] : f32 from vector<16xf32>
      %eq3A_956 = arith.constant 9 : i32
      %eq3A_957 = vector.broadcast %eq3A_956 : i32 to vector<16xi32>
      %eq3A_958 = arith.cmpi eq, %iota3A, %eq3A_957 : vector<16xi32>
      %broadcast_in_dim3A_959 = vector.broadcast %reduce_sum3A_955 : f32 to vector<16xf32>
      %select_n3A_960 = arith.select %eq3A_958, %broadcast_in_dim3A_959, %select_n3A_893 : vector<16xi1>, vector<16xf32>
      %mul3A_961 = arith.constant 16 : i32
      %mul3A_962 = arith.muli %scan3A_295, %mul3A_961 : i32
      %add3A_963 = arith.constant 10 : i32
      %add3A_964 = arith.addi %mul3A_962, %add3A_963 : i32
      %broadcast_in_dim3A_965 = arith.constant 0.000000e+00 : f32
      %broadcast_in_dim3A_966 = vector.broadcast %broadcast_in_dim3A_965 : f32 to vector<16xf32>
      %get3A_967 = arith.index_cast %add3A_964 : i32 to index
      %get3A_968 = arith.constant 0 : index
      %get3A_969 = tpu.vector_load %arg11[%get3A_967, %get3A_968] {strides = array<i32>} : memref<256x128xf32, #tpu.memory_space<vmem>>, vector<16xf32>,
      %get3A_970 = arith.index_cast %add3A_964 : i32 to index
      %get3A_971 = arith.constant 0 : index
      %get3A_972 = tpu.vector_load %arg12[%get3A_970, %get3A_971] {strides = array<i32>} : memref<256x128xf32, #tpu.memory_space<vmem>>, vector<16xf32>,
      %get3A_973 = arith.index_cast %add3A_964 : i32 to index
      %get3A_974 = arith.constant 0 : index
      %get3A_975 = tpu.vector_load %arg13[%get3A_973, %get3A_974] {strides = array<i32>} : memref<256x128xf32, #tpu.memory_space<vmem>>, vector<16xf32>,
      %add3A_976 = arith.addf %get3A_969, %get3A_972 : vector<16xf32>
      %sub3A_977 = arith.subf %add3A_976, %get3A_975 : vector<16xf32>
      %abs3A_978 = math.absf %sub3A_977 : vector<16xf32>
      %add3A_979 = arith.addf %broadcast_in_dim3A_966, %abs3A_978 : vector<16xf32>
      %get3A_980 = arith.index_cast %add3A_964 : i32 to index
      %get3A_981 = arith.constant 16 : index
      %get3A_982 = tpu.vector_load %arg11[%get3A_980, %get3A_981] {strides = array<i32>} : memref<256x128xf32, #tpu.memory_space<vmem>>, vector<16xf32>,
      %get3A_983 = arith.index_cast %add3A_964 : i32 to index
      %get3A_984 = arith.constant 16 : index
      %get3A_985 = tpu.vector_load %arg12[%get3A_983, %get3A_984] {strides = array<i32>} : memref<256x128xf32, #tpu.memory_space<vmem>>, vector<16xf32>,
      %get3A_986 = arith.index_cast %add3A_964 : i32 to index
      %get3A_987 = arith.constant 16 : index
      %get3A_988 = tpu.vector_load %arg13[%get3A_986, %get3A_987] {strides = array<i32>} : memref<256x128xf32, #tpu.memory_space<vmem>>, vector<16xf32>,
      %add3A_989 = arith.addf %get3A_982, %get3A_985 : vector<16xf32>
      %sub3A_990 = arith.subf %add3A_989, %get3A_988 : vector<16xf32>
      %abs3A_991 = math.absf %sub3A_990 : vector<16xf32>
      %add3A_992 = arith.addf %add3A_979, %abs3A_991 : vector<16xf32>
      %get3A_993 = arith.index_cast %add3A_964 : i32 to index
      %get3A_994 = arith.constant 32 : index
      %get3A_995 = tpu.vector_load %arg11[%get3A_993, %get3A_994] {strides = array<i32>} : memref<256x128xf32, #tpu.memory_space<vmem>>, vector<16xf32>,
      %get3A_996 = arith.index_cast %add3A_964 : i32 to index
      %get3A_997 = arith.constant 32 : index
      %get3A_998 = tpu.vector_load %arg12[%get3A_996, %get3A_997] {strides = array<i32>} : memref<256x128xf32, #tpu.memory_space<vmem>>, vector<16xf32>,
      %get3A_999 = arith.index_cast %add3A_964 : i32 to index
      %get3A_1000 = arith.constant 32 : index
      %get3A_1001 = tpu.vector_load %arg13[%get3A_999, %get3A_1000] {strides = array<i32>} : memref<256x128xf32, #tpu.memory_space<vmem>>, vector<16xf32>,
      %add3A_1002 = arith.addf %get3A_995, %get3A_998 : vector<16xf32>
      %sub3A_1003 = arith.subf %add3A_1002, %get3A_1001 : vector<16xf32>
      %abs3A_1004 = math.absf %sub3A_1003 : vector<16xf32>
      %add3A_1005 = arith.addf %add3A_992, %abs3A_1004 : vector<16xf32>
      %get3A_1006 = arith.index_cast %add3A_964 : i32 to index
      %get3A_1007 = arith.constant 48 : index
      %get3A_1008 = tpu.vector_load %arg11[%get3A_1006, %get3A_1007] {strides = array<i32>} : memref<256x128xf32, #tpu.memory_space<vmem>>, vector<16xf32>,
      %get3A_1009 = arith.index_cast %add3A_964 : i32 to index
      %get3A_1010 = arith.constant 48 : index
      %get3A_1011 = tpu.vector_load %arg12[%get3A_1009, %get3A_1010] {strides = array<i32>} : memref<256x128xf32, #tpu.memory_space<vmem>>, vector<16xf32>,
      %get3A_1012 = arith.index_cast %add3A_964 : i32 to index
      %get3A_1013 = arith.constant 48 : index
      %get3A_1014 = tpu.vector_load %arg13[%get3A_1012, %get3A_1013] {strides = array<i32>} : memref<256x128xf32, #tpu.memory_space<vmem>>, vector<16xf32>,
      %add3A_1015 = arith.addf %get3A_1008, %get3A_1011 : vector<16xf32>
      %sub3A_1016 = arith.subf %add3A_1015, %get3A_1014 : vector<16xf32>
      %abs3A_1017 = math.absf %sub3A_1016 : vector<16xf32>
      %add3A_1018 = arith.addf %add3A_1005, %abs3A_1017 : vector<16xf32>
      %reduce_sum3A_1019 = arith.constant true
      %reduce_sum3A_1020 = vector.broadcast %reduce_sum3A_1019 : i1 to vector<16xi1>
      %reduce_sum3A_1021 = tpu.scan <sum>, %add3A_1018 masked %reduce_sum3A_1020 : vector<16xf32>, vector<16xi1> -> vector<16xf32>
      %reduce_sum3A_1022 = vector.extract %reduce_sum3A_1021[15] : f32 from vector<16xf32>
      %eq3A_1023 = arith.constant 10 : i32
      %eq3A_1024 = vector.broadcast %eq3A_1023 : i32 to vector<16xi32>
      %eq3A_1025 = arith.cmpi eq, %iota3A, %eq3A_1024 : vector<16xi32>
      %broadcast_in_dim3A_1026 = vector.broadcast %reduce_sum3A_1022 : f32 to vector<16xf32>
      %select_n3A_1027 = arith.select %eq3A_1025, %broadcast_in_dim3A_1026, %select_n3A_960 : vector<16xi1>, vector<16xf32>
      %mul3A_1028 = arith.constant 16 : i32
      %mul3A_1029 = arith.muli %scan3A_295, %mul3A_1028 : i32
      %add3A_1030 = arith.constant 11 : i32
      %add3A_1031 = arith.addi %mul3A_1029, %add3A_1030 : i32
      %broadcast_in_dim3A_1032 = arith.constant 0.000000e+00 : f32
      %broadcast_in_dim3A_1033 = vector.broadcast %broadcast_in_dim3A_1032 : f32 to vector<16xf32>
      %get3A_1034 = arith.index_cast %add3A_1031 : i32 to index
      %get3A_1035 = arith.constant 0 : index
      %get3A_1036 = tpu.vector_load %arg11[%get3A_1034, %get3A_1035] {strides = array<i32>} : memref<256x128xf32, #tpu.memory_space<vmem>>, vector<16xf32>,
      %get3A_1037 = arith.index_cast %add3A_1031 : i32 to index
      %get3A_1038 = arith.constant 0 : index
      %get3A_1039 = tpu.vector_load %arg12[%get3A_1037, %get3A_1038] {strides = array<i32>} : memref<256x128xf32, #tpu.memory_space<vmem>>, vector<16xf32>,
      %get3A_1040 = arith.index_cast %add3A_1031 : i32 to index
      %get3A_1041 = arith.constant 0 : index
      %get3A_1042 = tpu.vector_load %arg13[%get3A_1040, %get3A_1041] {strides = array<i32>} : memref<256x128xf32, #tpu.memory_space<vmem>>, vector<16xf32>,
      %add3A_1043 = arith.addf %get3A_1036, %get3A_1039 : vector<16xf32>
      %sub3A_1044 = arith.subf %add3A_1043, %get3A_1042 : vector<16xf32>
      %abs3A_1045 = math.absf %sub3A_1044 : vector<16xf32>
      %add3A_1046 = arith.addf %broadcast_in_dim3A_1033, %abs3A_1045 : vector<16xf32>
      %get3A_1047 = arith.index_cast %add3A_1031 : i32 to index
      %get3A_1048 = arith.constant 16 : index
      %get3A_1049 = tpu.vector_load %arg11[%get3A_1047, %get3A_1048] {strides = array<i32>} : memref<256x128xf32, #tpu.memory_space<vmem>>, vector<16xf32>,
      %get3A_1050 = arith.index_cast %add3A_1031 : i32 to index
      %get3A_1051 = arith.constant 16 : index
      %get3A_1052 = tpu.vector_load %arg12[%get3A_1050, %get3A_1051] {strides = array<i32>} : memref<256x128xf32, #tpu.memory_space<vmem>>, vector<16xf32>,
      %get3A_1053 = arith.index_cast %add3A_1031 : i32 to index
      %get3A_1054 = arith.constant 16 : index
      %get3A_1055 = tpu.vector_load %arg13[%get3A_1053, %get3A_1054] {strides = array<i32>} : memref<256x128xf32, #tpu.memory_space<vmem>>, vector<16xf32>,
      %add3A_1056 = arith.addf %get3A_1049, %get3A_1052 : vector<16xf32>
      %sub3A_1057 = arith.subf %add3A_1056, %get3A_1055 : vector<16xf32>
      %abs3A_1058 = math.absf %sub3A_1057 : vector<16xf32>
      %add3A_1059 = arith.addf %add3A_1046, %abs3A_1058 : vector<16xf32>
      %get3A_1060 = arith.index_cast %add3A_1031 : i32 to index
      %get3A_1061 = arith.constant 32 : index
      %get3A_1062 = tpu.vector_load %arg11[%get3A_1060, %get3A_1061] {strides = array<i32>} : memref<256x128xf32, #tpu.memory_space<vmem>>, vector<16xf32>,
      %get3A_1063 = arith.index_cast %add3A_1031 : i32 to index
      %get3A_1064 = arith.constant 32 : index
      %get3A_1065 = tpu.vector_load %arg12[%get3A_1063, %get3A_1064] {strides = array<i32>} : memref<256x128xf32, #tpu.memory_space<vmem>>, vector<16xf32>,
      %get3A_1066 = arith.index_cast %add3A_1031 : i32 to index
      %get3A_1067 = arith.constant 32 : index
      %get3A_1068 = tpu.vector_load %arg13[%get3A_1066, %get3A_1067] {strides = array<i32>} : memref<256x128xf32, #tpu.memory_space<vmem>>, vector<16xf32>,
      %add3A_1069 = arith.addf %get3A_1062, %get3A_1065 : vector<16xf32>
      %sub3A_1070 = arith.subf %add3A_1069, %get3A_1068 : vector<16xf32>
      %abs3A_1071 = math.absf %sub3A_1070 : vector<16xf32>
      %add3A_1072 = arith.addf %add3A_1059, %abs3A_1071 : vector<16xf32>
      %get3A_1073 = arith.index_cast %add3A_1031 : i32 to index
      %get3A_1074 = arith.constant 48 : index
      %get3A_1075 = tpu.vector_load %arg11[%get3A_1073, %get3A_1074] {strides = array<i32>} : memref<256x128xf32, #tpu.memory_space<vmem>>, vector<16xf32>,
      %get3A_1076 = arith.index_cast %add3A_1031 : i32 to index
      %get3A_1077 = arith.constant 48 : index
      %get3A_1078 = tpu.vector_load %arg12[%get3A_1076, %get3A_1077] {strides = array<i32>} : memref<256x128xf32, #tpu.memory_space<vmem>>, vector<16xf32>,
      %get3A_1079 = arith.index_cast %add3A_1031 : i32 to index
      %get3A_1080 = arith.constant 48 : index
      %get3A_1081 = tpu.vector_load %arg13[%get3A_1079, %get3A_1080] {strides = array<i32>} : memref<256x128xf32, #tpu.memory_space<vmem>>, vector<16xf32>,
      %add3A_1082 = arith.addf %get3A_1075, %get3A_1078 : vector<16xf32>
      %sub3A_1083 = arith.subf %add3A_1082, %get3A_1081 : vector<16xf32>
      %abs3A_1084 = math.absf %sub3A_1083 : vector<16xf32>
      %add3A_1085 = arith.addf %add3A_1072, %abs3A_1084 : vector<16xf32>
      %reduce_sum3A_1086 = arith.constant true
      %reduce_sum3A_1087 = vector.broadcast %reduce_sum3A_1086 : i1 to vector<16xi1>
      %reduce_sum3A_1088 = tpu.scan <sum>, %add3A_1085 masked %reduce_sum3A_1087 : vector<16xf32>, vector<16xi1> -> vector<16xf32>
      %reduce_sum3A_1089 = vector.extract %reduce_sum3A_1088[15] : f32 from vector<16xf32>
      %eq3A_1090 = arith.constant 11 : i32
      %eq3A_1091 = vector.broadcast %eq3A_1090 : i32 to vector<16xi32>
      %eq3A_1092 = arith.cmpi eq, %iota3A, %eq3A_1091 : vector<16xi32>
      %broadcast_in_dim3A_1093 = vector.broadcast %reduce_sum3A_1089 : f32 to vector<16xf32>
      %select_n3A_1094 = arith.select %eq3A_1092, %broadcast_in_dim3A_1093, %select_n3A_1027 : vector<16xi1>, vector<16xf32>
      %mul3A_1095 = arith.constant 16 : i32
      %mul3A_1096 = arith.muli %scan3A_295, %mul3A_1095 : i32
      %add3A_1097 = arith.constant 12 : i32
      %add3A_1098 = arith.addi %mul3A_1096, %add3A_1097 : i32
      %broadcast_in_dim3A_1099 = arith.constant 0.000000e+00 : f32
      %broadcast_in_dim3A_1100 = vector.broadcast %broadcast_in_dim3A_1099 : f32 to vector<16xf32>
      %get3A_1101 = arith.index_cast %add3A_1098 : i32 to index
      %get3A_1102 = arith.constant 0 : index
      %get3A_1103 = tpu.vector_load %arg11[%get3A_1101, %get3A_1102] {strides = array<i32>} : memref<256x128xf32, #tpu.memory_space<vmem>>, vector<16xf32>,
      %get3A_1104 = arith.index_cast %add3A_1098 : i32 to index
      %get3A_1105 = arith.constant 0 : index
      %get3A_1106 = tpu.vector_load %arg12[%get3A_1104, %get3A_1105] {strides = array<i32>} : memref<256x128xf32, #tpu.memory_space<vmem>>, vector<16xf32>,
      %get3A_1107 = arith.index_cast %add3A_1098 : i32 to index
      %get3A_1108 = arith.constant 0 : index
      %get3A_1109 = tpu.vector_load %arg13[%get3A_1107, %get3A_1108] {strides = array<i32>} : memref<256x128xf32, #tpu.memory_space<vmem>>, vector<16xf32>,
      %add3A_1110 = arith.addf %get3A_1103, %get3A_1106 : vector<16xf32>
      %sub3A_1111 = arith.subf %add3A_1110, %get3A_1109 : vector<16xf32>
      %abs3A_1112 = math.absf %sub3A_1111 : vector<16xf32>
      %add3A_1113 = arith.addf %broadcast_in_dim3A_1100, %abs3A_1112 : vector<16xf32>
      %get3A_1114 = arith.index_cast %add3A_1098 : i32 to index
      %get3A_1115 = arith.constant 16 : index
      %get3A_1116 = tpu.vector_load %arg11[%get3A_1114, %get3A_1115] {strides = array<i32>} : memref<256x128xf32, #tpu.memory_space<vmem>>, vector<16xf32>,
      %get3A_1117 = arith.index_cast %add3A_1098 : i32 to index
      %get3A_1118 = arith.constant 16 : index
      %get3A_1119 = tpu.vector_load %arg12[%get3A_1117, %get3A_1118] {strides = array<i32>} : memref<256x128xf32, #tpu.memory_space<vmem>>, vector<16xf32>,
      %get3A_1120 = arith.index_cast %add3A_1098 : i32 to index
      %get3A_1121 = arith.constant 16 : index
      %get3A_1122 = tpu.vector_load %arg13[%get3A_1120, %get3A_1121] {strides = array<i32>} : memref<256x128xf32, #tpu.memory_space<vmem>>, vector<16xf32>,
      %add3A_1123 = arith.addf %get3A_1116, %get3A_1119 : vector<16xf32>
      %sub3A_1124 = arith.subf %add3A_1123, %get3A_1122 : vector<16xf32>
      %abs3A_1125 = math.absf %sub3A_1124 : vector<16xf32>
      %add3A_1126 = arith.addf %add3A_1113, %abs3A_1125 : vector<16xf32>
      %get3A_1127 = arith.index_cast %add3A_1098 : i32 to index
      %get3A_1128 = arith.constant 32 : index
      %get3A_1129 = tpu.vector_load %arg11[%get3A_1127, %get3A_1128] {strides = array<i32>} : memref<256x128xf32, #tpu.memory_space<vmem>>, vector<16xf32>,
      %get3A_1130 = arith.index_cast %add3A_1098 : i32 to index
      %get3A_1131 = arith.constant 32 : index
      %get3A_1132 = tpu.vector_load %arg12[%get3A_1130, %get3A_1131] {strides = array<i32>} : memref<256x128xf32, #tpu.memory_space<vmem>>, vector<16xf32>,
      %get3A_1133 = arith.index_cast %add3A_1098 : i32 to index
      %get3A_1134 = arith.constant 32 : index
      %get3A_1135 = tpu.vector_load %arg13[%get3A_1133, %get3A_1134] {strides = array<i32>} : memref<256x128xf32, #tpu.memory_space<vmem>>, vector<16xf32>,
      %add3A_1136 = arith.addf %get3A_1129, %get3A_1132 : vector<16xf32>
      %sub3A_1137 = arith.subf %add3A_1136, %get3A_1135 : vector<16xf32>
      %abs3A_1138 = math.absf %sub3A_1137 : vector<16xf32>
      %add3A_1139 = arith.addf %add3A_1126, %abs3A_1138 : vector<16xf32>
      %get3A_1140 = arith.index_cast %add3A_1098 : i32 to index
      %get3A_1141 = arith.constant 48 : index
      %get3A_1142 = tpu.vector_load %arg11[%get3A_1140, %get3A_1141] {strides = array<i32>} : memref<256x128xf32, #tpu.memory_space<vmem>>, vector<16xf32>,
      %get3A_1143 = arith.index_cast %add3A_1098 : i32 to index
      %get3A_1144 = arith.constant 48 : index
      %get3A_1145 = tpu.vector_load %arg12[%get3A_1143, %get3A_1144] {strides = array<i32>} : memref<256x128xf32, #tpu.memory_space<vmem>>, vector<16xf32>,
      %get3A_1146 = arith.index_cast %add3A_1098 : i32 to index
      %get3A_1147 = arith.constant 48 : index
      %get3A_1148 = tpu.vector_load %arg13[%get3A_1146, %get3A_1147] {strides = array<i32>} : memref<256x128xf32, #tpu.memory_space<vmem>>, vector<16xf32>,
      %add3A_1149 = arith.addf %get3A_1142, %get3A_1145 : vector<16xf32>
      %sub3A_1150 = arith.subf %add3A_1149, %get3A_1148 : vector<16xf32>
      %abs3A_1151 = math.absf %sub3A_1150 : vector<16xf32>
      %add3A_1152 = arith.addf %add3A_1139, %abs3A_1151 : vector<16xf32>
      %reduce_sum3A_1153 = arith.constant true
      %reduce_sum3A_1154 = vector.broadcast %reduce_sum3A_1153 : i1 to vector<16xi1>
      %reduce_sum3A_1155 = tpu.scan <sum>, %add3A_1152 masked %reduce_sum3A_1154 : vector<16xf32>, vector<16xi1> -> vector<16xf32>
      %reduce_sum3A_1156 = vector.extract %reduce_sum3A_1155[15] : f32 from vector<16xf32>
      %eq3A_1157 = arith.constant 12 : i32
      %eq3A_1158 = vector.broadcast %eq3A_1157 : i32 to vector<16xi32>
      %eq3A_1159 = arith.cmpi eq, %iota3A, %eq3A_1158 : vector<16xi32>
      %broadcast_in_dim3A_1160 = vector.broadcast %reduce_sum3A_1156 : f32 to vector<16xf32>
      %select_n3A_1161 = arith.select %eq3A_1159, %broadcast_in_dim3A_1160, %select_n3A_1094 : vector<16xi1>, vector<16xf32>
      %mul3A_1162 = arith.constant 16 : i32
      %mul3A_1163 = arith.muli %scan3A_295, %mul3A_1162 : i32
      %add3A_1164 = arith.constant 13 : i32
      %add3A_1165 = arith.addi %mul3A_1163, %add3A_1164 : i32
      %broadcast_in_dim3A_1166 = arith.constant 0.000000e+00 : f32
      %broadcast_in_dim3A_1167 = vector.broadcast %broadcast_in_dim3A_1166 : f32 to vector<16xf32>
      %get3A_1168 = arith.index_cast %add3A_1165 : i32 to index
      %get3A_1169 = arith.constant 0 : index
      %get3A_1170 = tpu.vector_load %arg11[%get3A_1168, %get3A_1169] {strides = array<i32>} : memref<256x128xf32, #tpu.memory_space<vmem>>, vector<16xf32>,
      %get3A_1171 = arith.index_cast %add3A_1165 : i32 to index
      %get3A_1172 = arith.constant 0 : index
      %get3A_1173 = tpu.vector_load %arg12[%get3A_1171, %get3A_1172] {strides = array<i32>} : memref<256x128xf32, #tpu.memory_space<vmem>>, vector<16xf32>,
      %get3A_1174 = arith.index_cast %add3A_1165 : i32 to index
      %get3A_1175 = arith.constant 0 : index
      %get3A_1176 = tpu.vector_load %arg13[%get3A_1174, %get3A_1175] {strides = array<i32>} : memref<256x128xf32, #tpu.memory_space<vmem>>, vector<16xf32>,
      %add3A_1177 = arith.addf %get3A_1170, %get3A_1173 : vector<16xf32>
      %sub3A_1178 = arith.subf %add3A_1177, %get3A_1176 : vector<16xf32>
      %abs3A_1179 = math.absf %sub3A_1178 : vector<16xf32>
      %add3A_1180 = arith.addf %broadcast_in_dim3A_1167, %abs3A_1179 : vector<16xf32>
      %get3A_1181 = arith.index_cast %add3A_1165 : i32 to index
      %get3A_1182 = arith.constant 16 : index
      %get3A_1183 = tpu.vector_load %arg11[%get3A_1181, %get3A_1182] {strides = array<i32>} : memref<256x128xf32, #tpu.memory_space<vmem>>, vector<16xf32>,
      %get3A_1184 = arith.index_cast %add3A_1165 : i32 to index
      %get3A_1185 = arith.constant 16 : index
      %get3A_1186 = tpu.vector_load %arg12[%get3A_1184, %get3A_1185] {strides = array<i32>} : memref<256x128xf32, #tpu.memory_space<vmem>>, vector<16xf32>,
      %get3A_1187 = arith.index_cast %add3A_1165 : i32 to index
      %get3A_1188 = arith.constant 16 : index
      %get3A_1189 = tpu.vector_load %arg13[%get3A_1187, %get3A_1188] {strides = array<i32>} : memref<256x128xf32, #tpu.memory_space<vmem>>, vector<16xf32>,
      %add3A_1190 = arith.addf %get3A_1183, %get3A_1186 : vector<16xf32>
      %sub3A_1191 = arith.subf %add3A_1190, %get3A_1189 : vector<16xf32>
      %abs3A_1192 = math.absf %sub3A_1191 : vector<16xf32>
      %add3A_1193 = arith.addf %add3A_1180, %abs3A_1192 : vector<16xf32>
      %get3A_1194 = arith.index_cast %add3A_1165 : i32 to index
      %get3A_1195 = arith.constant 32 : index
      %get3A_1196 = tpu.vector_load %arg11[%get3A_1194, %get3A_1195] {strides = array<i32>} : memref<256x128xf32, #tpu.memory_space<vmem>>, vector<16xf32>,
      %get3A_1197 = arith.index_cast %add3A_1165 : i32 to index
      %get3A_1198 = arith.constant 32 : index
      %get3A_1199 = tpu.vector_load %arg12[%get3A_1197, %get3A_1198] {strides = array<i32>} : memref<256x128xf32, #tpu.memory_space<vmem>>, vector<16xf32>,
      %get3A_1200 = arith.index_cast %add3A_1165 : i32 to index
      %get3A_1201 = arith.constant 32 : index
      %get3A_1202 = tpu.vector_load %arg13[%get3A_1200, %get3A_1201] {strides = array<i32>} : memref<256x128xf32, #tpu.memory_space<vmem>>, vector<16xf32>,
      %add3A_1203 = arith.addf %get3A_1196, %get3A_1199 : vector<16xf32>
      %sub3A_1204 = arith.subf %add3A_1203, %get3A_1202 : vector<16xf32>
      %abs3A_1205 = math.absf %sub3A_1204 : vector<16xf32>
      %add3A_1206 = arith.addf %add3A_1193, %abs3A_1205 : vector<16xf32>
      %get3A_1207 = arith.index_cast %add3A_1165 : i32 to index
      %get3A_1208 = arith.constant 48 : index
      %get3A_1209 = tpu.vector_load %arg11[%get3A_1207, %get3A_1208] {strides = array<i32>} : memref<256x128xf32, #tpu.memory_space<vmem>>, vector<16xf32>,
      %get3A_1210 = arith.index_cast %add3A_1165 : i32 to index
      %get3A_1211 = arith.constant 48 : index
      %get3A_1212 = tpu.vector_load %arg12[%get3A_1210, %get3A_1211] {strides = array<i32>} : memref<256x128xf32, #tpu.memory_space<vmem>>, vector<16xf32>,
      %get3A_1213 = arith.index_cast %add3A_1165 : i32 to index
      %get3A_1214 = arith.constant 48 : index
      %get3A_1215 = tpu.vector_load %arg13[%get3A_1213, %get3A_1214] {strides = array<i32>} : memref<256x128xf32, #tpu.memory_space<vmem>>, vector<16xf32>,
      %add3A_1216 = arith.addf %get3A_1209, %get3A_1212 : vector<16xf32>
      %sub3A_1217 = arith.subf %add3A_1216, %get3A_1215 : vector<16xf32>
      %abs3A_1218 = math.absf %sub3A_1217 : vector<16xf32>
      %add3A_1219 = arith.addf %add3A_1206, %abs3A_1218 : vector<16xf32>
      %reduce_sum3A_1220 = arith.constant true
      %reduce_sum3A_1221 = vector.broadcast %reduce_sum3A_1220 : i1 to vector<16xi1>
      %reduce_sum3A_1222 = tpu.scan <sum>, %add3A_1219 masked %reduce_sum3A_1221 : vector<16xf32>, vector<16xi1> -> vector<16xf32>
      %reduce_sum3A_1223 = vector.extract %reduce_sum3A_1222[15] : f32 from vector<16xf32>
      %eq3A_1224 = arith.constant 13 : i32
      %eq3A_1225 = vector.broadcast %eq3A_1224 : i32 to vector<16xi32>
      %eq3A_1226 = arith.cmpi eq, %iota3A, %eq3A_1225 : vector<16xi32>
      %broadcast_in_dim3A_1227 = vector.broadcast %reduce_sum3A_1223 : f32 to vector<16xf32>
      %select_n3A_1228 = arith.select %eq3A_1226, %broadcast_in_dim3A_1227, %select_n3A_1161 : vector<16xi1>, vector<16xf32>
      %mul3A_1229 = arith.constant 16 : i32
      %mul3A_1230 = arith.muli %scan3A_295, %mul3A_1229 : i32
      %add3A_1231 = arith.constant 14 : i32
      %add3A_1232 = arith.addi %mul3A_1230, %add3A_1231 : i32
      %broadcast_in_dim3A_1233 = arith.constant 0.000000e+00 : f32
      %broadcast_in_dim3A_1234 = vector.broadcast %broadcast_in_dim3A_1233 : f32 to vector<16xf32>
      %get3A_1235 = arith.index_cast %add3A_1232 : i32 to index
      %get3A_1236 = arith.constant 0 : index
      %get3A_1237 = tpu.vector_load %arg11[%get3A_1235, %get3A_1236] {strides = array<i32>} : memref<256x128xf32, #tpu.memory_space<vmem>>, vector<16xf32>,
      %get3A_1238 = arith.index_cast %add3A_1232 : i32 to index
      %get3A_1239 = arith.constant 0 : index
      %get3A_1240 = tpu.vector_load %arg12[%get3A_1238, %get3A_1239] {strides = array<i32>} : memref<256x128xf32, #tpu.memory_space<vmem>>, vector<16xf32>,
      %get3A_1241 = arith.index_cast %add3A_1232 : i32 to index
      %get3A_1242 = arith.constant 0 : index
      %get3A_1243 = tpu.vector_load %arg13[%get3A_1241, %get3A_1242] {strides = array<i32>} : memref<256x128xf32, #tpu.memory_space<vmem>>, vector<16xf32>,
      %add3A_1244 = arith.addf %get3A_1237, %get3A_1240 : vector<16xf32>
      %sub3A_1245 = arith.subf %add3A_1244, %get3A_1243 : vector<16xf32>
      %abs3A_1246 = math.absf %sub3A_1245 : vector<16xf32>
      %add3A_1247 = arith.addf %broadcast_in_dim3A_1234, %abs3A_1246 : vector<16xf32>
      %get3A_1248 = arith.index_cast %add3A_1232 : i32 to index
      %get3A_1249 = arith.constant 16 : index
      %get3A_1250 = tpu.vector_load %arg11[%get3A_1248, %get3A_1249] {strides = array<i32>} : memref<256x128xf32, #tpu.memory_space<vmem>>, vector<16xf32>,
      %get3A_1251 = arith.index_cast %add3A_1232 : i32 to index
      %get3A_1252 = arith.constant 16 : index
      %get3A_1253 = tpu.vector_load %arg12[%get3A_1251, %get3A_1252] {strides = array<i32>} : memref<256x128xf32, #tpu.memory_space<vmem>>, vector<16xf32>,
      %get3A_1254 = arith.index_cast %add3A_1232 : i32 to index
      %get3A_1255 = arith.constant 16 : index
      %get3A_1256 = tpu.vector_load %arg13[%get3A_1254, %get3A_1255] {strides = array<i32>} : memref<256x128xf32, #tpu.memory_space<vmem>>, vector<16xf32>,
      %add3A_1257 = arith.addf %get3A_1250, %get3A_1253 : vector<16xf32>
      %sub3A_1258 = arith.subf %add3A_1257, %get3A_1256 : vector<16xf32>
      %abs3A_1259 = math.absf %sub3A_1258 : vector<16xf32>
      %add3A_1260 = arith.addf %add3A_1247, %abs3A_1259 : vector<16xf32>
      %get3A_1261 = arith.index_cast %add3A_1232 : i32 to index
      %get3A_1262 = arith.constant 32 : index
      %get3A_1263 = tpu.vector_load %arg11[%get3A_1261, %get3A_1262] {strides = array<i32>} : memref<256x128xf32, #tpu.memory_space<vmem>>, vector<16xf32>,
      %get3A_1264 = arith.index_cast %add3A_1232 : i32 to index
      %get3A_1265 = arith.constant 32 : index
      %get3A_1266 = tpu.vector_load %arg12[%get3A_1264, %get3A_1265] {strides = array<i32>} : memref<256x128xf32, #tpu.memory_space<vmem>>, vector<16xf32>,
      %get3A_1267 = arith.index_cast %add3A_1232 : i32 to index
      %get3A_1268 = arith.constant 32 : index
      %get3A_1269 = tpu.vector_load %arg13[%get3A_1267, %get3A_1268] {strides = array<i32>} : memref<256x128xf32, #tpu.memory_space<vmem>>, vector<16xf32>,
      %add3A_1270 = arith.addf %get3A_1263, %get3A_1266 : vector<16xf32>
      %sub3A_1271 = arith.subf %add3A_1270, %get3A_1269 : vector<16xf32>
      %abs3A_1272 = math.absf %sub3A_1271 : vector<16xf32>
      %add3A_1273 = arith.addf %add3A_1260, %abs3A_1272 : vector<16xf32>
      %get3A_1274 = arith.index_cast %add3A_1232 : i32 to index
      %get3A_1275 = arith.constant 48 : index
      %get3A_1276 = tpu.vector_load %arg11[%get3A_1274, %get3A_1275] {strides = array<i32>} : memref<256x128xf32, #tpu.memory_space<vmem>>, vector<16xf32>,
      %get3A_1277 = arith.index_cast %add3A_1232 : i32 to index
      %get3A_1278 = arith.constant 48 : index
      %get3A_1279 = tpu.vector_load %arg12[%get3A_1277, %get3A_1278] {strides = array<i32>} : memref<256x128xf32, #tpu.memory_space<vmem>>, vector<16xf32>,
      %get3A_1280 = arith.index_cast %add3A_1232 : i32 to index
      %get3A_1281 = arith.constant 48 : index
      %get3A_1282 = tpu.vector_load %arg13[%get3A_1280, %get3A_1281] {strides = array<i32>} : memref<256x128xf32, #tpu.memory_space<vmem>>, vector<16xf32>,
      %add3A_1283 = arith.addf %get3A_1276, %get3A_1279 : vector<16xf32>
      %sub3A_1284 = arith.subf %add3A_1283, %get3A_1282 : vector<16xf32>
      %abs3A_1285 = math.absf %sub3A_1284 : vector<16xf32>
      %add3A_1286 = arith.addf %add3A_1273, %abs3A_1285 : vector<16xf32>
      %reduce_sum3A_1287 = arith.constant true
      %reduce_sum3A_1288 = vector.broadcast %reduce_sum3A_1287 : i1 to vector<16xi1>
      %reduce_sum3A_1289 = tpu.scan <sum>, %add3A_1286 masked %reduce_sum3A_1288 : vector<16xf32>, vector<16xi1> -> vector<16xf32>
      %reduce_sum3A_1290 = vector.extract %reduce_sum3A_1289[15] : f32 from vector<16xf32>
      %eq3A_1291 = arith.constant 14 : i32
      %eq3A_1292 = vector.broadcast %eq3A_1291 : i32 to vector<16xi32>
      %eq3A_1293 = arith.cmpi eq, %iota3A, %eq3A_1292 : vector<16xi32>
      %broadcast_in_dim3A_1294 = vector.broadcast %reduce_sum3A_1290 : f32 to vector<16xf32>
      %select_n3A_1295 = arith.select %eq3A_1293, %broadcast_in_dim3A_1294, %select_n3A_1228 : vector<16xi1>, vector<16xf32>
      %mul3A_1296 = arith.constant 16 : i32
      %mul3A_1297 = arith.muli %scan3A_295, %mul3A_1296 : i32
      %add3A_1298 = arith.constant 15 : i32
      %add3A_1299 = arith.addi %mul3A_1297, %add3A_1298 : i32
      %broadcast_in_dim3A_1300 = arith.constant 0.000000e+00 : f32
      %broadcast_in_dim3A_1301 = vector.broadcast %broadcast_in_dim3A_1300 : f32 to vector<16xf32>
      %get3A_1302 = arith.index_cast %add3A_1299 : i32 to index
      %get3A_1303 = arith.constant 0 : index
      %get3A_1304 = tpu.vector_load %arg11[%get3A_1302, %get3A_1303] {strides = array<i32>} : memref<256x128xf32, #tpu.memory_space<vmem>>, vector<16xf32>,
      %get3A_1305 = arith.index_cast %add3A_1299 : i32 to index
      %get3A_1306 = arith.constant 0 : index
      %get3A_1307 = tpu.vector_load %arg12[%get3A_1305, %get3A_1306] {strides = array<i32>} : memref<256x128xf32, #tpu.memory_space<vmem>>, vector<16xf32>,
      %get3A_1308 = arith.index_cast %add3A_1299 : i32 to index
      %get3A_1309 = arith.constant 0 : index
      %get3A_1310 = tpu.vector_load %arg13[%get3A_1308, %get3A_1309] {strides = array<i32>} : memref<256x128xf32, #tpu.memory_space<vmem>>, vector<16xf32>,
      %add3A_1311 = arith.addf %get3A_1304, %get3A_1307 : vector<16xf32>
      %sub3A_1312 = arith.subf %add3A_1311, %get3A_1310 : vector<16xf32>
      %abs3A_1313 = math.absf %sub3A_1312 : vector<16xf32>
      %add3A_1314 = arith.addf %broadcast_in_dim3A_1301, %abs3A_1313 : vector<16xf32>
      %get3A_1315 = arith.index_cast %add3A_1299 : i32 to index
      %get3A_1316 = arith.constant 16 : index
      %get3A_1317 = tpu.vector_load %arg11[%get3A_1315, %get3A_1316] {strides = array<i32>} : memref<256x128xf32, #tpu.memory_space<vmem>>, vector<16xf32>,
      %get3A_1318 = arith.index_cast %add3A_1299 : i32 to index
      %get3A_1319 = arith.constant 16 : index
      %get3A_1320 = tpu.vector_load %arg12[%get3A_1318, %get3A_1319] {strides = array<i32>} : memref<256x128xf32, #tpu.memory_space<vmem>>, vector<16xf32>,
      %get3A_1321 = arith.index_cast %add3A_1299 : i32 to index
      %get3A_1322 = arith.constant 16 : index
      %get3A_1323 = tpu.vector_load %arg13[%get3A_1321, %get3A_1322] {strides = array<i32>} : memref<256x128xf32, #tpu.memory_space<vmem>>, vector<16xf32>,
      %add3A_1324 = arith.addf %get3A_1317, %get3A_1320 : vector<16xf32>
      %sub3A_1325 = arith.subf %add3A_1324, %get3A_1323 : vector<16xf32>
      %abs3A_1326 = math.absf %sub3A_1325 : vector<16xf32>
      %add3A_1327 = arith.addf %add3A_1314, %abs3A_1326 : vector<16xf32>
      %get3A_1328 = arith.index_cast %add3A_1299 : i32 to index
      %get3A_1329 = arith.constant 32 : index
      %get3A_1330 = tpu.vector_load %arg11[%get3A_1328, %get3A_1329] {strides = array<i32>} : memref<256x128xf32, #tpu.memory_space<vmem>>, vector<16xf32>,
      %get3A_1331 = arith.index_cast %add3A_1299 : i32 to index
      %get3A_1332 = arith.constant 32 : index
      %get3A_1333 = tpu.vector_load %arg12[%get3A_1331, %get3A_1332] {strides = array<i32>} : memref<256x128xf32, #tpu.memory_space<vmem>>, vector<16xf32>,
      %get3A_1334 = arith.index_cast %add3A_1299 : i32 to index
      %get3A_1335 = arith.constant 32 : index
      %get3A_1336 = tpu.vector_load %arg13[%get3A_1334, %get3A_1335] {strides = array<i32>} : memref<256x128xf32, #tpu.memory_space<vmem>>, vector<16xf32>,
      %add3A_1337 = arith.addf %get3A_1330, %get3A_1333 : vector<16xf32>
      %sub3A_1338 = arith.subf %add3A_1337, %get3A_1336 : vector<16xf32>
      %abs3A_1339 = math.absf %sub3A_1338 : vector<16xf32>
      %add3A_1340 = arith.addf %add3A_1327, %abs3A_1339 : vector<16xf32>
      %get3A_1341 = arith.index_cast %add3A_1299 : i32 to index
      %get3A_1342 = arith.constant 48 : index
      %get3A_1343 = tpu.vector_load %arg11[%get3A_1341, %get3A_1342] {strides = array<i32>} : memref<256x128xf32, #tpu.memory_space<vmem>>, vector<16xf32>,
      %get3A_1344 = arith.index_cast %add3A_1299 : i32 to index
      %get3A_1345 = arith.constant 48 : index
      %get3A_1346 = tpu.vector_load %arg12[%get3A_1344, %get3A_1345] {strides = array<i32>} : memref<256x128xf32, #tpu.memory_space<vmem>>, vector<16xf32>,
      %get3A_1347 = arith.index_cast %add3A_1299 : i32 to index
      %get3A_1348 = arith.constant 48 : index
      %get3A_1349 = tpu.vector_load %arg13[%get3A_1347, %get3A_1348] {strides = array<i32>} : memref<256x128xf32, #tpu.memory_space<vmem>>, vector<16xf32>,
      %add3A_1350 = arith.addf %get3A_1343, %get3A_1346 : vector<16xf32>
      %sub3A_1351 = arith.subf %add3A_1350, %get3A_1349 : vector<16xf32>
      %abs3A_1352 = math.absf %sub3A_1351 : vector<16xf32>
      %add3A_1353 = arith.addf %add3A_1340, %abs3A_1352 : vector<16xf32>
      %reduce_sum3A_1354 = arith.constant true
      %reduce_sum3A_1355 = vector.broadcast %reduce_sum3A_1354 : i1 to vector<16xi1>
      %reduce_sum3A_1356 = tpu.scan <sum>, %add3A_1353 masked %reduce_sum3A_1355 : vector<16xf32>, vector<16xi1> -> vector<16xf32>
      %reduce_sum3A_1357 = vector.extract %reduce_sum3A_1356[15] : f32 from vector<16xf32>
      %eq3A_1358 = arith.constant 15 : i32
      %eq3A_1359 = vector.broadcast %eq3A_1358 : i32 to vector<16xi32>
      %eq3A_1360 = arith.cmpi eq, %iota3A, %eq3A_1359 : vector<16xi32>
      %broadcast_in_dim3A_1361 = vector.broadcast %reduce_sum3A_1357 : f32 to vector<16xf32>
      %select_n3A_1362 = arith.select %eq3A_1360, %broadcast_in_dim3A_1361, %select_n3A_1295 : vector<16xi1>, vector<16xf32>
      %mul3A_1363 = arith.constant 16 : i32
      %mul3A_1364 = arith.muli %scan3A_295, %mul3A_1363 : i32
      %add3A_1365 = arith.constant 0 : i32
      %add3A_1366 = arith.addi %add3A_1365, %mul3A_1364 : i32
      %swap3A = arith.index_cast %add3A_1366 : i32 to index
      %swap3A_1367 = tpu.vector_load %arg14[%swap3A] {strides = array<i32>} : memref<512xf32, #tpu.memory_space<vmem>>, vector<16xf32>,
      tpu.vector_store %arg14[%swap3A], %select_n3A_1362 {strides = array<i32>} : memref<512xf32, #tpu.memory_space<vmem>>, vector<16xf32>,
    }
    %scan3A_144 = arith.constant 16 : i32
    %mul3A_145 = arith.constant 512 : i32
    %mul3A_146 = arith.muli %add3A, %mul3A_145 : i32
    %add3A_147 = arith.constant 256 : i32
    %add3A_148 = arith.addi %mul3A_146, %add3A_147 : i32
    %add3A_149 = arith.constant 0 : i32
    %add3A_150 = arith.addi %add3A_148, %add3A_149 : i32
    %run_scoped3A_151 = arith.constant 0 : i32
    "tpu.region"() ({
      %run_scoped3A_295 = tpu.sem_alloc : memref<!tpu.dma_semaphore, #tpu.memory_space<semaphore_mem>>
      %dma_start3A_296 = arith.constant 0 : i32
      %dma_start3A_297 = tpu.memref_slice %arg8[%run_scoped3A_151, %dma_start3A_296] : memref<2x128xi32, #tpu.memory_space<vmem>> -> memref<1x128xi32, #tpu.memory_space<vmem>>
      %dma_start3A_298 = tpu.memref_squeeze %dma_start3A_297 : memref<1x128xi32, #tpu.memory_space<vmem>> -> memref<128xi32, #tpu.memory_space<vmem>>
      %dma_start3A_299 = tpu.memref_slice %arg2[%add3A_150] : memref<16384xi32, #tpu.memory_space<hbm>> -> memref<128xi32, #tpu.memory_space<hbm>>
      %dma_start3A_300 = arith.constant 0 : i32
      %dma_start3A_301 = tpu.memref_slice %arg8[%run_scoped3A_151, %dma_start3A_300] : memref<2x128xi32, #tpu.memory_space<vmem>> -> memref<1x128xi32, #tpu.memory_space<vmem>>
      %dma_start3A_302 = tpu.memref_squeeze %dma_start3A_301 : memref<1x128xi32, #tpu.memory_space<vmem>> -> memref<128xi32, #tpu.memory_space<vmem>>
      %dma_start3A_303 = tpu.memref_slice %arg2[%add3A_150] : memref<16384xi32, #tpu.memory_space<hbm>> -> memref<128xi32, #tpu.memory_space<hbm>>
      tpu.enqueue_dma source(%dma_start3A_303 : memref<128xi32, #tpu.memory_space<hbm>>) target(%dma_start3A_302 : memref<128xi32, #tpu.memory_space<vmem>>) target_semaphore(%run_scoped3A_295 : memref<!tpu.dma_semaphore, #tpu.memory_space<semaphore_mem>>)
      %dma_wait3A_304 = arith.constant 0 : i32
      %dma_wait3A_305 = tpu.memref_slice %arg8[%run_scoped3A_151, %dma_wait3A_304] : memref<2x128xi32, #tpu.memory_space<vmem>> -> memref<1x128xi32, #tpu.memory_space<vmem>>
      %dma_wait3A_306 = tpu.memref_squeeze %dma_wait3A_305 : memref<1x128xi32, #tpu.memory_space<vmem>> -> memref<128xi32, #tpu.memory_space<vmem>>
      %dma_wait3A_307 = tpu.memref_slice %arg2[%add3A_150] : memref<16384xi32, #tpu.memory_space<hbm>> -> memref<128xi32, #tpu.memory_space<hbm>>
      %dma_wait3A_308 = arith.constant 0 : i32
      %dma_wait3A_309 = tpu.memref_slice %arg8[%run_scoped3A_151, %dma_wait3A_308] : memref<2x128xi32, #tpu.memory_space<vmem>> -> memref<1x128xi32, #tpu.memory_space<vmem>>
      %dma_wait3A_310 = tpu.memref_squeeze %dma_wait3A_309 : memref<1x128xi32, #tpu.memory_space<vmem>> -> memref<128xi32, #tpu.memory_space<vmem>>
      %dma_wait3A_311 = tpu.memref_slice %arg2[%add3A_150] : memref<16384xi32, #tpu.memory_space<hbm>> -> memref<128xi32, #tpu.memory_space<hbm>>
      tpu.wait_dma2 semaphore(%run_scoped3A_295 : memref<!tpu.dma_semaphore, #tpu.memory_space<semaphore_mem>>) src(%dma_wait3A_311 : memref<128xi32, #tpu.memory_space<hbm>>) dst(%dma_wait3A_310 : memref<128xi32, #tpu.memory_space<vmem>>)
      tpu.yield
    }) : () -> ()
    %add3A_152 = arith.constant 0 : i32
    %add3A_153 = arith.addi %add3A_148, %add3A_152 : i32
    %run_scoped3A_154 = arith.constant 0 : i32
    "tpu.region"() ({
      %run_scoped3A_295 = tpu.sem_alloc : memref<!tpu.dma_semaphore, #tpu.memory_space<semaphore_mem>>
      %dma_start3A_296 = arith.constant 0 : i32
      %dma_start3A_297 = tpu.memref_slice %arg9[%run_scoped3A_154, %dma_start3A_296] : memref<2x128xi32, #tpu.memory_space<vmem>> -> memref<1x128xi32, #tpu.memory_space<vmem>>
      %dma_start3A_298 = tpu.memref_squeeze %dma_start3A_297 : memref<1x128xi32, #tpu.memory_space<vmem>> -> memref<128xi32, #tpu.memory_space<vmem>>
      %dma_start3A_299 = tpu.memref_slice %arg3[%add3A_153] : memref<16384xi32, #tpu.memory_space<hbm>> -> memref<128xi32, #tpu.memory_space<hbm>>
      %dma_start3A_300 = arith.constant 0 : i32
      %dma_start3A_301 = tpu.memref_slice %arg9[%run_scoped3A_154, %dma_start3A_300] : memref<2x128xi32, #tpu.memory_space<vmem>> -> memref<1x128xi32, #tpu.memory_space<vmem>>
      %dma_start3A_302 = tpu.memref_squeeze %dma_start3A_301 : memref<1x128xi32, #tpu.memory_space<vmem>> -> memref<128xi32, #tpu.memory_space<vmem>>
      %dma_start3A_303 = tpu.memref_slice %arg3[%add3A_153] : memref<16384xi32, #tpu.memory_space<hbm>> -> memref<128xi32, #tpu.memory_space<hbm>>
      tpu.enqueue_dma source(%dma_start3A_303 : memref<128xi32, #tpu.memory_space<hbm>>) target(%dma_start3A_302 : memref<128xi32, #tpu.memory_space<vmem>>) target_semaphore(%run_scoped3A_295 : memref<!tpu.dma_semaphore, #tpu.memory_space<semaphore_mem>>)
      %dma_wait3A_304 = arith.constant 0 : i32
      %dma_wait3A_305 = tpu.memref_slice %arg9[%run_scoped3A_154, %dma_wait3A_304] : memref<2x128xi32, #tpu.memory_space<vmem>> -> memref<1x128xi32, #tpu.memory_space<vmem>>
      %dma_wait3A_306 = tpu.memref_squeeze %dma_wait3A_305 : memref<1x128xi32, #tpu.memory_space<vmem>> -> memref<128xi32, #tpu.memory_space<vmem>>
      %dma_wait3A_307 = tpu.memref_slice %arg3[%add3A_153] : memref<16384xi32, #tpu.memory_space<hbm>> -> memref<128xi32, #tpu.memory_space<hbm>>
      %dma_wait3A_308 = arith.constant 0 : i32
      %dma_wait3A_309 = tpu.memref_slice %arg9[%run_scoped3A_154, %dma_wait3A_308] : memref<2x128xi32, #tpu.memory_space<vmem>> -> memref<1x128xi32, #tpu.memory_space<vmem>>
      %dma_wait3A_310 = tpu.memref_squeeze %dma_wait3A_309 : memref<1x128xi32, #tpu.memory_space<vmem>> -> memref<128xi32, #tpu.memory_space<vmem>>
      %dma_wait3A_311 = tpu.memref_slice %arg3[%add3A_153] : memref<16384xi32, #tpu.memory_space<hbm>> -> memref<128xi32, #tpu.memory_space<hbm>>
      tpu.wait_dma2 semaphore(%run_scoped3A_295 : memref<!tpu.dma_semaphore, #tpu.memory_space<semaphore_mem>>) src(%dma_wait3A_311 : memref<128xi32, #tpu.memory_space<hbm>>) dst(%dma_wait3A_310 : memref<128xi32, #tpu.memory_space<vmem>>)
      tpu.yield
    }) : () -> ()
    %add3A_155 = arith.constant 0 : i32
    %add3A_156 = arith.addi %add3A_148, %add3A_155 : i32
    %run_scoped3A_157 = arith.constant 0 : i32
    "tpu.region"() ({
      %run_scoped3A_295 = tpu.sem_alloc : memref<!tpu.dma_semaphore, #tpu.memory_space<semaphore_mem>>
      %dma_start3A_296 = arith.constant 0 : i32
      %dma_start3A_297 = tpu.memref_slice %arg10[%run_scoped3A_157, %dma_start3A_296] : memref<2x128xi32, #tpu.memory_space<vmem>> -> memref<1x128xi32, #tpu.memory_space<vmem>>
      %dma_start3A_298 = tpu.memref_squeeze %dma_start3A_297 : memref<1x128xi32, #tpu.memory_space<vmem>> -> memref<128xi32, #tpu.memory_space<vmem>>
      %dma_start3A_299 = tpu.memref_slice %arg4[%add3A_156] : memref<16384xi32, #tpu.memory_space<hbm>> -> memref<128xi32, #tpu.memory_space<hbm>>
      %dma_start3A_300 = arith.constant 0 : i32
      %dma_start3A_301 = tpu.memref_slice %arg10[%run_scoped3A_157, %dma_start3A_300] : memref<2x128xi32, #tpu.memory_space<vmem>> -> memref<1x128xi32, #tpu.memory_space<vmem>>
      %dma_start3A_302 = tpu.memref_squeeze %dma_start3A_301 : memref<1x128xi32, #tpu.memory_space<vmem>> -> memref<128xi32, #tpu.memory_space<vmem>>
      %dma_start3A_303 = tpu.memref_slice %arg4[%add3A_156] : memref<16384xi32, #tpu.memory_space<hbm>> -> memref<128xi32, #tpu.memory_space<hbm>>
      tpu.enqueue_dma source(%dma_start3A_303 : memref<128xi32, #tpu.memory_space<hbm>>) target(%dma_start3A_302 : memref<128xi32, #tpu.memory_space<vmem>>) target_semaphore(%run_scoped3A_295 : memref<!tpu.dma_semaphore, #tpu.memory_space<semaphore_mem>>)
      %dma_wait3A_304 = arith.constant 0 : i32
      %dma_wait3A_305 = tpu.memref_slice %arg10[%run_scoped3A_157, %dma_wait3A_304] : memref<2x128xi32, #tpu.memory_space<vmem>> -> memref<1x128xi32, #tpu.memory_space<vmem>>
      %dma_wait3A_306 = tpu.memref_squeeze %dma_wait3A_305 : memref<1x128xi32, #tpu.memory_space<vmem>> -> memref<128xi32, #tpu.memory_space<vmem>>
      %dma_wait3A_307 = tpu.memref_slice %arg4[%add3A_156] : memref<16384xi32, #tpu.memory_space<hbm>> -> memref<128xi32, #tpu.memory_space<hbm>>
      %dma_wait3A_308 = arith.constant 0 : i32
      %dma_wait3A_309 = tpu.memref_slice %arg10[%run_scoped3A_157, %dma_wait3A_308] : memref<2x128xi32, #tpu.memory_space<vmem>> -> memref<1x128xi32, #tpu.memory_space<vmem>>
      %dma_wait3A_310 = tpu.memref_squeeze %dma_wait3A_309 : memref<1x128xi32, #tpu.memory_space<vmem>> -> memref<128xi32, #tpu.memory_space<vmem>>
      %dma_wait3A_311 = tpu.memref_slice %arg4[%add3A_156] : memref<16384xi32, #tpu.memory_space<hbm>> -> memref<128xi32, #tpu.memory_space<hbm>>
      tpu.wait_dma2 semaphore(%run_scoped3A_295 : memref<!tpu.dma_semaphore, #tpu.memory_space<semaphore_mem>>) src(%dma_wait3A_311 : memref<128xi32, #tpu.memory_space<hbm>>) dst(%dma_wait3A_310 : memref<128xi32, #tpu.memory_space<vmem>>)
      tpu.yield
    }) : () -> ()
    %add3A_158 = arith.constant 128 : i32
    %add3A_159 = arith.addi %add3A_148, %add3A_158 : i32
    %run_scoped3A_160 = arith.constant 1 : i32
    "tpu.region"() ({
      %run_scoped3A_295 = tpu.sem_alloc : memref<!tpu.dma_semaphore, #tpu.memory_space<semaphore_mem>>
      %dma_start3A_296 = arith.constant 0 : i32
      %dma_start3A_297 = tpu.memref_slice %arg8[%run_scoped3A_160, %dma_start3A_296] : memref<2x128xi32, #tpu.memory_space<vmem>> -> memref<1x128xi32, #tpu.memory_space<vmem>>
      %dma_start3A_298 = tpu.memref_squeeze %dma_start3A_297 : memref<1x128xi32, #tpu.memory_space<vmem>> -> memref<128xi32, #tpu.memory_space<vmem>>
      %dma_start3A_299 = tpu.memref_slice %arg2[%add3A_159] : memref<16384xi32, #tpu.memory_space<hbm>> -> memref<128xi32, #tpu.memory_space<hbm>>
      %dma_start3A_300 = arith.constant 0 : i32
      %dma_start3A_301 = tpu.memref_slice %arg8[%run_scoped3A_160, %dma_start3A_300] : memref<2x128xi32, #tpu.memory_space<vmem>> -> memref<1x128xi32, #tpu.memory_space<vmem>>
      %dma_start3A_302 = tpu.memref_squeeze %dma_start3A_301 : memref<1x128xi32, #tpu.memory_space<vmem>> -> memref<128xi32, #tpu.memory_space<vmem>>
      %dma_start3A_303 = tpu.memref_slice %arg2[%add3A_159] : memref<16384xi32, #tpu.memory_space<hbm>> -> memref<128xi32, #tpu.memory_space<hbm>>
      tpu.enqueue_dma source(%dma_start3A_303 : memref<128xi32, #tpu.memory_space<hbm>>) target(%dma_start3A_302 : memref<128xi32, #tpu.memory_space<vmem>>) target_semaphore(%run_scoped3A_295 : memref<!tpu.dma_semaphore, #tpu.memory_space<semaphore_mem>>)
      %dma_wait3A_304 = arith.constant 0 : i32
      %dma_wait3A_305 = tpu.memref_slice %arg8[%run_scoped3A_160, %dma_wait3A_304] : memref<2x128xi32, #tpu.memory_space<vmem>> -> memref<1x128xi32, #tpu.memory_space<vmem>>
      %dma_wait3A_306 = tpu.memref_squeeze %dma_wait3A_305 : memref<1x128xi32, #tpu.memory_space<vmem>> -> memref<128xi32, #tpu.memory_space<vmem>>
      %dma_wait3A_307 = tpu.memref_slice %arg2[%add3A_159] : memref<16384xi32, #tpu.memory_space<hbm>> -> memref<128xi32, #tpu.memory_space<hbm>>
      %dma_wait3A_308 = arith.constant 0 : i32
      %dma_wait3A_309 = tpu.memref_slice %arg8[%run_scoped3A_160, %dma_wait3A_308] : memref<2x128xi32, #tpu.memory_space<vmem>> -> memref<1x128xi32, #tpu.memory_space<vmem>>
      %dma_wait3A_310 = tpu.memref_squeeze %dma_wait3A_309 : memref<1x128xi32, #tpu.memory_space<vmem>> -> memref<128xi32, #tpu.memory_space<vmem>>
      %dma_wait3A_311 = tpu.memref_slice %arg2[%add3A_159] : memref<16384xi32, #tpu.memory_space<hbm>> -> memref<128xi32, #tpu.memory_space<hbm>>
      tpu.wait_dma2 semaphore(%run_scoped3A_295 : memref<!tpu.dma_semaphore, #tpu.memory_space<semaphore_mem>>) src(%dma_wait3A_311 : memref<128xi32, #tpu.memory_space<hbm>>) dst(%dma_wait3A_310 : memref<128xi32, #tpu.memory_space<vmem>>)
      tpu.yield
    }) : () -> ()
    %add3A_161 = arith.constant 128 : i32
    %add3A_162 = arith.addi %add3A_148, %add3A_161 : i32
    %run_scoped3A_163 = arith.constant 1 : i32
    "tpu.region"() ({
      %run_scoped3A_295 = tpu.sem_alloc : memref<!tpu.dma_semaphore, #tpu.memory_space<semaphore_mem>>
      %dma_start3A_296 = arith.constant 0 : i32
      %dma_start3A_297 = tpu.memref_slice %arg9[%run_scoped3A_163, %dma_start3A_296] : memref<2x128xi32, #tpu.memory_space<vmem>> -> memref<1x128xi32, #tpu.memory_space<vmem>>
      %dma_start3A_298 = tpu.memref_squeeze %dma_start3A_297 : memref<1x128xi32, #tpu.memory_space<vmem>> -> memref<128xi32, #tpu.memory_space<vmem>>
      %dma_start3A_299 = tpu.memref_slice %arg3[%add3A_162] : memref<16384xi32, #tpu.memory_space<hbm>> -> memref<128xi32, #tpu.memory_space<hbm>>
      %dma_start3A_300 = arith.constant 0 : i32
      %dma_start3A_301 = tpu.memref_slice %arg9[%run_scoped3A_163, %dma_start3A_300] : memref<2x128xi32, #tpu.memory_space<vmem>> -> memref<1x128xi32, #tpu.memory_space<vmem>>
      %dma_start3A_302 = tpu.memref_squeeze %dma_start3A_301 : memref<1x128xi32, #tpu.memory_space<vmem>> -> memref<128xi32, #tpu.memory_space<vmem>>
      %dma_start3A_303 = tpu.memref_slice %arg3[%add3A_162] : memref<16384xi32, #tpu.memory_space<hbm>> -> memref<128xi32, #tpu.memory_space<hbm>>
      tpu.enqueue_dma source(%dma_start3A_303 : memref<128xi32, #tpu.memory_space<hbm>>) target(%dma_start3A_302 : memref<128xi32, #tpu.memory_space<vmem>>) target_semaphore(%run_scoped3A_295 : memref<!tpu.dma_semaphore, #tpu.memory_space<semaphore_mem>>)
      %dma_wait3A_304 = arith.constant 0 : i32
      %dma_wait3A_305 = tpu.memref_slice %arg9[%run_scoped3A_163, %dma_wait3A_304] : memref<2x128xi32, #tpu.memory_space<vmem>> -> memref<1x128xi32, #tpu.memory_space<vmem>>
      %dma_wait3A_306 = tpu.memref_squeeze %dma_wait3A_305 : memref<1x128xi32, #tpu.memory_space<vmem>> -> memref<128xi32, #tpu.memory_space<vmem>>
      %dma_wait3A_307 = tpu.memref_slice %arg3[%add3A_162] : memref<16384xi32, #tpu.memory_space<hbm>> -> memref<128xi32, #tpu.memory_space<hbm>>
      %dma_wait3A_308 = arith.constant 0 : i32
      %dma_wait3A_309 = tpu.memref_slice %arg9[%run_scoped3A_163, %dma_wait3A_308] : memref<2x128xi32, #tpu.memory_space<vmem>> -> memref<1x128xi32, #tpu.memory_space<vmem>>
      %dma_wait3A_310 = tpu.memref_squeeze %dma_wait3A_309 : memref<1x128xi32, #tpu.memory_space<vmem>> -> memref<128xi32, #tpu.memory_space<vmem>>
      %dma_wait3A_311 = tpu.memref_slice %arg3[%add3A_162] : memref<16384xi32, #tpu.memory_space<hbm>> -> memref<128xi32, #tpu.memory_space<hbm>>
      tpu.wait_dma2 semaphore(%run_scoped3A_295 : memref<!tpu.dma_semaphore, #tpu.memory_space<semaphore_mem>>) src(%dma_wait3A_311 : memref<128xi32, #tpu.memory_space<hbm>>) dst(%dma_wait3A_310 : memref<128xi32, #tpu.memory_space<vmem>>)
      tpu.yield
    }) : () -> ()
    %add3A_164 = arith.constant 128 : i32
    %add3A_165 = arith.addi %add3A_148, %add3A_164 : i32
    %run_scoped3A_166 = arith.constant 1 : i32
    "tpu.region"() ({
      %run_scoped3A_295 = tpu.sem_alloc : memref<!tpu.dma_semaphore, #tpu.memory_space<semaphore_mem>>
      %dma_start3A_296 = arith.constant 0 : i32
      %dma_start3A_297 = tpu.memref_slice %arg10[%run_scoped3A_166, %dma_start3A_296] : memref<2x128xi32, #tpu.memory_space<vmem>> -> memref<1x128xi32, #tpu.memory_space<vmem>>
      %dma_start3A_298 = tpu.memref_squeeze %dma_start3A_297 : memref<1x128xi32, #tpu.memory_space<vmem>> -> memref<128xi32, #tpu.memory_space<vmem>>
      %dma_start3A_299 = tpu.memref_slice %arg4[%add3A_165] : memref<16384xi32, #tpu.memory_space<hbm>> -> memref<128xi32, #tpu.memory_space<hbm>>
      %dma_start3A_300 = arith.constant 0 : i32
      %dma_start3A_301 = tpu.memref_slice %arg10[%run_scoped3A_166, %dma_start3A_300] : memref<2x128xi32, #tpu.memory_space<vmem>> -> memref<1x128xi32, #tpu.memory_space<vmem>>
      %dma_start3A_302 = tpu.memref_squeeze %dma_start3A_301 : memref<1x128xi32, #tpu.memory_space<vmem>> -> memref<128xi32, #tpu.memory_space<vmem>>
      %dma_start3A_303 = tpu.memref_slice %arg4[%add3A_165] : memref<16384xi32, #tpu.memory_space<hbm>> -> memref<128xi32, #tpu.memory_space<hbm>>
      tpu.enqueue_dma source(%dma_start3A_303 : memref<128xi32, #tpu.memory_space<hbm>>) target(%dma_start3A_302 : memref<128xi32, #tpu.memory_space<vmem>>) target_semaphore(%run_scoped3A_295 : memref<!tpu.dma_semaphore, #tpu.memory_space<semaphore_mem>>)
      %dma_wait3A_304 = arith.constant 0 : i32
      %dma_wait3A_305 = tpu.memref_slice %arg10[%run_scoped3A_166, %dma_wait3A_304] : memref<2x128xi32, #tpu.memory_space<vmem>> -> memref<1x128xi32, #tpu.memory_space<vmem>>
      %dma_wait3A_306 = tpu.memref_squeeze %dma_wait3A_305 : memref<1x128xi32, #tpu.memory_space<vmem>> -> memref<128xi32, #tpu.memory_space<vmem>>
      %dma_wait3A_307 = tpu.memref_slice %arg4[%add3A_165] : memref<16384xi32, #tpu.memory_space<hbm>> -> memref<128xi32, #tpu.memory_space<hbm>>
      %dma_wait3A_308 = arith.constant 0 : i32
      %dma_wait3A_309 = tpu.memref_slice %arg10[%run_scoped3A_166, %dma_wait3A_308] : memref<2x128xi32, #tpu.memory_space<vmem>> -> memref<1x128xi32, #tpu.memory_space<vmem>>
      %dma_wait3A_310 = tpu.memref_squeeze %dma_wait3A_309 : memref<1x128xi32, #tpu.memory_space<vmem>> -> memref<128xi32, #tpu.memory_space<vmem>>
      %dma_wait3A_311 = tpu.memref_slice %arg4[%add3A_165] : memref<16384xi32, #tpu.memory_space<hbm>> -> memref<128xi32, #tpu.memory_space<hbm>>
      tpu.wait_dma2 semaphore(%run_scoped3A_295 : memref<!tpu.dma_semaphore, #tpu.memory_space<semaphore_mem>>) src(%dma_wait3A_311 : memref<128xi32, #tpu.memory_space<hbm>>) dst(%dma_wait3A_310 : memref<128xi32, #tpu.memory_space<vmem>>)
      tpu.yield
    }) : () -> ()
    %dma_start3A_167 = arith.constant 0 : i32
    %dma_start3A_168 = arith.constant 0 : i32
    %dma_start3A_169 = arith.constant 0 : i32
    %dma_start3A_170 = tpu.memref_slice %arg11[%dma_start3A_168, %dma_start3A_169] : memref<256x128xf32, #tpu.memory_space<vmem>> -> memref<128x128xf32, #tpu.memory_space<vmem>>
    %dma_start3A_171 = arith.constant 0 : i32
    %dma_start3A_172 = tpu.memref_slice %arg8[%dma_start3A_167, %dma_start3A_171] : memref<2x128xi32, #tpu.memory_space<vmem>> -> memref<1x128xi32, #tpu.memory_space<vmem>>
    %dma_start3A_173 = tpu.memref_squeeze %dma_start3A_172 : memref<1x128xi32, #tpu.memory_space<vmem>> -> memref<128xi32, #tpu.memory_space<vmem>>
    %dma_start3A_174 = arith.constant 0 : i32
    %dma_start3A_175 = arith.constant 0 : i32
    %dma_start3A_176 = tpu.memref_slice %arg5[%dma_start3A_174, %dma_start3A_175] : memref<1000000x128xf32, #tpu.memory_space<hbm>> -> memref<1000000x128xf32, #tpu.memory_space<hbm>>
    tpu.enqueue_indirect_dma source(%dma_start3A_176 : memref<1000000x128xf32, #tpu.memory_space<hbm>>) target(%dma_start3A_170 : memref<128x128xf32, #tpu.memory_space<vmem>>) offsets(%dma_start3A_173 : memref<128xi32, #tpu.memory_space<vmem>>) semaphore(%arg15 : memref<!tpu.dma_semaphore, #tpu.memory_space<semaphore_mem>>)
    %dma_start3A_177 = arith.constant 0 : i32
    %dma_start3A_178 = arith.constant 0 : i32
    %dma_start3A_179 = arith.constant 0 : i32
    %dma_start3A_180 = tpu.memref_slice %arg12[%dma_start3A_178, %dma_start3A_179] : memref<256x128xf32, #tpu.memory_space<vmem>> -> memref<128x128xf32, #tpu.memory_space<vmem>>
    %dma_start3A_181 = arith.constant 0 : i32
    %dma_start3A_182 = tpu.memref_slice %arg9[%dma_start3A_177, %dma_start3A_181] : memref<2x128xi32, #tpu.memory_space<vmem>> -> memref<1x128xi32, #tpu.memory_space<vmem>>
    %dma_start3A_183 = tpu.memref_squeeze %dma_start3A_182 : memref<1x128xi32, #tpu.memory_space<vmem>> -> memref<128xi32, #tpu.memory_space<vmem>>
    %dma_start3A_184 = arith.constant 0 : i32
    %dma_start3A_185 = arith.constant 0 : i32
    %dma_start3A_186 = tpu.memref_slice %arg6[%dma_start3A_184, %dma_start3A_185] : memref<1000x128xf32, #tpu.memory_space<hbm>> -> memref<1000x128xf32, #tpu.memory_space<hbm>>
    tpu.enqueue_indirect_dma source(%dma_start3A_186 : memref<1000x128xf32, #tpu.memory_space<hbm>>) target(%dma_start3A_180 : memref<128x128xf32, #tpu.memory_space<vmem>>) offsets(%dma_start3A_183 : memref<128xi32, #tpu.memory_space<vmem>>) semaphore(%arg15 : memref<!tpu.dma_semaphore, #tpu.memory_space<semaphore_mem>>)
    %dma_start3A_187 = arith.constant 0 : i32
    %dma_start3A_188 = arith.constant 0 : i32
    %dma_start3A_189 = arith.constant 0 : i32
    %dma_start3A_190 = tpu.memref_slice %arg13[%dma_start3A_188, %dma_start3A_189] : memref<256x128xf32, #tpu.memory_space<vmem>> -> memref<128x128xf32, #tpu.memory_space<vmem>>
    %dma_start3A_191 = arith.constant 0 : i32
    %dma_start3A_192 = tpu.memref_slice %arg10[%dma_start3A_187, %dma_start3A_191] : memref<2x128xi32, #tpu.memory_space<vmem>> -> memref<1x128xi32, #tpu.memory_space<vmem>>
    %dma_start3A_193 = tpu.memref_squeeze %dma_start3A_192 : memref<1x128xi32, #tpu.memory_space<vmem>> -> memref<128xi32, #tpu.memory_space<vmem>>
    %dma_start3A_194 = arith.constant 0 : i32
    %dma_start3A_195 = arith.constant 0 : i32
    %dma_start3A_196 = tpu.memref_slice %arg5[%dma_start3A_194, %dma_start3A_195] : memref<1000000x128xf32, #tpu.memory_space<hbm>> -> memref<1000000x128xf32, #tpu.memory_space<hbm>>
    tpu.enqueue_indirect_dma source(%dma_start3A_196 : memref<1000000x128xf32, #tpu.memory_space<hbm>>) target(%dma_start3A_190 : memref<128x128xf32, #tpu.memory_space<vmem>>) offsets(%dma_start3A_193 : memref<128xi32, #tpu.memory_space<vmem>>) semaphore(%arg15 : memref<!tpu.dma_semaphore, #tpu.memory_space<semaphore_mem>>)
    %dma_start3A_197 = arith.constant 1 : i32
    %dma_start3A_198 = arith.constant 128 : i32
    %dma_start3A_199 = arith.constant 0 : i32
    %dma_start3A_200 = tpu.memref_slice %arg11[%dma_start3A_198, %dma_start3A_199] : memref<256x128xf32, #tpu.memory_space<vmem>> -> memref<128x128xf32, #tpu.memory_space<vmem>>
    %dma_start3A_201 = arith.constant 0 : i32
    %dma_start3A_202 = tpu.memref_slice %arg8[%dma_start3A_197, %dma_start3A_201] : memref<2x128xi32, #tpu.memory_space<vmem>> -> memref<1x128xi32, #tpu.memory_space<vmem>>
    %dma_start3A_203 = tpu.memref_squeeze %dma_start3A_202 : memref<1x128xi32, #tpu.memory_space<vmem>> -> memref<128xi32, #tpu.memory_space<vmem>>
    %dma_start3A_204 = arith.constant 0 : i32
    %dma_start3A_205 = arith.constant 0 : i32
    %dma_start3A_206 = tpu.memref_slice %arg5[%dma_start3A_204, %dma_start3A_205] : memref<1000000x128xf32, #tpu.memory_space<hbm>> -> memref<1000000x128xf32, #tpu.memory_space<hbm>>
    tpu.enqueue_indirect_dma source(%dma_start3A_206 : memref<1000000x128xf32, #tpu.memory_space<hbm>>) target(%dma_start3A_200 : memref<128x128xf32, #tpu.memory_space<vmem>>) offsets(%dma_start3A_203 : memref<128xi32, #tpu.memory_space<vmem>>) semaphore(%arg15 : memref<!tpu.dma_semaphore, #tpu.memory_space<semaphore_mem>>)
    %dma_start3A_207 = arith.constant 1 : i32
    %dma_start3A_208 = arith.constant 128 : i32
    %dma_start3A_209 = arith.constant 0 : i32
    %dma_start3A_210 = tpu.memref_slice %arg12[%dma_start3A_208, %dma_start3A_209] : memref<256x128xf32, #tpu.memory_space<vmem>> -> memref<128x128xf32, #tpu.memory_space<vmem>>
    %dma_start3A_211 = arith.constant 0 : i32
    %dma_start3A_212 = tpu.memref_slice %arg9[%dma_start3A_207, %dma_start3A_211] : memref<2x128xi32, #tpu.memory_space<vmem>> -> memref<1x128xi32, #tpu.memory_space<vmem>>
    %dma_start3A_213 = tpu.memref_squeeze %dma_start3A_212 : memref<1x128xi32, #tpu.memory_space<vmem>> -> memref<128xi32, #tpu.memory_space<vmem>>
    %dma_start3A_214 = arith.constant 0 : i32
    %dma_start3A_215 = arith.constant 0 : i32
    %dma_start3A_216 = tpu.memref_slice %arg6[%dma_start3A_214, %dma_start3A_215] : memref<1000x128xf32, #tpu.memory_space<hbm>> -> memref<1000x128xf32, #tpu.memory_space<hbm>>
    tpu.enqueue_indirect_dma source(%dma_start3A_216 : memref<1000x128xf32, #tpu.memory_space<hbm>>) target(%dma_start3A_210 : memref<128x128xf32, #tpu.memory_space<vmem>>) offsets(%dma_start3A_213 : memref<128xi32, #tpu.memory_space<vmem>>) semaphore(%arg15 : memref<!tpu.dma_semaphore, #tpu.memory_space<semaphore_mem>>)
    %dma_start3A_217 = arith.constant 1 : i32
    %dma_start3A_218 = arith.constant 128 : i32
    %dma_start3A_219 = arith.constant 0 : i32
    %dma_start3A_220 = tpu.memref_slice %arg13[%dma_start3A_218, %dma_start3A_219] : memref<256x128xf32, #tpu.memory_space<vmem>> -> memref<128x128xf32, #tpu.memory_space<vmem>>
    %dma_start3A_221 = arith.constant 0 : i32
    %dma_start3A_222 = tpu.memref_slice %arg10[%dma_start3A_217, %dma_start3A_221] : memref<2x128xi32, #tpu.memory_space<vmem>> -> memref<1x128xi32, #tpu.memory_space<vmem>>
    %dma_start3A_223 = tpu.memref_squeeze %dma_start3A_222 : memref<1x128xi32, #tpu.memory_space<vmem>> -> memref<128xi32, #tpu.memory_space<vmem>>
    %dma_start3A_224 = arith.constant 0 : i32
    %dma_start3A_225 = arith.constant 0 : i32
    %dma_start3A_226 = tpu.memref_slice %arg5[%dma_start3A_224, %dma_start3A_225] : memref<1000000x128xf32, #tpu.memory_space<hbm>> -> memref<1000000x128xf32, #tpu.memory_space<hbm>>
    tpu.enqueue_indirect_dma source(%dma_start3A_226 : memref<1000000x128xf32, #tpu.memory_space<hbm>>) target(%dma_start3A_220 : memref<128x128xf32, #tpu.memory_space<vmem>>) offsets(%dma_start3A_223 : memref<128xi32, #tpu.memory_space<vmem>>) semaphore(%arg15 : memref<!tpu.dma_semaphore, #tpu.memory_space<semaphore_mem>>)
    %dma_wait3A_227 = arith.constant 0 : i32
    %dma_wait3A_228 = arith.constant 0 : i32
    %dma_wait3A_229 = arith.constant 0 : i32
    %dma_wait3A_230 = tpu.memref_slice %arg11[%dma_wait3A_228, %dma_wait3A_229] : memref<256x128xf32, #tpu.memory_space<vmem>> -> memref<128x128xf32, #tpu.memory_space<vmem>>
    %dma_wait3A_231 = arith.constant 0 : i32
    %dma_wait3A_232 = tpu.memref_slice %arg8[%dma_wait3A_227, %dma_wait3A_231] : memref<2x128xi32, #tpu.memory_space<vmem>> -> memref<1x128xi32, #tpu.memory_space<vmem>>
    %dma_wait3A_233 = tpu.memref_squeeze %dma_wait3A_232 : memref<1x128xi32, #tpu.memory_space<vmem>> -> memref<128xi32, #tpu.memory_space<vmem>>
    %dma_wait3A_234 = arith.constant 0 : i32
    %dma_wait3A_235 = arith.constant 0 : i32
    %dma_wait3A_236 = tpu.memref_slice %arg5[%dma_wait3A_234, %dma_wait3A_235] : memref<1000000x128xf32, #tpu.memory_space<hbm>> -> memref<1000000x128xf32, #tpu.memory_space<hbm>>
    tpu.wait_indirect_dma semaphore(%arg15 : memref<!tpu.dma_semaphore, #tpu.memory_space<semaphore_mem>>) src(%dma_wait3A_236 : memref<1000000x128xf32, #tpu.memory_space<hbm>>) dst(%dma_wait3A_230 : memref<128x128xf32, #tpu.memory_space<vmem>>)
    %dma_wait3A_237 = arith.constant 0 : i32
    %dma_wait3A_238 = arith.constant 0 : i32
    %dma_wait3A_239 = arith.constant 0 : i32
    %dma_wait3A_240 = tpu.memref_slice %arg12[%dma_wait3A_238, %dma_wait3A_239] : memref<256x128xf32, #tpu.memory_space<vmem>> -> memref<128x128xf32, #tpu.memory_space<vmem>>
    %dma_wait3A_241 = arith.constant 0 : i32
    %dma_wait3A_242 = tpu.memref_slice %arg9[%dma_wait3A_237, %dma_wait3A_241] : memref<2x128xi32, #tpu.memory_space<vmem>> -> memref<1x128xi32, #tpu.memory_space<vmem>>
    %dma_wait3A_243 = tpu.memref_squeeze %dma_wait3A_242 : memref<1x128xi32, #tpu.memory_space<vmem>> -> memref<128xi32, #tpu.memory_space<vmem>>
    %dma_wait3A_244 = arith.constant 0 : i32
    %dma_wait3A_245 = arith.constant 0 : i32
    %dma_wait3A_246 = tpu.memref_slice %arg6[%dma_wait3A_244, %dma_wait3A_245] : memref<1000x128xf32, #tpu.memory_space<hbm>> -> memref<1000x128xf32, #tpu.memory_space<hbm>>
    tpu.wait_indirect_dma semaphore(%arg15 : memref<!tpu.dma_semaphore, #tpu.memory_space<semaphore_mem>>) src(%dma_wait3A_246 : memref<1000x128xf32, #tpu.memory_space<hbm>>) dst(%dma_wait3A_240 : memref<128x128xf32, #tpu.memory_space<vmem>>)
    %dma_wait3A_247 = arith.constant 0 : i32
    %dma_wait3A_248 = arith.constant 0 : i32
    %dma_wait3A_249 = arith.constant 0 : i32
    %dma_wait3A_250 = tpu.memref_slice %arg13[%dma_wait3A_248, %dma_wait3A_249] : memref<256x128xf32, #tpu.memory_space<vmem>> -> memref<128x128xf32, #tpu.memory_space<vmem>>
    %dma_wait3A_251 = arith.constant 0 : i32
    %dma_wait3A_252 = tpu.memref_slice %arg10[%dma_wait3A_247, %dma_wait3A_251] : memref<2x128xi32, #tpu.memory_space<vmem>> -> memref<1x128xi32, #tpu.memory_space<vmem>>
    %dma_wait3A_253 = tpu.memref_squeeze %dma_wait3A_252 : memref<1x128xi32, #tpu.memory_space<vmem>> -> memref<128xi32, #tpu.memory_space<vmem>>
    %dma_wait3A_254 = arith.constant 0 : i32
    %dma_wait3A_255 = arith.constant 0 : i32
    %dma_wait3A_256 = tpu.memref_slice %arg5[%dma_wait3A_254, %dma_wait3A_255] : memref<1000000x128xf32, #tpu.memory_space<hbm>> -> memref<1000000x128xf32, #tpu.memory_space<hbm>>
    tpu.wait_indirect_dma semaphore(%arg15 : memref<!tpu.dma_semaphore, #tpu.memory_space<semaphore_mem>>) src(%dma_wait3A_256 : memref<1000000x128xf32, #tpu.memory_space<hbm>>) dst(%dma_wait3A_250 : memref<128x128xf32, #tpu.memory_space<vmem>>)
    %dma_wait3A_257 = arith.constant 1 : i32
    %dma_wait3A_258 = arith.constant 128 : i32
    %dma_wait3A_259 = arith.constant 0 : i32
    %dma_wait3A_260 = tpu.memref_slice %arg11[%dma_wait3A_258, %dma_wait3A_259] : memref<256x128xf32, #tpu.memory_space<vmem>> -> memref<128x128xf32, #tpu.memory_space<vmem>>
    %dma_wait3A_261 = arith.constant 0 : i32
    %dma_wait3A_262 = tpu.memref_slice %arg8[%dma_wait3A_257, %dma_wait3A_261] : memref<2x128xi32, #tpu.memory_space<vmem>> -> memref<1x128xi32, #tpu.memory_space<vmem>>
    %dma_wait3A_263 = tpu.memref_squeeze %dma_wait3A_262 : memref<1x128xi32, #tpu.memory_space<vmem>> -> memref<128xi32, #tpu.memory_space<vmem>>
    %dma_wait3A_264 = arith.constant 0 : i32
    %dma_wait3A_265 = arith.constant 0 : i32
    %dma_wait3A_266 = tpu.memref_slice %arg5[%dma_wait3A_264, %dma_wait3A_265] : memref<1000000x128xf32, #tpu.memory_space<hbm>> -> memref<1000000x128xf32, #tpu.memory_space<hbm>>
    tpu.wait_indirect_dma semaphore(%arg15 : memref<!tpu.dma_semaphore, #tpu.memory_space<semaphore_mem>>) src(%dma_wait3A_266 : memref<1000000x128xf32, #tpu.memory_space<hbm>>) dst(%dma_wait3A_260 : memref<128x128xf32, #tpu.memory_space<vmem>>)
    %dma_wait3A_267 = arith.constant 1 : i32
    %dma_wait3A_268 = arith.constant 128 : i32
    %dma_wait3A_269 = arith.constant 0 : i32
    %dma_wait3A_270 = tpu.memref_slice %arg12[%dma_wait3A_268, %dma_wait3A_269] : memref<256x128xf32, #tpu.memory_space<vmem>> -> memref<128x128xf32, #tpu.memory_space<vmem>>
    %dma_wait3A_271 = arith.constant 0 : i32
    %dma_wait3A_272 = tpu.memref_slice %arg9[%dma_wait3A_267, %dma_wait3A_271] : memref<2x128xi32, #tpu.memory_space<vmem>> -> memref<1x128xi32, #tpu.memory_space<vmem>>
    %dma_wait3A_273 = tpu.memref_squeeze %dma_wait3A_272 : memref<1x128xi32, #tpu.memory_space<vmem>> -> memref<128xi32, #tpu.memory_space<vmem>>
    %dma_wait3A_274 = arith.constant 0 : i32
    %dma_wait3A_275 = arith.constant 0 : i32
    %dma_wait3A_276 = tpu.memref_slice %arg6[%dma_wait3A_274, %dma_wait3A_275] : memref<1000x128xf32, #tpu.memory_space<hbm>> -> memref<1000x128xf32, #tpu.memory_space<hbm>>
    tpu.wait_indirect_dma semaphore(%arg15 : memref<!tpu.dma_semaphore, #tpu.memory_space<semaphore_mem>>) src(%dma_wait3A_276 : memref<1000x128xf32, #tpu.memory_space<hbm>>) dst(%dma_wait3A_270 : memref<128x128xf32, #tpu.memory_space<vmem>>)
    %dma_wait3A_277 = arith.constant 1 : i32
    %dma_wait3A_278 = arith.constant 128 : i32
    %dma_wait3A_279 = arith.constant 0 : i32
    %dma_wait3A_280 = tpu.memref_slice %arg13[%dma_wait3A_278, %dma_wait3A_279] : memref<256x128xf32, #tpu.memory_space<vmem>> -> memref<128x128xf32, #tpu.memory_space<vmem>>
    %dma_wait3A_281 = arith.constant 0 : i32
    %dma_wait3A_282 = tpu.memref_slice %arg10[%dma_wait3A_277, %dma_wait3A_281] : memref<2x128xi32, #tpu.memory_space<vmem>> -> memref<1x128xi32, #tpu.memory_space<vmem>>
    %dma_wait3A_283 = tpu.memref_squeeze %dma_wait3A_282 : memref<1x128xi32, #tpu.memory_space<vmem>> -> memref<128xi32, #tpu.memory_space<vmem>>
    %dma_wait3A_284 = arith.constant 0 : i32
    %dma_wait3A_285 = arith.constant 0 : i32
    %dma_wait3A_286 = tpu.memref_slice %arg5[%dma_wait3A_284, %dma_wait3A_285] : memref<1000000x128xf32, #tpu.memory_space<hbm>> -> memref<1000000x128xf32, #tpu.memory_space<hbm>>
    tpu.wait_indirect_dma semaphore(%arg15 : memref<!tpu.dma_semaphore, #tpu.memory_space<semaphore_mem>>) src(%dma_wait3A_286 : memref<1000000x128xf32, #tpu.memory_space<hbm>>) dst(%dma_wait3A_280 : memref<128x128xf32, #tpu.memory_space<vmem>>)
    %scan3A_287 = arith.constant 0 : i32
    %scan3A_288 = arith.constant 0 : i32
    %scan3A_289 = arith.constant 16 : i32
    %scan3A_290 = arith.addi %scan3A_288, %scan3A_289 : i32
    %scan3A_291 = arith.constant 1 : i32
    scf.for %scan3A_295 = %scan3A_288 to %scan3A_290 step %scan3A_291  : i32 {
      %broadcast_in_dim3A = arith.constant 0.000000e+00 : f32
      %broadcast_in_dim3A_296 = vector.broadcast %broadcast_in_dim3A : f32 to vector<16xf32>
      %mul3A_297 = arith.constant 16 : i32
      %mul3A_298 = arith.muli %scan3A_295, %mul3A_297 : i32
      %add3A_299 = arith.constant 0 : i32
      %add3A_300 = arith.addi %mul3A_298, %add3A_299 : i32
      %broadcast_in_dim3A_301 = arith.constant 0.000000e+00 : f32
      %broadcast_in_dim3A_302 = vector.broadcast %broadcast_in_dim3A_301 : f32 to vector<16xf32>
      %get3A = arith.index_cast %add3A_300 : i32 to index
      %get3A_303 = arith.constant 0 : index
      %get3A_304 = tpu.vector_load %arg11[%get3A, %get3A_303] {strides = array<i32>} : memref<256x128xf32, #tpu.memory_space<vmem>>, vector<16xf32>,
      %get3A_305 = arith.index_cast %add3A_300 : i32 to index
      %get3A_306 = arith.constant 0 : index
      %get3A_307 = tpu.vector_load %arg12[%get3A_305, %get3A_306] {strides = array<i32>} : memref<256x128xf32, #tpu.memory_space<vmem>>, vector<16xf32>,
      %get3A_308 = arith.index_cast %add3A_300 : i32 to index
      %get3A_309 = arith.constant 0 : index
      %get3A_310 = tpu.vector_load %arg13[%get3A_308, %get3A_309] {strides = array<i32>} : memref<256x128xf32, #tpu.memory_space<vmem>>, vector<16xf32>,
      %add3A_311 = arith.addf %get3A_304, %get3A_307 : vector<16xf32>
      %sub3A = arith.subf %add3A_311, %get3A_310 : vector<16xf32>
      %abs3A = math.absf %sub3A : vector<16xf32>
      %add3A_312 = arith.addf %broadcast_in_dim3A_302, %abs3A : vector<16xf32>
      %get3A_313 = arith.index_cast %add3A_300 : i32 to index
      %get3A_314 = arith.constant 16 : index
      %get3A_315 = tpu.vector_load %arg11[%get3A_313, %get3A_314] {strides = array<i32>} : memref<256x128xf32, #tpu.memory_space<vmem>>, vector<16xf32>,
      %get3A_316 = arith.index_cast %add3A_300 : i32 to index
      %get3A_317 = arith.constant 16 : index
      %get3A_318 = tpu.vector_load %arg12[%get3A_316, %get3A_317] {strides = array<i32>} : memref<256x128xf32, #tpu.memory_space<vmem>>, vector<16xf32>,
      %get3A_319 = arith.index_cast %add3A_300 : i32 to index
      %get3A_320 = arith.constant 16 : index
      %get3A_321 = tpu.vector_load %arg13[%get3A_319, %get3A_320] {strides = array<i32>} : memref<256x128xf32, #tpu.memory_space<vmem>>, vector<16xf32>,
      %add3A_322 = arith.addf %get3A_315, %get3A_318 : vector<16xf32>
      %sub3A_323 = arith.subf %add3A_322, %get3A_321 : vector<16xf32>
      %abs3A_324 = math.absf %sub3A_323 : vector<16xf32>
      %add3A_325 = arith.addf %add3A_312, %abs3A_324 : vector<16xf32>
      %get3A_326 = arith.index_cast %add3A_300 : i32 to index
      %get3A_327 = arith.constant 32 : index
      %get3A_328 = tpu.vector_load %arg11[%get3A_326, %get3A_327] {strides = array<i32>} : memref<256x128xf32, #tpu.memory_space<vmem>>, vector<16xf32>,
      %get3A_329 = arith.index_cast %add3A_300 : i32 to index
      %get3A_330 = arith.constant 32 : index
      %get3A_331 = tpu.vector_load %arg12[%get3A_329, %get3A_330] {strides = array<i32>} : memref<256x128xf32, #tpu.memory_space<vmem>>, vector<16xf32>,
      %get3A_332 = arith.index_cast %add3A_300 : i32 to index
      %get3A_333 = arith.constant 32 : index
      %get3A_334 = tpu.vector_load %arg13[%get3A_332, %get3A_333] {strides = array<i32>} : memref<256x128xf32, #tpu.memory_space<vmem>>, vector<16xf32>,
      %add3A_335 = arith.addf %get3A_328, %get3A_331 : vector<16xf32>
      %sub3A_336 = arith.subf %add3A_335, %get3A_334 : vector<16xf32>
      %abs3A_337 = math.absf %sub3A_336 : vector<16xf32>
      %add3A_338 = arith.addf %add3A_325, %abs3A_337 : vector<16xf32>
      %get3A_339 = arith.index_cast %add3A_300 : i32 to index
      %get3A_340 = arith.constant 48 : index
      %get3A_341 = tpu.vector_load %arg11[%get3A_339, %get3A_340] {strides = array<i32>} : memref<256x128xf32, #tpu.memory_space<vmem>>, vector<16xf32>,
      %get3A_342 = arith.index_cast %add3A_300 : i32 to index
      %get3A_343 = arith.constant 48 : index
      %get3A_344 = tpu.vector_load %arg12[%get3A_342, %get3A_343] {strides = array<i32>} : memref<256x128xf32, #tpu.memory_space<vmem>>, vector<16xf32>,
      %get3A_345 = arith.index_cast %add3A_300 : i32 to index
      %get3A_346 = arith.constant 48 : index
      %get3A_347 = tpu.vector_load %arg13[%get3A_345, %get3A_346] {strides = array<i32>} : memref<256x128xf32, #tpu.memory_space<vmem>>, vector<16xf32>,
      %add3A_348 = arith.addf %get3A_341, %get3A_344 : vector<16xf32>
      %sub3A_349 = arith.subf %add3A_348, %get3A_347 : vector<16xf32>
      %abs3A_350 = math.absf %sub3A_349 : vector<16xf32>
      %add3A_351 = arith.addf %add3A_338, %abs3A_350 : vector<16xf32>
      %reduce_sum3A = arith.constant true
      %reduce_sum3A_352 = vector.broadcast %reduce_sum3A : i1 to vector<16xi1>
      %reduce_sum3A_353 = tpu.scan <sum>, %add3A_351 masked %reduce_sum3A_352 : vector<16xf32>, vector<16xi1> -> vector<16xf32>
      %reduce_sum3A_354 = vector.extract %reduce_sum3A_353[15] : f32 from vector<16xf32>
      %eq3A = arith.constant 0 : i32
      %eq3A_355 = vector.broadcast %eq3A : i32 to vector<16xi32>
      %eq3A_356 = arith.cmpi eq, %iota3A, %eq3A_355 : vector<16xi32>
      %broadcast_in_dim3A_357 = vector.broadcast %reduce_sum3A_354 : f32 to vector<16xf32>
      %select_n3A = arith.select %eq3A_356, %broadcast_in_dim3A_357, %broadcast_in_dim3A_296 : vector<16xi1>, vector<16xf32>
      %mul3A_358 = arith.constant 16 : i32
      %mul3A_359 = arith.muli %scan3A_295, %mul3A_358 : i32
      %add3A_360 = arith.constant 1 : i32
      %add3A_361 = arith.addi %mul3A_359, %add3A_360 : i32
      %broadcast_in_dim3A_362 = arith.constant 0.000000e+00 : f32
      %broadcast_in_dim3A_363 = vector.broadcast %broadcast_in_dim3A_362 : f32 to vector<16xf32>
      %get3A_364 = arith.index_cast %add3A_361 : i32 to index
      %get3A_365 = arith.constant 0 : index
      %get3A_366 = tpu.vector_load %arg11[%get3A_364, %get3A_365] {strides = array<i32>} : memref<256x128xf32, #tpu.memory_space<vmem>>, vector<16xf32>,
      %get3A_367 = arith.index_cast %add3A_361 : i32 to index
      %get3A_368 = arith.constant 0 : index
      %get3A_369 = tpu.vector_load %arg12[%get3A_367, %get3A_368] {strides = array<i32>} : memref<256x128xf32, #tpu.memory_space<vmem>>, vector<16xf32>,
      %get3A_370 = arith.index_cast %add3A_361 : i32 to index
      %get3A_371 = arith.constant 0 : index
      %get3A_372 = tpu.vector_load %arg13[%get3A_370, %get3A_371] {strides = array<i32>} : memref<256x128xf32, #tpu.memory_space<vmem>>, vector<16xf32>,
      %add3A_373 = arith.addf %get3A_366, %get3A_369 : vector<16xf32>
      %sub3A_374 = arith.subf %add3A_373, %get3A_372 : vector<16xf32>
      %abs3A_375 = math.absf %sub3A_374 : vector<16xf32>
      %add3A_376 = arith.addf %broadcast_in_dim3A_363, %abs3A_375 : vector<16xf32>
      %get3A_377 = arith.index_cast %add3A_361 : i32 to index
      %get3A_378 = arith.constant 16 : index
      %get3A_379 = tpu.vector_load %arg11[%get3A_377, %get3A_378] {strides = array<i32>} : memref<256x128xf32, #tpu.memory_space<vmem>>, vector<16xf32>,
      %get3A_380 = arith.index_cast %add3A_361 : i32 to index
      %get3A_381 = arith.constant 16 : index
      %get3A_382 = tpu.vector_load %arg12[%get3A_380, %get3A_381] {strides = array<i32>} : memref<256x128xf32, #tpu.memory_space<vmem>>, vector<16xf32>,
      %get3A_383 = arith.index_cast %add3A_361 : i32 to index
      %get3A_384 = arith.constant 16 : index
      %get3A_385 = tpu.vector_load %arg13[%get3A_383, %get3A_384] {strides = array<i32>} : memref<256x128xf32, #tpu.memory_space<vmem>>, vector<16xf32>,
      %add3A_386 = arith.addf %get3A_379, %get3A_382 : vector<16xf32>
      %sub3A_387 = arith.subf %add3A_386, %get3A_385 : vector<16xf32>
      %abs3A_388 = math.absf %sub3A_387 : vector<16xf32>
      %add3A_389 = arith.addf %add3A_376, %abs3A_388 : vector<16xf32>
      %get3A_390 = arith.index_cast %add3A_361 : i32 to index
      %get3A_391 = arith.constant 32 : index
      %get3A_392 = tpu.vector_load %arg11[%get3A_390, %get3A_391] {strides = array<i32>} : memref<256x128xf32, #tpu.memory_space<vmem>>, vector<16xf32>,
      %get3A_393 = arith.index_cast %add3A_361 : i32 to index
      %get3A_394 = arith.constant 32 : index
      %get3A_395 = tpu.vector_load %arg12[%get3A_393, %get3A_394] {strides = array<i32>} : memref<256x128xf32, #tpu.memory_space<vmem>>, vector<16xf32>,
      %get3A_396 = arith.index_cast %add3A_361 : i32 to index
      %get3A_397 = arith.constant 32 : index
      %get3A_398 = tpu.vector_load %arg13[%get3A_396, %get3A_397] {strides = array<i32>} : memref<256x128xf32, #tpu.memory_space<vmem>>, vector<16xf32>,
      %add3A_399 = arith.addf %get3A_392, %get3A_395 : vector<16xf32>
      %sub3A_400 = arith.subf %add3A_399, %get3A_398 : vector<16xf32>
      %abs3A_401 = math.absf %sub3A_400 : vector<16xf32>
      %add3A_402 = arith.addf %add3A_389, %abs3A_401 : vector<16xf32>
      %get3A_403 = arith.index_cast %add3A_361 : i32 to index
      %get3A_404 = arith.constant 48 : index
      %get3A_405 = tpu.vector_load %arg11[%get3A_403, %get3A_404] {strides = array<i32>} : memref<256x128xf32, #tpu.memory_space<vmem>>, vector<16xf32>,
      %get3A_406 = arith.index_cast %add3A_361 : i32 to index
      %get3A_407 = arith.constant 48 : index
      %get3A_408 = tpu.vector_load %arg12[%get3A_406, %get3A_407] {strides = array<i32>} : memref<256x128xf32, #tpu.memory_space<vmem>>, vector<16xf32>,
      %get3A_409 = arith.index_cast %add3A_361 : i32 to index
      %get3A_410 = arith.constant 48 : index
      %get3A_411 = tpu.vector_load %arg13[%get3A_409, %get3A_410] {strides = array<i32>} : memref<256x128xf32, #tpu.memory_space<vmem>>, vector<16xf32>,
      %add3A_412 = arith.addf %get3A_405, %get3A_408 : vector<16xf32>
      %sub3A_413 = arith.subf %add3A_412, %get3A_411 : vector<16xf32>
      %abs3A_414 = math.absf %sub3A_413 : vector<16xf32>
      %add3A_415 = arith.addf %add3A_402, %abs3A_414 : vector<16xf32>
      %reduce_sum3A_416 = arith.constant true
      %reduce_sum3A_417 = vector.broadcast %reduce_sum3A_416 : i1 to vector<16xi1>
      %reduce_sum3A_418 = tpu.scan <sum>, %add3A_415 masked %reduce_sum3A_417 : vector<16xf32>, vector<16xi1> -> vector<16xf32>
      %reduce_sum3A_419 = vector.extract %reduce_sum3A_418[15] : f32 from vector<16xf32>
      %eq3A_420 = arith.constant 1 : i32
      %eq3A_421 = vector.broadcast %eq3A_420 : i32 to vector<16xi32>
      %eq3A_422 = arith.cmpi eq, %iota3A, %eq3A_421 : vector<16xi32>
      %broadcast_in_dim3A_423 = vector.broadcast %reduce_sum3A_419 : f32 to vector<16xf32>
      %select_n3A_424 = arith.select %eq3A_422, %broadcast_in_dim3A_423, %select_n3A : vector<16xi1>, vector<16xf32>
      %mul3A_425 = arith.constant 16 : i32
      %mul3A_426 = arith.muli %scan3A_295, %mul3A_425 : i32
      %add3A_427 = arith.constant 2 : i32
      %add3A_428 = arith.addi %mul3A_426, %add3A_427 : i32
      %broadcast_in_dim3A_429 = arith.constant 0.000000e+00 : f32
      %broadcast_in_dim3A_430 = vector.broadcast %broadcast_in_dim3A_429 : f32 to vector<16xf32>
      %get3A_431 = arith.index_cast %add3A_428 : i32 to index
      %get3A_432 = arith.constant 0 : index
      %get3A_433 = tpu.vector_load %arg11[%get3A_431, %get3A_432] {strides = array<i32>} : memref<256x128xf32, #tpu.memory_space<vmem>>, vector<16xf32>,
      %get3A_434 = arith.index_cast %add3A_428 : i32 to index
      %get3A_435 = arith.constant 0 : index
      %get3A_436 = tpu.vector_load %arg12[%get3A_434, %get3A_435] {strides = array<i32>} : memref<256x128xf32, #tpu.memory_space<vmem>>, vector<16xf32>,
      %get3A_437 = arith.index_cast %add3A_428 : i32 to index
      %get3A_438 = arith.constant 0 : index
      %get3A_439 = tpu.vector_load %arg13[%get3A_437, %get3A_438] {strides = array<i32>} : memref<256x128xf32, #tpu.memory_space<vmem>>, vector<16xf32>,
      %add3A_440 = arith.addf %get3A_433, %get3A_436 : vector<16xf32>
      %sub3A_441 = arith.subf %add3A_440, %get3A_439 : vector<16xf32>
      %abs3A_442 = math.absf %sub3A_441 : vector<16xf32>
      %add3A_443 = arith.addf %broadcast_in_dim3A_430, %abs3A_442 : vector<16xf32>
      %get3A_444 = arith.index_cast %add3A_428 : i32 to index
      %get3A_445 = arith.constant 16 : index
      %get3A_446 = tpu.vector_load %arg11[%get3A_444, %get3A_445] {strides = array<i32>} : memref<256x128xf32, #tpu.memory_space<vmem>>, vector<16xf32>,
      %get3A_447 = arith.index_cast %add3A_428 : i32 to index
      %get3A_448 = arith.constant 16 : index
      %get3A_449 = tpu.vector_load %arg12[%get3A_447, %get3A_448] {strides = array<i32>} : memref<256x128xf32, #tpu.memory_space<vmem>>, vector<16xf32>,
      %get3A_450 = arith.index_cast %add3A_428 : i32 to index
      %get3A_451 = arith.constant 16 : index
      %get3A_452 = tpu.vector_load %arg13[%get3A_450, %get3A_451] {strides = array<i32>} : memref<256x128xf32, #tpu.memory_space<vmem>>, vector<16xf32>,
      %add3A_453 = arith.addf %get3A_446, %get3A_449 : vector<16xf32>
      %sub3A_454 = arith.subf %add3A_453, %get3A_452 : vector<16xf32>
      %abs3A_455 = math.absf %sub3A_454 : vector<16xf32>
      %add3A_456 = arith.addf %add3A_443, %abs3A_455 : vector<16xf32>
      %get3A_457 = arith.index_cast %add3A_428 : i32 to index
      %get3A_458 = arith.constant 32 : index
      %get3A_459 = tpu.vector_load %arg11[%get3A_457, %get3A_458] {strides = array<i32>} : memref<256x128xf32, #tpu.memory_space<vmem>>, vector<16xf32>,
      %get3A_460 = arith.index_cast %add3A_428 : i32 to index
      %get3A_461 = arith.constant 32 : index
      %get3A_462 = tpu.vector_load %arg12[%get3A_460, %get3A_461] {strides = array<i32>} : memref<256x128xf32, #tpu.memory_space<vmem>>, vector<16xf32>,
      %get3A_463 = arith.index_cast %add3A_428 : i32 to index
      %get3A_464 = arith.constant 32 : index
      %get3A_465 = tpu.vector_load %arg13[%get3A_463, %get3A_464] {strides = array<i32>} : memref<256x128xf32, #tpu.memory_space<vmem>>, vector<16xf32>,
      %add3A_466 = arith.addf %get3A_459, %get3A_462 : vector<16xf32>
      %sub3A_467 = arith.subf %add3A_466, %get3A_465 : vector<16xf32>
      %abs3A_468 = math.absf %sub3A_467 : vector<16xf32>
      %add3A_469 = arith.addf %add3A_456, %abs3A_468 : vector<16xf32>
      %get3A_470 = arith.index_cast %add3A_428 : i32 to index
      %get3A_471 = arith.constant 48 : index
      %get3A_472 = tpu.vector_load %arg11[%get3A_470, %get3A_471] {strides = array<i32>} : memref<256x128xf32, #tpu.memory_space<vmem>>, vector<16xf32>,
      %get3A_473 = arith.index_cast %add3A_428 : i32 to index
      %get3A_474 = arith.constant 48 : index
      %get3A_475 = tpu.vector_load %arg12[%get3A_473, %get3A_474] {strides = array<i32>} : memref<256x128xf32, #tpu.memory_space<vmem>>, vector<16xf32>,
      %get3A_476 = arith.index_cast %add3A_428 : i32 to index
      %get3A_477 = arith.constant 48 : index
      %get3A_478 = tpu.vector_load %arg13[%get3A_476, %get3A_477] {strides = array<i32>} : memref<256x128xf32, #tpu.memory_space<vmem>>, vector<16xf32>,
      %add3A_479 = arith.addf %get3A_472, %get3A_475 : vector<16xf32>
      %sub3A_480 = arith.subf %add3A_479, %get3A_478 : vector<16xf32>
      %abs3A_481 = math.absf %sub3A_480 : vector<16xf32>
      %add3A_482 = arith.addf %add3A_469, %abs3A_481 : vector<16xf32>
      %reduce_sum3A_483 = arith.constant true
      %reduce_sum3A_484 = vector.broadcast %reduce_sum3A_483 : i1 to vector<16xi1>
      %reduce_sum3A_485 = tpu.scan <sum>, %add3A_482 masked %reduce_sum3A_484 : vector<16xf32>, vector<16xi1> -> vector<16xf32>
      %reduce_sum3A_486 = vector.extract %reduce_sum3A_485[15] : f32 from vector<16xf32>
      %eq3A_487 = arith.constant 2 : i32
      %eq3A_488 = vector.broadcast %eq3A_487 : i32 to vector<16xi32>
      %eq3A_489 = arith.cmpi eq, %iota3A, %eq3A_488 : vector<16xi32>
      %broadcast_in_dim3A_490 = vector.broadcast %reduce_sum3A_486 : f32 to vector<16xf32>
      %select_n3A_491 = arith.select %eq3A_489, %broadcast_in_dim3A_490, %select_n3A_424 : vector<16xi1>, vector<16xf32>
      %mul3A_492 = arith.constant 16 : i32
      %mul3A_493 = arith.muli %scan3A_295, %mul3A_492 : i32
      %add3A_494 = arith.constant 3 : i32
      %add3A_495 = arith.addi %mul3A_493, %add3A_494 : i32
      %broadcast_in_dim3A_496 = arith.constant 0.000000e+00 : f32
      %broadcast_in_dim3A_497 = vector.broadcast %broadcast_in_dim3A_496 : f32 to vector<16xf32>
      %get3A_498 = arith.index_cast %add3A_495 : i32 to index
      %get3A_499 = arith.constant 0 : index
      %get3A_500 = tpu.vector_load %arg11[%get3A_498, %get3A_499] {strides = array<i32>} : memref<256x128xf32, #tpu.memory_space<vmem>>, vector<16xf32>,
      %get3A_501 = arith.index_cast %add3A_495 : i32 to index
      %get3A_502 = arith.constant 0 : index
      %get3A_503 = tpu.vector_load %arg12[%get3A_501, %get3A_502] {strides = array<i32>} : memref<256x128xf32, #tpu.memory_space<vmem>>, vector<16xf32>,
      %get3A_504 = arith.index_cast %add3A_495 : i32 to index
      %get3A_505 = arith.constant 0 : index
      %get3A_506 = tpu.vector_load %arg13[%get3A_504, %get3A_505] {strides = array<i32>} : memref<256x128xf32, #tpu.memory_space<vmem>>, vector<16xf32>,
      %add3A_507 = arith.addf %get3A_500, %get3A_503 : vector<16xf32>
      %sub3A_508 = arith.subf %add3A_507, %get3A_506 : vector<16xf32>
      %abs3A_509 = math.absf %sub3A_508 : vector<16xf32>
      %add3A_510 = arith.addf %broadcast_in_dim3A_497, %abs3A_509 : vector<16xf32>
      %get3A_511 = arith.index_cast %add3A_495 : i32 to index
      %get3A_512 = arith.constant 16 : index
      %get3A_513 = tpu.vector_load %arg11[%get3A_511, %get3A_512] {strides = array<i32>} : memref<256x128xf32, #tpu.memory_space<vmem>>, vector<16xf32>,
      %get3A_514 = arith.index_cast %add3A_495 : i32 to index
      %get3A_515 = arith.constant 16 : index
      %get3A_516 = tpu.vector_load %arg12[%get3A_514, %get3A_515] {strides = array<i32>} : memref<256x128xf32, #tpu.memory_space<vmem>>, vector<16xf32>,
      %get3A_517 = arith.index_cast %add3A_495 : i32 to index
      %get3A_518 = arith.constant 16 : index
      %get3A_519 = tpu.vector_load %arg13[%get3A_517, %get3A_518] {strides = array<i32>} : memref<256x128xf32, #tpu.memory_space<vmem>>, vector<16xf32>,
      %add3A_520 = arith.addf %get3A_513, %get3A_516 : vector<16xf32>
      %sub3A_521 = arith.subf %add3A_520, %get3A_519 : vector<16xf32>
      %abs3A_522 = math.absf %sub3A_521 : vector<16xf32>
      %add3A_523 = arith.addf %add3A_510, %abs3A_522 : vector<16xf32>
      %get3A_524 = arith.index_cast %add3A_495 : i32 to index
      %get3A_525 = arith.constant 32 : index
      %get3A_526 = tpu.vector_load %arg11[%get3A_524, %get3A_525] {strides = array<i32>} : memref<256x128xf32, #tpu.memory_space<vmem>>, vector<16xf32>,
      %get3A_527 = arith.index_cast %add3A_495 : i32 to index
      %get3A_528 = arith.constant 32 : index
      %get3A_529 = tpu.vector_load %arg12[%get3A_527, %get3A_528] {strides = array<i32>} : memref<256x128xf32, #tpu.memory_space<vmem>>, vector<16xf32>,
      %get3A_530 = arith.index_cast %add3A_495 : i32 to index
      %get3A_531 = arith.constant 32 : index
      %get3A_532 = tpu.vector_load %arg13[%get3A_530, %get3A_531] {strides = array<i32>} : memref<256x128xf32, #tpu.memory_space<vmem>>, vector<16xf32>,
      %add3A_533 = arith.addf %get3A_526, %get3A_529 : vector<16xf32>
      %sub3A_534 = arith.subf %add3A_533, %get3A_532 : vector<16xf32>
      %abs3A_535 = math.absf %sub3A_534 : vector<16xf32>
      %add3A_536 = arith.addf %add3A_523, %abs3A_535 : vector<16xf32>
      %get3A_537 = arith.index_cast %add3A_495 : i32 to index
      %get3A_538 = arith.constant 48 : index
      %get3A_539 = tpu.vector_load %arg11[%get3A_537, %get3A_538] {strides = array<i32>} : memref<256x128xf32, #tpu.memory_space<vmem>>, vector<16xf32>,
      %get3A_540 = arith.index_cast %add3A_495 : i32 to index
      %get3A_541 = arith.constant 48 : index
      %get3A_542 = tpu.vector_load %arg12[%get3A_540, %get3A_541] {strides = array<i32>} : memref<256x128xf32, #tpu.memory_space<vmem>>, vector<16xf32>,
      %get3A_543 = arith.index_cast %add3A_495 : i32 to index
      %get3A_544 = arith.constant 48 : index
      %get3A_545 = tpu.vector_load %arg13[%get3A_543, %get3A_544] {strides = array<i32>} : memref<256x128xf32, #tpu.memory_space<vmem>>, vector<16xf32>,
      %add3A_546 = arith.addf %get3A_539, %get3A_542 : vector<16xf32>
      %sub3A_547 = arith.subf %add3A_546, %get3A_545 : vector<16xf32>
      %abs3A_548 = math.absf %sub3A_547 : vector<16xf32>
      %add3A_549 = arith.addf %add3A_536, %abs3A_548 : vector<16xf32>
      %reduce_sum3A_550 = arith.constant true
      %reduce_sum3A_551 = vector.broadcast %reduce_sum3A_550 : i1 to vector<16xi1>
      %reduce_sum3A_552 = tpu.scan <sum>, %add3A_549 masked %reduce_sum3A_551 : vector<16xf32>, vector<16xi1> -> vector<16xf32>
      %reduce_sum3A_553 = vector.extract %reduce_sum3A_552[15] : f32 from vector<16xf32>
      %eq3A_554 = arith.constant 3 : i32
      %eq3A_555 = vector.broadcast %eq3A_554 : i32 to vector<16xi32>
      %eq3A_556 = arith.cmpi eq, %iota3A, %eq3A_555 : vector<16xi32>
      %broadcast_in_dim3A_557 = vector.broadcast %reduce_sum3A_553 : f32 to vector<16xf32>
      %select_n3A_558 = arith.select %eq3A_556, %broadcast_in_dim3A_557, %select_n3A_491 : vector<16xi1>, vector<16xf32>
      %mul3A_559 = arith.constant 16 : i32
      %mul3A_560 = arith.muli %scan3A_295, %mul3A_559 : i32
      %add3A_561 = arith.constant 4 : i32
      %add3A_562 = arith.addi %mul3A_560, %add3A_561 : i32
      %broadcast_in_dim3A_563 = arith.constant 0.000000e+00 : f32
      %broadcast_in_dim3A_564 = vector.broadcast %broadcast_in_dim3A_563 : f32 to vector<16xf32>
      %get3A_565 = arith.index_cast %add3A_562 : i32 to index
      %get3A_566 = arith.constant 0 : index
      %get3A_567 = tpu.vector_load %arg11[%get3A_565, %get3A_566] {strides = array<i32>} : memref<256x128xf32, #tpu.memory_space<vmem>>, vector<16xf32>,
      %get3A_568 = arith.index_cast %add3A_562 : i32 to index
      %get3A_569 = arith.constant 0 : index
      %get3A_570 = tpu.vector_load %arg12[%get3A_568, %get3A_569] {strides = array<i32>} : memref<256x128xf32, #tpu.memory_space<vmem>>, vector<16xf32>,
      %get3A_571 = arith.index_cast %add3A_562 : i32 to index
      %get3A_572 = arith.constant 0 : index
      %get3A_573 = tpu.vector_load %arg13[%get3A_571, %get3A_572] {strides = array<i32>} : memref<256x128xf32, #tpu.memory_space<vmem>>, vector<16xf32>,
      %add3A_574 = arith.addf %get3A_567, %get3A_570 : vector<16xf32>
      %sub3A_575 = arith.subf %add3A_574, %get3A_573 : vector<16xf32>
      %abs3A_576 = math.absf %sub3A_575 : vector<16xf32>
      %add3A_577 = arith.addf %broadcast_in_dim3A_564, %abs3A_576 : vector<16xf32>
      %get3A_578 = arith.index_cast %add3A_562 : i32 to index
      %get3A_579 = arith.constant 16 : index
      %get3A_580 = tpu.vector_load %arg11[%get3A_578, %get3A_579] {strides = array<i32>} : memref<256x128xf32, #tpu.memory_space<vmem>>, vector<16xf32>,
      %get3A_581 = arith.index_cast %add3A_562 : i32 to index
      %get3A_582 = arith.constant 16 : index
      %get3A_583 = tpu.vector_load %arg12[%get3A_581, %get3A_582] {strides = array<i32>} : memref<256x128xf32, #tpu.memory_space<vmem>>, vector<16xf32>,
      %get3A_584 = arith.index_cast %add3A_562 : i32 to index
      %get3A_585 = arith.constant 16 : index
      %get3A_586 = tpu.vector_load %arg13[%get3A_584, %get3A_585] {strides = array<i32>} : memref<256x128xf32, #tpu.memory_space<vmem>>, vector<16xf32>,
      %add3A_587 = arith.addf %get3A_580, %get3A_583 : vector<16xf32>
      %sub3A_588 = arith.subf %add3A_587, %get3A_586 : vector<16xf32>
      %abs3A_589 = math.absf %sub3A_588 : vector<16xf32>
      %add3A_590 = arith.addf %add3A_577, %abs3A_589 : vector<16xf32>
      %get3A_591 = arith.index_cast %add3A_562 : i32 to index
      %get3A_592 = arith.constant 32 : index
      %get3A_593 = tpu.vector_load %arg11[%get3A_591, %get3A_592] {strides = array<i32>} : memref<256x128xf32, #tpu.memory_space<vmem>>, vector<16xf32>,
      %get3A_594 = arith.index_cast %add3A_562 : i32 to index
      %get3A_595 = arith.constant 32 : index
      %get3A_596 = tpu.vector_load %arg12[%get3A_594, %get3A_595] {strides = array<i32>} : memref<256x128xf32, #tpu.memory_space<vmem>>, vector<16xf32>,
      %get3A_597 = arith.index_cast %add3A_562 : i32 to index
      %get3A_598 = arith.constant 32 : index
      %get3A_599 = tpu.vector_load %arg13[%get3A_597, %get3A_598] {strides = array<i32>} : memref<256x128xf32, #tpu.memory_space<vmem>>, vector<16xf32>,
      %add3A_600 = arith.addf %get3A_593, %get3A_596 : vector<16xf32>
      %sub3A_601 = arith.subf %add3A_600, %get3A_599 : vector<16xf32>
      %abs3A_602 = math.absf %sub3A_601 : vector<16xf32>
      %add3A_603 = arith.addf %add3A_590, %abs3A_602 : vector<16xf32>
      %get3A_604 = arith.index_cast %add3A_562 : i32 to index
      %get3A_605 = arith.constant 48 : index
      %get3A_606 = tpu.vector_load %arg11[%get3A_604, %get3A_605] {strides = array<i32>} : memref<256x128xf32, #tpu.memory_space<vmem>>, vector<16xf32>,
      %get3A_607 = arith.index_cast %add3A_562 : i32 to index
      %get3A_608 = arith.constant 48 : index
      %get3A_609 = tpu.vector_load %arg12[%get3A_607, %get3A_608] {strides = array<i32>} : memref<256x128xf32, #tpu.memory_space<vmem>>, vector<16xf32>,
      %get3A_610 = arith.index_cast %add3A_562 : i32 to index
      %get3A_611 = arith.constant 48 : index
      %get3A_612 = tpu.vector_load %arg13[%get3A_610, %get3A_611] {strides = array<i32>} : memref<256x128xf32, #tpu.memory_space<vmem>>, vector<16xf32>,
      %add3A_613 = arith.addf %get3A_606, %get3A_609 : vector<16xf32>
      %sub3A_614 = arith.subf %add3A_613, %get3A_612 : vector<16xf32>
      %abs3A_615 = math.absf %sub3A_614 : vector<16xf32>
      %add3A_616 = arith.addf %add3A_603, %abs3A_615 : vector<16xf32>
      %reduce_sum3A_617 = arith.constant true
      %reduce_sum3A_618 = vector.broadcast %reduce_sum3A_617 : i1 to vector<16xi1>
      %reduce_sum3A_619 = tpu.scan <sum>, %add3A_616 masked %reduce_sum3A_618 : vector<16xf32>, vector<16xi1> -> vector<16xf32>
      %reduce_sum3A_620 = vector.extract %reduce_sum3A_619[15] : f32 from vector<16xf32>
      %eq3A_621 = arith.constant 4 : i32
      %eq3A_622 = vector.broadcast %eq3A_621 : i32 to vector<16xi32>
      %eq3A_623 = arith.cmpi eq, %iota3A, %eq3A_622 : vector<16xi32>
      %broadcast_in_dim3A_624 = vector.broadcast %reduce_sum3A_620 : f32 to vector<16xf32>
      %select_n3A_625 = arith.select %eq3A_623, %broadcast_in_dim3A_624, %select_n3A_558 : vector<16xi1>, vector<16xf32>
      %mul3A_626 = arith.constant 16 : i32
      %mul3A_627 = arith.muli %scan3A_295, %mul3A_626 : i32
      %add3A_628 = arith.constant 5 : i32
      %add3A_629 = arith.addi %mul3A_627, %add3A_628 : i32
      %broadcast_in_dim3A_630 = arith.constant 0.000000e+00 : f32
      %broadcast_in_dim3A_631 = vector.broadcast %broadcast_in_dim3A_630 : f32 to vector<16xf32>
      %get3A_632 = arith.index_cast %add3A_629 : i32 to index
      %get3A_633 = arith.constant 0 : index
      %get3A_634 = tpu.vector_load %arg11[%get3A_632, %get3A_633] {strides = array<i32>} : memref<256x128xf32, #tpu.memory_space<vmem>>, vector<16xf32>,
      %get3A_635 = arith.index_cast %add3A_629 : i32 to index
      %get3A_636 = arith.constant 0 : index
      %get3A_637 = tpu.vector_load %arg12[%get3A_635, %get3A_636] {strides = array<i32>} : memref<256x128xf32, #tpu.memory_space<vmem>>, vector<16xf32>,
      %get3A_638 = arith.index_cast %add3A_629 : i32 to index
      %get3A_639 = arith.constant 0 : index
      %get3A_640 = tpu.vector_load %arg13[%get3A_638, %get3A_639] {strides = array<i32>} : memref<256x128xf32, #tpu.memory_space<vmem>>, vector<16xf32>,
      %add3A_641 = arith.addf %get3A_634, %get3A_637 : vector<16xf32>
      %sub3A_642 = arith.subf %add3A_641, %get3A_640 : vector<16xf32>
      %abs3A_643 = math.absf %sub3A_642 : vector<16xf32>
      %add3A_644 = arith.addf %broadcast_in_dim3A_631, %abs3A_643 : vector<16xf32>
      %get3A_645 = arith.index_cast %add3A_629 : i32 to index
      %get3A_646 = arith.constant 16 : index
      %get3A_647 = tpu.vector_load %arg11[%get3A_645, %get3A_646] {strides = array<i32>} : memref<256x128xf32, #tpu.memory_space<vmem>>, vector<16xf32>,
      %get3A_648 = arith.index_cast %add3A_629 : i32 to index
      %get3A_649 = arith.constant 16 : index
      %get3A_650 = tpu.vector_load %arg12[%get3A_648, %get3A_649] {strides = array<i32>} : memref<256x128xf32, #tpu.memory_space<vmem>>, vector<16xf32>,
      %get3A_651 = arith.index_cast %add3A_629 : i32 to index
      %get3A_652 = arith.constant 16 : index
      %get3A_653 = tpu.vector_load %arg13[%get3A_651, %get3A_652] {strides = array<i32>} : memref<256x128xf32, #tpu.memory_space<vmem>>, vector<16xf32>,
      %add3A_654 = arith.addf %get3A_647, %get3A_650 : vector<16xf32>
      %sub3A_655 = arith.subf %add3A_654, %get3A_653 : vector<16xf32>
      %abs3A_656 = math.absf %sub3A_655 : vector<16xf32>
      %add3A_657 = arith.addf %add3A_644, %abs3A_656 : vector<16xf32>
      %get3A_658 = arith.index_cast %add3A_629 : i32 to index
      %get3A_659 = arith.constant 32 : index
      %get3A_660 = tpu.vector_load %arg11[%get3A_658, %get3A_659] {strides = array<i32>} : memref<256x128xf32, #tpu.memory_space<vmem>>, vector<16xf32>,
      %get3A_661 = arith.index_cast %add3A_629 : i32 to index
      %get3A_662 = arith.constant 32 : index
      %get3A_663 = tpu.vector_load %arg12[%get3A_661, %get3A_662] {strides = array<i32>} : memref<256x128xf32, #tpu.memory_space<vmem>>, vector<16xf32>,
      %get3A_664 = arith.index_cast %add3A_629 : i32 to index
      %get3A_665 = arith.constant 32 : index
      %get3A_666 = tpu.vector_load %arg13[%get3A_664, %get3A_665] {strides = array<i32>} : memref<256x128xf32, #tpu.memory_space<vmem>>, vector<16xf32>,
      %add3A_667 = arith.addf %get3A_660, %get3A_663 : vector<16xf32>
      %sub3A_668 = arith.subf %add3A_667, %get3A_666 : vector<16xf32>
      %abs3A_669 = math.absf %sub3A_668 : vector<16xf32>
      %add3A_670 = arith.addf %add3A_657, %abs3A_669 : vector<16xf32>
      %get3A_671 = arith.index_cast %add3A_629 : i32 to index
      %get3A_672 = arith.constant 48 : index
      %get3A_673 = tpu.vector_load %arg11[%get3A_671, %get3A_672] {strides = array<i32>} : memref<256x128xf32, #tpu.memory_space<vmem>>, vector<16xf32>,
      %get3A_674 = arith.index_cast %add3A_629 : i32 to index
      %get3A_675 = arith.constant 48 : index
      %get3A_676 = tpu.vector_load %arg12[%get3A_674, %get3A_675] {strides = array<i32>} : memref<256x128xf32, #tpu.memory_space<vmem>>, vector<16xf32>,
      %get3A_677 = arith.index_cast %add3A_629 : i32 to index
      %get3A_678 = arith.constant 48 : index
      %get3A_679 = tpu.vector_load %arg13[%get3A_677, %get3A_678] {strides = array<i32>} : memref<256x128xf32, #tpu.memory_space<vmem>>, vector<16xf32>,
      %add3A_680 = arith.addf %get3A_673, %get3A_676 : vector<16xf32>
      %sub3A_681 = arith.subf %add3A_680, %get3A_679 : vector<16xf32>
      %abs3A_682 = math.absf %sub3A_681 : vector<16xf32>
      %add3A_683 = arith.addf %add3A_670, %abs3A_682 : vector<16xf32>
      %reduce_sum3A_684 = arith.constant true
      %reduce_sum3A_685 = vector.broadcast %reduce_sum3A_684 : i1 to vector<16xi1>
      %reduce_sum3A_686 = tpu.scan <sum>, %add3A_683 masked %reduce_sum3A_685 : vector<16xf32>, vector<16xi1> -> vector<16xf32>
      %reduce_sum3A_687 = vector.extract %reduce_sum3A_686[15] : f32 from vector<16xf32>
      %eq3A_688 = arith.constant 5 : i32
      %eq3A_689 = vector.broadcast %eq3A_688 : i32 to vector<16xi32>
      %eq3A_690 = arith.cmpi eq, %iota3A, %eq3A_689 : vector<16xi32>
      %broadcast_in_dim3A_691 = vector.broadcast %reduce_sum3A_687 : f32 to vector<16xf32>
      %select_n3A_692 = arith.select %eq3A_690, %broadcast_in_dim3A_691, %select_n3A_625 : vector<16xi1>, vector<16xf32>
      %mul3A_693 = arith.constant 16 : i32
      %mul3A_694 = arith.muli %scan3A_295, %mul3A_693 : i32
      %add3A_695 = arith.constant 6 : i32
      %add3A_696 = arith.addi %mul3A_694, %add3A_695 : i32
      %broadcast_in_dim3A_697 = arith.constant 0.000000e+00 : f32
      %broadcast_in_dim3A_698 = vector.broadcast %broadcast_in_dim3A_697 : f32 to vector<16xf32>
      %get3A_699 = arith.index_cast %add3A_696 : i32 to index
      %get3A_700 = arith.constant 0 : index
      %get3A_701 = tpu.vector_load %arg11[%get3A_699, %get3A_700] {strides = array<i32>} : memref<256x128xf32, #tpu.memory_space<vmem>>, vector<16xf32>,
      %get3A_702 = arith.index_cast %add3A_696 : i32 to index
      %get3A_703 = arith.constant 0 : index
      %get3A_704 = tpu.vector_load %arg12[%get3A_702, %get3A_703] {strides = array<i32>} : memref<256x128xf32, #tpu.memory_space<vmem>>, vector<16xf32>,
      %get3A_705 = arith.index_cast %add3A_696 : i32 to index
      %get3A_706 = arith.constant 0 : index
      %get3A_707 = tpu.vector_load %arg13[%get3A_705, %get3A_706] {strides = array<i32>} : memref<256x128xf32, #tpu.memory_space<vmem>>, vector<16xf32>,
      %add3A_708 = arith.addf %get3A_701, %get3A_704 : vector<16xf32>
      %sub3A_709 = arith.subf %add3A_708, %get3A_707 : vector<16xf32>
      %abs3A_710 = math.absf %sub3A_709 : vector<16xf32>
      %add3A_711 = arith.addf %broadcast_in_dim3A_698, %abs3A_710 : vector<16xf32>
      %get3A_712 = arith.index_cast %add3A_696 : i32 to index
      %get3A_713 = arith.constant 16 : index
      %get3A_714 = tpu.vector_load %arg11[%get3A_712, %get3A_713] {strides = array<i32>} : memref<256x128xf32, #tpu.memory_space<vmem>>, vector<16xf32>,
      %get3A_715 = arith.index_cast %add3A_696 : i32 to index
      %get3A_716 = arith.constant 16 : index
      %get3A_717 = tpu.vector_load %arg12[%get3A_715, %get3A_716] {strides = array<i32>} : memref<256x128xf32, #tpu.memory_space<vmem>>, vector<16xf32>,
      %get3A_718 = arith.index_cast %add3A_696 : i32 to index
      %get3A_719 = arith.constant 16 : index
      %get3A_720 = tpu.vector_load %arg13[%get3A_718, %get3A_719] {strides = array<i32>} : memref<256x128xf32, #tpu.memory_space<vmem>>, vector<16xf32>,
      %add3A_721 = arith.addf %get3A_714, %get3A_717 : vector<16xf32>
      %sub3A_722 = arith.subf %add3A_721, %get3A_720 : vector<16xf32>
      %abs3A_723 = math.absf %sub3A_722 : vector<16xf32>
      %add3A_724 = arith.addf %add3A_711, %abs3A_723 : vector<16xf32>
      %get3A_725 = arith.index_cast %add3A_696 : i32 to index
      %get3A_726 = arith.constant 32 : index
      %get3A_727 = tpu.vector_load %arg11[%get3A_725, %get3A_726] {strides = array<i32>} : memref<256x128xf32, #tpu.memory_space<vmem>>, vector<16xf32>,
      %get3A_728 = arith.index_cast %add3A_696 : i32 to index
      %get3A_729 = arith.constant 32 : index
      %get3A_730 = tpu.vector_load %arg12[%get3A_728, %get3A_729] {strides = array<i32>} : memref<256x128xf32, #tpu.memory_space<vmem>>, vector<16xf32>,
      %get3A_731 = arith.index_cast %add3A_696 : i32 to index
      %get3A_732 = arith.constant 32 : index
      %get3A_733 = tpu.vector_load %arg13[%get3A_731, %get3A_732] {strides = array<i32>} : memref<256x128xf32, #tpu.memory_space<vmem>>, vector<16xf32>,
      %add3A_734 = arith.addf %get3A_727, %get3A_730 : vector<16xf32>
      %sub3A_735 = arith.subf %add3A_734, %get3A_733 : vector<16xf32>
      %abs3A_736 = math.absf %sub3A_735 : vector<16xf32>
      %add3A_737 = arith.addf %add3A_724, %abs3A_736 : vector<16xf32>
      %get3A_738 = arith.index_cast %add3A_696 : i32 to index
      %get3A_739 = arith.constant 48 : index
      %get3A_740 = tpu.vector_load %arg11[%get3A_738, %get3A_739] {strides = array<i32>} : memref<256x128xf32, #tpu.memory_space<vmem>>, vector<16xf32>,
      %get3A_741 = arith.index_cast %add3A_696 : i32 to index
      %get3A_742 = arith.constant 48 : index
      %get3A_743 = tpu.vector_load %arg12[%get3A_741, %get3A_742] {strides = array<i32>} : memref<256x128xf32, #tpu.memory_space<vmem>>, vector<16xf32>,
      %get3A_744 = arith.index_cast %add3A_696 : i32 to index
      %get3A_745 = arith.constant 48 : index
      %get3A_746 = tpu.vector_load %arg13[%get3A_744, %get3A_745] {strides = array<i32>} : memref<256x128xf32, #tpu.memory_space<vmem>>, vector<16xf32>,
      %add3A_747 = arith.addf %get3A_740, %get3A_743 : vector<16xf32>
      %sub3A_748 = arith.subf %add3A_747, %get3A_746 : vector<16xf32>
      %abs3A_749 = math.absf %sub3A_748 : vector<16xf32>
      %add3A_750 = arith.addf %add3A_737, %abs3A_749 : vector<16xf32>
      %reduce_sum3A_751 = arith.constant true
      %reduce_sum3A_752 = vector.broadcast %reduce_sum3A_751 : i1 to vector<16xi1>
      %reduce_sum3A_753 = tpu.scan <sum>, %add3A_750 masked %reduce_sum3A_752 : vector<16xf32>, vector<16xi1> -> vector<16xf32>
      %reduce_sum3A_754 = vector.extract %reduce_sum3A_753[15] : f32 from vector<16xf32>
      %eq3A_755 = arith.constant 6 : i32
      %eq3A_756 = vector.broadcast %eq3A_755 : i32 to vector<16xi32>
      %eq3A_757 = arith.cmpi eq, %iota3A, %eq3A_756 : vector<16xi32>
      %broadcast_in_dim3A_758 = vector.broadcast %reduce_sum3A_754 : f32 to vector<16xf32>
      %select_n3A_759 = arith.select %eq3A_757, %broadcast_in_dim3A_758, %select_n3A_692 : vector<16xi1>, vector<16xf32>
      %mul3A_760 = arith.constant 16 : i32
      %mul3A_761 = arith.muli %scan3A_295, %mul3A_760 : i32
      %add3A_762 = arith.constant 7 : i32
      %add3A_763 = arith.addi %mul3A_761, %add3A_762 : i32
      %broadcast_in_dim3A_764 = arith.constant 0.000000e+00 : f32
      %broadcast_in_dim3A_765 = vector.broadcast %broadcast_in_dim3A_764 : f32 to vector<16xf32>
      %get3A_766 = arith.index_cast %add3A_763 : i32 to index
      %get3A_767 = arith.constant 0 : index
      %get3A_768 = tpu.vector_load %arg11[%get3A_766, %get3A_767] {strides = array<i32>} : memref<256x128xf32, #tpu.memory_space<vmem>>, vector<16xf32>,
      %get3A_769 = arith.index_cast %add3A_763 : i32 to index
      %get3A_770 = arith.constant 0 : index
      %get3A_771 = tpu.vector_load %arg12[%get3A_769, %get3A_770] {strides = array<i32>} : memref<256x128xf32, #tpu.memory_space<vmem>>, vector<16xf32>,
      %get3A_772 = arith.index_cast %add3A_763 : i32 to index
      %get3A_773 = arith.constant 0 : index
      %get3A_774 = tpu.vector_load %arg13[%get3A_772, %get3A_773] {strides = array<i32>} : memref<256x128xf32, #tpu.memory_space<vmem>>, vector<16xf32>,
      %add3A_775 = arith.addf %get3A_768, %get3A_771 : vector<16xf32>
      %sub3A_776 = arith.subf %add3A_775, %get3A_774 : vector<16xf32>
      %abs3A_777 = math.absf %sub3A_776 : vector<16xf32>
      %add3A_778 = arith.addf %broadcast_in_dim3A_765, %abs3A_777 : vector<16xf32>
      %get3A_779 = arith.index_cast %add3A_763 : i32 to index
      %get3A_780 = arith.constant 16 : index
      %get3A_781 = tpu.vector_load %arg11[%get3A_779, %get3A_780] {strides = array<i32>} : memref<256x128xf32, #tpu.memory_space<vmem>>, vector<16xf32>,
      %get3A_782 = arith.index_cast %add3A_763 : i32 to index
      %get3A_783 = arith.constant 16 : index
      %get3A_784 = tpu.vector_load %arg12[%get3A_782, %get3A_783] {strides = array<i32>} : memref<256x128xf32, #tpu.memory_space<vmem>>, vector<16xf32>,
      %get3A_785 = arith.index_cast %add3A_763 : i32 to index
      %get3A_786 = arith.constant 16 : index
      %get3A_787 = tpu.vector_load %arg13[%get3A_785, %get3A_786] {strides = array<i32>} : memref<256x128xf32, #tpu.memory_space<vmem>>, vector<16xf32>,
      %add3A_788 = arith.addf %get3A_781, %get3A_784 : vector<16xf32>
      %sub3A_789 = arith.subf %add3A_788, %get3A_787 : vector<16xf32>
      %abs3A_790 = math.absf %sub3A_789 : vector<16xf32>
      %add3A_791 = arith.addf %add3A_778, %abs3A_790 : vector<16xf32>
      %get3A_792 = arith.index_cast %add3A_763 : i32 to index
      %get3A_793 = arith.constant 32 : index
      %get3A_794 = tpu.vector_load %arg11[%get3A_792, %get3A_793] {strides = array<i32>} : memref<256x128xf32, #tpu.memory_space<vmem>>, vector<16xf32>,
      %get3A_795 = arith.index_cast %add3A_763 : i32 to index
      %get3A_796 = arith.constant 32 : index
      %get3A_797 = tpu.vector_load %arg12[%get3A_795, %get3A_796] {strides = array<i32>} : memref<256x128xf32, #tpu.memory_space<vmem>>, vector<16xf32>,
      %get3A_798 = arith.index_cast %add3A_763 : i32 to index
      %get3A_799 = arith.constant 32 : index
      %get3A_800 = tpu.vector_load %arg13[%get3A_798, %get3A_799] {strides = array<i32>} : memref<256x128xf32, #tpu.memory_space<vmem>>, vector<16xf32>,
      %add3A_801 = arith.addf %get3A_794, %get3A_797 : vector<16xf32>
      %sub3A_802 = arith.subf %add3A_801, %get3A_800 : vector<16xf32>
      %abs3A_803 = math.absf %sub3A_802 : vector<16xf32>
      %add3A_804 = arith.addf %add3A_791, %abs3A_803 : vector<16xf32>
      %get3A_805 = arith.index_cast %add3A_763 : i32 to index
      %get3A_806 = arith.constant 48 : index
      %get3A_807 = tpu.vector_load %arg11[%get3A_805, %get3A_806] {strides = array<i32>} : memref<256x128xf32, #tpu.memory_space<vmem>>, vector<16xf32>,
      %get3A_808 = arith.index_cast %add3A_763 : i32 to index
      %get3A_809 = arith.constant 48 : index
      %get3A_810 = tpu.vector_load %arg12[%get3A_808, %get3A_809] {strides = array<i32>} : memref<256x128xf32, #tpu.memory_space<vmem>>, vector<16xf32>,
      %get3A_811 = arith.index_cast %add3A_763 : i32 to index
      %get3A_812 = arith.constant 48 : index
      %get3A_813 = tpu.vector_load %arg13[%get3A_811, %get3A_812] {strides = array<i32>} : memref<256x128xf32, #tpu.memory_space<vmem>>, vector<16xf32>,
      %add3A_814 = arith.addf %get3A_807, %get3A_810 : vector<16xf32>
      %sub3A_815 = arith.subf %add3A_814, %get3A_813 : vector<16xf32>
      %abs3A_816 = math.absf %sub3A_815 : vector<16xf32>
      %add3A_817 = arith.addf %add3A_804, %abs3A_816 : vector<16xf32>
      %reduce_sum3A_818 = arith.constant true
      %reduce_sum3A_819 = vector.broadcast %reduce_sum3A_818 : i1 to vector<16xi1>
      %reduce_sum3A_820 = tpu.scan <sum>, %add3A_817 masked %reduce_sum3A_819 : vector<16xf32>, vector<16xi1> -> vector<16xf32>
      %reduce_sum3A_821 = vector.extract %reduce_sum3A_820[15] : f32 from vector<16xf32>
      %eq3A_822 = arith.constant 7 : i32
      %eq3A_823 = vector.broadcast %eq3A_822 : i32 to vector<16xi32>
      %eq3A_824 = arith.cmpi eq, %iota3A, %eq3A_823 : vector<16xi32>
      %broadcast_in_dim3A_825 = vector.broadcast %reduce_sum3A_821 : f32 to vector<16xf32>
      %select_n3A_826 = arith.select %eq3A_824, %broadcast_in_dim3A_825, %select_n3A_759 : vector<16xi1>, vector<16xf32>
      %mul3A_827 = arith.constant 16 : i32
      %mul3A_828 = arith.muli %scan3A_295, %mul3A_827 : i32
      %add3A_829 = arith.constant 8 : i32
      %add3A_830 = arith.addi %mul3A_828, %add3A_829 : i32
      %broadcast_in_dim3A_831 = arith.constant 0.000000e+00 : f32
      %broadcast_in_dim3A_832 = vector.broadcast %broadcast_in_dim3A_831 : f32 to vector<16xf32>
      %get3A_833 = arith.index_cast %add3A_830 : i32 to index
      %get3A_834 = arith.constant 0 : index
      %get3A_835 = tpu.vector_load %arg11[%get3A_833, %get3A_834] {strides = array<i32>} : memref<256x128xf32, #tpu.memory_space<vmem>>, vector<16xf32>,
      %get3A_836 = arith.index_cast %add3A_830 : i32 to index
      %get3A_837 = arith.constant 0 : index
      %get3A_838 = tpu.vector_load %arg12[%get3A_836, %get3A_837] {strides = array<i32>} : memref<256x128xf32, #tpu.memory_space<vmem>>, vector<16xf32>,
      %get3A_839 = arith.index_cast %add3A_830 : i32 to index
      %get3A_840 = arith.constant 0 : index
      %get3A_841 = tpu.vector_load %arg13[%get3A_839, %get3A_840] {strides = array<i32>} : memref<256x128xf32, #tpu.memory_space<vmem>>, vector<16xf32>,
      %add3A_842 = arith.addf %get3A_835, %get3A_838 : vector<16xf32>
      %sub3A_843 = arith.subf %add3A_842, %get3A_841 : vector<16xf32>
      %abs3A_844 = math.absf %sub3A_843 : vector<16xf32>
      %add3A_845 = arith.addf %broadcast_in_dim3A_832, %abs3A_844 : vector<16xf32>
      %get3A_846 = arith.index_cast %add3A_830 : i32 to index
      %get3A_847 = arith.constant 16 : index
      %get3A_848 = tpu.vector_load %arg11[%get3A_846, %get3A_847] {strides = array<i32>} : memref<256x128xf32, #tpu.memory_space<vmem>>, vector<16xf32>,
      %get3A_849 = arith.index_cast %add3A_830 : i32 to index
      %get3A_850 = arith.constant 16 : index
      %get3A_851 = tpu.vector_load %arg12[%get3A_849, %get3A_850] {strides = array<i32>} : memref<256x128xf32, #tpu.memory_space<vmem>>, vector<16xf32>,
      %get3A_852 = arith.index_cast %add3A_830 : i32 to index
      %get3A_853 = arith.constant 16 : index
      %get3A_854 = tpu.vector_load %arg13[%get3A_852, %get3A_853] {strides = array<i32>} : memref<256x128xf32, #tpu.memory_space<vmem>>, vector<16xf32>,
      %add3A_855 = arith.addf %get3A_848, %get3A_851 : vector<16xf32>
      %sub3A_856 = arith.subf %add3A_855, %get3A_854 : vector<16xf32>
      %abs3A_857 = math.absf %sub3A_856 : vector<16xf32>
      %add3A_858 = arith.addf %add3A_845, %abs3A_857 : vector<16xf32>
      %get3A_859 = arith.index_cast %add3A_830 : i32 to index
      %get3A_860 = arith.constant 32 : index
      %get3A_861 = tpu.vector_load %arg11[%get3A_859, %get3A_860] {strides = array<i32>} : memref<256x128xf32, #tpu.memory_space<vmem>>, vector<16xf32>,
      %get3A_862 = arith.index_cast %add3A_830 : i32 to index
      %get3A_863 = arith.constant 32 : index
      %get3A_864 = tpu.vector_load %arg12[%get3A_862, %get3A_863] {strides = array<i32>} : memref<256x128xf32, #tpu.memory_space<vmem>>, vector<16xf32>,
      %get3A_865 = arith.index_cast %add3A_830 : i32 to index
      %get3A_866 = arith.constant 32 : index
      %get3A_867 = tpu.vector_load %arg13[%get3A_865, %get3A_866] {strides = array<i32>} : memref<256x128xf32, #tpu.memory_space<vmem>>, vector<16xf32>,
      %add3A_868 = arith.addf %get3A_861, %get3A_864 : vector<16xf32>
      %sub3A_869 = arith.subf %add3A_868, %get3A_867 : vector<16xf32>
      %abs3A_870 = math.absf %sub3A_869 : vector<16xf32>
      %add3A_871 = arith.addf %add3A_858, %abs3A_870 : vector<16xf32>
      %get3A_872 = arith.index_cast %add3A_830 : i32 to index
      %get3A_873 = arith.constant 48 : index
      %get3A_874 = tpu.vector_load %arg11[%get3A_872, %get3A_873] {strides = array<i32>} : memref<256x128xf32, #tpu.memory_space<vmem>>, vector<16xf32>,
      %get3A_875 = arith.index_cast %add3A_830 : i32 to index
      %get3A_876 = arith.constant 48 : index
      %get3A_877 = tpu.vector_load %arg12[%get3A_875, %get3A_876] {strides = array<i32>} : memref<256x128xf32, #tpu.memory_space<vmem>>, vector<16xf32>,
      %get3A_878 = arith.index_cast %add3A_830 : i32 to index
      %get3A_879 = arith.constant 48 : index
      %get3A_880 = tpu.vector_load %arg13[%get3A_878, %get3A_879] {strides = array<i32>} : memref<256x128xf32, #tpu.memory_space<vmem>>, vector<16xf32>,
      %add3A_881 = arith.addf %get3A_874, %get3A_877 : vector<16xf32>
      %sub3A_882 = arith.subf %add3A_881, %get3A_880 : vector<16xf32>
      %abs3A_883 = math.absf %sub3A_882 : vector<16xf32>
      %add3A_884 = arith.addf %add3A_871, %abs3A_883 : vector<16xf32>
      %reduce_sum3A_885 = arith.constant true
      %reduce_sum3A_886 = vector.broadcast %reduce_sum3A_885 : i1 to vector<16xi1>
      %reduce_sum3A_887 = tpu.scan <sum>, %add3A_884 masked %reduce_sum3A_886 : vector<16xf32>, vector<16xi1> -> vector<16xf32>
      %reduce_sum3A_888 = vector.extract %reduce_sum3A_887[15] : f32 from vector<16xf32>
      %eq3A_889 = arith.constant 8 : i32
      %eq3A_890 = vector.broadcast %eq3A_889 : i32 to vector<16xi32>
      %eq3A_891 = arith.cmpi eq, %iota3A, %eq3A_890 : vector<16xi32>
      %broadcast_in_dim3A_892 = vector.broadcast %reduce_sum3A_888 : f32 to vector<16xf32>
      %select_n3A_893 = arith.select %eq3A_891, %broadcast_in_dim3A_892, %select_n3A_826 : vector<16xi1>, vector<16xf32>
      %mul3A_894 = arith.constant 16 : i32
      %mul3A_895 = arith.muli %scan3A_295, %mul3A_894 : i32
      %add3A_896 = arith.constant 9 : i32
      %add3A_897 = arith.addi %mul3A_895, %add3A_896 : i32
      %broadcast_in_dim3A_898 = arith.constant 0.000000e+00 : f32
      %broadcast_in_dim3A_899 = vector.broadcast %broadcast_in_dim3A_898 : f32 to vector<16xf32>
      %get3A_900 = arith.index_cast %add3A_897 : i32 to index
      %get3A_901 = arith.constant 0 : index
      %get3A_902 = tpu.vector_load %arg11[%get3A_900, %get3A_901] {strides = array<i32>} : memref<256x128xf32, #tpu.memory_space<vmem>>, vector<16xf32>,
      %get3A_903 = arith.index_cast %add3A_897 : i32 to index
      %get3A_904 = arith.constant 0 : index
      %get3A_905 = tpu.vector_load %arg12[%get3A_903, %get3A_904] {strides = array<i32>} : memref<256x128xf32, #tpu.memory_space<vmem>>, vector<16xf32>,
      %get3A_906 = arith.index_cast %add3A_897 : i32 to index
      %get3A_907 = arith.constant 0 : index
      %get3A_908 = tpu.vector_load %arg13[%get3A_906, %get3A_907] {strides = array<i32>} : memref<256x128xf32, #tpu.memory_space<vmem>>, vector<16xf32>,
      %add3A_909 = arith.addf %get3A_902, %get3A_905 : vector<16xf32>
      %sub3A_910 = arith.subf %add3A_909, %get3A_908 : vector<16xf32>
      %abs3A_911 = math.absf %sub3A_910 : vector<16xf32>
      %add3A_912 = arith.addf %broadcast_in_dim3A_899, %abs3A_911 : vector<16xf32>
      %get3A_913 = arith.index_cast %add3A_897 : i32 to index
      %get3A_914 = arith.constant 16 : index
      %get3A_915 = tpu.vector_load %arg11[%get3A_913, %get3A_914] {strides = array<i32>} : memref<256x128xf32, #tpu.memory_space<vmem>>, vector<16xf32>,
      %get3A_916 = arith.index_cast %add3A_897 : i32 to index
      %get3A_917 = arith.constant 16 : index
      %get3A_918 = tpu.vector_load %arg12[%get3A_916, %get3A_917] {strides = array<i32>} : memref<256x128xf32, #tpu.memory_space<vmem>>, vector<16xf32>,
      %get3A_919 = arith.index_cast %add3A_897 : i32 to index
      %get3A_920 = arith.constant 16 : index
      %get3A_921 = tpu.vector_load %arg13[%get3A_919, %get3A_920] {strides = array<i32>} : memref<256x128xf32, #tpu.memory_space<vmem>>, vector<16xf32>,
      %add3A_922 = arith.addf %get3A_915, %get3A_918 : vector<16xf32>
      %sub3A_923 = arith.subf %add3A_922, %get3A_921 : vector<16xf32>
      %abs3A_924 = math.absf %sub3A_923 : vector<16xf32>
      %add3A_925 = arith.addf %add3A_912, %abs3A_924 : vector<16xf32>
      %get3A_926 = arith.index_cast %add3A_897 : i32 to index
      %get3A_927 = arith.constant 32 : index
      %get3A_928 = tpu.vector_load %arg11[%get3A_926, %get3A_927] {strides = array<i32>} : memref<256x128xf32, #tpu.memory_space<vmem>>, vector<16xf32>,
      %get3A_929 = arith.index_cast %add3A_897 : i32 to index
      %get3A_930 = arith.constant 32 : index
      %get3A_931 = tpu.vector_load %arg12[%get3A_929, %get3A_930] {strides = array<i32>} : memref<256x128xf32, #tpu.memory_space<vmem>>, vector<16xf32>,
      %get3A_932 = arith.index_cast %add3A_897 : i32 to index
      %get3A_933 = arith.constant 32 : index
      %get3A_934 = tpu.vector_load %arg13[%get3A_932, %get3A_933] {strides = array<i32>} : memref<256x128xf32, #tpu.memory_space<vmem>>, vector<16xf32>,
      %add3A_935 = arith.addf %get3A_928, %get3A_931 : vector<16xf32>
      %sub3A_936 = arith.subf %add3A_935, %get3A_934 : vector<16xf32>
      %abs3A_937 = math.absf %sub3A_936 : vector<16xf32>
      %add3A_938 = arith.addf %add3A_925, %abs3A_937 : vector<16xf32>
      %get3A_939 = arith.index_cast %add3A_897 : i32 to index
      %get3A_940 = arith.constant 48 : index
      %get3A_941 = tpu.vector_load %arg11[%get3A_939, %get3A_940] {strides = array<i32>} : memref<256x128xf32, #tpu.memory_space<vmem>>, vector<16xf32>,
      %get3A_942 = arith.index_cast %add3A_897 : i32 to index
      %get3A_943 = arith.constant 48 : index
      %get3A_944 = tpu.vector_load %arg12[%get3A_942, %get3A_943] {strides = array<i32>} : memref<256x128xf32, #tpu.memory_space<vmem>>, vector<16xf32>,
      %get3A_945 = arith.index_cast %add3A_897 : i32 to index
      %get3A_946 = arith.constant 48 : index
      %get3A_947 = tpu.vector_load %arg13[%get3A_945, %get3A_946] {strides = array<i32>} : memref<256x128xf32, #tpu.memory_space<vmem>>, vector<16xf32>,
      %add3A_948 = arith.addf %get3A_941, %get3A_944 : vector<16xf32>
      %sub3A_949 = arith.subf %add3A_948, %get3A_947 : vector<16xf32>
      %abs3A_950 = math.absf %sub3A_949 : vector<16xf32>
      %add3A_951 = arith.addf %add3A_938, %abs3A_950 : vector<16xf32>
      %reduce_sum3A_952 = arith.constant true
      %reduce_sum3A_953 = vector.broadcast %reduce_sum3A_952 : i1 to vector<16xi1>
      %reduce_sum3A_954 = tpu.scan <sum>, %add3A_951 masked %reduce_sum3A_953 : vector<16xf32>, vector<16xi1> -> vector<16xf32>
      %reduce_sum3A_955 = vector.extract %reduce_sum3A_954[15] : f32 from vector<16xf32>
      %eq3A_956 = arith.constant 9 : i32
      %eq3A_957 = vector.broadcast %eq3A_956 : i32 to vector<16xi32>
      %eq3A_958 = arith.cmpi eq, %iota3A, %eq3A_957 : vector<16xi32>
      %broadcast_in_dim3A_959 = vector.broadcast %reduce_sum3A_955 : f32 to vector<16xf32>
      %select_n3A_960 = arith.select %eq3A_958, %broadcast_in_dim3A_959, %select_n3A_893 : vector<16xi1>, vector<16xf32>
      %mul3A_961 = arith.constant 16 : i32
      %mul3A_962 = arith.muli %scan3A_295, %mul3A_961 : i32
      %add3A_963 = arith.constant 10 : i32
      %add3A_964 = arith.addi %mul3A_962, %add3A_963 : i32
      %broadcast_in_dim3A_965 = arith.constant 0.000000e+00 : f32
      %broadcast_in_dim3A_966 = vector.broadcast %broadcast_in_dim3A_965 : f32 to vector<16xf32>
      %get3A_967 = arith.index_cast %add3A_964 : i32 to index
      %get3A_968 = arith.constant 0 : index
      %get3A_969 = tpu.vector_load %arg11[%get3A_967, %get3A_968] {strides = array<i32>} : memref<256x128xf32, #tpu.memory_space<vmem>>, vector<16xf32>,
      %get3A_970 = arith.index_cast %add3A_964 : i32 to index
      %get3A_971 = arith.constant 0 : index
      %get3A_972 = tpu.vector_load %arg12[%get3A_970, %get3A_971] {strides = array<i32>} : memref<256x128xf32, #tpu.memory_space<vmem>>, vector<16xf32>,
      %get3A_973 = arith.index_cast %add3A_964 : i32 to index
      %get3A_974 = arith.constant 0 : index
      %get3A_975 = tpu.vector_load %arg13[%get3A_973, %get3A_974] {strides = array<i32>} : memref<256x128xf32, #tpu.memory_space<vmem>>, vector<16xf32>,
      %add3A_976 = arith.addf %get3A_969, %get3A_972 : vector<16xf32>
      %sub3A_977 = arith.subf %add3A_976, %get3A_975 : vector<16xf32>
      %abs3A_978 = math.absf %sub3A_977 : vector<16xf32>
      %add3A_979 = arith.addf %broadcast_in_dim3A_966, %abs3A_978 : vector<16xf32>
      %get3A_980 = arith.index_cast %add3A_964 : i32 to index
      %get3A_981 = arith.constant 16 : index
      %get3A_982 = tpu.vector_load %arg11[%get3A_980, %get3A_981] {strides = array<i32>} : memref<256x128xf32, #tpu.memory_space<vmem>>, vector<16xf32>,
      %get3A_983 = arith.index_cast %add3A_964 : i32 to index
      %get3A_984 = arith.constant 16 : index
      %get3A_985 = tpu.vector_load %arg12[%get3A_983, %get3A_984] {strides = array<i32>} : memref<256x128xf32, #tpu.memory_space<vmem>>, vector<16xf32>,
      %get3A_986 = arith.index_cast %add3A_964 : i32 to index
      %get3A_987 = arith.constant 16 : index
      %get3A_988 = tpu.vector_load %arg13[%get3A_986, %get3A_987] {strides = array<i32>} : memref<256x128xf32, #tpu.memory_space<vmem>>, vector<16xf32>,
      %add3A_989 = arith.addf %get3A_982, %get3A_985 : vector<16xf32>
      %sub3A_990 = arith.subf %add3A_989, %get3A_988 : vector<16xf32>
      %abs3A_991 = math.absf %sub3A_990 : vector<16xf32>
      %add3A_992 = arith.addf %add3A_979, %abs3A_991 : vector<16xf32>
      %get3A_993 = arith.index_cast %add3A_964 : i32 to index
      %get3A_994 = arith.constant 32 : index
      %get3A_995 = tpu.vector_load %arg11[%get3A_993, %get3A_994] {strides = array<i32>} : memref<256x128xf32, #tpu.memory_space<vmem>>, vector<16xf32>,
      %get3A_996 = arith.index_cast %add3A_964 : i32 to index
      %get3A_997 = arith.constant 32 : index
      %get3A_998 = tpu.vector_load %arg12[%get3A_996, %get3A_997] {strides = array<i32>} : memref<256x128xf32, #tpu.memory_space<vmem>>, vector<16xf32>,
      %get3A_999 = arith.index_cast %add3A_964 : i32 to index
      %get3A_1000 = arith.constant 32 : index
      %get3A_1001 = tpu.vector_load %arg13[%get3A_999, %get3A_1000] {strides = array<i32>} : memref<256x128xf32, #tpu.memory_space<vmem>>, vector<16xf32>,
      %add3A_1002 = arith.addf %get3A_995, %get3A_998 : vector<16xf32>
      %sub3A_1003 = arith.subf %add3A_1002, %get3A_1001 : vector<16xf32>
      %abs3A_1004 = math.absf %sub3A_1003 : vector<16xf32>
      %add3A_1005 = arith.addf %add3A_992, %abs3A_1004 : vector<16xf32>
      %get3A_1006 = arith.index_cast %add3A_964 : i32 to index
      %get3A_1007 = arith.constant 48 : index
      %get3A_1008 = tpu.vector_load %arg11[%get3A_1006, %get3A_1007] {strides = array<i32>} : memref<256x128xf32, #tpu.memory_space<vmem>>, vector<16xf32>,
      %get3A_1009 = arith.index_cast %add3A_964 : i32 to index
      %get3A_1010 = arith.constant 48 : index
      %get3A_1011 = tpu.vector_load %arg12[%get3A_1009, %get3A_1010] {strides = array<i32>} : memref<256x128xf32, #tpu.memory_space<vmem>>, vector<16xf32>,
      %get3A_1012 = arith.index_cast %add3A_964 : i32 to index
      %get3A_1013 = arith.constant 48 : index
      %get3A_1014 = tpu.vector_load %arg13[%get3A_1012, %get3A_1013] {strides = array<i32>} : memref<256x128xf32, #tpu.memory_space<vmem>>, vector<16xf32>,
      %add3A_1015 = arith.addf %get3A_1008, %get3A_1011 : vector<16xf32>
      %sub3A_1016 = arith.subf %add3A_1015, %get3A_1014 : vector<16xf32>
      %abs3A_1017 = math.absf %sub3A_1016 : vector<16xf32>
      %add3A_1018 = arith.addf %add3A_1005, %abs3A_1017 : vector<16xf32>
      %reduce_sum3A_1019 = arith.constant true
      %reduce_sum3A_1020 = vector.broadcast %reduce_sum3A_1019 : i1 to vector<16xi1>
      %reduce_sum3A_1021 = tpu.scan <sum>, %add3A_1018 masked %reduce_sum3A_1020 : vector<16xf32>, vector<16xi1> -> vector<16xf32>
      %reduce_sum3A_1022 = vector.extract %reduce_sum3A_1021[15] : f32 from vector<16xf32>
      %eq3A_1023 = arith.constant 10 : i32
      %eq3A_1024 = vector.broadcast %eq3A_1023 : i32 to vector<16xi32>
      %eq3A_1025 = arith.cmpi eq, %iota3A, %eq3A_1024 : vector<16xi32>
      %broadcast_in_dim3A_1026 = vector.broadcast %reduce_sum3A_1022 : f32 to vector<16xf32>
      %select_n3A_1027 = arith.select %eq3A_1025, %broadcast_in_dim3A_1026, %select_n3A_960 : vector<16xi1>, vector<16xf32>
      %mul3A_1028 = arith.constant 16 : i32
      %mul3A_1029 = arith.muli %scan3A_295, %mul3A_1028 : i32
      %add3A_1030 = arith.constant 11 : i32
      %add3A_1031 = arith.addi %mul3A_1029, %add3A_1030 : i32
      %broadcast_in_dim3A_1032 = arith.constant 0.000000e+00 : f32
      %broadcast_in_dim3A_1033 = vector.broadcast %broadcast_in_dim3A_1032 : f32 to vector<16xf32>
      %get3A_1034 = arith.index_cast %add3A_1031 : i32 to index
      %get3A_1035 = arith.constant 0 : index
      %get3A_1036 = tpu.vector_load %arg11[%get3A_1034, %get3A_1035] {strides = array<i32>} : memref<256x128xf32, #tpu.memory_space<vmem>>, vector<16xf32>,
      %get3A_1037 = arith.index_cast %add3A_1031 : i32 to index
      %get3A_1038 = arith.constant 0 : index
      %get3A_1039 = tpu.vector_load %arg12[%get3A_1037, %get3A_1038] {strides = array<i32>} : memref<256x128xf32, #tpu.memory_space<vmem>>, vector<16xf32>,
      %get3A_1040 = arith.index_cast %add3A_1031 : i32 to index
      %get3A_1041 = arith.constant 0 : index
      %get3A_1042 = tpu.vector_load %arg13[%get3A_1040, %get3A_1041] {strides = array<i32>} : memref<256x128xf32, #tpu.memory_space<vmem>>, vector<16xf32>,
      %add3A_1043 = arith.addf %get3A_1036, %get3A_1039 : vector<16xf32>
      %sub3A_1044 = arith.subf %add3A_1043, %get3A_1042 : vector<16xf32>
      %abs3A_1045 = math.absf %sub3A_1044 : vector<16xf32>
      %add3A_1046 = arith.addf %broadcast_in_dim3A_1033, %abs3A_1045 : vector<16xf32>
      %get3A_1047 = arith.index_cast %add3A_1031 : i32 to index
      %get3A_1048 = arith.constant 16 : index
      %get3A_1049 = tpu.vector_load %arg11[%get3A_1047, %get3A_1048] {strides = array<i32>} : memref<256x128xf32, #tpu.memory_space<vmem>>, vector<16xf32>,
      %get3A_1050 = arith.index_cast %add3A_1031 : i32 to index
      %get3A_1051 = arith.constant 16 : index
      %get3A_1052 = tpu.vector_load %arg12[%get3A_1050, %get3A_1051] {strides = array<i32>} : memref<256x128xf32, #tpu.memory_space<vmem>>, vector<16xf32>,
      %get3A_1053 = arith.index_cast %add3A_1031 : i32 to index
      %get3A_1054 = arith.constant 16 : index
      %get3A_1055 = tpu.vector_load %arg13[%get3A_1053, %get3A_1054] {strides = array<i32>} : memref<256x128xf32, #tpu.memory_space<vmem>>, vector<16xf32>,
      %add3A_1056 = arith.addf %get3A_1049, %get3A_1052 : vector<16xf32>
      %sub3A_1057 = arith.subf %add3A_1056, %get3A_1055 : vector<16xf32>
      %abs3A_1058 = math.absf %sub3A_1057 : vector<16xf32>
      %add3A_1059 = arith.addf %add3A_1046, %abs3A_1058 : vector<16xf32>
      %get3A_1060 = arith.index_cast %add3A_1031 : i32 to index
      %get3A_1061 = arith.constant 32 : index
      %get3A_1062 = tpu.vector_load %arg11[%get3A_1060, %get3A_1061] {strides = array<i32>} : memref<256x128xf32, #tpu.memory_space<vmem>>, vector<16xf32>,
      %get3A_1063 = arith.index_cast %add3A_1031 : i32 to index
      %get3A_1064 = arith.constant 32 : index
      %get3A_1065 = tpu.vector_load %arg12[%get3A_1063, %get3A_1064] {strides = array<i32>} : memref<256x128xf32, #tpu.memory_space<vmem>>, vector<16xf32>,
      %get3A_1066 = arith.index_cast %add3A_1031 : i32 to index
      %get3A_1067 = arith.constant 32 : index
      %get3A_1068 = tpu.vector_load %arg13[%get3A_1066, %get3A_1067] {strides = array<i32>} : memref<256x128xf32, #tpu.memory_space<vmem>>, vector<16xf32>,
      %add3A_1069 = arith.addf %get3A_1062, %get3A_1065 : vector<16xf32>
      %sub3A_1070 = arith.subf %add3A_1069, %get3A_1068 : vector<16xf32>
      %abs3A_1071 = math.absf %sub3A_1070 : vector<16xf32>
      %add3A_1072 = arith.addf %add3A_1059, %abs3A_1071 : vector<16xf32>
      %get3A_1073 = arith.index_cast %add3A_1031 : i32 to index
      %get3A_1074 = arith.constant 48 : index
      %get3A_1075 = tpu.vector_load %arg11[%get3A_1073, %get3A_1074] {strides = array<i32>} : memref<256x128xf32, #tpu.memory_space<vmem>>, vector<16xf32>,
      %get3A_1076 = arith.index_cast %add3A_1031 : i32 to index
      %get3A_1077 = arith.constant 48 : index
      %get3A_1078 = tpu.vector_load %arg12[%get3A_1076, %get3A_1077] {strides = array<i32>} : memref<256x128xf32, #tpu.memory_space<vmem>>, vector<16xf32>,
      %get3A_1079 = arith.index_cast %add3A_1031 : i32 to index
      %get3A_1080 = arith.constant 48 : index
      %get3A_1081 = tpu.vector_load %arg13[%get3A_1079, %get3A_1080] {strides = array<i32>} : memref<256x128xf32, #tpu.memory_space<vmem>>, vector<16xf32>,
      %add3A_1082 = arith.addf %get3A_1075, %get3A_1078 : vector<16xf32>
      %sub3A_1083 = arith.subf %add3A_1082, %get3A_1081 : vector<16xf32>
      %abs3A_1084 = math.absf %sub3A_1083 : vector<16xf32>
      %add3A_1085 = arith.addf %add3A_1072, %abs3A_1084 : vector<16xf32>
      %reduce_sum3A_1086 = arith.constant true
      %reduce_sum3A_1087 = vector.broadcast %reduce_sum3A_1086 : i1 to vector<16xi1>
      %reduce_sum3A_1088 = tpu.scan <sum>, %add3A_1085 masked %reduce_sum3A_1087 : vector<16xf32>, vector<16xi1> -> vector<16xf32>
      %reduce_sum3A_1089 = vector.extract %reduce_sum3A_1088[15] : f32 from vector<16xf32>
      %eq3A_1090 = arith.constant 11 : i32
      %eq3A_1091 = vector.broadcast %eq3A_1090 : i32 to vector<16xi32>
      %eq3A_1092 = arith.cmpi eq, %iota3A, %eq3A_1091 : vector<16xi32>
      %broadcast_in_dim3A_1093 = vector.broadcast %reduce_sum3A_1089 : f32 to vector<16xf32>
      %select_n3A_1094 = arith.select %eq3A_1092, %broadcast_in_dim3A_1093, %select_n3A_1027 : vector<16xi1>, vector<16xf32>
      %mul3A_1095 = arith.constant 16 : i32
      %mul3A_1096 = arith.muli %scan3A_295, %mul3A_1095 : i32
      %add3A_1097 = arith.constant 12 : i32
      %add3A_1098 = arith.addi %mul3A_1096, %add3A_1097 : i32
      %broadcast_in_dim3A_1099 = arith.constant 0.000000e+00 : f32
      %broadcast_in_dim3A_1100 = vector.broadcast %broadcast_in_dim3A_1099 : f32 to vector<16xf32>
      %get3A_1101 = arith.index_cast %add3A_1098 : i32 to index
      %get3A_1102 = arith.constant 0 : index
      %get3A_1103 = tpu.vector_load %arg11[%get3A_1101, %get3A_1102] {strides = array<i32>} : memref<256x128xf32, #tpu.memory_space<vmem>>, vector<16xf32>,
      %get3A_1104 = arith.index_cast %add3A_1098 : i32 to index
      %get3A_1105 = arith.constant 0 : index
      %get3A_1106 = tpu.vector_load %arg12[%get3A_1104, %get3A_1105] {strides = array<i32>} : memref<256x128xf32, #tpu.memory_space<vmem>>, vector<16xf32>,
      %get3A_1107 = arith.index_cast %add3A_1098 : i32 to index
      %get3A_1108 = arith.constant 0 : index
      %get3A_1109 = tpu.vector_load %arg13[%get3A_1107, %get3A_1108] {strides = array<i32>} : memref<256x128xf32, #tpu.memory_space<vmem>>, vector<16xf32>,
      %add3A_1110 = arith.addf %get3A_1103, %get3A_1106 : vector<16xf32>
      %sub3A_1111 = arith.subf %add3A_1110, %get3A_1109 : vector<16xf32>
      %abs3A_1112 = math.absf %sub3A_1111 : vector<16xf32>
      %add3A_1113 = arith.addf %broadcast_in_dim3A_1100, %abs3A_1112 : vector<16xf32>
      %get3A_1114 = arith.index_cast %add3A_1098 : i32 to index
      %get3A_1115 = arith.constant 16 : index
      %get3A_1116 = tpu.vector_load %arg11[%get3A_1114, %get3A_1115] {strides = array<i32>} : memref<256x128xf32, #tpu.memory_space<vmem>>, vector<16xf32>,
      %get3A_1117 = arith.index_cast %add3A_1098 : i32 to index
      %get3A_1118 = arith.constant 16 : index
      %get3A_1119 = tpu.vector_load %arg12[%get3A_1117, %get3A_1118] {strides = array<i32>} : memref<256x128xf32, #tpu.memory_space<vmem>>, vector<16xf32>,
      %get3A_1120 = arith.index_cast %add3A_1098 : i32 to index
      %get3A_1121 = arith.constant 16 : index
      %get3A_1122 = tpu.vector_load %arg13[%get3A_1120, %get3A_1121] {strides = array<i32>} : memref<256x128xf32, #tpu.memory_space<vmem>>, vector<16xf32>,
      %add3A_1123 = arith.addf %get3A_1116, %get3A_1119 : vector<16xf32>
      %sub3A_1124 = arith.subf %add3A_1123, %get3A_1122 : vector<16xf32>
      %abs3A_1125 = math.absf %sub3A_1124 : vector<16xf32>
      %add3A_1126 = arith.addf %add3A_1113, %abs3A_1125 : vector<16xf32>
      %get3A_1127 = arith.index_cast %add3A_1098 : i32 to index
      %get3A_1128 = arith.constant 32 : index
      %get3A_1129 = tpu.vector_load %arg11[%get3A_1127, %get3A_1128] {strides = array<i32>} : memref<256x128xf32, #tpu.memory_space<vmem>>, vector<16xf32>,
      %get3A_1130 = arith.index_cast %add3A_1098 : i32 to index
      %get3A_1131 = arith.constant 32 : index
      %get3A_1132 = tpu.vector_load %arg12[%get3A_1130, %get3A_1131] {strides = array<i32>} : memref<256x128xf32, #tpu.memory_space<vmem>>, vector<16xf32>,
      %get3A_1133 = arith.index_cast %add3A_1098 : i32 to index
      %get3A_1134 = arith.constant 32 : index
      %get3A_1135 = tpu.vector_load %arg13[%get3A_1133, %get3A_1134] {strides = array<i32>} : memref<256x128xf32, #tpu.memory_space<vmem>>, vector<16xf32>,
      %add3A_1136 = arith.addf %get3A_1129, %get3A_1132 : vector<16xf32>
      %sub3A_1137 = arith.subf %add3A_1136, %get3A_1135 : vector<16xf32>
      %abs3A_1138 = math.absf %sub3A_1137 : vector<16xf32>
      %add3A_1139 = arith.addf %add3A_1126, %abs3A_1138 : vector<16xf32>
      %get3A_1140 = arith.index_cast %add3A_1098 : i32 to index
      %get3A_1141 = arith.constant 48 : index
      %get3A_1142 = tpu.vector_load %arg11[%get3A_1140, %get3A_1141] {strides = array<i32>} : memref<256x128xf32, #tpu.memory_space<vmem>>, vector<16xf32>,
      %get3A_1143 = arith.index_cast %add3A_1098 : i32 to index
      %get3A_1144 = arith.constant 48 : index
      %get3A_1145 = tpu.vector_load %arg12[%get3A_1143, %get3A_1144] {strides = array<i32>} : memref<256x128xf32, #tpu.memory_space<vmem>>, vector<16xf32>,
      %get3A_1146 = arith.index_cast %add3A_1098 : i32 to index
      %get3A_1147 = arith.constant 48 : index
      %get3A_1148 = tpu.vector_load %arg13[%get3A_1146, %get3A_1147] {strides = array<i32>} : memref<256x128xf32, #tpu.memory_space<vmem>>, vector<16xf32>,
      %add3A_1149 = arith.addf %get3A_1142, %get3A_1145 : vector<16xf32>
      %sub3A_1150 = arith.subf %add3A_1149, %get3A_1148 : vector<16xf32>
      %abs3A_1151 = math.absf %sub3A_1150 : vector<16xf32>
      %add3A_1152 = arith.addf %add3A_1139, %abs3A_1151 : vector<16xf32>
      %reduce_sum3A_1153 = arith.constant true
      %reduce_sum3A_1154 = vector.broadcast %reduce_sum3A_1153 : i1 to vector<16xi1>
      %reduce_sum3A_1155 = tpu.scan <sum>, %add3A_1152 masked %reduce_sum3A_1154 : vector<16xf32>, vector<16xi1> -> vector<16xf32>
      %reduce_sum3A_1156 = vector.extract %reduce_sum3A_1155[15] : f32 from vector<16xf32>
      %eq3A_1157 = arith.constant 12 : i32
      %eq3A_1158 = vector.broadcast %eq3A_1157 : i32 to vector<16xi32>
      %eq3A_1159 = arith.cmpi eq, %iota3A, %eq3A_1158 : vector<16xi32>
      %broadcast_in_dim3A_1160 = vector.broadcast %reduce_sum3A_1156 : f32 to vector<16xf32>
      %select_n3A_1161 = arith.select %eq3A_1159, %broadcast_in_dim3A_1160, %select_n3A_1094 : vector<16xi1>, vector<16xf32>
      %mul3A_1162 = arith.constant 16 : i32
      %mul3A_1163 = arith.muli %scan3A_295, %mul3A_1162 : i32
      %add3A_1164 = arith.constant 13 : i32
      %add3A_1165 = arith.addi %mul3A_1163, %add3A_1164 : i32
      %broadcast_in_dim3A_1166 = arith.constant 0.000000e+00 : f32
      %broadcast_in_dim3A_1167 = vector.broadcast %broadcast_in_dim3A_1166 : f32 to vector<16xf32>
      %get3A_1168 = arith.index_cast %add3A_1165 : i32 to index
      %get3A_1169 = arith.constant 0 : index
      %get3A_1170 = tpu.vector_load %arg11[%get3A_1168, %get3A_1169] {strides = array<i32>} : memref<256x128xf32, #tpu.memory_space<vmem>>, vector<16xf32>,
      %get3A_1171 = arith.index_cast %add3A_1165 : i32 to index
      %get3A_1172 = arith.constant 0 : index
      %get3A_1173 = tpu.vector_load %arg12[%get3A_1171, %get3A_1172] {strides = array<i32>} : memref<256x128xf32, #tpu.memory_space<vmem>>, vector<16xf32>,
      %get3A_1174 = arith.index_cast %add3A_1165 : i32 to index
      %get3A_1175 = arith.constant 0 : index
      %get3A_1176 = tpu.vector_load %arg13[%get3A_1174, %get3A_1175] {strides = array<i32>} : memref<256x128xf32, #tpu.memory_space<vmem>>, vector<16xf32>,
      %add3A_1177 = arith.addf %get3A_1170, %get3A_1173 : vector<16xf32>
      %sub3A_1178 = arith.subf %add3A_1177, %get3A_1176 : vector<16xf32>
      %abs3A_1179 = math.absf %sub3A_1178 : vector<16xf32>
      %add3A_1180 = arith.addf %broadcast_in_dim3A_1167, %abs3A_1179 : vector<16xf32>
      %get3A_1181 = arith.index_cast %add3A_1165 : i32 to index
      %get3A_1182 = arith.constant 16 : index
      %get3A_1183 = tpu.vector_load %arg11[%get3A_1181, %get3A_1182] {strides = array<i32>} : memref<256x128xf32, #tpu.memory_space<vmem>>, vector<16xf32>,
      %get3A_1184 = arith.index_cast %add3A_1165 : i32 to index
      %get3A_1185 = arith.constant 16 : index
      %get3A_1186 = tpu.vector_load %arg12[%get3A_1184, %get3A_1185] {strides = array<i32>} : memref<256x128xf32, #tpu.memory_space<vmem>>, vector<16xf32>,
      %get3A_1187 = arith.index_cast %add3A_1165 : i32 to index
      %get3A_1188 = arith.constant 16 : index
      %get3A_1189 = tpu.vector_load %arg13[%get3A_1187, %get3A_1188] {strides = array<i32>} : memref<256x128xf32, #tpu.memory_space<vmem>>, vector<16xf32>,
      %add3A_1190 = arith.addf %get3A_1183, %get3A_1186 : vector<16xf32>
      %sub3A_1191 = arith.subf %add3A_1190, %get3A_1189 : vector<16xf32>
      %abs3A_1192 = math.absf %sub3A_1191 : vector<16xf32>
      %add3A_1193 = arith.addf %add3A_1180, %abs3A_1192 : vector<16xf32>
      %get3A_1194 = arith.index_cast %add3A_1165 : i32 to index
      %get3A_1195 = arith.constant 32 : index
      %get3A_1196 = tpu.vector_load %arg11[%get3A_1194, %get3A_1195] {strides = array<i32>} : memref<256x128xf32, #tpu.memory_space<vmem>>, vector<16xf32>,
      %get3A_1197 = arith.index_cast %add3A_1165 : i32 to index
      %get3A_1198 = arith.constant 32 : index
      %get3A_1199 = tpu.vector_load %arg12[%get3A_1197, %get3A_1198] {strides = array<i32>} : memref<256x128xf32, #tpu.memory_space<vmem>>, vector<16xf32>,
      %get3A_1200 = arith.index_cast %add3A_1165 : i32 to index
      %get3A_1201 = arith.constant 32 : index
      %get3A_1202 = tpu.vector_load %arg13[%get3A_1200, %get3A_1201] {strides = array<i32>} : memref<256x128xf32, #tpu.memory_space<vmem>>, vector<16xf32>,
      %add3A_1203 = arith.addf %get3A_1196, %get3A_1199 : vector<16xf32>
      %sub3A_1204 = arith.subf %add3A_1203, %get3A_1202 : vector<16xf32>
      %abs3A_1205 = math.absf %sub3A_1204 : vector<16xf32>
      %add3A_1206 = arith.addf %add3A_1193, %abs3A_1205 : vector<16xf32>
      %get3A_1207 = arith.index_cast %add3A_1165 : i32 to index
      %get3A_1208 = arith.constant 48 : index
      %get3A_1209 = tpu.vector_load %arg11[%get3A_1207, %get3A_1208] {strides = array<i32>} : memref<256x128xf32, #tpu.memory_space<vmem>>, vector<16xf32>,
      %get3A_1210 = arith.index_cast %add3A_1165 : i32 to index
      %get3A_1211 = arith.constant 48 : index
      %get3A_1212 = tpu.vector_load %arg12[%get3A_1210, %get3A_1211] {strides = array<i32>} : memref<256x128xf32, #tpu.memory_space<vmem>>, vector<16xf32>,
      %get3A_1213 = arith.index_cast %add3A_1165 : i32 to index
      %get3A_1214 = arith.constant 48 : index
      %get3A_1215 = tpu.vector_load %arg13[%get3A_1213, %get3A_1214] {strides = array<i32>} : memref<256x128xf32, #tpu.memory_space<vmem>>, vector<16xf32>,
      %add3A_1216 = arith.addf %get3A_1209, %get3A_1212 : vector<16xf32>
      %sub3A_1217 = arith.subf %add3A_1216, %get3A_1215 : vector<16xf32>
      %abs3A_1218 = math.absf %sub3A_1217 : vector<16xf32>
      %add3A_1219 = arith.addf %add3A_1206, %abs3A_1218 : vector<16xf32>
      %reduce_sum3A_1220 = arith.constant true
      %reduce_sum3A_1221 = vector.broadcast %reduce_sum3A_1220 : i1 to vector<16xi1>
      %reduce_sum3A_1222 = tpu.scan <sum>, %add3A_1219 masked %reduce_sum3A_1221 : vector<16xf32>, vector<16xi1> -> vector<16xf32>
      %reduce_sum3A_1223 = vector.extract %reduce_sum3A_1222[15] : f32 from vector<16xf32>
      %eq3A_1224 = arith.constant 13 : i32
      %eq3A_1225 = vector.broadcast %eq3A_1224 : i32 to vector<16xi32>
      %eq3A_1226 = arith.cmpi eq, %iota3A, %eq3A_1225 : vector<16xi32>
      %broadcast_in_dim3A_1227 = vector.broadcast %reduce_sum3A_1223 : f32 to vector<16xf32>
      %select_n3A_1228 = arith.select %eq3A_1226, %broadcast_in_dim3A_1227, %select_n3A_1161 : vector<16xi1>, vector<16xf32>
      %mul3A_1229 = arith.constant 16 : i32
      %mul3A_1230 = arith.muli %scan3A_295, %mul3A_1229 : i32
      %add3A_1231 = arith.constant 14 : i32
      %add3A_1232 = arith.addi %mul3A_1230, %add3A_1231 : i32
      %broadcast_in_dim3A_1233 = arith.constant 0.000000e+00 : f32
      %broadcast_in_dim3A_1234 = vector.broadcast %broadcast_in_dim3A_1233 : f32 to vector<16xf32>
      %get3A_1235 = arith.index_cast %add3A_1232 : i32 to index
      %get3A_1236 = arith.constant 0 : index
      %get3A_1237 = tpu.vector_load %arg11[%get3A_1235, %get3A_1236] {strides = array<i32>} : memref<256x128xf32, #tpu.memory_space<vmem>>, vector<16xf32>,
      %get3A_1238 = arith.index_cast %add3A_1232 : i32 to index
      %get3A_1239 = arith.constant 0 : index
      %get3A_1240 = tpu.vector_load %arg12[%get3A_1238, %get3A_1239] {strides = array<i32>} : memref<256x128xf32, #tpu.memory_space<vmem>>, vector<16xf32>,
      %get3A_1241 = arith.index_cast %add3A_1232 : i32 to index
      %get3A_1242 = arith.constant 0 : index
      %get3A_1243 = tpu.vector_load %arg13[%get3A_1241, %get3A_1242] {strides = array<i32>} : memref<256x128xf32, #tpu.memory_space<vmem>>, vector<16xf32>,
      %add3A_1244 = arith.addf %get3A_1237, %get3A_1240 : vector<16xf32>
      %sub3A_1245 = arith.subf %add3A_1244, %get3A_1243 : vector<16xf32>
      %abs3A_1246 = math.absf %sub3A_1245 : vector<16xf32>
      %add3A_1247 = arith.addf %broadcast_in_dim3A_1234, %abs3A_1246 : vector<16xf32>
      %get3A_1248 = arith.index_cast %add3A_1232 : i32 to index
      %get3A_1249 = arith.constant 16 : index
      %get3A_1250 = tpu.vector_load %arg11[%get3A_1248, %get3A_1249] {strides = array<i32>} : memref<256x128xf32, #tpu.memory_space<vmem>>, vector<16xf32>,
      %get3A_1251 = arith.index_cast %add3A_1232 : i32 to index
      %get3A_1252 = arith.constant 16 : index
      %get3A_1253 = tpu.vector_load %arg12[%get3A_1251, %get3A_1252] {strides = array<i32>} : memref<256x128xf32, #tpu.memory_space<vmem>>, vector<16xf32>,
      %get3A_1254 = arith.index_cast %add3A_1232 : i32 to index
      %get3A_1255 = arith.constant 16 : index
      %get3A_1256 = tpu.vector_load %arg13[%get3A_1254, %get3A_1255] {strides = array<i32>} : memref<256x128xf32, #tpu.memory_space<vmem>>, vector<16xf32>,
      %add3A_1257 = arith.addf %get3A_1250, %get3A_1253 : vector<16xf32>
      %sub3A_1258 = arith.subf %add3A_1257, %get3A_1256 : vector<16xf32>
      %abs3A_1259 = math.absf %sub3A_1258 : vector<16xf32>
      %add3A_1260 = arith.addf %add3A_1247, %abs3A_1259 : vector<16xf32>
      %get3A_1261 = arith.index_cast %add3A_1232 : i32 to index
      %get3A_1262 = arith.constant 32 : index
      %get3A_1263 = tpu.vector_load %arg11[%get3A_1261, %get3A_1262] {strides = array<i32>} : memref<256x128xf32, #tpu.memory_space<vmem>>, vector<16xf32>,
      %get3A_1264 = arith.index_cast %add3A_1232 : i32 to index
      %get3A_1265 = arith.constant 32 : index
      %get3A_1266 = tpu.vector_load %arg12[%get3A_1264, %get3A_1265] {strides = array<i32>} : memref<256x128xf32, #tpu.memory_space<vmem>>, vector<16xf32>,
      %get3A_1267 = arith.index_cast %add3A_1232 : i32 to index
      %get3A_1268 = arith.constant 32 : index
      %get3A_1269 = tpu.vector_load %arg13[%get3A_1267, %get3A_1268] {strides = array<i32>} : memref<256x128xf32, #tpu.memory_space<vmem>>, vector<16xf32>,
      %add3A_1270 = arith.addf %get3A_1263, %get3A_1266 : vector<16xf32>
      %sub3A_1271 = arith.subf %add3A_1270, %get3A_1269 : vector<16xf32>
      %abs3A_1272 = math.absf %sub3A_1271 : vector<16xf32>
      %add3A_1273 = arith.addf %add3A_1260, %abs3A_1272 : vector<16xf32>
      %get3A_1274 = arith.index_cast %add3A_1232 : i32 to index
      %get3A_1275 = arith.constant 48 : index
      %get3A_1276 = tpu.vector_load %arg11[%get3A_1274, %get3A_1275] {strides = array<i32>} : memref<256x128xf32, #tpu.memory_space<vmem>>, vector<16xf32>,
      %get3A_1277 = arith.index_cast %add3A_1232 : i32 to index
      %get3A_1278 = arith.constant 48 : index
      %get3A_1279 = tpu.vector_load %arg12[%get3A_1277, %get3A_1278] {strides = array<i32>} : memref<256x128xf32, #tpu.memory_space<vmem>>, vector<16xf32>,
      %get3A_1280 = arith.index_cast %add3A_1232 : i32 to index
      %get3A_1281 = arith.constant 48 : index
      %get3A_1282 = tpu.vector_load %arg13[%get3A_1280, %get3A_1281] {strides = array<i32>} : memref<256x128xf32, #tpu.memory_space<vmem>>, vector<16xf32>,
      %add3A_1283 = arith.addf %get3A_1276, %get3A_1279 : vector<16xf32>
      %sub3A_1284 = arith.subf %add3A_1283, %get3A_1282 : vector<16xf32>
      %abs3A_1285 = math.absf %sub3A_1284 : vector<16xf32>
      %add3A_1286 = arith.addf %add3A_1273, %abs3A_1285 : vector<16xf32>
      %reduce_sum3A_1287 = arith.constant true
      %reduce_sum3A_1288 = vector.broadcast %reduce_sum3A_1287 : i1 to vector<16xi1>
      %reduce_sum3A_1289 = tpu.scan <sum>, %add3A_1286 masked %reduce_sum3A_1288 : vector<16xf32>, vector<16xi1> -> vector<16xf32>
      %reduce_sum3A_1290 = vector.extract %reduce_sum3A_1289[15] : f32 from vector<16xf32>
      %eq3A_1291 = arith.constant 14 : i32
      %eq3A_1292 = vector.broadcast %eq3A_1291 : i32 to vector<16xi32>
      %eq3A_1293 = arith.cmpi eq, %iota3A, %eq3A_1292 : vector<16xi32>
      %broadcast_in_dim3A_1294 = vector.broadcast %reduce_sum3A_1290 : f32 to vector<16xf32>
      %select_n3A_1295 = arith.select %eq3A_1293, %broadcast_in_dim3A_1294, %select_n3A_1228 : vector<16xi1>, vector<16xf32>
      %mul3A_1296 = arith.constant 16 : i32
      %mul3A_1297 = arith.muli %scan3A_295, %mul3A_1296 : i32
      %add3A_1298 = arith.constant 15 : i32
      %add3A_1299 = arith.addi %mul3A_1297, %add3A_1298 : i32
      %broadcast_in_dim3A_1300 = arith.constant 0.000000e+00 : f32
      %broadcast_in_dim3A_1301 = vector.broadcast %broadcast_in_dim3A_1300 : f32 to vector<16xf32>
      %get3A_1302 = arith.index_cast %add3A_1299 : i32 to index
      %get3A_1303 = arith.constant 0 : index
      %get3A_1304 = tpu.vector_load %arg11[%get3A_1302, %get3A_1303] {strides = array<i32>} : memref<256x128xf32, #tpu.memory_space<vmem>>, vector<16xf32>,
      %get3A_1305 = arith.index_cast %add3A_1299 : i32 to index
      %get3A_1306 = arith.constant 0 : index
      %get3A_1307 = tpu.vector_load %arg12[%get3A_1305, %get3A_1306] {strides = array<i32>} : memref<256x128xf32, #tpu.memory_space<vmem>>, vector<16xf32>,
      %get3A_1308 = arith.index_cast %add3A_1299 : i32 to index
      %get3A_1309 = arith.constant 0 : index
      %get3A_1310 = tpu.vector_load %arg13[%get3A_1308, %get3A_1309] {strides = array<i32>} : memref<256x128xf32, #tpu.memory_space<vmem>>, vector<16xf32>,
      %add3A_1311 = arith.addf %get3A_1304, %get3A_1307 : vector<16xf32>
      %sub3A_1312 = arith.subf %add3A_1311, %get3A_1310 : vector<16xf32>
      %abs3A_1313 = math.absf %sub3A_1312 : vector<16xf32>
      %add3A_1314 = arith.addf %broadcast_in_dim3A_1301, %abs3A_1313 : vector<16xf32>
      %get3A_1315 = arith.index_cast %add3A_1299 : i32 to index
      %get3A_1316 = arith.constant 16 : index
      %get3A_1317 = tpu.vector_load %arg11[%get3A_1315, %get3A_1316] {strides = array<i32>} : memref<256x128xf32, #tpu.memory_space<vmem>>, vector<16xf32>,
      %get3A_1318 = arith.index_cast %add3A_1299 : i32 to index
      %get3A_1319 = arith.constant 16 : index
      %get3A_1320 = tpu.vector_load %arg12[%get3A_1318, %get3A_1319] {strides = array<i32>} : memref<256x128xf32, #tpu.memory_space<vmem>>, vector<16xf32>,
      %get3A_1321 = arith.index_cast %add3A_1299 : i32 to index
      %get3A_1322 = arith.constant 16 : index
      %get3A_1323 = tpu.vector_load %arg13[%get3A_1321, %get3A_1322] {strides = array<i32>} : memref<256x128xf32, #tpu.memory_space<vmem>>, vector<16xf32>,
      %add3A_1324 = arith.addf %get3A_1317, %get3A_1320 : vector<16xf32>
      %sub3A_1325 = arith.subf %add3A_1324, %get3A_1323 : vector<16xf32>
      %abs3A_1326 = math.absf %sub3A_1325 : vector<16xf32>
      %add3A_1327 = arith.addf %add3A_1314, %abs3A_1326 : vector<16xf32>
      %get3A_1328 = arith.index_cast %add3A_1299 : i32 to index
      %get3A_1329 = arith.constant 32 : index
      %get3A_1330 = tpu.vector_load %arg11[%get3A_1328, %get3A_1329] {strides = array<i32>} : memref<256x128xf32, #tpu.memory_space<vmem>>, vector<16xf32>,
      %get3A_1331 = arith.index_cast %add3A_1299 : i32 to index
      %get3A_1332 = arith.constant 32 : index
      %get3A_1333 = tpu.vector_load %arg12[%get3A_1331, %get3A_1332] {strides = array<i32>} : memref<256x128xf32, #tpu.memory_space<vmem>>, vector<16xf32>,
      %get3A_1334 = arith.index_cast %add3A_1299 : i32 to index
      %get3A_1335 = arith.constant 32 : index
      %get3A_1336 = tpu.vector_load %arg13[%get3A_1334, %get3A_1335] {strides = array<i32>} : memref<256x128xf32, #tpu.memory_space<vmem>>, vector<16xf32>,
      %add3A_1337 = arith.addf %get3A_1330, %get3A_1333 : vector<16xf32>
      %sub3A_1338 = arith.subf %add3A_1337, %get3A_1336 : vector<16xf32>
      %abs3A_1339 = math.absf %sub3A_1338 : vector<16xf32>
      %add3A_1340 = arith.addf %add3A_1327, %abs3A_1339 : vector<16xf32>
      %get3A_1341 = arith.index_cast %add3A_1299 : i32 to index
      %get3A_1342 = arith.constant 48 : index
      %get3A_1343 = tpu.vector_load %arg11[%get3A_1341, %get3A_1342] {strides = array<i32>} : memref<256x128xf32, #tpu.memory_space<vmem>>, vector<16xf32>,
      %get3A_1344 = arith.index_cast %add3A_1299 : i32 to index
      %get3A_1345 = arith.constant 48 : index
      %get3A_1346 = tpu.vector_load %arg12[%get3A_1344, %get3A_1345] {strides = array<i32>} : memref<256x128xf32, #tpu.memory_space<vmem>>, vector<16xf32>,
      %get3A_1347 = arith.index_cast %add3A_1299 : i32 to index
      %get3A_1348 = arith.constant 48 : index
      %get3A_1349 = tpu.vector_load %arg13[%get3A_1347, %get3A_1348] {strides = array<i32>} : memref<256x128xf32, #tpu.memory_space<vmem>>, vector<16xf32>,
      %add3A_1350 = arith.addf %get3A_1343, %get3A_1346 : vector<16xf32>
      %sub3A_1351 = arith.subf %add3A_1350, %get3A_1349 : vector<16xf32>
      %abs3A_1352 = math.absf %sub3A_1351 : vector<16xf32>
      %add3A_1353 = arith.addf %add3A_1340, %abs3A_1352 : vector<16xf32>
      %reduce_sum3A_1354 = arith.constant true
      %reduce_sum3A_1355 = vector.broadcast %reduce_sum3A_1354 : i1 to vector<16xi1>
      %reduce_sum3A_1356 = tpu.scan <sum>, %add3A_1353 masked %reduce_sum3A_1355 : vector<16xf32>, vector<16xi1> -> vector<16xf32>
      %reduce_sum3A_1357 = vector.extract %reduce_sum3A_1356[15] : f32 from vector<16xf32>
      %eq3A_1358 = arith.constant 15 : i32
      %eq3A_1359 = vector.broadcast %eq3A_1358 : i32 to vector<16xi32>
      %eq3A_1360 = arith.cmpi eq, %iota3A, %eq3A_1359 : vector<16xi32>
      %broadcast_in_dim3A_1361 = vector.broadcast %reduce_sum3A_1357 : f32 to vector<16xf32>
      %select_n3A_1362 = arith.select %eq3A_1360, %broadcast_in_dim3A_1361, %select_n3A_1295 : vector<16xi1>, vector<16xf32>
      %mul3A_1363 = arith.constant 16 : i32
      %mul3A_1364 = arith.muli %scan3A_295, %mul3A_1363 : i32
      %add3A_1365 = arith.constant 256 : i32
      %add3A_1366 = arith.addi %add3A_1365, %mul3A_1364 : i32
      %swap3A = arith.index_cast %add3A_1366 : i32 to index
      %swap3A_1367 = tpu.vector_load %arg14[%swap3A] {strides = array<i32>} : memref<512xf32, #tpu.memory_space<vmem>>, vector<16xf32>,
      tpu.vector_store %arg14[%swap3A], %select_n3A_1362 {strides = array<i32>} : memref<512xf32, #tpu.memory_space<vmem>>, vector<16xf32>,
    }
    %scan3A_292 = arith.constant 16 : i32
    %mul3A_293 = arith.constant 512 : i32
    %mul3A_294 = arith.muli %add3A, %mul3A_293 : i32
    "tpu.region"() ({
      %run_scoped3A_295 = tpu.sem_alloc : memref<!tpu.dma_semaphore, #tpu.memory_space<semaphore_mem>>
      %dma_start3A_296 = tpu.memref_slice %arg7[%mul3A_294] : memref<16384xf32, #tpu.memory_space<hbm>> -> memref<512xf32, #tpu.memory_space<hbm>>
      %dma_start3A_297 = tpu.memref_slice %arg7[%mul3A_294] : memref<16384xf32, #tpu.memory_space<hbm>> -> memref<512xf32, #tpu.memory_space<hbm>>
      tpu.enqueue_dma source(%arg14 : memref<512xf32, #tpu.memory_space<vmem>>) target(%dma_start3A_297 : memref<512xf32, #tpu.memory_space<hbm>>) target_semaphore(%run_scoped3A_295 : memref<!tpu.dma_semaphore, #tpu.memory_space<semaphore_mem>>)
      %dma_wait3A_298 = tpu.memref_slice %arg7[%mul3A_294] : memref<16384xf32, #tpu.memory_space<hbm>> -> memref<512xf32, #tpu.memory_space<hbm>>
      %dma_wait3A_299 = tpu.memref_slice %arg7[%mul3A_294] : memref<16384xf32, #tpu.memory_space<hbm>> -> memref<512xf32, #tpu.memory_space<hbm>>
      tpu.wait_dma2 semaphore(%run_scoped3A_295 : memref<!tpu.dma_semaphore, #tpu.memory_space<semaphore_mem>>) src(%arg14 : memref<512xf32, #tpu.memory_space<vmem>>) dst(%dma_wait3A_299 : memref<512xf32, #tpu.memory_space<hbm>>)
      tpu.yield
    }) : () -> ()
    return
  }
}

</mosaic_0001>

<sc_bundles>
// kernel: _run.3.cloned.1.call-start
scs
__scs_entry_jumppad:
0x0: {  	(pc) =	sbr.rel $0x88, $3  }
0x1: {  	(tag) =	ssettag $0x0;
	lr =	simm.s32 $0x1  }
0x2: {  	[smem:$0x3F9C] =	sst lr;
	_ =	strace $0xD0000000  }
0x3: {  	_ = 	snop  }
0x4: {  	_ = 	snop  }
0x5: {  	_ = 	snop  }
0x6: {  	_ = 	snop  }
0x7: {  	_ = 	snop  }
__scs_overlays_trampoline_lowered:
0x8: {  	[smem:$0x3FAB] =	sst s0  }
0x9: {  	[smem:$0x3FAC] =	sst s1  }
0xa: {  	[smem:$0x3FAD] =	sst s2  }
0xb: {  	[smem:$0x3FAE] =	sst s3  }
0xc: {  	[smem:$0x3FAF] =	sst s4  }
0xd: {  	[smem:$0x3FB0] =	sst s5  }
0xe: {  	[smem:$0x3FB1] =	sst s6  }
0xf: {  	[smem:$0x3FB2] =	sst s7  }
0x10: {  	[smem:$0x3FB3] =	sst s8  }
0x11: {  	[smem:$0x3FB4] =	sst s9;
	s0 =	simm.s32 @!p0 $0x0  }
0x12: {  	s1 =	sld [smem:$0x3F9A];
	s0 =	simm.s32 @p0 $0x1  }
0x13: {  	[smem:$0x3FB5] =	sst s0;
	s0 =	simm.s32 @!p1 $0x0  }
0x14: {  	s2 =	sld [smem:$0x3F99];
	s0 =	simm.s32 @p1 $0x1  }
0x15: {  	[smem:$0x3FB6] =	sst s0;
	s0 =	simm.s32 @!p2 $0x0  }
0x16: {  	s3 =	sld [smem:$0x3FDB];
	s0 =	simm.s32 @p2 $0x1  }
0x17: {  	s4 =	simm.s32 $0x1BF5;
	[smem:$0x3FB8] =	sst s0  }
0x18: {  	s0 =	sld [smem:$0x3F9B];
	_ =	swait.ge [sflag:s4], $0x0  }
0x19: {  	s7 =	sld [smem:$0x3F9C]  }
0x1a: {  	s8 =	sadd.s32 $0xFFFFE003, lr  }
0x1b: {  	s9 =	sadd.s32 $0xFFFFFEF7, lr;
	s5 =	simm.s32 $0xFFFFFFFF;
	p2 =	slt.u32 s8, $0xFFFFF086  }
0x1c: {  	p1 =	slt.u32 s9, $0xF7A;
	s5 =	simm.s32 @!p2 $0x0  }
0x1d: {  	s5 =	simm.s32 @p1 $0x1;
	p0 =	seq.s32 s7, s2  }
0x1e: {  	s7 =	smul.u32 @!p0 $0xF7A, s2;
	p2 =	seq.s32 @!p0 s5, $0x0  }
0x1f: {  	s9 =	smul.u32 $0xF7A, s1;
	s8 =	simm.s32 @!p0 $0x1BF5;
	p2 =	por !p2, p0  }
0x20: {  	[sflag:s8] =	ssyncset.s32 @!p0 $0xFFFFF086;
	s6 =	sadd.s32 @!p0 s3, s7;
	s7 =	simm.s32 @!p0 $0x108  }
0x21: {  	s3 =	sadd.s32 s3, s9;
	s6 =	sadd.s32 @!p0 $0x88, s6;
	s7 =	simm.s32 @p2 $0x1082  }
0x22: {  	[simem:s7], [sflag:s8] =	dma.local @!p0 [hbm:s6], $0xF7A  }
0x23: {  	s9 =	sor.u32 $0xD0000000, s2;
	s6 =	simm.s32 $0x108;
	_ =	swait.ge @!p0 [sflag:s8], $0x0  }
0x24: {  	s3 =	sadd.s32 $0x88, s3;
	s6 =	simm.s32 @!p1 $0x1082;
	[sflag:s4] =	ssyncset.s32 $0xFFFFF086  }
0x25: {  	[simem:s6], [sflag:s4] =	dma.local [hbm:s3], $0xF7A  }
0x26: {  	[smem:$0x3F9C] =	sst s1;
	(tag) =	ssettag s2;
	_ =	strace s9  }
0x27: {  	s1 =	sld [smem:$0x3FAC]  }
0x28: {  	s2 =	sld [smem:$0x3FAD]  }
0x29: {  	s4 =	sld [smem:$0x3FAF]  }
0x2a: {  	p0 =	seq.s32 s5, $0x0;
	s5 =	sld [smem:$0x3FB0]  }
0x2b: {  	s6 =	sld [smem:$0x3FB1]  }
0x2c: {  	s7 =	sld [smem:$0x3FB2]  }
0x2d: {  	s3 =	simm.s32 $0x108;
	s8 =	sld [smem:$0x3FB3]  }
0x2e: {  	s3 =	simm.s32 @!p0 $0x1082;
	s9 =	sld [smem:$0x3FB4]  }
0x2f: {  	lr =	sadd.s32 s0, s3;
	s0 =	sld [smem:$0x3FAB]  }
0x30: {  	s3 =	sld [smem:$0x3FAE]  }
0x31: {  	[smem:$0x3FB7] =	sst s10  }
0x32: {  	s10 =	sld [smem:$0x3FB5];
	_ =	sdelay $0x3  }
0x33: {  	p0 =	seq.s32 s10, $0x1;
	s10 =	sld [smem:$0x3FB7];
	_ =	sdelay $0x3  }
0x34: {  	[smem:$0x3FB7] =	sst s10  }
0x35: {  	s10 =	sld [smem:$0x3FB6];
	_ =	sdelay $0x3  }
0x36: {  	p1 =	seq.s32 s10, $0x1;
	s10 =	sld [smem:$0x3FB7];
	_ =	sdelay $0x3  }
0x37: {  	[smem:$0x3FB7] =	sst s10  }
0x38: {  	s10 =	sld [smem:$0x3FB8]  }
0x39: {  	_ = 	snop;
	(pc) =	sbr.ind lr, $3  }
0x3a: {  	_ = 	snop  }
0x3b: {  	_ = 	snop  }
0x3c: {  	p2 =	seq.s32 s10, $0x1;
	s10 =	sld [smem:$0x3FB7]  }
0x3d: {  	_ =	shalt  }
0x3e: {  	_ =	shalt  }
0x3f: {  	_ =	shalt  }
0x40: {  	_ =	shalt  }
0x41: {  	_ =	shalt  }
0x42: {  	_ =	shalt  }
0x43: {  	_ =	shalt  }
0x44: {  	_ =	shalt  }
0x45: {  	_ =	shalt  }
0x46: {  	_ =	shalt  }
0x47: {  	_ =	shalt  }
0x48: {  	_ =	shalt  }
0x49: {  	_ =	shalt  }
0x4a: {  	_ =	shalt  }
0x4b: {  	_ =	shalt  }
0x4c: {  	_ =	shalt  }
0x4d: {  	_ =	shalt  }
0x4e: {  	_ =	shalt  }
0x4f: {  	_ =	shalt  }
0x50: {  	_ =	shalt  }
0x51: {  	_ =	shalt  }
0x52: {  	_ =	shalt  }
0x53: {  	_ =	shalt  }
0x54: {  	_ =	shalt  }
0x55: {  	_ =	shalt  }
0x56: {  	_ =	shalt  }
0x57: {  	_ =	shalt  }
0x58: {  	_ =	shalt  }
0x59: {  	_ =	shalt  }
0x5a: {  	_ =	shalt  }
0x5b: {  	_ =	shalt  }
0x5c: {  	_ =	shalt  }
0x5d: {  	_ =	shalt  }
0x5e: {  	_ =	shalt  }
0x5f: {  	_ =	shalt  }
0x60: {  	_ =	shalt  }
0x61: {  	_ =	shalt  }
0x62: {  	_ =	shalt  }
0x63: {  	_ =	shalt  }
0x64: {  	_ =	shalt  }
0x65: {  	_ =	shalt  }
0x66: {  	_ =	shalt  }
0x67: {  	_ =	shalt  }
0x68: {  	_ =	shalt  }
0x69: {  	_ =	shalt  }
0x6a: {  	_ =	shalt  }
0x6b: {  	_ =	shalt  }
0x6c: {  	_ =	shalt  }
0x6d: {  	_ =	shalt  }
0x6e: {  	_ =	shalt  }
0x6f: {  	_ =	shalt  }
0x70: {  	_ =	shalt  }
0x71: {  	_ =	shalt  }
0x72: {  	_ =	shalt  }
0x73: {  	_ =	shalt  }
0x74: {  	_ =	shalt  }
0x75: {  	_ =	shalt  }
0x76: {  	_ =	shalt  }
0x77: {  	_ =	shalt  }
0x78: {  	_ =	shalt  }
0x79: {  	_ =	shalt  }
0x7a: {  	_ =	shalt  }
0x7b: {  	_ =	shalt  }
0x7c: {  	_ =	shalt  }
0x7d: {  	_ =	shalt  }
0x7e: {  	_ =	shalt  }
0x7f: {  	_ =	shalt  }
0x80: {  	_ =	shalt  }
0x81: {  	_ =	shalt  }
0x82: {  	_ =	shalt  }
0x83: {  	_ =	shalt  }
0x84: {  	_ =	shalt  }
0x85: {  	_ =	shalt  }
0x86: {  	_ =	shalt  }
0x87: {  	_ =	shalt  }
.Lfunc_end0:
.L_simem_size_0:
called_computation_lowered:
.L_overlay_start_0:
0x88: {  	s2 =	sld [smem:$0x3FD9]  }
0x89: {  	s3 =	sld [smem:$0x3FFE];
	_ =	sdelay $0x1  }
0x8a: {  	s1 =	srdreg.scid  }
0x8b: {  	s0 =	sand.u32 $0x1, s1  }
0x8c: {  	s17 =	sshll.u32 s0, $0xA;
	s2 =	sadd.s32 s3, s2  }
0x8d: {  	s2 =	sadd.s32 s2, s17  }
0x8e: {  	[smem:$0x3FC3] =	sst s2  }
0x8f: {  	_ = 	snop  }
0x90: {  	s2 =	sld [smem:$0x3FC9]  }
0x91: {  	s18 =	sld [smem:$0x3FC8]  }
0x92: {  	s4 =	sld [smem:$0x3FC7]  }
0x93: {  	s5 =	sld [smem:$0x3FD0];
	(tm) =	ssettm $0x1  }
0x94: {  	s6 =	sld [smem:$0x3FFB];
	_ =	sdelay $0x3  }
0x95: {  	_ =	strace s6  }
0x96: {  	s6 =	sld [smem:$0x3FFC];
	_ =	sdelay $0x3  }
0x97: {  	_ =	strace s6  }
0x98: {  	s6 =	sld [smem:$0x3FFD];
	_ =	sdelay $0x3  }
0x99: {  	_ =	strace s6  }
0x9a: {  	_ =	strace $0x8FFFFFFF  }
0x9b: {  	s19 =	sld [smem:$0x3FDB];
	_ =	sdelay $0x1  }
0x9c: {  	s7 =	simm.s32 $_scs_section_size  }
0x9d: {  	s8 =	simm.s32 $_size__tile_overlayer_lowered;
	s9 =	simm.s32 $_tile_overlayer_lowered  }
0x9e: {  	s22 =	simm.s32 $0x1BFF;
	s21 =	sshll.u32 s9, $0x1;
	s6 =	sadd.s32 s7, s19  }
0x9f: {  	s10 =	simm.s32 $0x0;
	s20 =	sshll.u32 s8, $0x1;
	s8 =	sadd.s32 s21, s6  }
0xa0: {  	[timem:s10], [sflag:s22] =	dma.local [hbm:s8], s20  }
0xa1: {  	_ =	swait.ge [sflag:s22], s20  }
0xa2: {  	s7 =	ssub.s32 $0x0, s20;
	[sflag:s22] =	ssyncset.done $0x0  }
0xa3: {  	[sflag:s22] =	ssyncadd.s32 s7;
	_ =	sdelay $0x1  }
0xa4: {  	s23 =	simm.s32 $0x1B8B  }
0xa5: {  	_ =	swait.ge [sflag:s23], $0x1  }
0xa6: {  	[sflag:s23] =	ssyncset.done $0x0  }
0xa7: {  	s25 =	simm.s32 $0x1B8E;
	s24 =	sld [smem:$0x3FFE];
	[sflag:s23] =	ssyncadd.s32 $0xFFFFFFFF  }
0xa8: {  	s26 =	simm.s32 $execute0_lowered;
	[smem:$0x3FD2] =	sst s25  }
0xa9: {  	s8 =	sshll.u32 s26, $0x1;
	_ =	strace $0x80000046;
	[dreg:$0x1] =	wrdreg $0xFFFFFFFF  }
0xaa: {  	s28 =	simm.s32 $_size_execute0_lowered;
	s6 =	sadd.s32 s6, s8;
	[dreg:$0x0] =	wrdreg $0x0  }
0xab: {  	s8 =	sshll.u32 s28, $0x1;
	[dreg:$0x2] =	wrdreg s6  }
0xac: {  	[dreg:$0x3] =	wrdreg s8  }
0xad: {  	[dreg:$0x4] =	wrdreg $0xC0  }
0xae: {  	_ =	task [dreg:s10], $0x5FFFF  }
0xaf: {  	[dreg:$0x1] =	wrdreg $0xFFFFFFFF  }
0xb0: {  	[dreg:$0x0] =	wrdreg $0x60  }
0xb1: {  	[dreg:$0x2] =	wrdreg s2  }
0xb2: {  	[dreg:$0x3] =	wrdreg s18  }
0xb3: {  	[dreg:$0x4] =	wrdreg s4  }
0xb4: {  	[dreg:$0x5] =	wrdreg s24  }
0xb5: {  	[dreg:$0x6] =	wrdreg s5  }
0xb6: {  	[dreg:$0x7] =	wrdreg $0x9  }
0xb7: {  	_ =	task.clear_ibuf [dreg:s10], $0x8FFFF;
	_ =	strace $0x90000046  }
0xb8: {  	s29 =	simm.s32 $0x9;
	_ =	strace $0x80000048  }
0xb9: {  	_ =	swait.ge [sflag:s29], $0x1  }
0xba: {  	[sflag:s29] =	ssyncadd.s32 $0xFFFFFFFF  }
0xbb: {  	_ =	strace $0x90000048  }
0xbc: {  	_ =	sfence  }
0xbd: {  	s30 =	sld [smem:$0x0];
	_ =	sdelay $0x2  }
0xbe: {  	s31 =	sshll.u32 s1, $0xD;
	s1 =	sshrl.u32 s1, $0x2  }
0xbf: {  	s3 =	sand.u32 $0x4000, s31;
	s1 =	sadd.s32 s1, s30  }
0xc0: {  	s0 =	sor.u32 s3, s0;
	s1 =	sshll.u32 s1, $0x11  }
0xc1: {  	s0 =	sor.u32 s1, s0  }
0xc2: {  	s0 =	sadd.s32 $0x8F2B, s0  }
0xc3: {  	[sflag:s0] =	ssyncadd.remote.s32 $0x1  }
0xc4: {  	_ =	sfence.sel $0xFFFF  }
0xc5: {  	[dreg:$0x0] =	wrdreg $0xFFFFFFFF;
	(pc) =	sbr.abs _section_cstart, $3  }
0xc6: {  	[dreg:$0x1] =	wrdreg $0xFFFFFFFF  }
0xc7: {  	_ =	task.clear_ibuf [dreg:s10], $0x2FFFF;
	_ =	strace $0x9FFFFFFF  }
0xc8: {  	(tm) =	ssettm $0x7FFFFFFF  }
0xc9: {  	_ =	shalt  }
tec
execute0_lowered:
.L_overlay_start_1:
0x0: {  	(tag) =	ssettag $0x1  }
0x1: {  	s0 =	rddreg [dreg:$0x0]  }
0x2: {  	s2 =	rddreg [dreg:$0x1]  }
0x3: {  	s16 =	rddreg [dreg:$0x2]  }
0x4: {  	s4 =	rddreg [dreg:$0x3]  }
0x5: {  	s17 =	rddreg [dreg:$0x4];
	s1 =	simm.s32 $0x0;
	s5 =	srdreg.scid  }
0x6: {  	s7 =	stileid.u32;
	s21 =	simm.s32 $0x200;
	s22 =	simm.s32 $0x80  }
0x7: {  	s23 =	simm.s32 $0x180;
	s24 =	simm.s32 $0x280;
	s30 =	simm.s32 $0x8300  }
0x8: {  	s31 =	simm.s32 $0x10300;
	s28 =	simm.s32 $0x18300;
	s25 =	simm.s32 $0x0  }
0x9: {  	[smem:$0x7FF] =	sst s1;
	s3 =	sadd.s32 $0xF46C00, s4;
	s5 =	sand.u32 $0x1, s5  }
0xa: {  	s7 =	sshll.u32 s7, $0x7;
	s6 =	ssub.s32 $0x2, s5;
	s5 =	sshll.u32 s5, $0x6  }
0xb: {  	s4 =	sadd.s32 $0x800, s4;
	s8 =	sshrl.u32 s6, $0x1;
	s18 =	sor.u32 s5, s7  }
0xc: {  	_ =	strace $0x80000047;
	s19 =	ssub.s32 s6, s8;
	s5 =	sadd.s32 s0, s18  }
0xd: {  	s10 =	sor.u32 $0x10, s18;
	s6 =	sadd.s32 s2, s18;
	s7 =	sadd.s32 s16, s18  }
0xe: {  	s13 =	sor.u32 $0x20, s18;
	s20 =	sor.u32 $0x30, s18;
	s17 =	sadd.s32 s17, s18  }
0xf: {  	vm0 =	vmmov $0x1;
	vm1 =	vmmov $0x3;
	vm2 =	vmmov $0x7;
	[dreg:$0x6] =	wrdreg s5;
	s8 =	sadd.s32 s0, s10;
	s9 =	sadd.s32 s2, s10  }
0x10: {  	vm3 =	vmmov $0xf;
	vm4 =	vmmov $0x1f;
	vm5 =	vmmov $0x3f;
	s10 =	sadd.s32 s16, s10;
	s11 =	sadd.s32 s0, s13;
	s12 =	sadd.s32 s2, s13  }
0x11: {  	vm6 =	vmmov $0x7f;
	vm7 =	vmmov $0xff;
	vm8 =	vmmov $0x1ff;
	s13 =	sadd.s32 s16, s13;
	s14 =	sadd.s32 s0, s20;
	s15 =	sadd.s32 s2, s20  }
0x12: {  	vm9 =	vmmov $0x3ff;
	vm10 =	vmmov $0x7ff;
	vm11 =	vmmov $0xfff;
	s16 =	sadd.s32 s16, s20;
	s18 =	smax.u32 s19, $0x1;
	s19 =	simm.s32 $0x2  }
0x13: {  	vm12 =	vmmov $0x1fff;
	vm13 =	vmmov $0x3fff;
	vm14 =	vmmov $0x7fff;
	s20 =	simm.s32 $0x100;
	s5 =	simm.s32 $0x300;
	s0 =	simm.s32 $0x1  }
.LBB2_1:
0x14: {  	s2 =	rddreg [dreg:$0x6]  }
0x15: {  	[tilespmem:s1], [sflag:$0x2] =	stream.linear.gather [hbm4b:s2+s1], $0x80, $0x38;
	[tilespmem:$0x18500] =	vst v63  }
0x16: {  	_ =	swait.ge [sflag:s19], $0x80  }
0x17: {  	[sflag:s19] =	ssyncset.done $0x0  }
0x18: {  	[sflag:s19] =	ssyncadd.s32 $0xFFFFFF80  }
0x19: {  	[tilespmem:s20], [sflag:$0x2] =	stream.linear.gather [hbm4b:s6+s1], $0x80, $0x38;
	[tilespmem:$0x18500] =	vst v63  }
0x1a: {  	_ =	swait.ge [sflag:s19], $0x80  }
0x1b: {  	[sflag:s19] =	ssyncset.done $0x0  }
0x1c: {  	[sflag:s19] =	ssyncadd.s32 $0xFFFFFF80  }
0x1d: {  	[tilespmem:s21], [sflag:$0x2] =	stream.linear.gather [hbm4b:s7+s1], $0x80, $0x38;
	[tilespmem:$0x18500] =	vst v63  }
0x1e: {  	_ =	swait.ge [sflag:s19], $0x80  }
0x1f: {  	[sflag:s19] =	ssyncset.done $0x0  }
0x20: {  	[sflag:s19] =	ssyncadd.s32 $0xFFFFFF80  }
0x21: {  	[tilespmem:s22], [sflag:$0x2] =	stream.linear.gather [hbm4b:s8+s1], $0x80, $0x38;
	[tilespmem:$0x18500] =	vst v63  }
0x22: {  	_ =	swait.ge [sflag:s19], $0x80  }
0x23: {  	[sflag:s19] =	ssyncset.done $0x0  }
0x24: {  	[sflag:s19] =	ssyncadd.s32 $0xFFFFFF80  }
0x25: {  	[tilespmem:s23], [sflag:$0x2] =	stream.linear.gather [hbm4b:s9+s1], $0x80, $0x38;
	[tilespmem:$0x18500] =	vst v63  }
0x26: {  	_ =	swait.ge [sflag:s19], $0x80  }
0x27: {  	[sflag:s19] =	ssyncset.done $0x0  }
0x28: {  	[sflag:s19] =	ssyncadd.s32 $0xFFFFFF80  }
0x29: {  	[tilespmem:s24], [sflag:$0x2] =	stream.linear.gather [hbm4b:s10+s1], $0x80, $0x38;
	[tilespmem:$0x18500] =	vst v63  }
0x2a: {  	_ =	swait.ge [sflag:s19], $0x80  }
0x2b: {  	[sflag:s19] =	ssyncset.done $0x0  }
0x2c: {  	[sflag:s19] =	ssyncadd.s32 $0xFFFFFF80  }
0x2d: {  	[tilespmem:s5], [sflag:$0x1] =	stream.indirect.gather [hbm4b:s3+s22], $0x80, s1, s22, $0xb8;
	[tilespmem:$0x18500] =	vst v63  }
0x2e: {  	_ = 	snop  }
0x2f: {  	[tilespmem:s30], [sflag:$0x1] =	stream.indirect.gather [hbm4b:s4+s22], $0x80, s20, s22, $0xb8;
	[tilespmem:$0x18500] =	vst v63  }
0x30: {  	_ = 	snop  }
0x31: {  	[tilespmem:s31], [sflag:$0x1] =	stream.indirect.gather [hbm4b:s3+s22], $0x80, s21, s22, $0xb8;
	[tilespmem:$0x18500] =	vst v63  }
0x32: {  	s26 =	simm.s32 $0x4300  }
0x33: {  	[tilespmem:s26], [sflag:$0x1] =	stream.indirect.gather [hbm4b:s3+s22], $0x80, s22, s22, $0xb8;
	[tilespmem:$0x18500] =	vst v63  }
0x34: {  	s26 =	simm.s32 $0xC300  }
0x35: {  	[tilespmem:s26], [sflag:$0x1] =	stream.indirect.gather [hbm4b:s4+s22], $0x80, s23, s22, $0xb8;
	[tilespmem:$0x18500] =	vst v63  }
0x36: {  	s26 =	simm.s32 $0x14300  }
0x37: {  	[tilespmem:s26], [sflag:$0x1] =	stream.indirect.gather [hbm4b:s3+s22], $0x80, s24, s22, $0xb8;
	[tilespmem:$0x18500] =	vst v63  }
0x38: {  	_ =	swait.ge [sflag:s0], $0x4000  }
0x39: {  	[sflag:s0] =	ssyncset.done $0x0  }
0x3a: {  	[sflag:s0] =	ssyncadd.s32 $0xFFFFC000  }
0x3b: {  	_ =	swait.ge [sflag:s0], $0x4000  }
0x3c: {  	[sflag:s0] =	ssyncset.done $0x0  }
0x3d: {  	[sflag:s0] =	ssyncadd.s32 $0xFFFFC000  }
0x3e: {  	_ =	swait.ge [sflag:s0], $0x4000  }
0x3f: {  	[sflag:s0] =	ssyncset.done $0x0  }
0x40: {  	[sflag:s0] =	ssyncadd.s32 $0xFFFFC000  }
0x41: {  	_ =	swait.ge [sflag:s0], $0x4000  }
0x42: {  	[sflag:s0] =	ssyncset.done $0x0  }
0x43: {  	[sflag:s0] =	ssyncadd.s32 $0xFFFFC000  }
0x44: {  	_ =	swait.ge [sflag:s0], $0x4000  }
0x45: {  	[sflag:s0] =	ssyncset.done $0x0  }
0x46: {  	[sflag:s0] =	ssyncadd.s32 $0xFFFFC000  }
0x47: {  	_ =	swait.ge [sflag:s0], $0x4000  }
0x48: {  	[sflag:s0] =	ssyncset.done $0x0  }
0x49: {  	s26 =	simm.s32 $0x0;
	[sflag:s0] =	ssyncadd.s32 $0xFFFFC000  }
0x4a: {  	v39 =	vld [tilespmem:s26+$0x10AB0]  }
0x4b: {  	v0 =	vld [tilespmem:s26+$0xAB0]  }
0x4c: {  	v45 =	vld [tilespmem:s26+$0x8AB0]  }
0x4d: {  	v46 =	vld [tilespmem:s26+$0x10A30]  }
0x4e: {  	v59 =	vld [tilespmem:s26+$0x10A80]  }
0x4f: {  	v17 =	vld [tilespmem:s26+$0xAA0]  }
0x50: {  	v16 =	vld [tilespmem:s26+$0x8AA0]  }
0x51: {  	v48 =	vld [tilespmem:s26+$0x10A20]  }
0x52: {  	v23 =	vld [tilespmem:s26+$0xA30]  }
0x53: {  	v20 =	vld [tilespmem:s26+$0x8A30]  }
0x54: {  	v31 =	vld [tilespmem:s26+$0xA80]  }
0x55: {  	v36 =	vld [tilespmem:s26+$0x8A80]  }
0x56: {  	v51 =	vld [tilespmem:s26+$0xA90]  }
0x57: {  	v56 =	vld [tilespmem:s26+$0x8A90]  }
0x58: {  	v63 =	vld [tilespmem:s26+$0x10930]  }
0x59: {  	v58 =	vld [tilespmem:s26+$0x109A0]  }
0x5a: {  	v55 =	vld [tilespmem:s26+$0x9B0]  }
0x5b: {  	v54 =	vld [tilespmem:s26+$0x89B0]  }
0x5c: {  	v12 =	vld [tilespmem:s26+$0x10A00]  }
0x5d: {  	v13 =	vld [tilespmem:s26+$0x10A10]  }
0x5e: {  	v15 =	vld [tilespmem:s26+$0xA20]  }
0x5f: {  	v14 =	vld [tilespmem:s26+$0x8A20]  }
0x60: {  	v1 =	vld [tilespmem:s26+$0x108B0]  }
0x61: {  	v22 =	vld [tilespmem:s26+$0x930]  }
0x62: {  	v19 =	vld [tilespmem:s26+$0x8930]  }
0x63: {  	v21 =	vld [tilespmem:s26+$0x9A0]  }
0x64: {  	v18 =	vld [tilespmem:s26+$0x89A0]  }
0x65: {  	v3 =	vld [tilespmem:s26+$0xA00]  }
0x66: {  	v29 =	vld [tilespmem:s26+$0x10720]  }
0x67: {  	v2 =	vld [tilespmem:s26+$0x8A00]  }
0x68: {  	v27 =	vld [tilespmem:s26+$0x8A10]  }
0x69: {  	v4 =	vld [tilespmem:s26+$0x108A0]  }
0x6a: {  	v35 =	vld [tilespmem:s26+$0x8B0]  }
0x6b: {  	[tilespmem:$0x1FB90] =	vst v29;
	v29 =	vld [tilespmem:s26+$0x10780]  }
0x6c: {  	v28 =	vld [tilespmem:s26+$0x88B0]  }
0x6d: {  	v42 =	vld [tilespmem:s26+$0x10900]  }
0x6e: {  	v47 =	vld [tilespmem:s26+$0x10910]  }
0x6f: {  	v26 =	vld [tilespmem:s26+$0x920]  }
0x70: {  	[tilespmem:$0x1FAB0] =	vst v29;
	v29 =	vld [tilespmem:s26+$0x10790]  }
0x71: {  	v24 =	vld [tilespmem:s26+$0x8920]  }
0x72: {  	v33 =	vld [tilespmem:s26+$0x980]  }
0x73: {  	v25 =	vld [tilespmem:s26+$0x8980]  }
0x74: {  	v50 =	vld [tilespmem:s26+$0x10880]  }
0x75: {  	[tilespmem:$0x1FAE0] =	vst v29;
	v29 =	vld [tilespmem:s26+$0x7A0]  }
0x76: {  	v49 =	vld [tilespmem:s26+$0x10890]  }
0x77: {  	v44 =	vld [tilespmem:s26+$0x8A0]  }
0x78: {  	v43 =	vld [tilespmem:s26+$0x88A0]  }
0x79: {  	[tilespmem:$0x1FA00] =	vst v4;
	v4 =	vld [tilespmem:s26+$0x990]  }
0x7a: {  	[tilespmem:$0x1FA90] =	vst v29;
	v29 =	vld [tilespmem:s26+$0x87A0]  }
0x7b: {  	v5 =	vld [tilespmem:s26+$0x900]  }
0x7c: {  	v7 =	vld [tilespmem:s26+$0x910]  }
0x7d: {  	v6 =	vld [tilespmem:s26+$0x8910]  }
0x7e: {  	[tilespmem:$0x1FA10] =	vst v4;
	v4 =	vld [tilespmem:s26+$0x8990]  }
0x7f: {  	[tilespmem:$0x1FAA0] =	vst v29;
	v29 =	vld [tilespmem:s26+$0x800]  }
0x80: {  	v8 =	vld [tilespmem:s26+$0x10730]  }
0x81: {  	v61 =	vld [tilespmem:s26+$0x7B0]  }
0x82: {  	v57 =	vld [tilespmem:s26+$0x87B0]  }
0x83: {  	[tilespmem:$0x1FA20] =	vst v4;
	v4 =	vld [tilespmem:s26+$0x107B0]  }
0x84: {  	[tilespmem:$0x1FAC0] =	vst v29;
	v29 =	vld [tilespmem:s26+$0x8800]  }
0x85: {  	v60 =	vld [tilespmem:s26+$0x8820]  }
0x86: {  	v11 =	vld [tilespmem:s26+$0x880]  }
0x87: {  	[tilespmem:$0x1FA80] =	vst v8;
	v8 =	vld [tilespmem:s26+$0x107A0]  }
0x88: {  	[tilespmem:$0x1FA60] =	vst v4;
	v4 =	vld [tilespmem:s26+$0x10820]  }
0x89: {  	[tilespmem:$0x1FAD0] =	vst v29;
	v29 =	vld [tilespmem:s26+$0x810]  }
0x8a: {  	v10 =	vld [tilespmem:s26+$0x890]  }
0x8b: {  	[tilespmem:$0x1F9D0] =	vst v1;
	v1 =	vld [tilespmem:s26+$0x10920]  }
0x8c: {  	[tilespmem:$0x1FAF0] =	vst v8;
	v8 =	vld [tilespmem:s26+$0x10800]  }
0x8d: {  	[tilespmem:$0x1FA70] =	vst v4;
	v4 =	vld [tilespmem:s26+$0x830]  }
0x8e: {  	[tilespmem:$0x1FB10] =	vst v29;
	v29 =	vld [tilespmem:s26+$0x8810]  }
0x8f: {  	v9 =	vld [tilespmem:s26+$0x8890]  }
0x90: {  	[tilespmem:$0x1F9E0] =	vst v1;
	v1 =	vld [tilespmem:s26+$0x10980]  }
0x91: {  	[tilespmem:$0x1FB00] =	vst v8;
	v8 =	vld [tilespmem:s26+$0x820]  }
0x92: {  	[tilespmem:$0x1FA30] =	vst v4;
	v4 =	vld [tilespmem:s26+$0x8830]  }
0x93: {  	[tilespmem:$0x1FB20] =	vst v29;
	v29 =	vld [tilespmem:s26+$0x10630]  }
0x94: {  	v53 =	vld [tilespmem:s26+$0x730]  }
0x95: {  	v52 =	vld [tilespmem:s26+$0x8730];
	[tilespmem:$0x1F9F0] =	vst v1  }
0x96: {  	v1 =	vld [tilespmem:s26+$0xA10];
	[tilespmem:$0x1FA50] =	vst v8  }
0x97: {  	v8 =	vld [tilespmem:s26+$0x8880];
	[tilespmem:$0x1FA40] =	vst v4  }
0x98: {  	v4 =	vld [tilespmem:s26+$0x8900];
	[tilespmem:$0x1FC00] =	vst v29  }
0x99: {  	v29 =	vld [tilespmem:s26+$0x106A0]  }
0x9a: {  	v32 =	vld [tilespmem:s26+$0x780]  }
0x9b: {  	v34 =	vld [tilespmem:s26+$0x790]  }
0x9c: {  	v0 =	vadd.f32 v45, v0;
	v2 =	vadd.f32 v2, v3;
	v30 =	vld [tilespmem:s26+$0x8790]  }
0x9d: {  	v1 =	vadd.f32 v27, v1;
	v37 =	vld [tilespmem:s26+$0x105B0]  }
0x9e: {  	v0 =	vsub.f32 v0, v39;
	v12 =	vsub.f32 v2, v12;
	v62 =	vld [tilespmem:s26+$0x10620]  }
0x9f: {  	v1 =	vsub.f32 v1, v13;
	v13 =	vadd.f32 v14, v15;
	v40 =	vld [tilespmem:s26+$0x630]  }
0xa0: {  	v12 =	vand.u32 $0x7FFFFFFF, v12;
	v41 =	vld [tilespmem:s26+$0x8630]  }
0xa1: {  	v1 =	vand.u32 $0x7FFFFFFF, v1;
	v13 =	vsub.f32 v13, v48;
	[tilespmem:$0x1FCD0] =	vst v0;
	v0 =	vadd.f32 v20, v23;
	v38 =	vld [tilespmem:s26+$0x8710]  }
0xa2: {  	v1 =	vadd.f32 v1, v12;
	v45 =	vld [tilespmem:s26+$0x8680]  }
0xa3: {  	v13 =	vand.u32 $0x7FFFFFFF, v13;
	v27 =	vld [tilespmem:s26+$0x690];
	v0 =	vsub.f32 v0, v46  }
0xa4: {  	v16 =	vadd.f32 v16, v17;
	v13 =	vadd.f32 v13, v1;
	v3 =	vld [tilespmem:s26+$0x8690]  }
0xa5: {  	v2 =	vld [tilespmem:s26+$0x104B0];
	v0 =	vand.u32 $0x7FFFFFFF, v0  }
0xa6: {  	[tilespmem:$0x1FCB0] =	vst v16;
	v17 =	vld [tilespmem:s26+$0x10520];
	v16 =	vadd.f32 v0, v13;
	v0 =	vadd.f32 v4, v5  }
0xa7: {  	[tilespmem:$0x1FC10] =	vst v29;
	v29 =	vld [tilespmem:s26+$0x6B0]  }
0xa8: {  	v5 =	vadd.f32 v6, v7;
	v7 =	vsub.f32 v0, v42;
	v0 =	vld [tilespmem:$0x1F9D0]  }
0xa9: {  	v14 =	vadd.f32 v36, v31;
	v31 =	vld [tilespmem:s26+$0x530]  }
0xaa: {  	v36 =	vld [tilespmem:s26+$0x8530]  }
0xab: {  	v39 =	vld [tilespmem:s26+$0x10580];
	v4 =	vadd.f32 v28, v35  }
0xac: {  	v12 =	vsub.f32 v14, v59;
	[tilespmem:$0x1FB70] =	vst v29;
	v29 =	vld [tilespmem:s26+$0x86B0]  }
0xad: {  	v14 =	vadd.f32 v18, v21;
	v18 =	vsub.f32 v4, v0;
	v0 =	vld [tilespmem:$0x1F9E0]  }
0xae: {  	v4 =	vld [tilespmem:$0x1F9F0]  }
0xaf: {  	v21 =	vld [tilespmem:s26+$0x5A0]  }
0xb0: {  	v48 =	vld [tilespmem:s26+$0x85A0];
	v6 =	vadd.f32 v24, v26;
	v5 =	vsub.f32 v5, v47  }
0xb1: {  	v9 =	vadd.f32 v9, v10;
	v13 =	vadd.f32 v25, v33;
	[tilespmem:$0x1FB80] =	vst v29;
	v29 =	vld [tilespmem:s26+$0x10700]  }
0xb2: {  	v20 =	vld [tilespmem:s26+$0x600];
	v7 =	vand.u32 $0x7FFFFFFF, v7;
	v5 =	vand.u32 $0x7FFFFFFF, v5;
	v15 =	vsub.f32 v6, v0  }
0xb3: {  	v6 =	vsub.f32 v13, v4;
	v13 =	vadd.f32 v5, v7;
	v7 =	vld [tilespmem:$0x1FA00]  }
0xb4: {  	v8 =	vadd.f32 v8, v11;
	v10 =	vld [tilespmem:s26+$0x4B0]  }
0xb5: {  	v9 =	vsub.f32 v9, v49;
	[tilespmem:$0x1FCC0] =	vst v12;
	v12 =	vadd.f32 v19, v22;
	v19 =	vld [tilespmem:$0x1FA20]  }
0xb6: {  	v11 =	vadd.f32 v43, v44;
	v8 =	vsub.f32 v8, v50;
	[tilespmem:$0x1FB30] =	vst v29;
	v29 =	vld [tilespmem:s26+$0x10710]  }
0xb7: {  	v9 =	vand.u32 $0x7FFFFFFF, v9;
	v43 =	vld [tilespmem:s26+$0x8580];
	v15 =	vand.u32 $0x7FFFFFFF, v15  }
0xb8: {  	v44 =	vld [tilespmem:s26+$0x590];
	v13 =	vadd.f32 v15, v13;
	v15 =	vand.u32 $0x7FFFFFFF, v8;
	v11 =	vsub.f32 v11, v7  }
0xb9: {  	v49 =	vld [tilespmem:s26+$0x10330];
	v9 =	vadd.f32 v9, v15  }
0xba: {  	v22 =	vld [tilespmem:$0x1FAA0];
	v11 =	vand.u32 $0x7FFFFFFF, v11  }
0xbb: {  	v11 =	vadd.f32 v11, v9;
	[tilespmem:$0x1FB40] =	vst v29;
	v29 =	vld [tilespmem:s26+$0x720]  }
0xbc: {  	v23 =	vld [tilespmem:$0x1FAD0];
	v18 =	vand.u32 $0x7FFFFFFF, v18  }
0xbd: {  	v12 =	vsub.f32 v12, v63;
	v18 =	vadd.f32 v18, v11;
	v11 =	vld [tilespmem:$0x1FA80]  }
0xbe: {  	v1 =	vadd.f32 v54, v55;
	v55 =	vld [tilespmem:s26+$0x8500]  }
0xbf: {  	v46 =	vadd.f32 v56, v51;
	v56 =	vld [tilespmem:s26+$0x10590];
	v12 =	vand.u32 $0x7FFFFFFF, v12  }
0xc0: {  	v15 =	vadd.f32 v12, v13;
	v13 =	vadd.f32 v52, v53;
	[tilespmem:$0x1FB50] =	vst v29;
	v29 =	vld [tilespmem:s26+$0x8720]  }
0xc1: {  	v51 =	vld [tilespmem:s26+$0x10480]  }
0xc2: {  	v50 =	vsub.f32 v13, v11;
	v13 =	vld [tilespmem:$0x1FA90]  }
0xc3: {  	v7 =	vld [tilespmem:$0x1FA10]  }
0xc4: {  	v28 =	vld [tilespmem:s26+$0x8600]  }
0xc5: {  	[tilespmem:$0x1FB60] =	vst v29;
	v29 =	vld [tilespmem:s26+$0x8780]  }
0xc6: {  	v8 =	vld [tilespmem:$0x1FA30]  }
0xc7: {  	v13 =	vadd.f32 v22, v13;
	v22 =	vld [tilespmem:$0x1FAB0]  }
0xc8: {  	v7 =	vadd.f32 v19, v7;
	v19 =	vld [tilespmem:$0x1FA40]  }
0xc9: {  	[tilespmem:$0x1FC60] =	vst v62;
	v62 =	vld [tilespmem:s26+$0x10680]  }
0xca: {  	v9 =	vld [tilespmem:$0x1FA60];
	v11 =	vadd.f32 v29, v32  }
0xcb: {  	v24 =	vld [tilespmem:s26+$0x610]  }
0xcc: {  	v22 =	vsub.f32 v11, v22;
	v11 =	vld [tilespmem:$0x1FAC0]  }
0xcd: {  	v12 =	vld [tilespmem:$0x1FA50];
	v8 =	vadd.f32 v19, v8;
	v19 =	vadd.f32 v57, v61  }
0xce: {  	[tilespmem:$0x1FC70] =	vst v62;
	v62 =	vld [tilespmem:s26+$0x105A0]  }
0xcf: {  	v19 =	vsub.f32 v19, v9;
	v9 =	vld [tilespmem:$0x1FA70]  }
0xd0: {  	v25 =	vld [tilespmem:s26+$0x8610]  }
0xd1: {  	v11 =	vadd.f32 v23, v11;
	v23 =	vld [tilespmem:$0x1FAE0]  }
0xd2: {  	v26 =	vld [tilespmem:s26+$0x84B0];
	v12 =	vadd.f32 v60, v12  }
0xd3: {  	[tilespmem:$0x1FCA0] =	vst v62;
	v62 =	vld [tilespmem:s26+$0x5B0]  }
0xd4: {  	v33 =	vld [tilespmem:s26+$0x520];
	v9 =	vsub.f32 v12, v9;
	v12 =	vadd.f32 v30, v34  }
0xd5: {  	[tilespmem:$0x1FBA0] =	vst v40;
	v40 =	vld [tilespmem:s26+$0x6A0]  }
0xd6: {  	v12 =	vsub.f32 v12, v23;
	v23 =	vld [tilespmem:$0x1FAF0]  }
0xd7: {  	[tilespmem:$0x1FBB0] =	vst v41;
	v41 =	vld [tilespmem:s26+$0x86A0]  }
0xd8: {  	[tilespmem:$0x1FBE0] =	vst v62;
	v62 =	vld [tilespmem:s26+$0x85B0]  }
0xd9: {  	[tilespmem:$0x1FC20] =	vst v37;
	v37 =	vld [tilespmem:s26+$0x8700]  }
0xda: {  	v14 =	vsub.f32 v14, v58;
	v58 =	vand.u32 $0x7FFFFFFF, v12;
	v12 =	vld [tilespmem:$0x1FB10]  }
0xdb: {  	v57 =	vsub.f32 v13, v23;
	v23 =	vld [tilespmem:$0x1FB20]  }
0xdc: {  	[tilespmem:$0x1FBD0] =	vst v41;
	v41 =	vld [tilespmem:s26+$0x700]  }
0xdd: {  	[tilespmem:$0x1FBF0] =	vst v62;
	v62 =	vld [tilespmem:s26+$0x10600]  }
0xde: {  	v13 =	vld [tilespmem:$0x1FB00]  }
0xdf: {  	v35 =	vld [tilespmem:s26+$0x8520]  }
0xe0: {  	v12 =	vadd.f32 v23, v12;
	v23 =	vld [tilespmem:$0x1FB30]  }
0xe1: {  	v31 =	vadd.f32 v36, v31;
	v36 =	vld [tilespmem:s26+$0x10300]  }
0xe2: {  	[tilespmem:$0x1FBC0] =	vst v40;
	v40 =	vld [tilespmem:s26+$0x710]  }
0xe3: {  	[tilespmem:$0x1FC80] =	vst v62;
	v62 =	vld [tilespmem:s26+$0x10610];
	v11 =	vsub.f32 v11, v13;
	v13 =	vadd.f32 v37, v41  }
0xe4: {  	v42 =	vld [tilespmem:s26+$0x580]  }
0xe5: {  	v59 =	vsub.f32 v13, v23;
	v13 =	vld [tilespmem:$0x1FB40]  }
0xe6: {  	v47 =	vld [tilespmem:s26+$0x8590]  }
0xe7: {  	v28 =	vadd.f32 v28, v20;
	v20 =	vld [tilespmem:$0x1FC60]  }
0xe8: {  	v38 =	vadd.f32 v38, v40;
	[tilespmem:$0x1FC90] =	vst v62;
	v62 =	vld [tilespmem:s26+$0x620]  }
0xe9: {  	v23 =	vld [tilespmem:$0x1FB60]  }
0xea: {  	v38 =	vsub.f32 v38, v13;
	v13 =	vld [tilespmem:$0x1FB50]  }
0xeb: {  	v10 =	vadd.f32 v26, v10;
	v26 =	vadd.f32 v35, v33;
	v33 =	vld [tilespmem:s26+$0x8320]  }
0xec: {  	v35 =	vld [tilespmem:s26+$0x300]  }
0xed: {  	v63 =	vld [tilespmem:$0x1FBD0]  }
0xee: {  	[tilespmem:$0x1FC30] =	vst v62;
	v62 =	vld [tilespmem:s26+$0x8620]  }
0xef: {  	v22 =	vand.u32 $0x7FFFFFFF, v22;
	v60 =	vadd.f32 v23, v13;
	v13 =	vld [tilespmem:$0x1FB70]  }
0xf0: {  	v22 =	vadd.f32 v58, v22;
	v23 =	vld [tilespmem:$0x1FB80]  }
0xf1: {  	v42 =	vadd.f32 v43, v42;
	v43 =	vld [tilespmem:s26+$0x8420];
	v34 =	vand.u32 $0x7FFFFFFF, v57  }
0xf2: {  	v44 =	vadd.f32 v47, v44;
	v47 =	vld [tilespmem:s26+$0x480];
	v22 =	vadd.f32 v34, v22  }
0xf3: {  	v19 =	vand.u32 $0x7FFFFFFF, v19;
	[tilespmem:$0x1FC40] =	vst v62;
	v62 =	vld [tilespmem:s26+$0x680]  }
0xf4: {  	v22 =	vadd.f32 v19, v22;
	v19 =	vld [tilespmem:$0x1FBA0]  }
0xf5: {  	v13 =	vadd.f32 v23, v13;
	v23 =	vld [tilespmem:$0x1FBB0]  }
0xf6: {  	v2 =	vsub.f32 v10, v2;
	v10 =	vsub.f32 v26, v17;
	v26 =	vld [tilespmem:s26+$0x83A0]  }
0xf7: {  	v3 =	vadd.f32 v3, v27;
	v27 =	vsub.f32 v42, v39;
	v39 =	vld [tilespmem:s26+$0x8480]  }
0xf8: {  	v42 =	vsub.f32 v44, v56;
	v56 =	vld [tilespmem:s26+$0x490]  }
0xf9: {  	[tilespmem:$0x1FC50] =	vst v62;
	v62 =	vld [tilespmem:$0x1FB90]  }
0xfa: {  	v19 =	vadd.f32 v23, v19;
	v23 =	vld [tilespmem:$0x1FBC0]  }
0xfb: {  	v40 =	vld [tilespmem:s26+$0x84A0]  }
0xfc: {  	v0 =	vld [tilespmem:s26+$0x10430]  }
0xfd: {  	v4 =	vld [tilespmem:s26+$0x104A0]  }
0xfe: {  	v54 =	vsub.f32 v60, v62;
	v60 =	vld [tilespmem:$0x1FBF0]  }
0xff: {  	v58 =	vadd.f32 v63, v23;
	v23 =	vld [tilespmem:$0x1FBE0]  }
0x100: {  	v5 =	vld [tilespmem:s26+$0x10500]  }
0x101: {  	v21 =	vadd.f32 v48, v21;
	v27 =	vand.u32 $0x7FFFFFFF, v27;
	v42 =	vand.u32 $0x7FFFFFFF, v42;
	v48 =	vld [tilespmem:$0x1FCA0]  }
0x102: {  	v27 =	vadd.f32 v42, v27;
	v42 =	vld [tilespmem:s26+$0x10310]  }
0x103: {  	v63 =	vld [tilespmem:$0x1FC40]  }
0x104: {  	v61 =	vand.u32 $0x7FFFFFFF, v59;
	v38 =	vand.u32 $0x7FFFFFFF, v38;
	v59 =	vadd.f32 v60, v23;
	v23 =	vld [tilespmem:$0x1FC30]  }
0x105: {  	v30 =	vld [tilespmem:s26+$0x430];
	v34 =	vadd.f32 v38, v61  }
0x106: {  	v32 =	vld [tilespmem:s26+$0x8430];
	v54 =	vand.u32 $0x7FFFFFFF, v54  }
0x107: {  	v53 =	vld [tilespmem:s26+$0x500];
	v34 =	vadd.f32 v54, v34  }
0x108: {  	v52 =	vld [tilespmem:s26+$0x510];
	v21 =	vsub.f32 v21, v48;
	v50 =	vand.u32 $0x7FFFFFFF, v50  }
0x109: {  	v34 =	vadd.f32 v50, v34;
	v50 =	vadd.f32 v63, v23;
	v23 =	vld [tilespmem:$0x1FC50]  }
0x10a: {  	v48 =	vld [tilespmem:s26+$0x320];
	v21 =	vand.u32 $0x7FFFFFFF, v21  }
0x10b: {  	v21 =	vadd.f32 v21, v27;
	v29 =	vld [tilespmem:s26+$0x10420];
	v27 =	vadd.f32 v32, v30  }
0x10c: {  	v32 =	vld [tilespmem:s26+$0x8400]  }
0x10d: {  	v0 =	vsub.f32 v27, v0;
	v27 =	vld [tilespmem:s26+$0x8300]  }
0x10e: {  	v45 =	vadd.f32 v45, v23;
	v23 =	vld [tilespmem:$0x1FC80]  }
0x10f: {  	v61 =	vld [tilespmem:$0x1FC00]  }
0x110: {  	v57 =	vld [tilespmem:s26+$0x10320]  }
0x111: {  	v37 =	vld [tilespmem:s26+$0x10490]  }
0x112: {  	v62 =	vld [tilespmem:$0x1FC20]  }
0x113: {  	v28 =	vsub.f32 v28, v23;
	v23 =	vld [tilespmem:$0x1FC90]  }
0x114: {  	v54 =	vsub.f32 v19, v61;
	v19 =	vld [tilespmem:$0x1FC10]  }
0x115: {  	v41 =	vld [tilespmem:s26+$0x4A0]  }
0x116: {  	v24 =	vadd.f32 v25, v24;
	v38 =	vld [tilespmem:s26+$0x8510]  }
0x117: {  	v61 =	vld [tilespmem:s26+$0x8330]  }
0x118: {  	v60 =	vld [tilespmem:s26+$0x330];
	v24 =	vsub.f32 v24, v23  }
0x119: {  	v19 =	vsub.f32 v58, v19;
	v58 =	vsub.f32 v59, v62;
	v59 =	vld [tilespmem:s26+$0x3B0]  }
0x11a: {  	v62 =	vld [tilespmem:s26+$0x83B0];
	v28 =	vand.u32 $0x7FFFFFFF, v28;
	v24 =	vand.u32 $0x7FFFFFFF, v24  }
0x11b: {  	v24 =	vadd.f32 v24, v28;
	v28 =	vld [tilespmem:s26+$0x8490]  }
0x11c: {  	v25 =	vsub.f32 v50, v20;
	v20 =	vld [tilespmem:$0x1FC70]  }
0x11d: {  	v30 =	vadd.f32 v39, v47;
	v27 =	vadd.f32 v27, v35;
	v17 =	vand.u32 $0x7FFFFFFF, v58;
	v58 =	vld [tilespmem:s26+$0x8410]  }
0x11e: {  	v17 =	vadd.f32 v17, v21;
	v21 =	vld [tilespmem:s26+$0x400]  }
0x11f: {  	v30 =	vsub.f32 v30, v51;
	v27 =	vsub.f32 v27, v36;
	v63 =	vld [tilespmem:s26+$0x10400]  }
0x120: {  	v38 =	vadd.f32 v38, v52;
	v50 =	vld [tilespmem:s26+$0x10410];
	v25 =	vand.u32 $0x7FFFFFFF, v25;
	v28 =	vadd.f32 v28, v56  }
0x121: {  	v20 =	vsub.f32 v45, v20;
	v45 =	vld [tilespmem:s26+$0x420];
	v24 =	vadd.f32 v25, v24  }
0x122: {  	v25 =	vand.u32 $0x7FFFFFFF, v54;
	v54 =	vadd.f32 v40, v41;
	v40 =	vld [tilespmem:s26+$0x410];
	v28 =	vsub.f32 v28, v37  }
0x123: {  	v30 =	vand.u32 $0x7FFFFFFF, v30;
	v21 =	vadd.f32 v32, v21;
	v24 =	vadd.f32 v25, v24;
	v25 =	vld [tilespmem:s26+$0x3A0]  }
0x124: {  	v4 =	vsub.f32 v54, v4;
	v56 =	vadd.f32 v55, v53;
	v53 =	vld [tilespmem:s26+$0x8310];
	v28 =	vand.u32 $0x7FFFFFFF, v28  }
0x125: {  	v47 =	vadd.f32 v61, v60;
	v28 =	vadd.f32 v28, v30;
	v30 =	vld [tilespmem:s26+$0x310]  }
0x126: {  	v21 =	vsub.f32 v21, v63;
	v54 =	vadd.f32 v62, v59;
	v59 =	vld [tilespmem:s26+$0x8390];
	v4 =	vand.u32 $0x7FFFFFFF, v4  }
0x127: {  	v51 =	vadd.f32 v43, v45;
	v55 =	vld [tilespmem:s26+$0x8380];
	v4 =	vadd.f32 v4, v28  }
0x128: {  	v2 =	vand.u32 $0x7FFFFFFF, v2;
	v5 =	vsub.f32 v56, v5;
	v56 =	vld [tilespmem:s26+$0x390];
	v58 =	vadd.f32 v58, v40  }
0x129: {  	v28 =	vld [tilespmem:s26+$0x380];
	v2 =	vadd.f32 v2, v4;
	v4 =	vadd.f32 v33, v48  }
0x12a: {  	v27 =	vand.u32 $0x7FFFFFFF, v27;
	v60 =	vld [tilespmem:s26+$0x10380];
	v33 =	vsub.f32 v58, v50;
	v30 =	vadd.f32 v53, v30  }
0x12b: {  	v61 =	vld [tilespmem:s26+$0x10390];
	v39 =	vsub.f32 v47, v49;
	v21 =	vand.u32 $0x7FFFFFFF, v21;
	v29 =	vsub.f32 v51, v29  }
0x12c: {  	v62 =	vld [tilespmem:s26+$0x103A0];
	v25 =	vadd.f32 v26, v25;
	v33 =	vand.u32 $0x7FFFFFFF, v33;
	v30 =	vsub.f32 v30, v42  }
0x12d: {  	v29 =	vand.u32 $0x7FFFFFFF, v29;
	v4 =	vsub.f32 v4, v57;
	v21 =	vadd.f32 v33, v21  }
0x12e: {  	v63 =	vld [tilespmem:s26+$0x10510];
	v28 =	vadd.f32 v55, v28;
	v26 =	vand.u32 $0x7FFFFFFF, v30;
	v30 =	vadd.f32 v59, v56  }
0x12f: {  	(xrf2) =	vadd.scan.msk.f32 $0xffff, v16;
	v21 =	vadd.f32 v29, v21;
	v16 =	vadd.f32 v26, v27;
	v26 =	vld [tilespmem:s26+$0x103B0]  }
0x130: {  	(xrf2) =	vadd.scan.msk.f32 $0xffff, v15;
	v0 =	vand.u32 $0x7FFFFFFF, v0;
	v15 =	vsub.f32 v28, v60;
	v27 =	vsub.f32 v30, v61  }
0x131: {  	(xrf2) =	vadd.scan.msk.f32 $0xffff, v18;
	v18 =	vsub.f32 v25, v62;
	v4 =	vand.u32 $0x7FFFFFFF, v4;
	v0 =	vadd.f32 v0, v21;
	v21 =	vld [tilespmem:s26+$0x10690]  }
0x132: {  	(xrf2) =	vadd.scan.msk.f32 $0xffff, v22;
	v22 =	vld [tilespmem:s26+$0x10530];
	v15 =	vand.u32 $0x7FFFFFFF, v15;
	v4 =	vadd.f32 v4, v16;
	v16 =	vand.u32 $0x7FFFFFFF, v27  }
0x133: {  	(xrf2) =	vadd.scan.msk.f32 $0xffff, v34;
	v25 =	vand.u32 $0x7FFFFFFF, v39;
	v15 =	vadd.f32 v16, v15;
	v16 =	vsub.f32 v38, v63  }
0x134: {  	(xrf2) =	vadd.scan.msk.f32 $0xffff, v24;
	v18 =	vand.u32 $0x7FFFFFFF, v18;
	v4 =	vadd.f32 v25, v4;
	v25 =	vld [tilespmem:s26+$0x10810];
	v24 =	vsub.f32 v54, v26  }
0x135: {  	(xrf2) =	vadd.scan.msk.f32 $0xffff, v17;
	v5 =	vand.u32 $0x7FFFFFFF, v5;
	v15 =	vadd.f32 v18, v15;
	v16 =	vand.u32 $0x7FFFFFFF, v16  }
0x136: {  	v17 =	vld [tilespmem:s26+$0x106B0];
	(xrf2) =	vadd.scan.msk.f32 $0xffff, v2;
	v3 =	vsub.f32 v3, v21;
	v2 =	vand.u32 $0x7FFFFFFF, v24;
	v5 =	vadd.f32 v16, v5  }
0x137: {  	(xrf2) =	vadd.scan.msk.f32 $0xffff, v0;
	v0 =	vadd.f32 v2, v15;
	v2 =	vand.u32 $0x7FFFFFFF, v10;
	v10 =	vsub.f32 v31, v22;
	v15 =	vld [tilespmem:s26+$0x10990]  }
0x138: {  	(xrf2) =	vadd.scan.msk.f32 $0xffff, v4;
	v4 =	vand.u32 $0x7FFFFFFF, v20;
	v3 =	vand.u32 $0x7FFFFFFF, v3;
	v2 =	vadd.f32 v2, v5;
	v5 =	vld [tilespmem:s26+$0x10830]  }
0x139: {  	v3 =	vadd.f32 v3, v4;
	v4 =	vsub.f32 v12, v25;
	v10 =	vand.u32 $0x7FFFFFFF, v10  }
0x13a: {  	v2 =	vadd.f32 v10, v2;
	v10 =	vand.u32 $0x7FFFFFFF, v19  }
0x13b: {  	v4 =	vand.u32 $0x7FFFFFFF, v4;
	v3 =	vadd.f32 v10, v3;
	v10 =	vand.u32 $0x7FFFFFFF, v11  }
0x13c: {  	v4 =	vadd.f32 v4, v10;
	v7 =	vsub.f32 v7, v15  }
0x13d: {  	v9 =	vand.u32 $0x7FFFFFFF, v9;
	v16, _, _ =	vpop (xrf2);
	v12 =	vsub.f32 v13, v17;
	(xrf2) =	vadd.scan.msk.f32 $0xffff, v0;
	v5 =	vsub.f32 v8, v5  }
0x13e: {  	v6 =	vand.u32 $0x7FFFFFFF, v6;
	v13 =	vld [tilespmem:s26+$0x10A90];
	v0, _, _ =	vpop (xrf2);
	v4 =	vadd.f32 v9, v4;
	v7 =	vand.u32 $0x7FFFFFFF, v7  }
0x13f: {  	v12 =	vand.u32 $0x7FFFFFFF, v12;
	v11 =	vld [tilespmem:s26+$0x109B0];
	v17, _, _ =	vpop (xrf2);
	v5 =	vand.u32 $0x7FFFFFFF, v5;
	v6 =	vadd.f32 v7, v6  }
0x140: {  	v10 =	vld [tilespmem:s26+$0x10AA0];
	v18, _, _ =	vpop (xrf2);
	v3 =	vadd.f32 v12, v3;
	v4 =	vadd.f32 v5, v4;
	v5 =	vand.u32 $0x7FFFFFFF, v14  }
0x141: {  	(xrf2) =	vadd.scan.msk.f32 $0xffff, v2;
	v2, _, _ =	vpop (xrf2);
	v5 =	vadd.f32 v5, v6;
	v6 =	vld [tilespmem:$0x1FCB0]  }
0x142: {  	v12 =	vld [tilespmem:$0x1FCC0];
	v8, _, _ =	vpop (xrf2)  }
0x143: {  	v9, _, _ =	vpop (xrf2)  }
0x144: {  	(xrf2) =	vadd.scan.msk.f32 $0xffff, v3;
	v1 =	vsub.f32 v1, v11;
	v3, _, _ =	vpop (xrf2)  }
0x145: {  	v7 =	vsub.f32 v46, v13;
	v11, _, _ =	vpop (xrf2)  }
0x146: {  	v1 =	vand.u32 $0x7FFFFFFF, v1;
	v6 =	vsub.f32 v6, v10;
	v10, _, _ =	vpop (xrf2)  }
0x147: {  	v7 =	vand.u32 $0x7FFFFFFF, v7;
	v12 =	vand.u32 $0x7FFFFFFF, v12;
	v1 =	vadd.f32 v1, v5;
	v5, _, _ =	vpop (xrf2)  }
0x148: {  	(xrf2) =	vadd.scan.msk.f32 $0xffff, v4;
	v4 =	vadd.f32 v7, v12;
	v7 =	vbroadcast v10, $0xF;
	v5 =	vbroadcast v5, $0xF  }
0x149: {  	v6 =	vand.u32 $0x7FFFFFFF, v6  }
0x14a: {  	(xrf2) =	vadd.scan.msk.f32 $0xffff, v1;
	v1 =	vsel vm0, v7, v5;
	v5 =	vld [tilespmem:$0x1FCD0];
	_ =	sdelay $0x1  }
0x14b: {  	v4 =	vadd.f32 v6, v4;
	v6, _, _ =	vpop (xrf2)  }
0x14c: {  	v10 =	vbroadcast v11, $0xF;
	v6 =	vbroadcast v6, $0xF  }
0x14d: {  	v3 =	vbroadcast v3, $0xF  }
0x14e: {  	v1 =	vsel vm1, v1, v10;
	v5 =	vand.u32 $0x7FFFFFFF, v5  }
0x14f: {  	v1 =	vsel vm2, v1, v3;
	v3 =	vbroadcast v9, $0xF;
	v4 =	vadd.f32 v5, v4  }
0x150: {  	v1 =	vsel vm3, v1, v6;
	v5 =	vbroadcast v8, $0xF;
	v6, _, _ =	vpop (xrf2)  }
0x151: {  	v1 =	vsel vm4, v1, v3;
	v3 =	vbroadcast v6, $0xF  }
0x152: {  	v2 =	vbroadcast v2, $0xF;
	(xrf2) =	vadd.scan.msk.f32 $0xffff, v4;
	v1 =	vsel vm5, v1, v5  }
0x153: {  	v1 =	vsel vm6, v1, v3;
	v3 =	vbroadcast v18, $0xF;
	v4, _, _ =	vpop (xrf2)  }
0x154: {  	v1 =	vsel vm7, v1, v2;
	v2 =	vbroadcast v4, $0xF  }
0x155: {  	v1 =	vsel vm8, v1, v3;
	v3 =	vbroadcast v17, $0xF  }
0x156: {  	v0 =	vbroadcast v0, $0xF;
	v1 =	vsel vm9, v1, v2  }
0x157: {  	v1 =	vsel vm10, v1, v3  }
0x158: {  	v2, _, _ =	vpop (xrf2);
	v0 =	vsel vm11, v1, v0;
	v1 =	vbroadcast v16, $0xF  }
0x159: {  	v2 =	vbroadcast v2, $0xF;
	_ =	sdelay $0x1  }
0x15a: {  	v0 =	vsel vm12, v0, v2  }
0x15b: {  	v0 =	vsel vm13, v0, v1;
	v1, _, _ =	vpop (xrf2)  }
0x15c: {  	v0 =	vsel vm14, v0, v1  }
0x15d: {  	s26 =	simm.s32 $0x800;
	[tilespmem:s28+$0x0] =	vst v0  }
0x15e: {  	v33 =	vld [tilespmem:s26+$0x10AB0]  }
0x15f: {  	v30 =	vld [tilespmem:s26+$0xAB0]  }
0x160: {  	v17 =	vld [tilespmem:s26+$0x8AB0]  }
0x161: {  	v42 =	vld [tilespmem:s26+$0x10A30]  }
0x162: {  	v54 =	vld [tilespmem:s26+$0x10A80]  }
0x163: {  	v18 =	vld [tilespmem:s26+$0xAA0]  }
0x164: {  	v26 =	vld [tilespmem:s26+$0x8AA0]  }
0x165: {  	v45 =	vld [tilespmem:s26+$0x10A20]  }
0x166: {  	v47 =	vld [tilespmem:s26+$0xA30]  }
0x167: {  	v51 =	vld [tilespmem:s26+$0x8A30]  }
0x168: {  	v56 =	vld [tilespmem:s26+$0xA80]  }
0x169: {  	v57 =	vld [tilespmem:s26+$0x8A80]  }
0x16a: {  	v58 =	vld [tilespmem:s26+$0xA90]  }
0x16b: {  	v59 =	vld [tilespmem:s26+$0x8A90]  }
0x16c: {  	v60 =	vld [tilespmem:s26+$0x10930]  }
0x16d: {  	v25 =	vld [tilespmem:s26+$0x10720]  }
0x16e: {  	v61 =	vld [tilespmem:s26+$0x109A0]  }
0x16f: {  	v62 =	vld [tilespmem:s26+$0x9B0]  }
0x170: {  	v63 =	vld [tilespmem:s26+$0x89B0]  }
0x171: {  	v11 =	vld [tilespmem:s26+$0x10A00]  }
0x172: {  	[tilespmem:$0x1FEF0] =	vst v25;
	v25 =	vld [tilespmem:s26+$0x10780]  }
0x173: {  	v13 =	vld [tilespmem:s26+$0x10A10]  }
0x174: {  	v14 =	vld [tilespmem:s26+$0xA20]  }
0x175: {  	v12 =	vld [tilespmem:s26+$0x8A20]  }
0x176: {  	v0 =	vld [tilespmem:s26+$0x108B0]  }
0x177: {  	[tilespmem:$0x1FE10] =	vst v25;
	v25 =	vld [tilespmem:s26+$0x10790]  }
0x178: {  	v3 =	vld [tilespmem:s26+$0x108A0]  }
0x179: {  	v19 =	vld [tilespmem:s26+$0x930]  }
0x17a: {  	v16 =	vld [tilespmem:s26+$0x8930]  }
0x17b: {  	v20 =	vld [tilespmem:s26+$0x9A0]  }
0x17c: {  	[tilespmem:$0x1FE40] =	vst v25;
	v25 =	vld [tilespmem:s26+$0x7A0]  }
0x17d: {  	[tilespmem:$0x1FD60] =	vst v3;
	v3 =	vld [tilespmem:s26+$0x990]  }
0x17e: {  	v36 =	vld [tilespmem:s26+$0xA00]  }
0x17f: {  	v2 =	vld [tilespmem:s26+$0x8A00]  }
0x180: {  	v1 =	vld [tilespmem:s26+$0xA10]  }
0x181: {  	[tilespmem:$0x1FDF0] =	vst v25;
	v25 =	vld [tilespmem:s26+$0x87A0]  }
0x182: {  	[tilespmem:$0x1FD70] =	vst v3;
	v3 =	vld [tilespmem:s26+$0x8990]  }
0x183: {  	v32 =	vld [tilespmem:s26+$0x8B0]  }
0x184: {  	v24 =	vld [tilespmem:s26+$0x88B0]  }
0x185: {  	v39 =	vld [tilespmem:s26+$0x10900]  }
0x186: {  	[tilespmem:$0x1FE00] =	vst v25;
	v25 =	vld [tilespmem:s26+$0x800]  }
0x187: {  	[tilespmem:$0x1FD80] =	vst v3;
	v3 =	vld [tilespmem:s26+$0x107B0]  }
0x188: {  	[tilespmem:$0x1FD30] =	vst v0;
	v0 =	vld [tilespmem:s26+$0x10920]  }
0x189: {  	v43 =	vld [tilespmem:s26+$0x10910]  }
0x18a: {  	v23 =	vld [tilespmem:s26+$0x920]  }
0x18b: {  	[tilespmem:$0x1FE20] =	vst v25;
	v25 =	vld [tilespmem:s26+$0x8800]  }
0x18c: {  	[tilespmem:$0x1FDC0] =	vst v3;
	v3 =	vld [tilespmem:s26+$0x10820]  }
0x18d: {  	[tilespmem:$0x1FD40] =	vst v0;
	v0 =	vld [tilespmem:s26+$0x10980]  }
0x18e: {  	v7 =	vld [tilespmem:s26+$0x10730]  }
0x18f: {  	v40 =	vld [tilespmem:s26+$0x8A0]  }
0x190: {  	[tilespmem:$0x1FE30] =	vst v25;
	v25 =	vld [tilespmem:s26+$0x810]  }
0x191: {  	[tilespmem:$0x1FDD0] =	vst v3;
	v3 =	vld [tilespmem:s26+$0x830]  }
0x192: {  	[tilespmem:$0x1FD50] =	vst v0;
	v0 =	vld [tilespmem:s26+$0x8A10]  }
0x193: {  	[tilespmem:$0x1FDE0] =	vst v7;
	v7 =	vld [tilespmem:s26+$0x107A0]  }
0x194: {  	v4 =	vld [tilespmem:s26+$0x900]  }
0x195: {  	v17 =	vadd.f32 v17, v30;
	[tilespmem:$0x1FE70] =	vst v25;
	v25 =	vld [tilespmem:s26+$0x8810]  }
0x196: {  	v2 =	vadd.f32 v2, v36;
	[tilespmem:$0x1FD90] =	vst v3;
	v3 =	vld [tilespmem:s26+$0x8830]  }
0x197: {  	v6 =	vld [tilespmem:s26+$0x910];
	v0 =	vadd.f32 v0, v1;
	v1 =	vsub.f32 v17, v33  }
0x198: {  	v5 =	vld [tilespmem:s26+$0x8910];
	v2 =	vsub.f32 v2, v11;
	[tilespmem:$0x1FE50] =	vst v7  }
0x199: {  	v11 =	vadd.f32 v12, v14;
	v7 =	vld [tilespmem:s26+$0x10800];
	[tilespmem:$0x1FCF0] =	vst v1;
	v0 =	vsub.f32 v0, v13  }
0x19a: {  	v2 =	vand.u32 $0x7FFFFFFF, v2;
	v1 =	vadd.f32 v51, v47;
	[tilespmem:$0x1FE80] =	vst v25;
	v25 =	vld [tilespmem:s26+$0x10630]  }
0x19b: {  	v11 =	vsub.f32 v11, v45;
	v13 =	vadd.f32 v57, v56;
	v0 =	vand.u32 $0x7FFFFFFF, v0;
	[tilespmem:$0x1FDA0] =	vst v3;
	v3 =	vld [tilespmem:s26+$0x8900]  }
0x19c: {  	v9 =	vld [tilespmem:s26+$0x890];
	v12 =	vsub.f32 v1, v42;
	v0 =	vadd.f32 v0, v2  }
0x19d: {  	v8 =	vld [tilespmem:s26+$0x8890];
	v11 =	vand.u32 $0x7FFFFFFF, v11;
	v2 =	vsub.f32 v13, v54;
	v13 =	vadd.f32 v16, v19  }
0x19e: {  	v5 =	vadd.f32 v5, v6;
	[tilespmem:$0x1FE60] =	vst v7;
	v7 =	vld [tilespmem:s26+$0x820];
	v0 =	vadd.f32 v11, v0  }
0x19f: {  	v12 =	vand.u32 $0x7FFFFFFF, v12;
	v11 =	vsub.f32 v13, v60;
	v13 =	vadd.f32 v63, v62;
	[tilespmem:$0x1FF60] =	vst v25;
	v25 =	vld [tilespmem:s26+$0x106A0]  }
0x1a0: {  	v35 =	vld [tilespmem:s26+$0x88A0];
	v16 =	vadd.f32 v12, v0;
	v0 =	vadd.f32 v3, v4  }
0x1a1: {  	v10 =	vld [tilespmem:s26+$0x880]  }
0x1a2: {  	v5 =	vsub.f32 v5, v43;
	[tilespmem:$0x1FD20] =	vst v13;
	v13 =	vld [tilespmem:$0x1FD30];
	v12 =	vsub.f32 v0, v39  }
0x1a3: {  	[tilespmem:$0x1FDB0] =	vst v7;
	v7 =	vld [tilespmem:s26+$0x8880]  }
0x1a4: {  	v8 =	vadd.f32 v8, v9;
	v5 =	vand.u32 $0x7FFFFFFF, v5;
	v9 =	vand.u32 $0x7FFFFFFF, v12;
	[tilespmem:$0x1FF70] =	vst v25;
	v25 =	vld [tilespmem:s26+$0x6B0]  }
0x1a5: {  	v4 =	vadd.f32 v24, v32;
	v5 =	vadd.f32 v5, v9;
	v9 =	vld [tilespmem:$0x1FD60]  }
0x1a6: {  	v21 =	vld [tilespmem:s26+$0x8920]  }
0x1a7: {  	v4 =	vsub.f32 v4, v13;
	v13 =	vld [tilespmem:$0x1FD40]  }
0x1a8: {  	v7 =	vadd.f32 v7, v10;
	v10 =	vadd.f32 v35, v40;
	v12 =	vld [tilespmem:$0x1FD80]  }
0x1a9: {  	[tilespmem:$0x1FED0] =	vst v25;
	v25 =	vld [tilespmem:s26+$0x86B0]  }
0x1aa: {  	v9 =	vsub.f32 v10, v9;
	v10 =	vld [tilespmem:$0x1FD70]  }
0x1ab: {  	v15 =	vld [tilespmem:s26+$0x89A0]  }
0x1ac: {  	v44 =	vld [tilespmem:s26+$0x10880];
	v6 =	vadd.f32 v21, v23  }
0x1ad: {  	v46 =	vld [tilespmem:s26+$0x10890]  }
0x1ae: {  	v13 =	vsub.f32 v6, v13;
	[tilespmem:$0x1FEE0] =	vst v25;
	v25 =	vld [tilespmem:s26+$0x10700]  }
0x1af: {  	v40 =	vadd.f32 v12, v10;
	v12 =	vld [tilespmem:$0x1FD90]  }
0x1b0: {  	v10 =	vand.u32 $0x7FFFFFFF, v13;
	v13 =	vld [tilespmem:$0x1FDA0]  }
0x1b1: {  	v52 =	vld [tilespmem:s26+$0x7B0]  }
0x1b2: {  	v50 =	vld [tilespmem:s26+$0x87B0];
	v8 =	vsub.f32 v8, v46  }
0x1b3: {  	v7 =	vsub.f32 v7, v44;
	[tilespmem:$0x1FEB0] =	vst v25;
	v25 =	vld [tilespmem:s26+$0x10710]  }
0x1b4: {  	v29 =	vld [tilespmem:s26+$0x980];
	v8 =	vand.u32 $0x7FFFFFFF, v8  }
0x1b5: {  	v7 =	vand.u32 $0x7FFFFFFF, v7;
	v5 =	vadd.f32 v10, v5;
	v45 =	vadd.f32 v13, v12;
	v12 =	vld [tilespmem:$0x1FDC0]  }
0x1b6: {  	v53 =	vld [tilespmem:s26+$0x8820];
	v7 =	vadd.f32 v8, v7;
	v8 =	vand.u32 $0x7FFFFFFF, v11  }
0x1b7: {  	v39 =	vadd.f32 v8, v5;
	v8 =	vld [tilespmem:$0x1FDB0]  }
0x1b8: {  	v11 =	vadd.f32 v50, v52;
	[tilespmem:$0x1FEC0] =	vst v25;
	v25 =	vld [tilespmem:s26+$0x720]  }
0x1b9: {  	v22 =	vld [tilespmem:s26+$0x8980]  }
0x1ba: {  	v13 =	vsub.f32 v11, v12;
	v11 =	vld [tilespmem:$0x1FDD0]  }
0x1bb: {  	v49 =	vld [tilespmem:s26+$0x730]  }
0x1bc: {  	v48 =	vld [tilespmem:s26+$0x8730]  }
0x1bd: {  	v8 =	vadd.f32 v53, v8;
	[tilespmem:$0x1FE90] =	vst v25;
	v25 =	vld [tilespmem:s26+$0x8720]  }
0x1be: {  	v5 =	vand.u32 $0x7FFFFFFF, v9;
	v12 =	vld [tilespmem:$0x1FE00]  }
0x1bf: {  	v5 =	vadd.f32 v5, v7;
	v60 =	vsub.f32 v8, v11;
	v8 =	vld [tilespmem:$0x1FDF0]  }
0x1c0: {  	v28 =	vld [tilespmem:s26+$0x780];
	v4 =	vand.u32 $0x7FFFFFFF, v4  }
0x1c1: {  	v21 =	vadd.f32 v4, v5;
	v5 =	vld [tilespmem:$0x1FDE0]  }
0x1c2: {  	[tilespmem:$0x1FEA0] =	vst v25;
	v25 =	vld [tilespmem:s26+$0x8780]  }
0x1c3: {  	v31 =	vld [tilespmem:s26+$0x790]  }
0x1c4: {  	v12 =	vadd.f32 v12, v8;
	v8 =	vld [tilespmem:$0x1FE10]  }
0x1c5: {  	v27 =	vld [tilespmem:s26+$0x8790];
	v7 =	vadd.f32 v48, v49  }
0x1c6: {  	v38 =	vld [tilespmem:s26+$0x105B0]  }
0x1c7: {  	v41 =	vld [tilespmem:s26+$0x10620];
	v5 =	vsub.f32 v7, v5;
	v7 =	vadd.f32 v25, v28  }
0x1c8: {  	v19 =	vld [tilespmem:$0x1FE30]  }
0x1c9: {  	v7 =	vsub.f32 v7, v8;
	v8 =	vld [tilespmem:$0x1FE20]  }
0x1ca: {  	v55 =	vld [tilespmem:s26+$0x630]  }
0x1cb: {  	v37 =	vld [tilespmem:s26+$0x8630]  }
0x1cc: {  	v34 =	vld [tilespmem:s26+$0x8710]  }
0x1cd: {  	[tilespmem:$0x1FF80] =	vst v38;
	v38 =	vld [tilespmem:s26+$0x10680]  }
0x1ce: {  	v19 =	vadd.f32 v19, v8;
	v8 =	vld [tilespmem:$0x1FE40]  }
0x1cf: {  	[tilespmem:$0x1FFB0] =	vst v41;
	v41 =	vld [tilespmem:s26+$0x6A0]  }
0x1d0: {  	[tilespmem:$0x1FF00] =	vst v55;
	v55 =	vld [tilespmem:s26+$0x86A0]  }
0x1d1: {  	[tilespmem:$0x1FF10] =	vst v37;
	v37 =	vld [tilespmem:s26+$0x8700];
	v11 =	vadd.f32 v27, v31  }
0x1d2: {  	v30 =	vld [tilespmem:s26+$0x680]  }
0x1d3: {  	v31 =	vsub.f32 v11, v8;
	v8 =	vld [tilespmem:$0x1FE50]  }
0x1d4: {  	v36 =	vld [tilespmem:s26+$0x8680]  }
0x1d5: {  	[tilespmem:$0x1FF30] =	vst v55;
	v55 =	vld [tilespmem:s26+$0x105A0]  }
0x1d6: {  	v18 =	vadd.f32 v26, v18;
	v26 =	vld [tilespmem:s26+$0x530]  }
0x1d7: {  	v23 =	vld [tilespmem:s26+$0x8600]  }
0x1d8: {  	v57 =	vsub.f32 v12, v8;
	v8 =	vld [tilespmem:$0x1FE60]  }
0x1d9: {  	[tilespmem:$0x1FF20] =	vst v41;
	v41 =	vld [tilespmem:s26+$0x700]  }
0x1da: {  	[tilespmem:$0x1FFF0] =	vst v55;
	v55 =	vld [tilespmem:s26+$0x5B0];
	v7 =	vand.u32 $0x7FFFFFFF, v7;
	v31 =	vand.u32 $0x7FFFFFFF, v31  }
0x1db: {  	v31 =	vadd.f32 v31, v7;
	v7 =	vld [tilespmem:$0x1FEB0]  }
0x1dc: {  	v12 =	vld [tilespmem:$0x1FE80]  }
0x1dd: {  	v11 =	vsub.f32 v19, v8;
	v8 =	vld [tilespmem:$0x1FE70]  }
0x1de: {  	[tilespmem:$0x1FFC0] =	vst v38;
	v38 =	vld [tilespmem:s26+$0x710]  }
0x1df: {  	[tilespmem:$0x1FF40] =	vst v55;
	v55 =	vld [tilespmem:s26+$0x85B0];
	v19 =	vadd.f32 v37, v41  }
0x1e0: {  	v14 =	vadd.f32 v59, v58;
	v58 =	vld [tilespmem:$0x1FEA0]  }
0x1e1: {  	v19 =	vsub.f32 v19, v7;
	v7 =	vld [tilespmem:$0x1FEC0]  }
0x1e2: {  	v12 =	vadd.f32 v12, v8;
	v8 =	vld [tilespmem:$0x1FE90]  }
0x1e3: {  	[tilespmem:$0x1FCE0] =	vst v18;
	v18 =	vld [tilespmem:s26+$0x8690]  }
0x1e4: {  	v43 =	vld [tilespmem:s26+$0x590];
	v34 =	vadd.f32 v34, v38  }
0x1e5: {  	[tilespmem:$0x1FF50] =	vst v55;
	v55 =	vld [tilespmem:s26+$0x10600]  }
0x1e6: {  	v34 =	vsub.f32 v34, v7;
	v7 =	vld [tilespmem:$0x1FED0]  }
0x1e7: {  	v38 =	vadd.f32 v58, v8;
	v8 =	vld [tilespmem:$0x1FEE0]  }
0x1e8: {  	[tilespmem:$0x1FD10] =	vst v14;
	v14 =	vadd.f32 v15, v20;
	v20 =	vld [tilespmem:s26+$0x5A0]  }
0x1e9: {  	v15 =	vld [tilespmem:s26+$0x600]  }
0x1ea: {  	[tilespmem:$0x1FFD0] =	vst v55;
	v55 =	vld [tilespmem:s26+$0x10610]  }
0x1eb: {  	v30 =	vadd.f32 v36, v30;
	v36 =	vld [tilespmem:s26+$0x83B0]  }
0x1ec: {  	v8 =	vadd.f32 v8, v7;
	v7 =	vld [tilespmem:$0x1FEF0]  }
0x1ed: {  	v61 =	vsub.f32 v14, v61;
	v14 =	vld [tilespmem:s26+$0x10500];
	v44 =	vand.u32 $0x7FFFFFFF, v57  }
0x1ee: {  	v17 =	vld [tilespmem:s26+$0x690];
	v31 =	vadd.f32 v44, v31  }
0x1ef: {  	[tilespmem:$0x1FFE0] =	vst v55;
	v55 =	vld [tilespmem:s26+$0x620];
	v13 =	vand.u32 $0x7FFFFFFF, v13  }
0x1f0: {  	v31 =	vadd.f32 v13, v31;
	v13 =	vld [tilespmem:$0x1FF10]  }
0x1f1: {  	v38 =	vsub.f32 v38, v7;
	v7 =	vld [tilespmem:$0x1FF00]  }
0x1f2: {  	v33 =	vld [tilespmem:s26+$0x10520]  }
0x1f3: {  	v47 =	vld [tilespmem:s26+$0x10580]  }
0x1f4: {  	[tilespmem:$0x1FF90] =	vst v55;
	v55 =	vld [tilespmem:s26+$0x8620];
	v19 =	vand.u32 $0x7FFFFFFF, v19;
	v34 =	vand.u32 $0x7FFFFFFF, v34  }
0x1f5: {  	v34 =	vadd.f32 v34, v19;
	v19 =	vld [tilespmem:$0x1FF30]  }
0x1f6: {  	v13 =	vadd.f32 v13, v7;
	v7 =	vld [tilespmem:$0x1FF20]  }
0x1f7: {  	v51 =	vld [tilespmem:s26+$0x10590]  }
0x1f8: {  	v1 =	vld [tilespmem:s26+$0x104B0]  }
0x1f9: {  	v42 =	vld [tilespmem:s26+$0x8580]  }
0x1fa: {  	v59 =	vld [tilespmem:$0x1FF50]  }
0x1fb: {  	[tilespmem:$0x1FFA0] =	vst v55;
	v55 =	vadd.f32 v19, v7;
	v7 =	vld [tilespmem:$0x1FF40]  }
0x1fc: {  	v35 =	vld [tilespmem:s26+$0x8520]  }
0x1fd: {  	[tilespmem:$0x1FD00] =	vst v2;
	v2 =	vld [tilespmem:s26+$0x8530]  }
0x1fe: {  	v54 =	vld [tilespmem:s26+$0x8510]  }
0x1ff: {  	v50 =	vld [tilespmem:s26+$0x84A0]  }
0x200: {  	v63 =	vadd.f32 v59, v7;
	v7 =	vld [tilespmem:$0x1FF60]  }
0x201: {  	v52 =	vld [tilespmem:s26+$0x500]  }
0x202: {  	v17 =	vadd.f32 v18, v17;
	v18 =	vadd.f32 v2, v26;
	v26 =	vld [tilespmem:s26+$0x8490]  }
0x203: {  	v3 =	vld [tilespmem:s26+$0x85A0]  }
0x204: {  	v24 =	vld [tilespmem:s26+$0x8610]  }
0x205: {  	v57 =	vsub.f32 v13, v7;
	v7 =	vld [tilespmem:$0x1FF70]  }
0x206: {  	v0 =	vadd.f32 v22, v29;
	v22 =	vld [tilespmem:s26+$0x610]  }
0x207: {  	v32 =	vld [tilespmem:s26+$0x84B0]  }
0x208: {  	v6 =	vld [tilespmem:$0x1FD50]  }
0x209: {  	v29 =	vld [tilespmem:s26+$0x4B0]  }
0x20a: {  	v13 =	vsub.f32 v55, v7;
	v7 =	vld [tilespmem:$0x1FF80]  }
0x20b: {  	v46 =	vadd.f32 v24, v22;
	v22 =	vld [tilespmem:s26+$0x10400];
	v38 =	vand.u32 $0x7FFFFFFF, v38  }
0x20c: {  	v24 =	vld [tilespmem:s26+$0x10410];
	v34 =	vadd.f32 v38, v34  }
0x20d: {  	v62 =	vsub.f32 v0, v6;
	v0 =	vld [tilespmem:s26+$0x10430];
	v5 =	vand.u32 $0x7FFFFFFF, v5  }
0x20e: {  	v34 =	vadd.f32 v5, v34;
	v5 =	vld [tilespmem:$0x1FF90]  }
0x20f: {  	v56 =	vsub.f32 v63, v7;
	v7 =	vld [tilespmem:$0x1FFA0]  }
0x210: {  	v6 =	vld [tilespmem:s26+$0x104A0]  }
0x211: {  	v10 =	vld [tilespmem:s26+$0x520]  }
0x212: {  	v9 =	vld [tilespmem:s26+$0x580]  }
0x213: {  	v4 =	vld [tilespmem:s26+$0x8590]  }
0x214: {  	v5 =	vadd.f32 v7, v5;
	v7 =	vld [tilespmem:$0x1FFB0]  }
0x215: {  	v48 =	vld [tilespmem:s26+$0x8430]  }
0x216: {  	v49 =	vld [tilespmem:s26+$0x10480]  }
0x217: {  	v53 =	vld [tilespmem:s26+$0x510]  }
0x218: {  	v9 =	vadd.f32 v42, v9;
	v42 =	vld [tilespmem:s26+$0x8420]  }
0x219: {  	v4 =	vadd.f32 v4, v43;
	v5 =	vsub.f32 v5, v7;
	v7 =	vld [tilespmem:$0x1FFC0]  }
0x21a: {  	v43 =	vld [tilespmem:s26+$0x480]  }
0x21b: {  	v4 =	vsub.f32 v4, v51;
	v51 =	vld [tilespmem:s26+$0x320]  }
0x21c: {  	v27 =	vld [tilespmem:s26+$0x430]  }
0x21d: {  	v25 =	vld [tilespmem:s26+$0x10330]  }
0x21e: {  	v23 =	vadd.f32 v23, v15;
	v15 =	vsub.f32 v30, v7;
	v7 =	vld [tilespmem:$0x1FFD0]  }
0x21f: {  	v28 =	vld [tilespmem:s26+$0x10420]  }
0x220: {  	v44 =	vld [tilespmem:s26+$0x8500]  }
0x221: {  	v37 =	vld [tilespmem:s26+$0x10490]  }
0x222: {  	v41 =	vld [tilespmem:s26+$0x4A0]  }
0x223: {  	v23 =	vsub.f32 v23, v7;
	v7 =	vld [tilespmem:$0x1FFE0]  }
0x224: {  	(xrf2) =	vadd.scan.msk.f32 $0xffff, v16;
	v59 =	vld [tilespmem:s26+$0x420]  }
0x225: {  	(xrf2) =	vadd.scan.msk.f32 $0xffff, v39;
	v63 =	vld [tilespmem:s26+$0x8480]  }
0x226: {  	v3 =	vadd.f32 v3, v20;
	(xrf2) =	vadd.scan.msk.f32 $0xffff, v21;
	v20 =	vand.u32 $0x7FFFFFFF, v23;
	v23 =	vld [tilespmem:s26+$0x490]  }
0x227: {  	(xrf2) =	vadd.scan.msk.f32 $0xffff, v31;
	v31 =	vld [tilespmem:s26+$0x390]  }
0x228: {  	v9 =	vsub.f32 v9, v47;
	v30 =	vsub.f32 v46, v7;
	v7 =	vld [tilespmem:$0x1FFF0]  }
0x229: {  	v58 =	vld [tilespmem:s26+$0x3B0]  }
0x22a: {  	v10 =	vadd.f32 v35, v10;
	v9 =	vand.u32 $0x7FFFFFFF, v9;
	v38 =	vld [tilespmem:s26+$0x330];
	v16 =	vadd.f32 v63, v43  }
0x22b: {  	v19 =	vld [tilespmem:s26+$0x10320];
	v63 =	vadd.f32 v42, v59;
	v2 =	vand.u32 $0x7FFFFFFF, v30;
	v23 =	vadd.f32 v26, v23  }
0x22c: {  	v4 =	vand.u32 $0x7FFFFFFF, v4;
	v55 =	vld [tilespmem:s26+$0x8330];
	v26 =	vadd.f32 v50, v41;
	v2 =	vadd.f32 v2, v20  }
0x22d: {  	v5 =	vand.u32 $0x7FFFFFFF, v5;
	v50 =	vld [tilespmem:s26+$0x8400];
	v20 =	vadd.f32 v4, v9;
	v3 =	vsub.f32 v3, v7  }
0x22e: {  	v9 =	vld [tilespmem:s26+$0x10300];
	v2 =	vadd.f32 v5, v2;
	v5 =	vadd.f32 v32, v29  }
0x22f: {  	v16 =	vsub.f32 v16, v49;
	v4 =	vld [tilespmem:s26+$0x10310];
	v23 =	vsub.f32 v23, v37;
	v29 =	vand.u32 $0x7FFFFFFF, v57  }
0x230: {  	v57 =	vld [tilespmem:s26+$0x8320];
	v32 =	vsub.f32 v63, v28;
	v3 =	vand.u32 $0x7FFFFFFF, v3;
	v46 =	vsub.f32 v5, v1  }
0x231: {  	v28 =	vld [tilespmem:s26+$0x8380];
	v30 =	vadd.f32 v3, v20;
	v20 =	vsub.f32 v10, v33  }
0x232: {  	v1 =	vand.u32 $0x7FFFFFFF, v56;
	v56 =	vld [tilespmem:s26+$0x8410];
	v10 =	vadd.f32 v48, v27;
	v27 =	vadd.f32 v44, v52  }
0x233: {  	v26 =	vsub.f32 v26, v6;
	v6 =	vand.u32 $0x7FFFFFFF, v16;
	v2 =	vadd.f32 v29, v2;
	v29 =	vld [tilespmem:s26+$0x300]  }
0x234: {  	v48 =	vld [tilespmem:s26+$0x400];
	v10 =	vsub.f32 v10, v0;
	v0 =	vsub.f32 v27, v14;
	v14 =	vand.u32 $0x7FFFFFFF, v23  }
0x235: {  	v16 =	vadd.f32 v55, v38;
	v52 =	vld [tilespmem:s26+$0x410];
	v14 =	vadd.f32 v14, v6  }
0x236: {  	v26 =	vand.u32 $0x7FFFFFFF, v26;
	v33 =	vld [tilespmem:s26+$0x8310]  }
0x237: {  	v27 =	vld [tilespmem:s26+$0x8300];
	v23 =	vsub.f32 v16, v25;
	v16 =	vadd.f32 v26, v14  }
0x238: {  	v1 =	vadd.f32 v1, v30;
	v30 =	vld [tilespmem:s26+$0x310]  }
0x239: {  	v21 =	vadd.f32 v36, v58;
	v5 =	vld [tilespmem:s26+$0x83A0];
	v6 =	vadd.f32 v54, v53  }
0x23a: {  	v3 =	vld [tilespmem:s26+$0x3A0];
	v25 =	vand.u32 $0x7FFFFFFF, v46;
	v35 =	vadd.f32 v50, v48;
	v36 =	vadd.f32 v56, v52;
	v14, _, _ =	vpop (xrf2)  }
0x23b: {  	s29 =	simm.s32 $0x4000;
	s28 =	simm.s32 $0x18300;
	v26 =	vld [tilespmem:s26+$0x380];
	v25 =	vadd.f32 v25, v16;
	(xrf2) =	vadd.scan.msk.f32 $0xffff, v34;
	v34 =	vadd.f32 v57, v51;
	v16, _, _ =	vpop (xrf2)  }
.LBB2_2:
0x23c: {  	v27 =	vadd.f32 v27, v29  }
0x23d: {  	v29 =	vld [tilespmem:s26+$0x8390];
	v22 =	vsub.f32 v35, v22;
	v30 =	vadd.f32 v33, v30  }
0x23e: {  	v63 =	vld [tilespmem:s26+$0x10380];
	v24 =	vsub.f32 v36, v24;
	v19 =	vsub.f32 v34, v19  }
0x23f: {  	v3 =	vadd.f32 v5, v3;
	v9 =	vsub.f32 v27, v9;
	v27 =	vld [tilespmem:s26+$0x10390]  }
0x240: {  	v4 =	vsub.f32 v30, v4;
	v30 =	vld [tilespmem:s26+$0x103A0];
	v22 =	vand.u32 $0x7FFFFFFF, v22;
	v24 =	vand.u32 $0x7FFFFFFF, v24  }
0x241: {  	(xrf2) =	vadd.scan.msk.f32 $0xffff, v2;
	v32 =	vand.u32 $0x7FFFFFFF, v32;
	v5 =	vadd.f32 v24, v22;
	v22 =	vadd.f32 v28, v26  }
0x242: {  	v26 =	vld [tilespmem:s26+$0x10510];
	v9 =	vand.u32 $0x7FFFFFFF, v9;
	v4 =	vand.u32 $0x7FFFFFFF, v4;
	v24 =	vadd.f32 v29, v31  }
0x243: {  	v4 =	vadd.f32 v4, v9;
	v9 =	vld [tilespmem:s26+$0x103B0];
	v5 =	vadd.f32 v32, v5  }
0x244: {  	v10 =	vand.u32 $0x7FFFFFFF, v10;
	v2, _, _ =	vpop (xrf2);
	(xrf2) =	vadd.scan.msk.f32 $0xffff, v1;
	v22 =	vsub.f32 v22, v63;
	v24 =	vsub.f32 v24, v27  }
0x245: {  	v19 =	vand.u32 $0x7FFFFFFF, v19;
	v3 =	vsub.f32 v3, v30;
	v5 =	vadd.f32 v10, v5;
	v10 =	vld [tilespmem:s26+$0x10690]  }
0x246: {  	v4 =	vadd.f32 v19, v4;
	v19 =	vand.u32 $0x7FFFFFFF, v22;
	v22 =	vand.u32 $0x7FFFFFFF, v24;
	v24 =	vld [tilespmem:s26+$0x10530]  }
0x247: {  	v23 =	vand.u32 $0x7FFFFFFF, v23;
	v1, _, _ =	vpop (xrf2);
	(xrf2) =	vadd.scan.msk.f32 $0xffff, v25;
	v6 =	vsub.f32 v6, v26;
	v19 =	vadd.f32 v22, v19  }
0x248: {  	v0 =	vand.u32 $0x7FFFFFFF, v0;
	v25, _, _ =	vpop (xrf2);
	(xrf2) =	vadd.scan.msk.f32 $0xffff, v5;
	v3 =	vand.u32 $0x7FFFFFFF, v3;
	v5 =	vsub.f32 v21, v9;
	v9 =	vld [tilespmem:s26+$0x10810]  }
0x249: {  	v4 =	vadd.f32 v23, v4;
	v6 =	vand.u32 $0x7FFFFFFF, v6;
	v3 =	vadd.f32 v3, v19;
	v19 =	vld [tilespmem:s26+$0x106B0]  }
0x24a: {  	v0 =	vadd.f32 v6, v0;
	v5 =	vand.u32 $0x7FFFFFFF, v5;
	v6 =	vsub.f32 v17, v10  }
0x24b: {  	v21, _, _ =	vpop (xrf2);
	(xrf2) =	vadd.scan.msk.f32 $0xffff, v4;
	v4 =	vand.u32 $0x7FFFFFFF, v20;
	v10 =	vld [tilespmem:s26+$0x10990];
	v3 =	vadd.f32 v5, v3;
	v5 =	vsub.f32 v18, v24  }
0x24c: {  	v0 =	vadd.f32 v4, v0;
	v4 =	vand.u32 $0x7FFFFFFF, v15;
	v15 =	vld [tilespmem:s26+$0x10830];
	v6 =	vand.u32 $0x7FFFFFFF, v6  }
0x24d: {  	v4 =	vadd.f32 v6, v4;
	v6 =	vsub.f32 v12, v9;
	v5 =	vand.u32 $0x7FFFFFFF, v5  }
0x24e: {  	v17, _, _ =	vpop (xrf2);
	(xrf2) =	vadd.scan.msk.f32 $0xffff, v3;
	v3 =	vand.u32 $0x7FFFFFFF, v13;
	v0 =	vadd.f32 v5, v0;
	v5 =	vsub.f32 v8, v19  }
0x24f: {  	v3 =	vadd.f32 v3, v4;
	v4 =	vand.u32 $0x7FFFFFFF, v11;
	v6 =	vand.u32 $0x7FFFFFFF, v6  }
0x250: {  	v4 =	vadd.f32 v6, v4;
	v6 =	vsub.f32 v40, v10;
	v5 =	vand.u32 $0x7FFFFFFF, v5  }
0x251: {  	v9, _, _ =	vpop (xrf2);
	(xrf2) =	vadd.scan.msk.f32 $0xffff, v0;
	v0 =	vadd.f32 v5, v3;
	v3 =	vand.u32 $0x7FFFFFFF, v60;
	v5 =	vsub.f32 v45, v15  }
0x252: {  	v6 =	vand.u32 $0x7FFFFFFF, v6;
	v3 =	vadd.f32 v3, v4;
	v4 =	vand.u32 $0x7FFFFFFF, v62  }
0x253: {  	v7 =	vld [tilespmem:s26+$0x10A90];
	v5 =	vand.u32 $0x7FFFFFFF, v5;
	v4 =	vadd.f32 v6, v4  }
0x254: {  	v10 =	vld [tilespmem:s26+$0x10AA0];
	v8, _, _ =	vpop (xrf2);
	(xrf2) =	vadd.scan.msk.f32 $0xffff, v0;
	v0 =	vadd.f32 v5, v3;
	v3 =	vand.u32 $0x7FFFFFFF, v61  }
0x255: {  	v3 =	vadd.f32 v3, v4;
	v4 =	vld [tilespmem:$0x1FCE0]  }
0x256: {  	v11 =	vld [tilespmem:s26+$0x109B0]  }
0x257: {  	v6 =	vld [tilespmem:$0x1FD10]  }
0x258: {  	v5 =	vld [tilespmem:$0x1FD20];
	_ =	sdelay $0x1  }
0x259: {  	v4 =	vsub.f32 v4, v10;
	v10 =	vld [tilespmem:$0x1FD00];
	_ =	sdelay $0x1  }
0x25a: {  	v6 =	vsub.f32 v6, v7  }
0x25b: {  	v7, _, _ =	vpop (xrf2);
	v12 =	vsub.f32 v5, v11  }
0x25c: {  	v5, _, _ =	vpop (xrf2);
	v6 =	vand.u32 $0x7FFFFFFF, v6  }
0x25d: {  	v5 =	vbroadcast v5, $0xF;
	v11 =	vand.u32 $0x7FFFFFFF, v12;
	v10 =	vand.u32 $0x7FFFFFFF, v10  }
0x25e: {  	(xrf2) =	vadd.scan.msk.f32 $0xffff, v0;
	v0 =	vadd.f32 v11, v3;
	v3 =	vadd.f32 v6, v10;
	v10 =	vbroadcast v7, $0xF;
	_ =	sdelay $0x1  }
0x25f: {  	(xrf2) =	vadd.scan.msk.f32 $0xffff, v0;
	v0 =	vsel vm0, v10, v5;
	v5 =	vld [tilespmem:$0x1FCF0];
	_ =	sdelay $0x2  }
0x260: {  	v4 =	vand.u32 $0x7FFFFFFF, v4  }
0x261: {  	v7 =	vbroadcast v8, $0xF;
	v3 =	vadd.f32 v4, v3  }
0x262: {  	v6, _, _ =	vpop (xrf2);
	v4 =	vbroadcast v9, $0xF;
	v5 =	vand.u32 $0x7FFFFFFF, v5  }
0x263: {  	v0 =	vsel vm1, v0, v7;
	v7 =	vbroadcast v6, $0xF;
	v3 =	vadd.f32 v5, v3  }
0x264: {  	v0 =	vsel vm2, v0, v4;
	v4 =	vbroadcast v17, $0xF  }
0x265: {  	v6, _, _ =	vpop (xrf2);
	v0 =	vsel vm3, v0, v7;
	v5 =	vbroadcast v21, $0xF;
	(xrf2) =	vadd.scan.msk.f32 $0xffff, v3  }
0x266: {  	v6 =	vbroadcast v6, $0xF;
	v0 =	vsel vm4, v0, v4  }
0x267: {  	v4 =	vbroadcast v25, $0xF;
	v0 =	vsel vm5, v0, v5  }
0x268: {  	v1 =	vbroadcast v1, $0xF;
	v0 =	vsel vm6, v0, v6;
	v3, _, _ =	vpop (xrf2)  }
0x269: {  	v0 =	vsel vm7, v0, v4;
	v4 =	vbroadcast v3, $0xF  }
0x26a: {  	v0 =	vsel vm8, v0, v1;
	v1 =	vbroadcast v2, $0xF  }
0x26b: {  	v2 =	vbroadcast v16, $0xF;
	v3, _, _ =	vpop (xrf2);
	v0 =	vsel vm9, v0, v4  }
0x26c: {  	v3 =	vbroadcast v3, $0xF;
	v0 =	vsel vm10, v0, v1  }
0x26d: {  	v0 =	vsel vm11, v0, v2;
	v2 =	vbroadcast v14, $0xF  }
0x26e: {  	v0 =	vsel vm12, v0, v3  }
0x26f: {  	v0 =	vsel vm13, v0, v2;
	v1, _, _ =	vpop (xrf2)  }
0x270: {  	s28 =	sadd.s32 $0x10, s28;
	v0 =	vsel vm14, v0, v1  }
0x271: {  	s26 =	sshra.s32 s29, $0x2;
	[tilespmem:s28+$0x0] =	vst v0  }
0x272: {  	v0 =	vld [tilespmem:s26+$0x10AB0];
	_ =	sdelay $0x4  }
0x273: {  	[tilespmem:$0x1F6B0] =	vst v0;
	v0 =	vld [tilespmem:s26+$0xAB0];
	_ =	sdelay $0x4  }
0x274: {  	[tilespmem:$0x1F680] =	vst v0;
	v0 =	vld [tilespmem:s26+$0x10A30];
	_ =	sdelay $0x4  }
0x275: {  	[tilespmem:$0x1F6E0] =	vst v0;
	v0 =	vld [tilespmem:s26+$0x10A80];
	_ =	sdelay $0x4  }
0x276: {  	[tilespmem:$0x1F720] =	vst v0;
	v0 =	vld [tilespmem:s26+$0xAA0];
	_ =	sdelay $0x4  }
0x277: {  	[tilespmem:$0x1F690] =	vst v0;
	v0 =	vld [tilespmem:s26+$0x8AA0];
	_ =	sdelay $0x4  }
0x278: {  	[tilespmem:$0x1F6A0] =	vst v0;
	v0 =	vld [tilespmem:s26+$0x10A20];
	_ =	sdelay $0x4  }
0x279: {  	[tilespmem:$0x1F710] =	vst v0;
	v0 =	vld [tilespmem:s26+$0xA30];
	_ =	sdelay $0x4  }
0x27a: {  	[tilespmem:$0x1F6C0] =	vst v0;
	v0 =	vld [tilespmem:s26+$0x8A30];
	_ =	sdelay $0x4  }
0x27b: {  	[tilespmem:$0x1F6D0] =	vst v0;
	v0 =	vld [tilespmem:s26+$0xA80];
	_ =	sdelay $0x4  }
0x27c: {  	[tilespmem:$0x1F6F0] =	vst v0;
	v0 =	vld [tilespmem:s26+$0x8A80];
	_ =	sdelay $0x4  }
0x27d: {  	[tilespmem:$0x1F700] =	vst v0;
	v0 =	vld [tilespmem:s26+$0xA90];
	_ =	sdelay $0x4  }
0x27e: {  	[tilespmem:$0x1F740] =	vst v0;
	v0 =	vld [tilespmem:s26+$0x8A90];
	_ =	sdelay $0x4  }
0x27f: {  	[tilespmem:$0x1F750] =	vst v0;
	v0 =	vld [tilespmem:s26+$0x10930];
	_ =	sdelay $0x4  }
0x280: {  	[tilespmem:$0x1F760] =	vst v0;
	v0 =	vld [tilespmem:s26+$0x9B0];
	_ =	sdelay $0x4  }
0x281: {  	[tilespmem:$0x1F770] =	vst v0;
	v0 =	vld [tilespmem:s26+$0x89B0];
	_ =	sdelay $0x4  }
0x282: {  	[tilespmem:$0x1F780] =	vst v0;
	v0 =	vld [tilespmem:s26+$0x108B0];
	_ =	sdelay $0x4  }
0x283: {  	[tilespmem:$0x1F7A0] =	vst v0;
	v0 =	vld [tilespmem:s26+$0x10920];
	_ =	sdelay $0x4  }
0x284: {  	[tilespmem:$0x1F7C0] =	vst v0;
	v0 =	vld [tilespmem:s26+$0x930];
	_ =	sdelay $0x4  }
0x285: {  	[tilespmem:$0x1F730] =	vst v0;
	v0 =	vld [tilespmem:s26+$0x10980];
	_ =	sdelay $0x4  }
0x286: {  	[tilespmem:$0x1F7D0] =	vst v0;
	v0 =	vld [tilespmem:s26+$0x108A0];
	_ =	sdelay $0x4  }
0x287: {  	[tilespmem:$0x1F7F0] =	vst v0;
	v0 =	vld [tilespmem:s26+$0x10900];
	_ =	sdelay $0x4  }
0x288: {  	[tilespmem:$0x1F790] =	vst v0;
	v0 =	vld [tilespmem:s26+$0x10910];
	_ =	sdelay $0x4  }
0x289: {  	[tilespmem:$0x1F7B0] =	vst v0;
	v0 =	vld [tilespmem:s26+$0x990];
	_ =	sdelay $0x4  }
0x28a: {  	[tilespmem:$0x1F800] =	vst v0;
	v0 =	vld [tilespmem:s26+$0x8990];
	_ =	sdelay $0x4  }
0x28b: {  	[tilespmem:$0x1F810] =	vst v0;
	v0 =	vld [tilespmem:s26+$0x107B0];
	_ =	sdelay $0x4  }
0x28c: {  	[tilespmem:$0x1F840] =	vst v0;
	v0 =	vld [tilespmem:s26+$0x10820];
	_ =	sdelay $0x4  }
0x28d: {  	[tilespmem:$0x1F850] =	vst v0;
	v0 =	vld [tilespmem:s26+$0x830];
	_ =	sdelay $0x4  }
0x28e: {  	[tilespmem:$0x1F820] =	vst v0;
	v0 =	vld [tilespmem:s26+$0x8830];
	_ =	sdelay $0x4  }
0x28f: {  	[tilespmem:$0x1F830] =	vst v0;
	v0 =	vld [tilespmem:s26+$0x10880];
	_ =	sdelay $0x4  }
0x290: {  	[tilespmem:$0x1F7E0] =	vst v0;
	v0 =	vld [tilespmem:s26+$0x10730];
	_ =	sdelay $0x4  }
0x291: {  	[tilespmem:$0x1F860] =	vst v0;
	v0 =	vld [tilespmem:s26+$0x107A0];
	_ =	sdelay $0x4  }
0x292: {  	[tilespmem:$0x1F890] =	vst v0;
	v0 =	vld [tilespmem:s26+$0x10800];
	_ =	sdelay $0x4  }
0x293: {  	[tilespmem:$0x1F8A0] =	vst v0;
	v0 =	vld [tilespmem:s26+$0x10720];
	_ =	sdelay $0x4  }
0x294: {  	[tilespmem:$0x1F8F0] =	vst v0;
	v0 =	vld [tilespmem:s26+$0x10780];
	_ =	sdelay $0x4  }
0x295: {  	[tilespmem:$0x1F870] =	vst v0;
	v0 =	vld [tilespmem:s26+$0x10790];
	_ =	sdelay $0x4  }
0x296: {  	[tilespmem:$0x1F880] =	vst v0;
	v0 =	vld [tilespmem:s26+$0x810];
	_ =	sdelay $0x4  }
0x297: {  	[tilespmem:$0x1F8B0] =	vst v0;
	v0 =	vld [tilespmem:s26+$0x10630];
	_ =	sdelay $0x4  }
0x298: {  	[tilespmem:$0x1F900] =	vst v0;
	v0 =	vld [tilespmem:s26+$0x106A0];
	_ =	sdelay $0x4  }
0x299: {  	[tilespmem:$0x1F910] =	vst v0;
	v0 =	vld [tilespmem:s26+$0x6B0];
	_ =	sdelay $0x4  }
0x29a: {  	[tilespmem:$0x1F8D0] =	vst v0;
	v0 =	vld [tilespmem:s26+$0x86B0];
	_ =	sdelay $0x4  }
0x29b: {  	[tilespmem:$0x1F8E0] =	vst v0;
	v0 =	vld [tilespmem:s26+$0x10700];
	_ =	sdelay $0x4  }
0x29c: {  	[tilespmem:$0x1F8C0] =	vst v0;
	v0 =	vld [tilespmem:s26+$0x105B0];
	_ =	sdelay $0x4  }
0x29d: {  	[tilespmem:$0x1F920] =	vst v0;
	v0 =	vld [tilespmem:s26+$0x10620];
	_ =	sdelay $0x4  }
0x29e: {  	[tilespmem:$0x1F930] =	vst v0;
	v0 =	vld [tilespmem:s26+$0x10680];
	_ =	sdelay $0x4  }
0x29f: {  	[tilespmem:$0x1F940] =	vst v0;
	v0 =	vld [tilespmem:s26+$0x105A0];
	_ =	sdelay $0x4  }
0x2a0: {  	[tilespmem:$0x1F990] =	vst v0;
	v0 =	vld [tilespmem:s26+$0x10600];
	_ =	sdelay $0x3  }
0x2a1: {  	v7 =	vld [tilespmem:s26+$0x690]  }
0x2a2: {  	[tilespmem:$0x1F950] =	vst v0;
	v0 =	vld [tilespmem:s26+$0x10610];
	_ =	sdelay $0x2  }
0x2a3: {  	v49 =	vld [tilespmem:s26+$0x8AB0]  }
0x2a4: {  	[tilespmem:$0x1F970] =	vst v7;
	v7 =	vld [tilespmem:s26+$0x8690]  }
0x2a5: {  	[tilespmem:$0x1F960] =	vst v0;
	v0 =	vld [tilespmem:$0x1F680];
	_ =	sdelay $0x3  }
0x2a6: {  	[tilespmem:$0x1F980] =	vst v7;
	v7 =	vld [tilespmem:$0x1F6A0]  }
0x2a7: {  	v0 =	vadd.f32 v49, v0;
	v49 =	vld [tilespmem:$0x1F690];
	_ =	sdelay $0x4  }
0x2a8: {  	v49 =	vadd.f32 v7, v49  }
0x2a9: {  	v14 =	vld [tilespmem:s26+$0xA10]  }
0x2aa: {  	[tilespmem:$0x1FCE0] =	vst v49;
	v49 =	vld [tilespmem:$0x1F6B0]  }
0x2ab: {  	v10 =	vld [tilespmem:s26+$0x8A10];
	_ =	sdelay $0x2  }
0x2ac: {  	v19 =	vld [tilespmem:s26+$0xA00]  }
0x2ad: {  	v18 =	vld [tilespmem:s26+$0x8A00];
	v0 =	vsub.f32 v0, v49  }
0x2ae: {  	v10 =	vadd.f32 v10, v14;
	v14 =	vld [tilespmem:s26+$0x10520]  }
0x2af: {  	[tilespmem:$0x1FCF0] =	vst v0;
	v0 =	vld [tilespmem:s26+$0x104B0]  }
0x2b0: {  	v27 =	vld [tilespmem:s26+$0xA20]  }
0x2b1: {  	v25 =	vld [tilespmem:s26+$0x8A20];
	_ =	sdelay $0x1  }
0x2b2: {  	[tilespmem:$0x1F9B0] =	vst v14;
	v14 =	vld [tilespmem:$0x1F6C0]  }
0x2b3: {  	[tilespmem:$0x1F9A0] =	vst v0;
	v0 =	vadd.f32 v18, v19;
	v18 =	vld [tilespmem:$0x1F6D0]  }
0x2b4: {  	v36 =	vld [tilespmem:s26+$0x10A00]  }
0x2b5: {  	v19 =	vadd.f32 v25, v27;
	v27 =	vld [tilespmem:$0x1F6E0];
	_ =	sdelay $0x2  }
0x2b6: {  	v34 =	vld [tilespmem:s26+$0x10A10];
	v25 =	vadd.f32 v18, v14  }
0x2b7: {  	v0 =	vsub.f32 v0, v36;
	v36 =	vld [tilespmem:$0x1F700]  }
0x2b8: {  	v25 =	vsub.f32 v25, v27;
	v27 =	vld [tilespmem:$0x1F6F0];
	_ =	sdelay $0x1  }
0x2b9: {  	v7 =	vld [tilespmem:$0x1F720];
	_ =	sdelay $0x1  }
0x2ba: {  	v10 =	vsub.f32 v10, v34  }
0x2bb: {  	v36 =	vadd.f32 v36, v27  }
0x2bc: {  	v59 =	vld [tilespmem:s26+$0x8930];
	v10 =	vand.u32 $0x7FFFFFFF, v10;
	v0 =	vand.u32 $0x7FFFFFFF, v0  }
0x2bd: {  	v0 =	vadd.f32 v10, v0;
	v10 =	vsub.f32 v36, v7;
	v7 =	vld [tilespmem:$0x1F730];
	_ =	sdelay $0x3  }
0x2be: {  	v49 =	vld [tilespmem:$0x1F710]  }
0x2bf: {  	[tilespmem:$0x1FD00] =	vst v10;
	v10 =	vadd.f32 v59, v7;
	v7 =	vld [tilespmem:$0x1F740]  }
0x2c0: {  	v59 =	vld [tilespmem:$0x1F750];
	_ =	sdelay $0x4  }
0x2c1: {  	v19 =	vsub.f32 v19, v49;
	v49 =	vadd.f32 v59, v7;
	v7 =	vld [tilespmem:$0x1F760];
	_ =	sdelay $0x3  }
0x2c2: {  	v19 =	vand.u32 $0x7FFFFFFF, v19  }
0x2c3: {  	v0 =	vadd.f32 v19, v0;
	v19 =	vsub.f32 v10, v7;
	v7 =	vld [tilespmem:$0x1F770]  }
0x2c4: {  	v10 =	vld [tilespmem:$0x1F780];
	_ =	sdelay $0x4  }
0x2c5: {  	v7 =	vadd.f32 v10, v7;
	_ =	sdelay $0x1  }
0x2c6: {  	[tilespmem:$0x1FD20] =	vst v7;
	v7 =	vld [tilespmem:s26+$0x10430]  }
0x2c7: {  	v54 =	vld [tilespmem:s26+$0x9A0]  }
0x2c8: {  	v17 =	vld [tilespmem:s26+$0x900]  }
0x2c9: {  	v11 =	vld [tilespmem:s26+$0x8900]  }
0x2ca: {  	v62 =	vld [tilespmem:s26+$0x89A0]  }
0x2cb: {  	[tilespmem:$0x1F9C0] =	vst v7;
	v7 =	vld [tilespmem:$0x1F790]  }
0x2cc: {  	v61 =	vld [tilespmem:s26+$0x109A0]  }
0x2cd: {  	v58 =	vld [tilespmem:s26+$0x8B0]  }
0x2ce: {  	v48 =	vld [tilespmem:s26+$0x88B0];
	v11 =	vadd.f32 v11, v17;
	_ =	sdelay $0x1  }
0x2cf: {  	v54 =	vadd.f32 v62, v54;
	v11 =	vsub.f32 v11, v7;
	v7 =	vld [tilespmem:$0x1F7A0];
	_ =	sdelay $0x1  }
0x2d0: {  	v16 =	vld [tilespmem:s26+$0x910];
	v61 =	vsub.f32 v54, v61;
	v25 =	vand.u32 $0x7FFFFFFF, v25  }
0x2d1: {  	v8 =	vld [tilespmem:s26+$0x8910];
	v54 =	vadd.f32 v25, v0;
	v25 =	vadd.f32 v48, v58;
	_ =	sdelay $0x1  }
0x2d2: {  	v25 =	vsub.f32 v25, v7;
	v7 =	vld [tilespmem:$0x1F7B0];
	_ =	sdelay $0x1  }
0x2d3: {  	v45 =	vld [tilespmem:s26+$0x920]  }
0x2d4: {  	v37 =	vld [tilespmem:s26+$0x8920];
	v8 =	vadd.f32 v8, v16;
	_ =	sdelay $0x1  }
0x2d5: {  	v8 =	vsub.f32 v8, v7;
	v7 =	vld [tilespmem:$0x1F7C0];
	_ =	sdelay $0x1  }
0x2d6: {  	v46 =	vld [tilespmem:s26+$0x980]  }
0x2d7: {  	v41 =	vld [tilespmem:s26+$0x8980];
	v16 =	vadd.f32 v37, v45;
	_ =	sdelay $0x1  }
0x2d8: {  	v48 =	vsub.f32 v16, v7;
	v7 =	vld [tilespmem:$0x1F7D0]  }
0x2d9: {  	v53 =	vld [tilespmem:s26+$0x10890]  }
0x2da: {  	v13 =	vld [tilespmem:s26+$0x880]  }
0x2db: {  	v6 =	vld [tilespmem:s26+$0x8880];
	v62 =	vadd.f32 v41, v46  }
0x2dc: {  	v3 =	vld [tilespmem:s26+$0x890]  }
0x2dd: {  	v62 =	vsub.f32 v62, v7;
	v7 =	vld [tilespmem:$0x1F7E0]  }
0x2de: {  	v1 =	vld [tilespmem:s26+$0x8890]  }
0x2df: {  	v40 =	vld [tilespmem:s26+$0x8A0]  }
0x2e0: {  	v28 =	vld [tilespmem:s26+$0x88A0];
	v6 =	vadd.f32 v6, v13  }
0x2e1: {  	v51 =	vld [tilespmem:s26+$0x7B0]  }
0x2e2: {  	v6 =	vsub.f32 v6, v7;
	v7 =	vld [tilespmem:$0x1F7F0]  }
0x2e3: {  	v60 =	vld [tilespmem:s26+$0x87B0];
	v3 =	vadd.f32 v1, v3  }
0x2e4: {  	v57 =	vld [tilespmem:s26+$0x820]  }
0x2e5: {  	v47 =	vld [tilespmem:s26+$0x8820];
	v13 =	vsub.f32 v3, v53;
	v1 =	vand.u32 $0x7FFFFFFF, v8;
	v8 =	vadd.f32 v28, v40  }
0x2e6: {  	v30 =	vld [tilespmem:s26+$0x730]  }
0x2e7: {  	v29 =	vld [tilespmem:s26+$0x8730];
	v13 =	vand.u32 $0x7FFFFFFF, v13;
	v6 =	vand.u32 $0x7FFFFFFF, v6;
	v8 =	vsub.f32 v8, v7  }
0x2e8: {  	v43 =	vld [tilespmem:s26+$0x7A0];
	v6 =	vadd.f32 v13, v6  }
0x2e9: {  	v39 =	vld [tilespmem:s26+$0x87A0];
	v11 =	vand.u32 $0x7FFFFFFF, v11;
	v8 =	vand.u32 $0x7FFFFFFF, v8  }
0x2ea: {  	v11 =	vadd.f32 v1, v11;
	v6 =	vadd.f32 v8, v6;
	v8 =	vld [tilespmem:$0x1F840]  }
0x2eb: {  	v28 =	vand.u32 $0x7FFFFFFF, v48;
	v48 =	vld [tilespmem:$0x1F830]  }
0x2ec: {  	v11 =	vadd.f32 v28, v11;
	v28 =	vld [tilespmem:$0x1F820]  }
0x2ed: {  	v44 =	vld [tilespmem:s26+$0x800];
	v13 =	vand.u32 $0x7FFFFFFF, v19;
	v19 =	vadd.f32 v60, v51  }
0x2ee: {  	v38 =	vld [tilespmem:s26+$0x8800]  }
0x2ef: {  	v19 =	vsub.f32 v19, v8;
	v8 =	vld [tilespmem:$0x1F850]  }
0x2f0: {  	v52 =	vld [tilespmem:s26+$0x8810]  }
0x2f1: {  	v56 =	vld [tilespmem:s26+$0x10710];
	v45 =	vadd.f32 v48, v28  }
0x2f2: {  	v35 =	vld [tilespmem:s26+$0x720];
	v48 =	vadd.f32 v13, v11;
	v11 =	vadd.f32 v47, v57  }
0x2f3: {  	v32 =	vld [tilespmem:s26+$0x8720]  }
0x2f4: {  	v60 =	vsub.f32 v11, v8;
	v8 =	vld [tilespmem:$0x1F860]  }
0x2f5: {  	v15 =	vld [tilespmem:s26+$0x780]  }
0x2f6: {  	v9 =	vld [tilespmem:s26+$0x8780]  }
0x2f7: {  	v12 =	vld [tilespmem:s26+$0x790];
	v13 =	vadd.f32 v29, v30  }
0x2f8: {  	v5 =	vld [tilespmem:s26+$0x8790]  }
0x2f9: {  	v47 =	vsub.f32 v13, v8;
	v8 =	vld [tilespmem:$0x1F870]  }
0x2fa: {  	v55 =	vld [tilespmem:s26+$0x630]  }
0x2fb: {  	v63 =	vld [tilespmem:s26+$0x8630]  }
0x2fc: {  	v42 =	vld [tilespmem:s26+$0x6A0];
	v9 =	vadd.f32 v9, v15  }
0x2fd: {  	v33 =	vld [tilespmem:s26+$0x86A0]  }
0x2fe: {  	v9 =	vsub.f32 v9, v8;
	v8 =	vld [tilespmem:$0x1F880]  }
0x2ff: {  	v50 =	vld [tilespmem:s26+$0x700]  }
0x300: {  	v4 =	vld [tilespmem:s26+$0x8700]  }
0x301: {  	v2 =	vld [tilespmem:s26+$0x710];
	v5 =	vadd.f32 v5, v12  }
0x302: {  	v24 =	vld [tilespmem:s26+$0x8710]  }
0x303: {  	v5 =	vsub.f32 v5, v8;
	v8 =	vld [tilespmem:$0x1F890]  }
0x304: {  	v22 =	vld [tilespmem:s26+$0x5B0]  }
0x305: {  	v20 =	vld [tilespmem:s26+$0x85B0]  }
0x306: {  	v31 =	vld [tilespmem:s26+$0x620];
	v11 =	vadd.f32 v39, v43  }
0x307: {  	v26 =	vld [tilespmem:s26+$0x8620]  }
0x308: {  	v13 =	vsub.f32 v11, v8;
	v8 =	vld [tilespmem:$0x1F8A0]  }
0x309: {  	v23 =	vld [tilespmem:s26+$0x680]  }
0x30a: {  	v21 =	vld [tilespmem:s26+$0x8680]  }
0x30b: {  	v17 =	vld [tilespmem:s26+$0x8610];
	v12 =	vadd.f32 v38, v44  }
0x30c: {  	v41 =	vld [tilespmem:s26+$0x4B0]  }
0x30d: {  	v11 =	vsub.f32 v12, v8;
	v8 =	vld [tilespmem:$0x1F8B0]  }
0x30e: {  	v37 =	vld [tilespmem:s26+$0x10500]  }
0x30f: {  	v38 =	vld [tilespmem:s26+$0x10490]  }
0x310: {  	v44 =	vld [tilespmem:s26+$0x500]  }
0x311: {  	v15 =	vadd.f32 v32, v35;
	v32 =	vld [tilespmem:s26+$0x8500]  }
0x312: {  	v12 =	vadd.f32 v52, v8;
	v8 =	vld [tilespmem:$0x1F8C0]  }
0x313: {  	v35 =	vld [tilespmem:s26+$0x510]  }
0x314: {  	v4 =	vadd.f32 v4, v50;
	v50 =	vld [tilespmem:s26+$0x8510]  }
0x315: {  	v2 =	vadd.f32 v24, v2;
	v24 =	vld [tilespmem:s26+$0x10410];
	v9 =	vand.u32 $0x7FFFFFFF, v9;
	v5 =	vand.u32 $0x7FFFFFFF, v5  }
0x316: {  	v5 =	vadd.f32 v5, v9;
	v9 =	vand.u32 $0x7FFFFFFF, v13;
	v13 =	vld [tilespmem:$0x1F8E0]  }
0x317: {  	v4 =	vsub.f32 v4, v8;
	v8 =	vld [tilespmem:$0x1F8D0]  }
0x318: {  	v34 =	vld [tilespmem:s26+$0x10590]  }
0x319: {  	v3 =	vld [tilespmem:s26+$0x8520]  }
0x31a: {  	v53 =	vld [tilespmem:s26+$0x580]  }
0x31b: {  	v2 =	vsub.f32 v2, v56;
	v56 =	vld [tilespmem:s26+$0x330]  }
0x31c: {  	v8 =	vadd.f32 v13, v8;
	v13 =	vld [tilespmem:$0x1F8F0]  }
0x31d: {  	v46 =	vld [tilespmem:$0x1F810]  }
0x31e: {  	v18 =	vld [tilespmem:s26+$0x530]  }
0x31f: {  	v14 =	vld [tilespmem:s26+$0x8530]  }
0x320: {  	v2 =	vand.u32 $0x7FFFFFFF, v2;
	v0 =	vld [tilespmem:s26+$0x610]  }
0x321: {  	v58 =	vld [tilespmem:s26+$0x104A0];
	v5 =	vadd.f32 v9, v5;
	v4 =	vand.u32 $0x7FFFFFFF, v4;
	v13 =	vsub.f32 v15, v13  }
0x322: {  	v27 =	vld [tilespmem:s26+$0x10580];
	v9 =	vand.u32 $0x7FFFFFFF, v19;
	v2 =	vadd.f32 v2, v4  }
0x323: {  	v36 =	vld [tilespmem:s26+$0x5A0];
	v52 =	vadd.f32 v9, v5;
	v9 =	vand.u32 $0x7FFFFFFF, v13  }
0x324: {  	v2 =	vadd.f32 v9, v2;
	v9 =	vld [tilespmem:$0x1F900]  }
0x325: {  	v59 =	vld [tilespmem:s26+$0x85A0]  }
0x326: {  	[tilespmem:$0x1FD10] =	vst v49;
	v49 =	vld [tilespmem:s26+$0x600]  }
0x327: {  	v10 =	vld [tilespmem:s26+$0x8600];
	v4 =	vadd.f32 v63, v55  }
0x328: {  	(xrf2) =	vadd.scan.msk.f32 $0xffff, v54;
	v54 =	vld [tilespmem:s26+$0x410]  }
0x329: {  	v15 =	vadd.f32 v20, v22;
	v20 =	vsub.f32 v4, v9;
	v4 =	vld [tilespmem:$0x1F910]  }
0x32a: {  	v0 =	vadd.f32 v17, v0;
	v17 =	vld [tilespmem:$0x1F970]  }
0x32b: {  	v36 =	vadd.f32 v59, v36;
	v59 =	vld [tilespmem:s26+$0x490]  }
0x32c: {  	v5 =	vadd.f32 v33, v42;
	v9 =	vadd.f32 v10, v49;
	v10 =	vld [tilespmem:$0x1F930]  }
0x32d: {  	v40 =	vld [tilespmem:s26+$0x8580]  }
0x32e: {  	v1 =	vld [tilespmem:s26+$0x520];
	v13 =	vsub.f32 v5, v4;
	v4 =	vand.u32 $0x7FFFFFFF, v47  }
0x32f: {  	v16 =	vld [tilespmem:s26+$0x84B0];
	v55 =	vadd.f32 v4, v2;
	v2 =	vadd.f32 v26, v31  }
0x330: {  	v5 =	vld [tilespmem:$0x1F920]  }
0x331: {  	v2 =	vsub.f32 v2, v10;
	v10 =	vld [tilespmem:$0x1F940]  }
0x332: {  	v28 =	vld [tilespmem:s26+$0x10330]  }
0x333: {  	v51 =	vld [tilespmem:s26+$0x8590]  }
0x334: {  	v7 =	vld [tilespmem:$0x1F800];
	v4 =	vadd.f32 v21, v23  }
0x335: {  	v29 =	vand.u32 $0x7FFFFFFF, v25;
	v25 =	vld [tilespmem:s26+$0x10420]  }
0x336: {  	v5 =	vsub.f32 v15, v5;
	v15 =	vsub.f32 v4, v10;
	v4 =	vld [tilespmem:$0x1F950]  }
0x337: {  	v57 =	vld [tilespmem:s26+$0x8430]  }
0x338: {  	v30 =	vld [tilespmem:s26+$0x10480]  }
0x339: {  	v7 =	vadd.f32 v46, v7;
	v46 =	vld [tilespmem:s26+$0x590]  }
0x33a: {  	v6 =	vadd.f32 v29, v6;
	v29 =	vld [tilespmem:s26+$0x430]  }
0x33b: {  	v4 =	vsub.f32 v9, v4;
	v9 =	vld [tilespmem:$0x1F960]  }
0x33c: {  	v39 =	vld [tilespmem:s26+$0x4A0]  }
0x33d: {  	v43 =	vld [tilespmem:s26+$0x84A0]  }
0x33e: {  	v19 =	vld [tilespmem:s26+$0x10320]  }
0x33f: {  	v33 =	vld [tilespmem:s26+$0x8330]  }
0x340: {  	v42 =	vld [tilespmem:s26+$0x3B0];
	v0 =	vsub.f32 v0, v9  }
0x341: {  	v63 =	vld [tilespmem:s26+$0x8490]  }
0x342: {  	v22 =	vld [tilespmem:s26+$0x10400];
	v4 =	vand.u32 $0x7FFFFFFF, v4;
	v0 =	vand.u32 $0x7FFFFFFF, v0  }
0x343: {  	v49 =	vld [tilespmem:s26+$0x320];
	v0 =	vadd.f32 v0, v4  }
0x344: {  	v47 =	vld [tilespmem:s26+$0x83B0];
	v2 =	vand.u32 $0x7FFFFFFF, v2  }
0x345: {  	v21 =	vld [tilespmem:s26+$0x420];
	v0 =	vadd.f32 v2, v0  }
0x346: {  	v23 =	vld [tilespmem:s26+$0x8420];
	v2 =	vand.u32 $0x7FFFFFFF, v20  }
0x347: {  	v2 =	vadd.f32 v2, v0;
	v0 =	vld [tilespmem:$0x1F9A0]  }
0x348: {  	v4 =	vld [tilespmem:$0x1F990]  }
0x349: {  	v26 =	vadd.f32 v51, v46;
	v31 =	vld [tilespmem:s26+$0x8480];
	v9 =	vadd.f32 v40, v53  }
0x34a: {  	v16 =	vadd.f32 v16, v41;
	v51 =	vld [tilespmem:s26+$0x8320]  }
0x34b: {  	v26 =	vsub.f32 v26, v34;
	v53 =	vld [tilespmem:$0x1F980];
	v27 =	vsub.f32 v9, v27  }
0x34c: {  	v18 =	vadd.f32 v14, v18;
	v16 =	vsub.f32 v16, v0;
	v0 =	vld [tilespmem:$0x1F9B0]  }
0x34d: {  	v26 =	vand.u32 $0x7FFFFFFF, v26;
	v10 =	vld [tilespmem:s26+$0x480];
	v14 =	vand.u32 $0x7FFFFFFF, v27;
	v27 =	vsub.f32 v36, v4  }
0x34e: {  	v40 =	vmov v7;
	v7 =	vld [tilespmem:$0x1F9C0];
	v14 =	vadd.f32 v26, v14  }
0x34f: {  	v1 =	vadd.f32 v3, v1;
	v26 =	vadd.f32 v57, v29;
	v57 =	vld [tilespmem:s26+$0x8410];
	v3 =	vand.u32 $0x7FFFFFFF, v27  }
0x350: {  	v34 =	vadd.f32 v51, v49;
	v9 =	vld [tilespmem:s26+$0x10300];
	v14 =	vadd.f32 v3, v14  }
0x351: {  	v17 =	vadd.f32 v53, v17;
	v53 =	vld [tilespmem:s26+$0x400];
	v20 =	vsub.f32 v1, v0;
	v0 =	vand.u32 $0x7FFFFFFF, v5  }
0x352: {  	(xrf2) =	vadd.scan.msk.f32 $0xffff, v48;
	v29 =	vadd.f32 v32, v44;
	v4 =	vld [tilespmem:s26+$0x10310];
	v1 =	vadd.f32 v0, v14  }
0x353: {  	v27 =	vld [tilespmem:s26+$0x8300];
	v0 =	vadd.f32 v31, v10;
	v10 =	vadd.f32 v63, v59  }
0x354: {  	v36 =	vadd.f32 v57, v54;
	v3 =	vld [tilespmem:s26+$0x3A0];
	v14 =	vadd.f32 v43, v39  }
0x355: {  	v5 =	vld [tilespmem:s26+$0x83A0];
	v0 =	vsub.f32 v0, v30;
	v30 =	vsub.f32 v10, v38  }
0x356: {  	v31 =	vld [tilespmem:s26+$0x8400];
	v10 =	vsub.f32 v26, v7;
	v14 =	vsub.f32 v14, v58  }
0x357: {  	p0 =	sne.s32 s29, $0x1E000;
	(xrf2) =	vadd.scan.msk.f32 $0xffff, v6;
	v58 =	vadd.f32 v33, v56;
	v33 =	vld [tilespmem:s26+$0x8310];
	v6 =	vand.u32 $0x7FFFFFFF, v0;
	v26 =	vand.u32 $0x7FFFFFFF, v30  }
.Ltmp0:
0x358: {  	v0 =	vsub.f32 v29, v37;
	v29 =	vld [tilespmem:s26+$0x300];
	v26 =	vadd.f32 v26, v6;
	(pc) =	sbr.rel @p0 .LBB2_2-.Ltmp0, $4  }
0x359: {  	v59 =	vadd.f32 v23, v21;
	v21 =	vadd.f32 v47, v42;
	v30 =	vld [tilespmem:s26+$0x310];
	v7 =	vand.u32 $0x7FFFFFFF, v14  }
0x35a: {  	v23 =	vsub.f32 v58, v28;
	v28 =	vld [tilespmem:s26+$0x8380];
	v63 =	vadd.f32 v7, v26  }
0x35b: {  	(xrf2) =	vadd.scan.msk.f32 $0xffff, v52;
	v6 =	vadd.f32 v50, v35;
	v35 =	vadd.f32 v31, v53;
	v31 =	vld [tilespmem:s26+$0x390];
	v14, _, _ =	vpop (xrf2);
	v7 =	vand.u32 $0x7FFFFFFF, v16  }
0x35c: {  	s29 =	sadd.s32 $0x2000, s29;
	v32 =	vsub.f32 v59, v25;
	(xrf2) =	vadd.scan.msk.f32 $0xffff, v55;
	v26 =	vld [tilespmem:s26+$0x380];
	v16, _, _ =	vpop (xrf2);
	v25 =	vadd.f32 v7, v63  }
0x35d: {  	v27 =	vadd.f32 v27, v29;
	v43 =	vld [tilespmem:s26+$0x8390];
	v22 =	vsub.f32 v35, v22  }
0x35e: {  	v44 =	vld [tilespmem:s26+$0x10380];
	v24 =	vsub.f32 v36, v24;
	v19 =	vsub.f32 v34, v19  }
0x35f: {  	v46 =	vld [tilespmem:s26+$0x10390];
	v3 =	vadd.f32 v5, v3;
	v30 =	vadd.f32 v33, v30  }
0x360: {  	v47 =	vld [tilespmem:s26+$0x103A0];
	v9 =	vsub.f32 v27, v9;
	v22 =	vand.u32 $0x7FFFFFFF, v22;
	v24 =	vand.u32 $0x7FFFFFFF, v24  }
0x361: {  	v51 =	vld [tilespmem:s26+$0x10510];
	v10 =	vand.u32 $0x7FFFFFFF, v10;
	v4 =	vsub.f32 v30, v4;
	v48 =	vadd.f32 v24, v22  }
0x362: {  	v32 =	vand.u32 $0x7FFFFFFF, v32;
	v49 =	vadd.f32 v28, v26;
	v50 =	vadd.f32 v43, v31  }
0x363: {  	v52 =	vld [tilespmem:s26+$0x103B0];
	v23 =	vand.u32 $0x7FFFFFFF, v23;
	v9 =	vand.u32 $0x7FFFFFFF, v9;
	v5 =	vadd.f32 v32, v48  }
0x364: {  	v4 =	vand.u32 $0x7FFFFFFF, v4;
	v22 =	vsub.f32 v49, v44;
	v24 =	vsub.f32 v50, v46  }
0x365: {  	v53 =	vld [tilespmem:s26+$0x10690];
	v19 =	vand.u32 $0x7FFFFFFF, v19;
	v3 =	vsub.f32 v3, v47;
	v4 =	vadd.f32 v4, v9  }
0x366: {  	v56 =	vld [tilespmem:s26+$0x10530];
	v6 =	vsub.f32 v6, v51;
	v54 =	vand.u32 $0x7FFFFFFF, v22;
	v55 =	vand.u32 $0x7FFFFFFF, v24  }
0x367: {  	(xrf2) =	vadd.scan.msk.f32 $0xffff, v2;
	v0 =	vand.u32 $0x7FFFFFFF, v0;
	v4 =	vadd.f32 v19, v4;
	v19 =	vadd.f32 v55, v54  }
0x368: {  	v58 =	vld [tilespmem:s26+$0x10810];
	(xrf2) =	vadd.scan.msk.f32 $0xffff, v1;
	v57 =	vsub.f32 v21, v52;
	v5 =	vadd.f32 v10, v5;
	v3 =	vand.u32 $0x7FFFFFFF, v3  }
0x369: {  	v59 =	vld [tilespmem:s26+$0x106B0];
	(xrf2) =	vadd.scan.msk.f32 $0xffff, v25;
	v2 =	vadd.f32 v23, v4;
	v1 =	vadd.f32 v3, v19;
	v3 =	vand.u32 $0x7FFFFFFF, v6  }
0x36a: {  	v63 =	vand.u32 $0x7FFFFFFF, v20;
	(xrf2) =	vadd.scan.msk.f32 $0xffff, v5;
	v0 =	vadd.f32 v3, v0;
	v3 =	vsub.f32 v17, v53  }
0x36b: {  	v29 =	vld [tilespmem:$0x1FD10];
	v4 =	vand.u32 $0x7FFFFFFF, v57;
	(xrf2) =	vadd.scan.msk.f32 $0xffff, v2;
	v2 =	vand.u32 $0x7FFFFFFF, v15;
	v17 =	vsub.f32 v18, v56  }
0x36c: {  	v18 =	vld [tilespmem:s26+$0x10990];
	v1 =	vadd.f32 v4, v1;
	v0 =	vadd.f32 v63, v0;
	v3 =	vand.u32 $0x7FFFFFFF, v3  }
0x36d: {  	v19 =	vld [tilespmem:s26+$0x10830];
	v5 =	vand.u32 $0x7FFFFFFF, v17;
	v2 =	vadd.f32 v3, v2;
	v3 =	vsub.f32 v12, v58  }
0x36e: {  	v35 =	vld [tilespmem:$0x1FD00];
	v20 =	vsub.f32 v8, v59;
	(xrf2) =	vadd.scan.msk.f32 $0xffff, v1;
	v1 =	vand.u32 $0x7FFFFFFF, v13;
	v0 =	vadd.f32 v5, v0  }
0x36f: {  	v31 =	vld [tilespmem:$0x1FD20];
	v1 =	vadd.f32 v1, v2;
	v2 =	vand.u32 $0x7FFFFFFF, v11;
	v3 =	vand.u32 $0x7FFFFFFF, v3  }
0x370: {  	v7, _, _ =	vpop (xrf2);
	v22 =	vld [tilespmem:s26+$0x109B0];
	v5 =	vand.u32 $0x7FFFFFFF, v20;
	v2 =	vadd.f32 v3, v2  }
0x371: {  	v21 =	vld [tilespmem:s26+$0x10A90];
	v23, _, _ =	vpop (xrf2);
	v3 =	vsub.f32 v40, v18;
	(xrf2) =	vadd.scan.msk.f32 $0xffff, v0;
	v1 =	vadd.f32 v5, v1  }
0x372: {  	v33 =	vld [tilespmem:$0x1FCE0];
	v25 =	vand.u32 $0x7FFFFFFF, v60;
	v4 =	vsub.f32 v45, v19;
	v0, _, _ =	vpop (xrf2)  }
0x373: {  	v27 =	vand.u32 $0x7FFFFFFF, v62;
	v24 =	vld [tilespmem:s26+$0x10AA0];
	v2 =	vadd.f32 v25, v2;
	v3 =	vand.u32 $0x7FFFFFFF, v3;
	v26, _, _ =	vpop (xrf2)  }
0x374: {  	v4 =	vand.u32 $0x7FFFFFFF, v4;
	v3 =	vadd.f32 v3, v27;
	v28, _, _ =	vpop (xrf2);
	(xrf2) =	vadd.scan.msk.f32 $0xffff, v1  }
0x375: {  	v30 =	vand.u32 $0x7FFFFFFF, v61;
	v6 =	vsub.f32 v31, v22;
	v2 =	vadd.f32 v4, v2;
	v1, _, _ =	vpop (xrf2)  }
0x376: {  	v5 =	vsub.f32 v29, v21;
	v3 =	vadd.f32 v30, v3;
	v32, _, _ =	vpop (xrf2)  }
0x377: {  	v38 =	vld [tilespmem:$0x1FCF0];
	v6 =	vand.u32 $0x7FFFFFFF, v6;
	v13 =	vand.u32 $0x7FFFFFFF, v35;
	v34, _, _ =	vpop (xrf2);
	(xrf2) =	vadd.scan.msk.f32 $0xffff, v2  }
0x378: {  	v5 =	vand.u32 $0x7FFFFFFF, v5;
	v4 =	vsub.f32 v33, v24;
	v2 =	vadd.f32 v6, v3;
	v36, _, _ =	vpop (xrf2)  }
0x379: {  	v3 =	vadd.f32 v5, v13;
	v37 =	vbroadcast v34, $0xF;
	v5 =	vbroadcast v36, $0xF  }
0x37a: {  	v4 =	vand.u32 $0x7FFFFFFF, v4;
	v9 =	vbroadcast v32, $0xF  }
0x37b: {  	v1 =	vbroadcast v1, $0xF;
	v3 =	vadd.f32 v4, v3;
	(xrf2) =	vadd.scan.msk.f32 $0xffff, v2;
	v39, _, _ =	vpop (xrf2);
	v2 =	vsel vm0, v37, v5  }
0x37c: {  	v4 =	vand.u32 $0x7FFFFFFF, v38;
	v5 =	vbroadcast v39, $0xF;
	v2 =	vsel vm1, v2, v9  }
0x37d: {  	v3 =	vadd.f32 v4, v3;
	v1 =	vsel vm2, v2, v1;
	v2 =	vbroadcast v28, $0xF  }
0x37e: {  	v40 =	vbroadcast v26, $0xF;
	v1 =	vsel vm3, v1, v5;
	v41, _, _ =	vpop (xrf2)  }
0x37f: {  	v1 =	vsel vm4, v1, v2;
	v2 =	vbroadcast v41, $0xF  }
0x380: {  	v0 =	vbroadcast v0, $0xF;
	(xrf2) =	vadd.scan.msk.f32 $0xffff, v3;
	v1 =	vsel vm5, v1, v40  }
0x381: {  	v1 =	vsel vm6, v1, v2;
	v2 =	vbroadcast v23, $0xF;
	v3, _, _ =	vpop (xrf2)  }
0x382: {  	v0 =	vsel vm7, v1, v0;
	v1 =	vbroadcast v3, $0xF  }
0x383: {  	v0 =	vsel vm8, v0, v2;
	v2 =	vbroadcast v7, $0xF  }
0x384: {  	v0 =	vsel vm9, v0, v1;
	v1 =	vbroadcast v16, $0xF  }
0x385: {  	v0 =	vsel vm10, v0, v2  }
0x386: {  	v3, _, _ =	vpop (xrf2);
	v0 =	vsel vm11, v0, v1;
	v1 =	vbroadcast v14, $0xF  }
0x387: {  	v2 =	vbroadcast v3, $0xF;
	_ =	sdelay $0x1  }
0x388: {  	v0 =	vsel vm12, v0, v2  }
0x389: {  	v0 =	vsel vm13, v0, v1;
	v1, _, _ =	vpop (xrf2)  }
0x38a: {  	s2 =	sadd.s32 $0x10, s28;
	v0 =	vsel vm14, v0, v1  }
0x38b: {  	s26 =	simm.s32 $0x0;
	[tilespmem:s2+$0x0] =	vst v0  }
0x38c: {  	[tilespmem:s26], [sflag:$0x2] =	stream.linear.gather [hbm4b:s11+s26], $0x80, $0x38;
	[tilespmem:$0x18500] =	vst v63  }
0x38d: {  	_ =	swait.ge [sflag:s19], $0x80  }
0x38e: {  	[sflag:s19] =	ssyncset.done $0x0  }
0x38f: {  	[sflag:s19] =	ssyncadd.s32 $0xFFFFFF80  }
0x390: {  	[tilespmem:s20], [sflag:$0x2] =	stream.linear.gather [hbm4b:s12+s26], $0x80, $0x38;
	[tilespmem:$0x18500] =	vst v63  }
0x391: {  	_ =	swait.ge [sflag:s19], $0x80  }
0x392: {  	[sflag:s19] =	ssyncset.done $0x0  }
0x393: {  	[sflag:s19] =	ssyncadd.s32 $0xFFFFFF80  }
0x394: {  	[tilespmem:s21], [sflag:$0x2] =	stream.linear.gather [hbm4b:s13+s26], $0x80, $0x38;
	[tilespmem:$0x18500] =	vst v63  }
0x395: {  	_ =	swait.ge [sflag:s19], $0x80  }
0x396: {  	[sflag:s19] =	ssyncset.done $0x0  }
0x397: {  	[sflag:s19] =	ssyncadd.s32 $0xFFFFFF80  }
0x398: {  	[tilespmem:s22], [sflag:$0x2] =	stream.linear.gather [hbm4b:s14+s26], $0x80, $0x38;
	[tilespmem:$0x18500] =	vst v63  }
0x399: {  	_ =	swait.ge [sflag:s19], $0x80  }
0x39a: {  	[sflag:s19] =	ssyncset.done $0x0  }
0x39b: {  	[sflag:s19] =	ssyncadd.s32 $0xFFFFFF80  }
0x39c: {  	[tilespmem:s23], [sflag:$0x2] =	stream.linear.gather [hbm4b:s15+s26], $0x80, $0x38;
	[tilespmem:$0x18500] =	vst v63  }
0x39d: {  	_ =	swait.ge [sflag:s19], $0x80  }
0x39e: {  	[sflag:s19] =	ssyncset.done $0x0  }
0x39f: {  	[sflag:s19] =	ssyncadd.s32 $0xFFFFFF80  }
0x3a0: {  	[tilespmem:s24], [sflag:$0x2] =	stream.linear.gather [hbm4b:s16+s26], $0x80, $0x38;
	[tilespmem:$0x18500] =	vst v63  }
0x3a1: {  	_ =	swait.ge [sflag:s19], $0x80  }
0x3a2: {  	[sflag:s19] =	ssyncset.done $0x0  }
0x3a3: {  	[sflag:s19] =	ssyncadd.s32 $0xFFFFFF80  }
0x3a4: {  	[tilespmem:s5], [sflag:$0x1] =	stream.indirect.gather [hbm4b:s3+s22], $0x80, s26, s22, $0xb8;
	[tilespmem:$0x18500] =	vst v63  }
0x3a5: {  	_ = 	snop  }
0x3a6: {  	[tilespmem:s30], [sflag:$0x1] =	stream.indirect.gather [hbm4b:s4+s22], $0x80, s20, s22, $0xb8;
	[tilespmem:$0x18500] =	vst v63  }
0x3a7: {  	_ = 	snop  }
0x3a8: {  	[tilespmem:s31], [sflag:$0x1] =	stream.indirect.gather [hbm4b:s3+s22], $0x80, s21, s22, $0xb8;
	[tilespmem:$0x18500] =	vst v63  }
0x3a9: {  	s2 =	simm.s32 $0x4300  }
0x3aa: {  	[tilespmem:s2], [sflag:$0x1] =	stream.indirect.gather [hbm4b:s3+s22], $0x80, s22, s22, $0xb8;
	[tilespmem:$0x18500] =	vst v63  }
0x3ab: {  	s5 =	simm.s32 $0xC300  }
0x3ac: {  	[tilespmem:s5], [sflag:$0x1] =	stream.indirect.gather [hbm4b:s4+s22], $0x80, s23, s22, $0xb8;
	[tilespmem:$0x18500] =	vst v63  }
0x3ad: {  	s5 =	simm.s32 $0x14300  }
0x3ae: {  	[tilespmem:s5], [sflag:$0x1] =	stream.indirect.gather [hbm4b:s3+s22], $0x80, s24, s22, $0xb8;
	[tilespmem:$0x18500] =	vst v63  }
0x3af: {  	_ =	swait.ge [sflag:s0], $0x4000  }
0x3b0: {  	[sflag:s0] =	ssyncset.done $0x0  }
0x3b1: {  	[sflag:s0] =	ssyncadd.s32 $0xFFFFC000  }
0x3b2: {  	_ =	swait.ge [sflag:s0], $0x4000  }
0x3b3: {  	[sflag:s0] =	ssyncset.done $0x0  }
0x3b4: {  	[sflag:s0] =	ssyncadd.s32 $0xFFFFC000  }
0x3b5: {  	_ =	swait.ge [sflag:s0], $0x4000  }
0x3b6: {  	[sflag:s0] =	ssyncset.done $0x0  }
0x3b7: {  	[sflag:s0] =	ssyncadd.s32 $0xFFFFC000  }
0x3b8: {  	_ =	swait.ge [sflag:s0], $0x4000  }
0x3b9: {  	[sflag:s0] =	ssyncset.done $0x0  }
0x3ba: {  	[sflag:s0] =	ssyncadd.s32 $0xFFFFC000  }
0x3bb: {  	_ =	swait.ge [sflag:s0], $0x4000  }
0x3bc: {  	[sflag:s0] =	ssyncset.done $0x0  }
0x3bd: {  	[sflag:s0] =	ssyncadd.s32 $0xFFFFC000  }
0x3be: {  	_ =	swait.ge [sflag:s0], $0x4000  }
0x3bf: {  	[sflag:s0] =	ssyncset.done $0x0  }
0x3c0: {  	s28 =	simm.s32 $0x700;
	[sflag:s0] =	ssyncadd.s32 $0xFFFFC000  }
0x3c1: {  	s29 =	simm.s32 $0x8700;
	v38 =	vld [tilespmem:s28+$0xFFFFFCB0]  }
0x3c2: {  	s30 =	simm.s32 $0x10700;
	v8 =	vld [tilespmem:s29+$0xFFFFFCB0]  }
0x3c3: {  	v17 =	vld [tilespmem:s30+$0xFFFFFCA0]  }
0x3c4: {  	v10 =	vld [tilespmem:s30+$0xFFFFFC90]  }
0x3c5: {  	v11 =	vld [tilespmem:s29+$0xFFFFFCA0]  }
0x3c6: {  	v13 =	vld [tilespmem:s29+$0xFFFFFC90]  }
0x3c7: {  	v14 =	vld [tilespmem:s28+$0xFFFFFCA0]  }
0x3c8: {  	v15 =	vld [tilespmem:s28+$0xFFFFFC90]  }
0x3c9: {  	v18 =	vld [tilespmem:s28+$0xFFFFFC80]  }
0x3ca: {  	v25 =	vld [tilespmem:s29+$0xFFFFFC80]  }
0x3cb: {  	v36 =	vld [tilespmem:s30+$0xFFFFFCB0]  }
0x3cc: {  	v44 =	vld [tilespmem:s30+$0xFFFFFC80]  }
0x3cd: {  	v45 =	vld [tilespmem:s28+$0x3B0]  }
0x3ce: {  	v46 =	vld [tilespmem:s30+$0x3B0]  }
0x3cf: {  	v47 =	vld [tilespmem:s29+$0x3B0]  }
0x3d0: {  	v48 =	vld [tilespmem:s30+$0x390]  }
0x3d1: {  	v49 =	vld [tilespmem:s30+$0x3A0]  }
0x3d2: {  	v50 =	vld [tilespmem:s29+$0x3A0]  }
0x3d3: {  	v51 =	vld [tilespmem:s28+$0x3A0]  }
0x3d4: {  	v52 =	vld [tilespmem:s30+$0x380]  }
0x3d5: {  	v53 =	vld [tilespmem:s29+$0x390]  }
0x3d6: {  	v54 =	vld [tilespmem:s28+$0x390]  }
0x3d7: {  	v55 =	vld [tilespmem:s29+$0x380]  }
0x3d8: {  	v56 =	vld [tilespmem:s28+$0x380]  }
0x3d9: {  	v40 =	vld [tilespmem:s29+$0xFFFFFFB0]  }
0x3da: {  	v0 =	vld [tilespmem:s29+$0x2B0]  }
0x3db: {  	v57 =	vld [tilespmem:s29+$0x320]  }
0x3dc: {  	v58 =	vld [tilespmem:s28+$0x320]  }
0x3dd: {  	v59 =	vld [tilespmem:s29+$0x2A0]  }
0x3de: {  	[tilespmem:$0x1F610] =	vst v40;
	v40 =	vld [tilespmem:s30+$0x20]  }
0x3df: {  	v60 =	vld [tilespmem:s28+$0x2A0]  }
0x3e0: {  	v61 =	vld [tilespmem:s30+$0x220]  }
0x3e1: {  	v62 =	vld [tilespmem:s29+$0x220]  }
0x3e2: {  	v63 =	vld [tilespmem:s28+$0x220]  }
0x3e3: {  	[tilespmem:$0x1F520] =	vst v40;
	v40 =	vld [tilespmem:s29+$0x20]  }
0x3e4: {  	v5 =	vld [tilespmem:s28+$0x210]  }
0x3e5: {  	v32 =	vld [tilespmem:s29+$0x290]  }
0x3e6: {  	v30 =	vld [tilespmem:s28+$0x290]  }
0x3e7: {  	v29 =	vld [tilespmem:s29+$0x230]  }
0x3e8: {  	[tilespmem:$0x1F4F0] =	vst v40;
	v40 =	vld [tilespmem:s28+$0x20]  }
0x3e9: {  	v27 =	vld [tilespmem:s28+$0x230]  }
0x3ea: {  	v12 =	vld [tilespmem:s30+$0x200]  }
0x3eb: {  	v6 =	vld [tilespmem:s30+$0x210]  }
0x3ec: {  	v2 =	vld [tilespmem:s29+$0x210]  }
0x3ed: {  	[tilespmem:$0x1F500] =	vst v40;
	v40 =	vld [tilespmem:s30+$0x10]  }
0x3ee: {  	v1 =	vld [tilespmem:s29+$0x200]  }
0x3ef: {  	v35 =	vld [tilespmem:s30+$0x1B0]  }
0x3f0: {  	v20 =	vld [tilespmem:s29+$0x1B0]  }
0x3f1: {  	v16 =	vld [tilespmem:s28+$0x1B0]  }
0x3f2: {  	[tilespmem:$0x1F5A0] =	vst v40;
	v40 =	vld [tilespmem:s30+$0xFFFFFFA0]  }
0x3f3: {  	v34 =	vld [tilespmem:s30+$0x1A0]  }
0x3f4: {  	v23 =	vld [tilespmem:s29+$0x1A0]  }
0x3f5: {  	v19 =	vld [tilespmem:s28+$0x1A0]  }
0x3f6: {  	v3 =	vld [tilespmem:s30+$0x130]  }
0x3f7: {  	[tilespmem:$0x1F590] =	vst v40;
	v40 =	vld [tilespmem:s29+$0xFFFFFFA0]  }
0x3f8: {  	v33 =	vld [tilespmem:s29+$0x130]  }
0x3f9: {  	v31 =	vld [tilespmem:s28+$0x130]  }
0x3fa: {  	v43 =	vld [tilespmem:s30+$0x180]  }
0x3fb: {  	v28 =	vld [tilespmem:s30+$0x190]  }
0x3fc: {  	[tilespmem:$0x1F530] =	vst v40;
	v40 =	vld [tilespmem:s28+$0xFFFFFFA0]  }
0x3fd: {  	v9 =	vld [tilespmem:s29+$0x190]  }
0x3fe: {  	v37 =	vld [tilespmem:s30+$0x110]  }
0x3ff: {  	v7 =	vld [tilespmem:s29+$0x180]  }
0x400: {  	v4 =	vld [tilespmem:s28+$0x180]  }
0x401: {  	[tilespmem:$0x1F540] =	vst v40;
	v40 =	vld [tilespmem:s29+$0x10]  }
0x402: {  	v22 =	vld [tilespmem:s29+$0x110]  }
0x403: {  	v21 =	vld [tilespmem:s28+$0x110]  }
0x404: {  	v26 =	vld [tilespmem:s29+$0x100]  }
0x405: {  	v42 =	vld [tilespmem:s30+$0xB0]  }
0x406: {  	[tilespmem:$0x1F550] =	vst v40;
	v40 =	vld [tilespmem:s28+$0x10]  }
0x407: {  	v24 =	vld [tilespmem:s28+$0x100]  }
0x408: {  	v39 =	vld [tilespmem:s29+$0x30]  }
0x409: {  	v41 =	vld [tilespmem:s28+$0x90]  }
0x40a: {  	[tilespmem:$0x1F510] =	vst v42;
	v42 =	vld [tilespmem:s29+$0xB0]  }
0x40b: {  	[tilespmem:$0x1F560] =	vst v40;
	v40 =	vld [tilespmem:s30+$0xFFFFFEB0]  }
0x40c: {  	[tilespmem:$0x1F650] =	vst v0;
	v0 =	vld [tilespmem:s30+$0x320]  }
0x40d: {  	[tilespmem:$0x1F450] =	vst v3;
	v3 =	vld [tilespmem:s29+$0x120]  }
0x40e: {  	[tilespmem:$0x1F620] =	vst v39;
	v39 =	vld [tilespmem:s28+$0x80]  }
0x40f: {  	[tilespmem:$0x1F470] =	vst v42;
	v42 =	vld [tilespmem:s28+$0xB0]  }
0x410: {  	[tilespmem:$0x1F5F0] =	vst v40;
	v40 =	vld [tilespmem:s29+$0xFFFFFEB0]  }
0x411: {  	v15 =	vadd.f32 v13, v15;
	v13 =	vld [tilespmem:s29+$0xFFFFFF90]  }
0x412: {  	v8 =	vadd.f32 v8, v38;
	v38 =	vld [tilespmem:s28+$0xFFFFFF90]  }
0x413: {  	v11 =	vadd.f32 v11, v14;
	v14 =	vld [tilespmem:s29+$0xFFFFFF80]  }
0x414: {  	[tilespmem:$0x1F480] =	vst v42;
	v42 =	vld [tilespmem:s30+$0x80]  }
0x415: {  	[tilespmem:$0x1F5C0] =	vst v40;
	v40 =	vld [tilespmem:s30+$0xFFFFFF30]  }
0x416: {  	v18 =	vadd.f32 v25, v18;
	v25 =	vld [tilespmem:s30+$0xFFFFFE80]  }
0x417: {  	v54 =	vadd.f32 v53, v54;
	v53 =	vld [tilespmem:s30+$0xFFFFFEA0]  }
0x418: {  	[tilespmem:$0x1F660] =	vst v0;
	v0 =	vld [tilespmem:s30+$0x2A0]  }
0x419: {  	[tilespmem:$0x1F4D0] =	vst v42;
	v42 =	vld [tilespmem:s30+$0xA0]  }
0x41a: {  	[tilespmem:$0x1F5B0] =	vst v40;
	v40 =	vld [tilespmem:s29+$0xFFFFFF30]  }
0x41b: {  	v16 =	vadd.f32 v20, v16;
	v20 =	vld [tilespmem:s28+$0xFFFFFE90]  }
0x41c: {  	[tilespmem:$0x1F420] =	vst v3;
	v3 =	vld [tilespmem:s30+$0x100]  }
0x41d: {  	[tilespmem:$0x1F640] =	vst v0;
	v0 =	vld [tilespmem:s29+$0x310]  }
0x41e: {  	[tilespmem:$0x1F4E0] =	vst v42;
	v42 =	vld [tilespmem:s29+$0xA0]  }
0x41f: {  	[tilespmem:$0x1F570] =	vst v40;
	v40 =	vld [tilespmem:s28+$0xFFFFFF30]  }
0x420: {  	v8 =	vsub.f32 v8, v36;
	v36 =	vld [tilespmem:s30+$0xFFFFFF00]  }
0x421: {  	[tilespmem:$0x1F440] =	vst v3;
	v3 =	vld [tilespmem:s30+$0x120]  }
0x422: {  	[tilespmem:$0x1F670] =	vst v0;
	v0 =	vld [tilespmem:s30+$0x230]  }
0x423: {  	[tilespmem:$0x1F4A0] =	vst v42;
	v42 =	vld [tilespmem:s28+$0xA0]  }
0x424: {  	[tilespmem:$0x1F580] =	vst v40;
	v40 =	vld [tilespmem:s30+$0xFFFFFF20]  }
0x425: {  	v11 =	vsub.f32 v11, v17;
	v17 =	vsub.f32 v54, v48;
	v48 =	vld [tilespmem:s30+$0xFFFFFF10]  }
0x426: {  	[tilespmem:$0x1F460] =	vst v3;
	v3 =	vld [tilespmem:s28+$0x120]  }
0x427: {  	[tilespmem:$0x1F410] =	vst v0;
	v0 =	vld [tilespmem:s29+$0x280]  }
0x428: {  	[tilespmem:$0x1F4B0] =	vst v42;
	v42 =	vld [tilespmem:s30+$0x90]  }
0x429: {  	[tilespmem:$0x1F5E0] =	vst v40;
	v40 =	vld [tilespmem:s29+$0x0]  }
0x42a: {  	v16 =	vsub.f32 v16, v35;
	v35 =	vld [tilespmem:$0x1F450]  }
0x42b: {  	[tilespmem:$0x1F430] =	vst v3;
	v3 =	vld [tilespmem:s28+$0x190]  }
0x42c: {  	[tilespmem:$0x1F630] =	vst v0;
	v0 =	vld [tilespmem:s28+$0x200]  }
0x42d: {  	v4 =	vadd.f32 v7, v4;
	[tilespmem:$0x1F4C0] =	vst v42;
	v42 =	vld [tilespmem:s29+$0x90]  }
0x42e: {  	[tilespmem:$0x1F600] =	vst v40;
	v40 =	vld [tilespmem:s30+$0xFFFFFF90]  }
0x42f: {  	v4 =	vsub.f32 v4, v43;
	v43 =	vld [tilespmem:$0x1F480]  }
0x430: {  	v3 =	vadd.f32 v9, v3;
	v9 =	vld [tilespmem:s28+$0xFFFFFE80]  }
0x431: {  	v0 =	vadd.f32 v1, v0;
	v1 =	vld [tilespmem:s28+$0xFFFFFF00]  }
0x432: {  	v56 =	vadd.f32 v55, v56;
	[tilespmem:$0x1F490] =	vst v42;
	v42 =	vld [tilespmem:s29+$0x80]  }
0x433: {  	[tilespmem:$0x1F5D0] =	vst v40;
	v40 =	vsub.f32 v18, v44;
	v44 =	vld [tilespmem:s28+$0xFFFFFEB0]  }
0x434: {  	v10 =	vsub.f32 v15, v10;
	v18 =	vsub.f32 v56, v52;
	v52 =	vld [tilespmem:s29+$0xFFFFFF00]  }
0x435: {  	v56 =	vadd.f32 v62, v63;
	v15 =	vand.u32 $0x7FFFFFFF, v40;
	v40 =	vadd.f32 v50, v51;
	v50 =	vld [tilespmem:s28+$0xFFFFFF20]  }
0x436: {  	v2 =	vadd.f32 v2, v5;
	v51 =	vld [tilespmem:s29+$0xFFFFFF10]  }
0x437: {  	v5 =	vsub.f32 v56, v61;
	v61 =	vadd.f32 v33, v31;
	v31 =	vld [tilespmem:s30+$0xFFFFFDB0]  }
0x438: {  	v63 =	vadd.f32 v22, v21;
	v33 =	vadd.f32 v26, v24;
	v24 =	vld [tilespmem:s30+$0xFFFFFD80]  }
0x439: {  	v26 =	vld [tilespmem:s30+$0xFFFFFE30]  }
0x43a: {  	v7 =	vsub.f32 v63, v37;
	v37 =	vld [tilespmem:$0x1F460]  }
0x43b: {  	v56 =	vadd.f32 v42, v39;
	v39 =	vld [tilespmem:s29+$0xFFFFFE10]  }
0x43c: {  	v63 =	vld [tilespmem:$0x1F510]  }
0x43d: {  	v10 =	vand.u32 $0x7FFFFFFF, v10;
	v42 =	vld [tilespmem:s29+$0xFFFFFD30]  }
0x43e: {  	v10 =	vadd.f32 v10, v15;
	v15 =	vadd.f32 v47, v45;
	v47 =	vld [tilespmem:s29+$0xFFFFFF20]  }
0x43f: {  	v21 =	vsub.f32 v61, v35;
	v35 =	vld [tilespmem:s28+$0xFFFFFE20]  }
0x440: {  	v11 =	vand.u32 $0x7FFFFFFF, v11;
	v61 =	vld [tilespmem:$0x1F4F0]  }
0x441: {  	v10 =	vadd.f32 v11, v10;
	v11 =	vadd.f32 v59, v60;
	v59 =	vld [tilespmem:$0x1F410]  }
0x442: {  	v54 =	vand.u32 $0x7FFFFFFF, v17;
	v55 =	vand.u32 $0x7FFFFFFF, v18;
	v60 =	vadd.f32 v23, v19;
	v23 =	vld [tilespmem:s28+$0xFFFFFE30]  }
0x443: {  	v8 =	vand.u32 $0x7FFFFFFF, v8;
	v45 =	vsub.f32 v15, v46;
	v46 =	vadd.f32 v54, v55;
	v54 =	vld [tilespmem:$0x1F490]  }
0x444: {  	v15 =	vadd.f32 v8, v10;
	v10 =	vsub.f32 v40, v49;
	v49 =	vld [tilespmem:s28+$0xFFFFFF10]  }
0x445: {  	v8 =	vadd.f32 v57, v58;
	v57 =	vsub.f32 v0, v12;
	v12 =	vld [tilespmem:s29+$0xFFFFFEA0]  }
0x446: {  	v0 =	vadd.f32 v32, v30;
	v32 =	vld [tilespmem:s28+$0xFFFFFEA0]  }
0x447: {  	v58 =	vadd.f32 v29, v27;
	v29 =	vld [tilespmem:s30+$0xFFFFFE90]  }
0x448: {  	v27 =	vld [tilespmem:$0x1F420]  }
0x449: {  	v30 =	vld [tilespmem:$0x1F430]  }
0x44a: {  	v19 =	vsub.f32 v60, v34;
	v34 =	vld [tilespmem:$0x1F440]  }
0x44b: {  	v1 =	vadd.f32 v52, v1;
	v40 =	vld [tilespmem:$0x1F470]  }
0x44c: {  	v60 =	vld [tilespmem:$0x1F4E0]  }
0x44d: {  	v2 =	vsub.f32 v2, v6;
	v1 =	vsub.f32 v1, v36;
	v36 =	vld [tilespmem:s28+$0x310]  }
0x44e: {  	v47 =	vadd.f32 v47, v50;
	v50 =	vld [tilespmem:s30+$0xFFFFFF80]  }
0x44f: {  	v2 =	vand.u32 $0x7FFFFFFF, v2;
	v6 =	vand.u32 $0x7FFFFFFF, v57;
	v57 =	vld [tilespmem:$0x1F4B0]  }
0x450: {  	v2 =	vadd.f32 v2, v6;
	v6 =	vld [tilespmem:s29+$0xFFFFFE90]  }
0x451: {  	v17 =	vsub.f32 v58, v59;
	v58 =	vld [tilespmem:$0x1F4C0]  }
0x452: {  	v59 =	vld [tilespmem:$0x1F4D0]  }
0x453: {  	v55 =	vadd.f32 v54, v41;
	v41 =	vld [tilespmem:s29+$0xFFFFFE00]  }
0x454: {  	v5 =	vand.u32 $0x7FFFFFFF, v5;
	v54 =	vld [tilespmem:$0x1F520]  }
0x455: {  	v2 =	vadd.f32 v5, v2;
	v5 =	vld [tilespmem:s29+$0xFFFFFE80]  }
0x456: {  	v49 =	vadd.f32 v51, v49;
	v51 =	vld [tilespmem:s30+$0xFFFFFD90]  }
0x457: {  	v62 =	vand.u32 $0x7FFFFFFF, v17;
	v17 =	vadd.f32 v27, v30;
	v12 =	vadd.f32 v12, v32;
	v32 =	vld [tilespmem:s29+$0xFFFFFC30]  }
0x458: {  	v18 =	vadd.f32 v62, v2;
	v2 =	vsub.f32 v3, v28;
	v3 =	vld [tilespmem:s29+$0xFFFFFDB0]  }
0x459: {  	v28 =	vld [tilespmem:s28+$0xFFFFFDB0]  }
0x45a: {  	v17 =	vsub.f32 v17, v37;
	v37 =	vld [tilespmem:s30+$0xFFFFFE10]  }
0x45b: {  	v62 =	vld [tilespmem:$0x1F500]  }
0x45c: {  	v48 =	vsub.f32 v49, v48;
	v49 =	vld [tilespmem:s28+$0xFFFFFD10]  }
0x45d: {  	v12 =	vsub.f32 v12, v53;
	v53 =	vld [tilespmem:s29+$0xFFFFFD00]  }
0x45e: {  	v27 =	vsub.f32 v55, v58;
	v55 =	vld [tilespmem:$0x1F530]  }
0x45f: {  	v30 =	vsub.f32 v56, v59;
	v56 =	vld [tilespmem:$0x1F540]  }
0x460: {  	v58 =	vld [tilespmem:$0x1F560]  }
0x461: {  	v4 =	vand.u32 $0x7FFFFFFF, v4;
	v59 =	vld [tilespmem:$0x1F570];
	v6 =	vadd.f32 v6, v20;
	v2 =	vand.u32 $0x7FFFFFFF, v2  }
0x462: {  	v2 =	vadd.f32 v2, v4;
	v4 =	vsub.f32 v33, v34;
	v33 =	vld [tilespmem:s29+$0xFFFFFE30]  }
0x463: {  	v34 =	vld [tilespmem:s30+$0xFFFFFE20]  }
0x464: {  	v1 =	vand.u32 $0x7FFFFFFF, v1;
	v48 =	vand.u32 $0x7FFFFFFF, v48;
	v6 =	vsub.f32 v6, v29;
	v29 =	vld [tilespmem:s28+$0xFFFFFD20]  }
0x465: {  	v19 =	vand.u32 $0x7FFFFFFF, v19;
	v5 =	vadd.f32 v5, v9;
	v1 =	vadd.f32 v48, v1;
	v48 =	vld [tilespmem:s29+$0xFFFFFD10]  }
0x466: {  	v2 =	vadd.f32 v19, v2;
	v19 =	vadd.f32 v40, v43;
	v40 =	vld [tilespmem:s28+$0xFFFFFE10]  }
0x467: {  	v5 =	vsub.f32 v5, v25;
	v25 =	vld [tilespmem:s29+$0xFFFFFD20]  }
0x468: {  	v7 =	vand.u32 $0x7FFFFFFF, v7;
	v4 =	vand.u32 $0x7FFFFFFF, v4;
	v3 =	vadd.f32 v3, v28;
	v28 =	vld [tilespmem:s30+$0xFFFFFC20]  }
0x469: {  	v16 =	vand.u32 $0x7FFFFFFF, v16;
	v4 =	vadd.f32 v7, v4;
	v7 =	vld [tilespmem:s29+$0xFFFFFE20]  }
0x46a: {  	v22 =	vadd.f32 v16, v2;
	v2 =	vld [tilespmem:$0x1F4A0]  }
0x46b: {  	v16 =	vld [tilespmem:s30+$0xFFFFFE00]  }
0x46c: {  	v19 =	vsub.f32 v19, v63;
	v63 =	vld [tilespmem:$0x1F5C0]  }
0x46d: {  	v17 =	vand.u32 $0x7FFFFFFF, v17;
	v3 =	vsub.f32 v3, v31;
	v31 =	vld [tilespmem:s28+$0xFFFFFC20]  }
0x46e: {  	v4 =	vadd.f32 v17, v4;
	v17 =	vadd.f32 v61, v62;
	v61 =	vld [tilespmem:$0x1F5A0]  }
0x46f: {  	v21 =	vand.u32 $0x7FFFFFFF, v21;
	v6 =	vand.u32 $0x7FFFFFFF, v6;
	v5 =	vand.u32 $0x7FFFFFFF, v5;
	v62 =	vld [tilespmem:$0x1F5B0]  }
0x470: {  	v27 =	vand.u32 $0x7FFFFFFF, v27;
	v30 =	vand.u32 $0x7FFFFFFF, v30;
	v5 =	vadd.f32 v6, v5;
	v6 =	vld [tilespmem:s29+$0xFFFFFC20]  }
0x471: {  	v27 =	vadd.f32 v27, v30;
	v30 =	vadd.f32 v21, v4;
	v4 =	vld [tilespmem:s28+$0xFFFFFE00]  }
0x472: {  	v21 =	vadd.f32 v55, v56;
	v55 =	vld [tilespmem:s30+$0xFFFFFD20]  }
0x473: {  	v12 =	vand.u32 $0x7FFFFFFF, v12;
	v23 =	vadd.f32 v33, v23;
	v56 =	vld [tilespmem:$0x1F5D0]  }
0x474: {  	v5 =	vadd.f32 v12, v5;
	v12 =	vld [tilespmem:s30+$0xFFFFFC10]  }
0x475: {  	v23 =	vsub.f32 v23, v26;
	v26 =	vld [tilespmem:s29+$0x300]  }
0x476: {  	v25 =	vadd.f32 v25, v29;
	v29 =	vld [tilespmem:s28+$0x2B0]  }
0x477: {  	v2 =	vadd.f32 v2, v57;
	v57 =	vld [tilespmem:$0x1F550]  }
0x478: {  	v13 =	vadd.f32 v13, v38;
	v38 =	vadd.f32 v63, v44;
	v44 =	vld [tilespmem:s28+$0xFFFFFDA0]  }
0x479: {  	v2 =	vsub.f32 v2, v60;
	v60 =	vld [tilespmem:$0x1F580]  }
0x47a: {  	v63 =	vld [tilespmem:$0x1F5F0]  }
0x47b: {  	v6 =	vadd.f32 v6, v31;
	v31 =	vld [tilespmem:s28+$0x300]  }
0x47c: {  	v13 =	vsub.f32 v13, v56;
	v56 =	vld [tilespmem:s28+$0xFFFFFC00];
	v2 =	vand.u32 $0x7FFFFFFF, v2  }
0x47d: {  	v4 =	vadd.f32 v41, v4;
	v41 =	vld [tilespmem:s28+$0xFFFFFD30];
	v2 =	vadd.f32 v2, v27  }
0x47e: {  	v19 =	vand.u32 $0x7FFFFFFF, v19;
	v17 =	vsub.f32 v17, v54;
	v54 =	vadd.f32 v59, v60;
	v59 =	vld [tilespmem:$0x1F5E0]  }
0x47f: {  	v27 =	vadd.f32 v19, v2;
	v2 =	vld [tilespmem:$0x1F590]  }
0x480: {  	v43 =	vadd.f32 v57, v58;
	v57 =	vld [tilespmem:s29+$0xFFFFFD90]  }
0x481: {  	v58 =	vld [tilespmem:s28+$0xFFFFFD90]  }
0x482: {  	v25 =	vsub.f32 v25, v55;
	v55 =	vld [tilespmem:s28+$0x30]  }
0x483: {  	v7 =	vadd.f32 v7, v35;
	v60 =	vld [tilespmem:s29+$0xFFFFFD80];
	v47 =	vsub.f32 v47, v59  }
0x484: {  	v19 =	vsub.f32 v21, v2;
	v21 =	vsub.f32 v43, v61;
	v61 =	vld [tilespmem:s28+$0xFFFFFD80]  }
0x485: {  	v38 =	vsub.f32 v38, v63;
	v63 =	vld [tilespmem:s28+$0xFFFFFD00];
	v43 =	vsub.f32 v54, v62;
	v62 =	vand.u32 $0x7FFFFFFF, v47  }
0x486: {  	v52 =	vadd.f32 v57, v58;
	v58 =	vld [tilespmem:s29+$0xFFFFFC10];
	v1 =	vadd.f32 v62, v1  }
0x487: {  	v54 =	vld [tilespmem:s29+$0xFFFFFDA0];
	v43 =	vand.u32 $0x7FFFFFFF, v43  }
0x488: {  	v7 =	vsub.f32 v7, v34;
	v2 =	vld [tilespmem:s30+$0xFFFFFDA0];
	v1 =	vadd.f32 v43, v1  }
0x489: {  	v43 =	vadd.f32 v39, v40;
	v9 =	vadd.f32 v60, v61;
	v60 =	vld [tilespmem:s28+$0xFFFFFC10]  }
0x48a: {  	v6 =	vsub.f32 v6, v28;
	v4 =	vsub.f32 v4, v16;
	v61 =	vld [tilespmem:s29+$0xFFFFFC00]  }
0x48b: {  	v7 =	vand.u32 $0x7FFFFFFF, v7;
	v16 =	vadd.f32 v48, v49;
	v48 =	vld [tilespmem:s28+$0xFFFFFF80];
	v33 =	vsub.f32 v43, v37  }
0x48c: {  	v4 =	vand.u32 $0x7FFFFFFF, v4;
	v34 =	vsub.f32 v52, v51;
	v57 =	vadd.f32 v54, v44;
	v37 =	vld [tilespmem:s30+$0xFFFFFC00]  }
0x48d: {  	v49 =	vld [tilespmem:s28+$0x0];
	v51 =	vadd.f32 v42, v41;
	v9 =	vsub.f32 v9, v24;
	v33 =	vand.u32 $0x7FFFFFFF, v33  }
0x48e: {  	v62 =	vand.u32 $0x7FFFFFFF, v34;
	v40 =	vld [tilespmem:s28+$0xFFFFFC30];
	v2 =	vsub.f32 v57, v2;
	v4 =	vadd.f32 v33, v4  }
0x48f: {  	v47 =	vld [tilespmem:s30+$0xFFFFFD10];
	v9 =	vand.u32 $0x7FFFFFFF, v9;
	v24 =	vadd.f32 v58, v60;
	v20 =	vadd.f32 v61, v56  }
0x490: {  	v59 =	vand.u32 $0x7FFFFFFF, v38;
	v43 =	vld [tilespmem:s30+$0xFFFFFC30];
	v4 =	vadd.f32 v7, v4;
	v7 =	vadd.f32 v62, v9  }
0x491: {  	(xrf2) =	vadd.scan.msk.f32 $0xffff, v15;
	v38 =	vld [tilespmem:s30+$0xFFFFFD00];
	v2 =	vand.u32 $0x7FFFFFFF, v2;
	v9 =	vsub.f32 v20, v37;
	v12 =	vsub.f32 v24, v12  }
0x492: {  	(xrf2) =	vadd.scan.msk.f32 $0xffff, v18;
	v52 =	vld [tilespmem:s30+$0x0];
	v5 =	vadd.f32 v59, v5;
	v2 =	vadd.f32 v2, v7  }
0x493: {  	(xrf2) =	vadd.scan.msk.f32 $0xffff, v22;
	v41 =	vld [tilespmem:s30+$0x300];
	v9 =	vand.u32 $0x7FFFFFFF, v9;
	v12 =	vand.u32 $0x7FFFFFFF, v12;
	v7 =	vadd.f32 v32, v40  }
0x494: {  	v23 =	vand.u32 $0x7FFFFFFF, v23;
	(xrf2) =	vadd.scan.msk.f32 $0xffff, v30;
	v44 =	vadd.f32 v53, v63;
	v53 =	vld [tilespmem:s28+$0xFFFFFFB0];
	v9 =	vadd.f32 v12, v9  }
0x495: {  	v6 =	vand.u32 $0x7FFFFFFF, v6;
	(xrf2) =	vadd.scan.msk.f32 $0xffff, v27;
	v16 =	vsub.f32 v16, v47;
	v47 =	vld [tilespmem:s30+$0xFFFFFD30];
	v7 =	vsub.f32 v7, v43  }
0x496: {  	v3 =	vand.u32 $0x7FFFFFFF, v3;
	(xrf2) =	vadd.scan.msk.f32 $0xffff, v1;
	v58 =	vld [tilespmem:$0x1F600];
	v4 =	vadd.f32 v23, v4;
	v6 =	vadd.f32 v6, v9  }
0x497: {  	v54 =	vadd.f32 v14, v48;
	(xrf2) =	vadd.scan.msk.f32 $0xffff, v5;
	v24 =	vld [tilespmem:$0x1F610];
	v2 =	vadd.f32 v3, v2;
	v1 =	vand.u32 $0x7FFFFFFF, v7  }
0x498: {  	v63 =	vld [tilespmem:s28+$0x280];
	v3 =	vsub.f32 v44, v38;
	(xrf2) =	vadd.scan.msk.f32 $0xffff, v4;
	v1 =	vadd.f32 v1, v6  }
0x499: {  	v57 =	vld [tilespmem:s30+$0xFFFFFFB0];
	v59 =	vsub.f32 v54, v50;
	(xrf2) =	vadd.scan.msk.f32 $0xffff, v2  }
0x49a: {  	v16 =	vand.u32 $0x7FFFFFFF, v16;
	v12 =	vsub.f32 v51, v47;
	v3 =	vand.u32 $0x7FFFFFFF, v3;
	(xrf2) =	vadd.scan.msk.f32 $0xffff, v1;
	v1 =	vld [tilespmem:$0x1F620]  }
0x49b: {  	v13 =	vand.u32 $0x7FFFFFFF, v13;
	v32 =	vld [tilespmem:$0x1F630];
	v23 =	vadd.f32 v58, v49;
	v3 =	vadd.f32 v16, v3  }
0x49c: {  	v56 =	vand.u32 $0x7FFFFFFF, v25;
	v60 =	vld [tilespmem:s30+$0x30];
	v61 =	vand.u32 $0x7FFFFFFF, v12;
	v5 =	vadd.f32 v24, v53  }
0x49d: {  	v20 =	vld [tilespmem:s30+$0x290];
	v62 =	vsub.f32 v23, v52;
	v23 =	vand.u32 $0x7FFFFFFF, v59;
	v3 =	vadd.f32 v56, v3  }
0x49e: {  	v25 =	vld [tilespmem:s30+$0x280];
	v2 =	vand.u32 $0x7FFFFFFF, v21;
	v4 =	vadd.f32 v13, v23;
	v5 =	vsub.f32 v5, v57  }
0x49f: {  	v40 =	vld [tilespmem:$0x1F640];
	v6 =	vand.u32 $0x7FFFFFFF, v62;
	v3 =	vadd.f32 v61, v3;
	v1 =	vadd.f32 v1, v55  }
0x4a0: {  	v42 =	vld [tilespmem:$0x1F650];
	v27 =	vand.u32 $0x7FFFFFFF, v19;
	v9 =	vadd.f32 v32, v63;
	v2 =	vadd.f32 v2, v6  }
0x4a1: {  	v17 =	vand.u32 $0x7FFFFFFF, v17;
	v28, _, _ =	vpop (xrf2);
	v48 =	vld [tilespmem:$0x1F660];
	(xrf2) =	vadd.scan.msk.f32 $0xffff, v3;
	v3 =	vadd.f32 v27, v4;
	v1 =	vsub.f32 v1, v60  }
0x4a2: {  	v30, _, _ =	vpop (xrf2);
	v34 =	vld [tilespmem:s30+$0x2B0];
	v0 =	vsub.f32 v0, v20;
	v5 =	vand.u32 $0x7FFFFFFF, v5;
	v2 =	vadd.f32 v17, v2  }
0x4a3: {  	v50 =	vld [tilespmem:$0x1F670];
	v33, _, _ =	vpop (xrf2);
	v37 =	vsub.f32 v9, v25;
	v3 =	vadd.f32 v5, v3;
	v1 =	vand.u32 $0x7FFFFFFF, v1  }
0x4a4: {  	v39 =	vand.u32 $0x7FFFFFFF, v10;
	v35, _, _ =	vpop (xrf2);
	v47 =	vld [tilespmem:s29+$0x330];
	v10 =	vsub.f32 v11, v40;
	v1 =	vadd.f32 v1, v2  }
0x4a5: {  	v38, _, _ =	vpop (xrf2);
	v43 =	vld [tilespmem:s30+$0x310];
	v0 =	vand.u32 $0x7FFFFFFF, v0;
	v4 =	vadd.f32 v42, v29;
	(xrf2) =	vadd.scan.msk.f32 $0xffff, v3;
	v3 =	vand.u32 $0x7FFFFFFF, v37  }
0x4a6: {  	v8 =	vsub.f32 v8, v48;
	v51 =	vld [tilespmem:s28+$0x330];
	v0 =	vadd.f32 v0, v3;
	v2, _, _ =	vpop (xrf2)  }
0x4a7: {  	v10 =	vand.u32 $0x7FFFFFFF, v10;
	v4 =	vsub.f32 v4, v34;
	v3 =	vadd.f32 v26, v31;
	v44, _, _ =	vpop (xrf2)  }
0x4a8: {  	v0 =	vadd.f32 v10, v0;
	v10 =	vadd.f32 v50, v36;
	(xrf2) =	vadd.scan.msk.f32 $0xffff, v1;
	v1, _, _ =	vpop (xrf2)  }
0x4a9: {  	v9 =	vadd.f32 v39, v46;
	v56 =	vld [tilespmem:s30+$0x330];
	v4 =	vand.u32 $0x7FFFFFFF, v4;
	v3 =	vsub.f32 v3, v41;
	v46, _, _ =	vpop (xrf2)  }
0x4aa: {  	v16 =	vbroadcast v28, $0xF;
	v0 =	vadd.f32 v4, v0;
	v54 =	vsub.f32 v10, v43;
	v52, _, _ =	vpop (xrf2)  }
0x4ab: {  	v59 =	vadd.f32 v47, v51;
	v55 =	vand.u32 $0x7FFFFFFF, v8;
	v11 =	vbroadcast v52, $0xF;
	v53, _, _ =	vpop (xrf2)  }
0x4ac: {  	v3 =	vand.u32 $0x7FFFFFFF, v3;
	(xrf2) =	vadd.scan.msk.f32 $0xffff, v0;
	v0 =	vand.u32 $0x7FFFFFFF, v54;
	v57 =	vbroadcast v53, $0xF  }
0x4ad: {  	v13 =	vbroadcast v46, $0xF;
	v0 =	vadd.f32 v0, v3;
	v11 =	vsel vm0, v11, v16  }
0x4ae: {  	v61 =	vsub.f32 v59, v56;
	v1 =	vbroadcast v1, $0xF;
	v58 =	vsel vm1, v11, v57  }
0x4af: {  	v0 =	vadd.f32 v55, v0;
	v4 =	vsel vm2, v58, v13  }
0x4b0: {  	v1 =	vsel vm3, v4, v1;
	v4 =	vand.u32 $0x7FFFFFFF, v61  }
0x4b1: {  	v0 =	vadd.f32 v4, v0  }
0x4b2: {  	v60 =	vbroadcast v44, $0xF  }
0x4b3: {  	v49 =	vand.u32 $0x7FFFFFFF, v45;
	v2 =	vbroadcast v2, $0xF;
	v3, _, _ =	vpop (xrf2);
	(xrf2) =	vadd.scan.msk.f32 $0xffff, v0  }
0x4b4: {  	v63 =	vadd.f32 v49, v9;
	v3 =	vbroadcast v3, $0xF;
	v62, _, _ =	vpop (xrf2);
	v1 =	vsel vm4, v1, v60  }
0x4b5: {  	v1 =	vsel vm5, v1, v2;
	v2 =	vbroadcast v62, $0xF  }
0x4b6: {  	v1 =	vsel vm6, v1, v3;
	(xrf2) =	vadd.scan.msk.f32 $0xffff, v63  }
0x4b7: {  	v3 =	vbroadcast v38, $0xF;
	v1 =	vsel vm7, v1, v2;
	v2 =	vbroadcast v35, $0xF;
	_ =	sdelay $0x1  }
0x4b8: {  	v1 =	vsel vm8, v1, v3;
	v3 =	vbroadcast v33, $0xF  }
0x4b9: {  	v1 =	vsel vm9, v1, v2  }
0x4ba: {  	s31 =	simm.s32 $0x10;
	v0 =	vbroadcast v30, $0xF;
	v1 =	vsel vm10, v1, v3;
	v2, _, _ =	vpop (xrf2)  }
.LBB2_4:
0x4bb: {  	v2 =	vbroadcast v2, $0xF;
	s28 =	sadd.s32 $0x800, s28;
	s29 =	sadd.s32 $0x800, s29;
	s30 =	sadd.s32 $0x800, s30  }
0x4bc: {  	p0 =	sne.s32 s31, $0xF0;
	s2 =	smov.u32 s31;
	s31 =	sadd.s32 $0x10, s31;
	v3, _, _ =	vpop (xrf2)  }
0x4bd: {  	v0 =	vsel vm11, v1, v0;
	v3 =	vbroadcast v3, $0xF  }
0x4be: {  	v0 =	vsel vm12, v0, v2  }
0x4bf: {  	v0 =	vsel vm13, v0, v3;
	v1, _, _ =	vpop (xrf2)  }
0x4c0: {  	s5 =	sand.u32 $0xF0, s26;
	s26 =	smov.u32 s2;
	v0 =	vsel vm14, v0, v1  }
0x4c1: {  	[tilespmem:s5+$0x18400] =	vst v0  }
0x4c2: {  	v0 =	vld [tilespmem:s28+$0xFFFFFCB0]  }
0x4c3: {  	v1 =	vld [tilespmem:s29+$0xFFFFFCB0]  }
0x4c4: {  	v2 =	vld [tilespmem:s30+$0xFFFFFCA0]  }
0x4c5: {  	v3 =	vld [tilespmem:s30+$0xFFFFFC90]  }
0x4c6: {  	v4 =	vld [tilespmem:s29+$0xFFFFFCA0]  }
0x4c7: {  	v5 =	vld [tilespmem:s29+$0xFFFFFC90]  }
0x4c8: {  	v6 =	vld [tilespmem:s28+$0xFFFFFCA0]  }
0x4c9: {  	v7 =	vld [tilespmem:s28+$0xFFFFFC90]  }
0x4ca: {  	v8 =	vld [tilespmem:s28+$0xFFFFFC80]  }
0x4cb: {  	v9 =	vld [tilespmem:s29+$0xFFFFFC80]  }
0x4cc: {  	v10 =	vld [tilespmem:s30+$0xFFFFFCB0]  }
0x4cd: {  	v11 =	vld [tilespmem:s30+$0xFFFFFC80];
	v4 =	vadd.f32 v4, v6  }
0x4ce: {  	v5 =	vadd.f32 v5, v7;
	v6 =	vld [tilespmem:s28+$0x3B0]  }
0x4cf: {  	v0 =	vadd.f32 v1, v0;
	v2 =	vsub.f32 v4, v2;
	v1 =	vld [tilespmem:s30+$0x3B0]  }
0x4d0: {  	v4 =	vadd.f32 v9, v8;
	v3 =	vsub.f32 v5, v3;
	v5 =	vld [tilespmem:s29+$0x3B0]  }
0x4d1: {  	v0 =	vsub.f32 v0, v10;
	v7 =	vld [tilespmem:s30+$0x390]  }
0x4d2: {  	v4 =	vsub.f32 v4, v11;
	v8 =	vld [tilespmem:s30+$0x3A0]  }
0x4d3: {  	v0 =	vand.u32 $0x7FFFFFFF, v0;
	v9 =	vld [tilespmem:s29+$0x3A0]  }
0x4d4: {  	v3 =	vand.u32 $0x7FFFFFFF, v3;
	v4 =	vand.u32 $0x7FFFFFFF, v4;
	v10 =	vld [tilespmem:s28+$0x3A0]  }
0x4d5: {  	v3 =	vadd.f32 v3, v4;
	v11 =	vld [tilespmem:s30+$0x380];
	v4 =	vadd.f32 v5, v6  }
0x4d6: {  	v2 =	vand.u32 $0x7FFFFFFF, v2;
	v5 =	vld [tilespmem:s29+$0x390]  }
0x4d7: {  	v2 =	vadd.f32 v2, v3;
	v3 =	vld [tilespmem:s28+$0x390];
	v1 =	vsub.f32 v4, v1  }
0x4d8: {  	v4 =	vld [tilespmem:s29+$0x380]  }
0x4d9: {  	v6 =	vadd.f32 v0, v2;
	v12 =	vld [tilespmem:s28+$0x380];
	v9 =	vadd.f32 v9, v10  }
0x4da: {  	v0 =	vld [tilespmem:s29+$0x330]  }
0x4db: {  	v2 =	vld [tilespmem:s29+$0x2B0];
	v8 =	vsub.f32 v9, v8;
	(xrf2) =	vadd.scan.msk.f32 $0xffff, v6  }
0x4dc: {  	v6 =	vld [tilespmem:s30+$0x320];
	v3 =	vadd.f32 v5, v3  }
0x4dd: {  	v5 =	vld [tilespmem:s29+$0x320]  }
0x4de: {  	v9 =	vld [tilespmem:s30+$0x2A0];
	v10 =	vadd.f32 v4, v12;
	v3 =	vsub.f32 v3, v7  }
0x4df: {  	v7 =	vld [tilespmem:s28+$0x320]  }
0x4e0: {  	v4 =	vld [tilespmem:s30+$0x310];
	v10 =	vsub.f32 v10, v11;
	v3 =	vand.u32 $0x7FFFFFFF, v3  }
0x4e1: {  	v11 =	vld [tilespmem:s29+$0x2A0]  }
0x4e2: {  	v12 =	vld [tilespmem:s28+$0x2A0];
	v10 =	vand.u32 $0x7FFFFFFF, v10  }
0x4e3: {  	v13 =	vld [tilespmem:s29+$0x310];
	v15 =	vadd.f32 v3, v10  }
0x4e4: {  	v10 =	vld [tilespmem:s28+$0x310];
	v5 =	vadd.f32 v5, v7;
	v7 =	vand.u32 $0x7FFFFFFF, v8  }
0x4e5: {  	v14 =	vld [tilespmem:s30+$0x290];
	v7 =	vadd.f32 v7, v15;
	v3, _, _ =	vpop (xrf2)  }
0x4e6: {  	v1 =	vand.u32 $0x7FFFFFFF, v1;
	v15 =	vld [tilespmem:s30+$0x220];
	v6 =	vsub.f32 v5, v6  }
0x4e7: {  	v16 =	vld [tilespmem:s29+$0x220];
	v5 =	vadd.f32 v11, v12;
	v1 =	vadd.f32 v1, v7  }
0x4e8: {  	v8 =	vld [tilespmem:s29+$0x300]  }
0x4e9: {  	v11 =	vld [tilespmem:s28+$0x220];
	v5 =	vsub.f32 v5, v9;
	v7 =	vadd.f32 v13, v10  }
0x4ea: {  	v12 =	vld [tilespmem:s28+$0x210]  }
0x4eb: {  	v9 =	vld [tilespmem:s29+$0x290]  }
0x4ec: {  	v13 =	vld [tilespmem:s28+$0x290]  }
0x4ed: {  	v17 =	vld [tilespmem:s30+$0x230]  }
0x4ee: {  	v10 =	vadd.f32 v16, v11;
	v11 =	vld [tilespmem:s29+$0x230]  }
0x4ef: {  	v16 =	vld [tilespmem:s28+$0x230]  }
0x4f0: {  	v18 =	vld [tilespmem:s30+$0x200];
	v15 =	vsub.f32 v10, v15  }
0x4f1: {  	v10 =	vld [tilespmem:s29+$0x280];
	v9 =	vadd.f32 v9, v13  }
0x4f2: {  	v13 =	vld [tilespmem:s30+$0x210]  }
0x4f3: {  	v19 =	vld [tilespmem:s29+$0x210];
	v9 =	vsub.f32 v9, v14  }
0x4f4: {  	v14 =	vld [tilespmem:s29+$0x200];
	v11 =	vadd.f32 v11, v16  }
0x4f5: {  	v16 =	vld [tilespmem:s28+$0x200]  }
0x4f6: {  	v20 =	vld [tilespmem:s30+$0x1B0];
	v11 =	vsub.f32 v11, v17  }
0x4f7: {  	v17 =	vld [tilespmem:s29+$0x1B0]  }
0x4f8: {  	v21 =	vld [tilespmem:s28+$0x1B0];
	v12 =	vadd.f32 v19, v12  }
0x4f9: {  	v19 =	vld [tilespmem:s30+$0x1A0]  }
0x4fa: {  	v22 =	vld [tilespmem:s29+$0x1A0];
	v14 =	vadd.f32 v14, v16;
	v12 =	vsub.f32 v12, v13  }
0x4fb: {  	v13 =	vld [tilespmem:s28+$0x1A0]  }
0x4fc: {  	v16 =	vld [tilespmem:s30+$0x130];
	v14 =	vsub.f32 v14, v18  }
0x4fd: {  	v18 =	vld [tilespmem:s29+$0x130];
	v17 =	vadd.f32 v17, v21  }
0x4fe: {  	v12 =	vand.u32 $0x7FFFFFFF, v12;
	v21 =	vld [tilespmem:s28+$0x130];
	v14 =	vand.u32 $0x7FFFFFFF, v14  }
0x4ff: {  	v23 =	vld [tilespmem:s29+$0x120];
	v17 =	vsub.f32 v17, v20;
	v12 =	vadd.f32 v12, v14  }
0x500: {  	v15 =	vand.u32 $0x7FFFFFFF, v15;
	v14 =	vld [tilespmem:s30+$0x100];
	v13 =	vadd.f32 v22, v13  }
0x501: {  	v20 =	vld [tilespmem:s30+$0x180];
	v12 =	vadd.f32 v15, v12  }
0x502: {  	v11 =	vand.u32 $0x7FFFFFFF, v11;
	v15 =	vld [tilespmem:s30+$0x120];
	v19 =	vsub.f32 v13, v19  }
0x503: {  	v13 =	vld [tilespmem:s28+$0x120];
	v18 =	vadd.f32 v18, v21;
	v11 =	vadd.f32 v11, v12  }
0x504: {  	v12 =	vld [tilespmem:s30+$0x190]  }
0x505: {  	v16 =	vsub.f32 v18, v16;
	v18 =	vld [tilespmem:s29+$0x190];
	(xrf2) =	vadd.scan.msk.f32 $0xffff, v11  }
0x506: {  	v11 =	vld [tilespmem:s28+$0x190]  }
0x507: {  	v21 =	vld [tilespmem:s30+$0x110]  }
0x508: {  	v13 =	vadd.f32 v23, v13;
	v22 =	vld [tilespmem:s29+$0x180]  }
0x509: {  	v23 =	vld [tilespmem:s28+$0x180]  }
0x50a: {  	v24 =	vld [tilespmem:s29+$0x110];
	v15 =	vsub.f32 v13, v15  }
0x50b: {  	v25 =	vld [tilespmem:s28+$0x110];
	v11 =	vadd.f32 v18, v11  }
0x50c: {  	v18 =	vld [tilespmem:s29+$0x100]  }
0x50d: {  	v26 =	vld [tilespmem:s28+$0x100];
	v12 =	vsub.f32 v11, v12  }
0x50e: {  	v13 =	vld [tilespmem:s29+$0x30];
	v22 =	vadd.f32 v22, v23  }
0x50f: {  	v23 =	vld [tilespmem:s30+$0xB0];
	v11, _, _ =	vpop (xrf2)  }
0x510: {  	v27 =	vld [tilespmem:s29+$0xB0];
	v24 =	vadd.f32 v24, v25;
	v20 =	vsub.f32 v22, v20  }
0x511: {  	v12 =	vand.u32 $0x7FFFFFFF, v12;
	v22 =	vld [tilespmem:s28+$0xB0]  }
0x512: {  	v25 =	vld [tilespmem:s30+$0x80];
	v18 =	vadd.f32 v18, v26;
	v21 =	vsub.f32 v24, v21;
	v20 =	vand.u32 $0x7FFFFFFF, v20  }
0x513: {  	v24 =	vld [tilespmem:s30+$0xA0];
	v12 =	vadd.f32 v12, v20  }
0x514: {  	v19 =	vand.u32 $0x7FFFFFFF, v19;
	v20 =	vld [tilespmem:s29+$0xA0];
	v14 =	vsub.f32 v18, v14;
	v18 =	vand.u32 $0x7FFFFFFF, v21  }
0x515: {  	v21 =	vld [tilespmem:s28+$0xA0];
	v12 =	vadd.f32 v19, v12  }
0x516: {  	v17 =	vand.u32 $0x7FFFFFFF, v17;
	v19 =	vld [tilespmem:s30+$0x90];
	v22 =	vadd.f32 v27, v22;
	v14 =	vand.u32 $0x7FFFFFFF, v14  }
0x517: {  	v26 =	vld [tilespmem:s29+$0x90];
	v14 =	vadd.f32 v18, v14;
	v12 =	vadd.f32 v17, v12  }
0x518: {  	v15 =	vand.u32 $0x7FFFFFFF, v15;
	v17 =	vld [tilespmem:s28+$0x90];
	v18 =	vsub.f32 v22, v23  }
0x519: {  	v22 =	vld [tilespmem:s29+$0x80];
	v14 =	vadd.f32 v15, v14;
	(xrf2) =	vadd.scan.msk.f32 $0xffff, v12  }
0x51a: {  	v12 =	vld [tilespmem:s28+$0x80];
	v15 =	vadd.f32 v20, v21;
	v20 =	vand.u32 $0x7FFFFFFF, v16  }
0x51b: {  	v16 =	vld [tilespmem:s29+$0xFFFFFFB0];
	v14 =	vadd.f32 v20, v14  }
0x51c: {  	v20 =	vld [tilespmem:s30+$0x20];
	v15 =	vsub.f32 v15, v24  }
0x51d: {  	v21 =	vld [tilespmem:s29+$0x20];
	v17 =	vadd.f32 v26, v17;
	(xrf2) =	vadd.scan.msk.f32 $0xffff, v14  }
0x51e: {  	v14 =	vld [tilespmem:s28+$0x20]  }
0x51f: {  	v23 =	vld [tilespmem:s30+$0x10];
	v12 =	vadd.f32 v22, v12;
	v17 =	vsub.f32 v17, v19  }
0x520: {  	v19 =	vld [tilespmem:s30+$0xFFFFFFA0]  }
0x521: {  	v22 =	vld [tilespmem:s29+$0xFFFFFFA0];
	v26 =	vsub.f32 v12, v25;
	v17 =	vand.u32 $0x7FFFFFFF, v17  }
0x522: {  	v24 =	vld [tilespmem:s28+$0xFFFFFFA0]  }
0x523: {  	v25 =	vld [tilespmem:s29+$0x10];
	v14 =	vadd.f32 v21, v14;
	v21 =	vand.u32 $0x7FFFFFFF, v26;
	v12, _, _ =	vpop (xrf2)  }
0x524: {  	v26 =	vld [tilespmem:s28+$0x10];
	v21 =	vadd.f32 v17, v21  }
0x525: {  	v30 =	vand.u32 $0x7FFFFFFF, v15;
	v27 =	vld [tilespmem:s30+$0xFFFFFEB0];
	v17 =	vsub.f32 v14, v20  }
0x526: {  	v28 =	vld [tilespmem:s29+$0xFFFFFEB0];
	v15 =	vadd.f32 v30, v21  }
0x527: {  	v18 =	vand.u32 $0x7FFFFFFF, v18;
	v29 =	vld [tilespmem:s30+$0xFFFFFF30];
	v20 =	vadd.f32 v22, v24;
	v14, _, _ =	vpop (xrf2)  }
0x528: {  	v21 =	vld [tilespmem:s29+$0xFFFFFF30];
	v15 =	vadd.f32 v18, v15  }
0x529: {  	v22 =	vld [tilespmem:s28+$0xFFFFFF30];
	v18 =	vsub.f32 v20, v19;
	v19 =	vadd.f32 v25, v26  }
0x52a: {  	v24 =	vld [tilespmem:s30+$0xFFFFFF20];
	(xrf2) =	vadd.scan.msk.f32 $0xffff, v15  }
0x52b: {  	v20 =	vld [tilespmem:s29+$0x0];
	v19 =	vsub.f32 v19, v23  }
0x52c: {  	v23 =	vld [tilespmem:s30+$0xFFFFFF90]  }
0x52d: {  	v15 =	vld [tilespmem:s29+$0xFFFFFF90]  }
0x52e: {  	v22 =	vadd.f32 v21, v22;
	v25 =	vld [tilespmem:s28+$0xFFFFFF90]  }
0x52f: {  	v21 =	vld [tilespmem:s29+$0xFFFFFF80]  }
0x530: {  	v26 =	vld [tilespmem:s28+$0xFFFFFEB0];
	v29 =	vsub.f32 v22, v29  }
0x531: {  	v30 =	vld [tilespmem:s30+$0xFFFFFF00]  }
0x532: {  	v31 =	vld [tilespmem:s30+$0xFFFFFE80]  }
0x533: {  	v32 =	vld [tilespmem:s29+$0xFFFFFF20];
	v22 =	vadd.f32 v15, v25  }
0x534: {  	v25 =	vld [tilespmem:s28+$0xFFFFFF20];
	v15, _, _ =	vpop (xrf2)  }
0x535: {  	v26 =	vadd.f32 v28, v26;
	v28 =	vld [tilespmem:s30+$0xFFFFFF10];
	v22 =	vsub.f32 v22, v23  }
0x536: {  	v23 =	vld [tilespmem:s29+$0xFFFFFF10]  }
0x537: {  	v26 =	vsub.f32 v26, v27;
	v27 =	vld [tilespmem:s28+$0xFFFFFF10];
	v22 =	vand.u32 $0x7FFFFFFF, v22  }
0x538: {  	v33 =	vld [tilespmem:s29+$0xFFFFFF00]  }
0x539: {  	v34 =	vld [tilespmem:s28+$0xFFFFFF00];
	v25 =	vadd.f32 v32, v25  }
0x53a: {  	v32 =	vld [tilespmem:s30+$0xFFFFFEA0]  }
0x53b: {  	v35 =	vld [tilespmem:s29+$0xFFFFFEA0];
	v24 =	vsub.f32 v25, v24  }
0x53c: {  	v25 =	vld [tilespmem:s28+$0xFFFFFEA0];
	v23 =	vadd.f32 v23, v27  }
0x53d: {  	v27 =	vld [tilespmem:s30+$0xFFFFFE90]  }
0x53e: {  	v36 =	vld [tilespmem:s29+$0xFFFFFE90];
	v33 =	vadd.f32 v33, v34;
	v23 =	vsub.f32 v23, v28  }
0x53f: {  	v28 =	vld [tilespmem:s28+$0xFFFFFE90]  }
0x540: {  	v34 =	vld [tilespmem:s29+$0xFFFFFE80];
	v30 =	vsub.f32 v33, v30;
	v23 =	vand.u32 $0x7FFFFFFF, v23  }
0x541: {  	v33 =	vld [tilespmem:s28+$0xFFFFFE80];
	v25 =	vadd.f32 v35, v25  }
0x542: {  	v35 =	vld [tilespmem:s30+$0xFFFFFDB0];
	v30 =	vand.u32 $0x7FFFFFFF, v30  }
0x543: {  	v37 =	vld [tilespmem:s29+$0xFFFFFDB0];
	v25 =	vsub.f32 v25, v32;
	v23 =	vadd.f32 v23, v30  }
0x544: {  	v24 =	vand.u32 $0x7FFFFFFF, v24;
	v30 =	vld [tilespmem:s28+$0xFFFFFDB0];
	v28 =	vadd.f32 v36, v28  }
0x545: {  	v32 =	vld [tilespmem:s30+$0xFFFFFD80];
	v23 =	vadd.f32 v24, v23  }
0x546: {  	v24 =	vld [tilespmem:s30+$0xFFFFFE30];
	v33 =	vadd.f32 v34, v33;
	v27 =	vsub.f32 v28, v27;
	v28 =	vand.u32 $0x7FFFFFFF, v29  }
0x547: {  	v29 =	vld [tilespmem:s29+$0xFFFFFE30];
	v23 =	vadd.f32 v28, v23  }
0x548: {  	v28 =	vld [tilespmem:s28+$0xFFFFFE30];
	v31 =	vsub.f32 v33, v31;
	v27 =	vand.u32 $0x7FFFFFFF, v27  }
0x549: {  	v30 =	vadd.f32 v37, v30;
	v33 =	vld [tilespmem:s30+$0xFFFFFE20];
	(xrf2) =	vadd.scan.msk.f32 $0xffff, v23  }
0x54a: {  	v23 =	vld [tilespmem:s29+$0xFFFFFE20];
	v31 =	vand.u32 $0x7FFFFFFF, v31  }
0x54b: {  	v30 =	vsub.f32 v30, v35;
	v34 =	vld [tilespmem:s28+$0xFFFFFE20];
	v27 =	vadd.f32 v27, v31  }
0x54c: {  	v25 =	vand.u32 $0x7FFFFFFF, v25;
	v31 =	vld [tilespmem:s30+$0xFFFFFE00]  }
0x54d: {  	v35 =	vld [tilespmem:s30+$0xFFFFFE10];
	v28 =	vadd.f32 v29, v28;
	v25 =	vadd.f32 v25, v27  }
0x54e: {  	v26 =	vand.u32 $0x7FFFFFFF, v26;
	v27 =	vld [tilespmem:s29+$0xFFFFFE10]  }
0x54f: {  	v29 =	vld [tilespmem:s28+$0xFFFFFE10];
	v28 =	vsub.f32 v28, v24;
	v24 =	vadd.f32 v26, v25  }
0x550: {  	v25 =	vld [tilespmem:s29+$0xFFFFFE00];
	v37 =	vadd.f32 v23, v34  }
0x551: {  	v26 =	vld [tilespmem:s28+$0xFFFFFE00];
	(xrf2) =	vadd.scan.msk.f32 $0xffff, v24  }
0x552: {  	v34 =	vld [tilespmem:s29+$0xFFFFFD30];
	v33 =	vsub.f32 v37, v33  }
0x553: {  	v36 =	vld [tilespmem:s30+$0xFFFFFD20];
	v23, _, _ =	vpop (xrf2)  }
0x554: {  	v37 =	vld [tilespmem:s30+$0xFFFFFDA0];
	v24 =	vadd.f32 v27, v29  }
0x555: {  	v27 =	vld [tilespmem:s29+$0xFFFFFDA0]  }
0x556: {  	v29 =	vld [tilespmem:s28+$0xFFFFFDA0];
	v25 =	vadd.f32 v25, v26;
	v24 =	vsub.f32 v24, v35  }
0x557: {  	v26 =	vld [tilespmem:s30+$0xFFFFFD90]  }
0x558: {  	v35 =	vld [tilespmem:s29+$0xFFFFFD90];
	v25 =	vsub.f32 v25, v31  }
0x559: {  	v31 =	vld [tilespmem:s28+$0xFFFFFD90]  }
0x55a: {  	v40 =	vand.u32 $0x7FFFFFFF, v24;
	v38 =	vld [tilespmem:s29+$0xFFFFFD80];
	v25 =	vand.u32 $0x7FFFFFFF, v25  }
0x55b: {  	v39 =	vld [tilespmem:s28+$0xFFFFFD80];
	v27 =	vadd.f32 v27, v29;
	v25 =	vadd.f32 v40, v25;
	v24, _, _ =	vpop (xrf2)  }
0x55c: {  	v33 =	vand.u32 $0x7FFFFFFF, v33;
	v29 =	vld [tilespmem:s29+$0xFFFFFC30]  }
0x55d: {  	v40 =	vld [tilespmem:s29+$0xFFFFFD20];
	v27 =	vsub.f32 v27, v37;
	v25 =	vadd.f32 v33, v25  }
0x55e: {  	v28 =	vand.u32 $0x7FFFFFFF, v28;
	v33 =	vld [tilespmem:s28+$0xFFFFFD20];
	v31 =	vadd.f32 v35, v31  }
0x55f: {  	v35 =	vld [tilespmem:s30+$0xFFFFFC20];
	v25 =	vadd.f32 v28, v25  }
0x560: {  	v28 =	vld [tilespmem:s29+$0xFFFFFC20];
	v37 =	vadd.f32 v38, v39;
	v26 =	vsub.f32 v31, v26  }
0x561: {  	v31 =	vld [tilespmem:s28+$0xFFFFFC20];
	(xrf2) =	vadd.scan.msk.f32 $0xffff, v25  }
0x562: {  	v38 =	vld [tilespmem:s30+$0xFFFFFC10];
	v25 =	vsub.f32 v37, v32;
	v26 =	vand.u32 $0x7FFFFFFF, v26  }
0x563: {  	v32 =	vld [tilespmem:s30+$0xFFFFFD10];
	v33 =	vadd.f32 v40, v33  }
0x564: {  	v37 =	vld [tilespmem:s29+$0xFFFFFD10];
	v25 =	vand.u32 $0x7FFFFFFF, v25  }
0x565: {  	v39 =	vld [tilespmem:s28+$0xFFFFFD10];
	v33 =	vsub.f32 v33, v36;
	v25 =	vadd.f32 v26, v25  }
0x566: {  	v27 =	vand.u32 $0x7FFFFFFF, v27;
	v26 =	vadd.f32 v28, v31;
	v28 =	vld [tilespmem:s29+$0xFFFFFD00]  }
0x567: {  	v31 =	vld [tilespmem:s28+$0xFFFFFC00];
	v25 =	vadd.f32 v27, v25  }
0x568: {  	v30 =	vand.u32 $0x7FFFFFFF, v30;
	v27 =	vld [tilespmem:s29+$0xFFFFFC10];
	v26 =	vsub.f32 v26, v35  }
0x569: {  	v35 =	vld [tilespmem:s28+$0xFFFFFC10];
	v40 =	vadd.f32 v30, v25  }
0x56a: {  	v30 =	vld [tilespmem:s29+$0xFFFFFC00];
	v36 =	vadd.f32 v37, v39  }
0x56b: {  	v37 =	vld [tilespmem:s28+$0xFFFFFD00];
	(xrf2) =	vadd.scan.msk.f32 $0xffff, v40;
	v25, _, _ =	vpop (xrf2)  }
0x56c: {  	v39 =	vld [tilespmem:s30+$0xFFFFFC00];
	v32 =	vsub.f32 v36, v32  }
0x56d: {  	v36 =	vld [tilespmem:s30+$0xFFFFFD00]  }
0x56e: {  	v27 =	vadd.f32 v27, v35;
	v35 =	vld [tilespmem:s28+$0xFFFFFC30]  }
0x56f: {  	v30 =	vadd.f32 v30, v31;
	v31 =	vld [tilespmem:s28+$0xFFFFFD30]  }
0x570: {  	v40 =	vld [tilespmem:s30+$0xFFFFFC30];
	v28 =	vadd.f32 v28, v37  }
0x571: {  	v27 =	vsub.f32 v27, v38;
	v30 =	vsub.f32 v30, v39;
	v37 =	vld [tilespmem:s30+$0xFFFFFD30]  }
0x572: {  	v32 =	vand.u32 $0x7FFFFFFF, v32;
	v28 =	vsub.f32 v28, v36;
	v36 =	vld [tilespmem:s28+$0xFFFFFF80]  }
0x573: {  	v27 =	vand.u32 $0x7FFFFFFF, v27;
	v30 =	vand.u32 $0x7FFFFFFF, v30;
	v29 =	vadd.f32 v29, v35;
	v35 =	vld [tilespmem:s28+$0x0]  }
0x574: {  	v27 =	vadd.f32 v27, v30;
	v28 =	vand.u32 $0x7FFFFFFF, v28;
	v30 =	vadd.f32 v34, v31;
	v31 =	vld [tilespmem:s30+$0xFFFFFF80]  }
0x575: {  	v26 =	vand.u32 $0x7FFFFFFF, v26;
	v29 =	vsub.f32 v29, v40;
	v28 =	vadd.f32 v32, v28;
	v32 =	vld [tilespmem:s30+$0x0];
	v34, _, _ =	vpop (xrf2)  }
0x576: {  	v26 =	vadd.f32 v26, v27;
	v27 =	vand.u32 $0x7FFFFFFF, v33;
	v30 =	vsub.f32 v30, v37;
	v33 =	vld [tilespmem:s28+$0xFFFFFFB0]  }
0x577: {  	v29 =	vand.u32 $0x7FFFFFFF, v29;
	v27 =	vadd.f32 v27, v28;
	v21 =	vadd.f32 v21, v36;
	v28 =	vld [tilespmem:s28+$0x30]  }
0x578: {  	v26 =	vadd.f32 v29, v26;
	v29 =	vand.u32 $0x7FFFFFFF, v30;
	v30 =	vld [tilespmem:s30+$0xFFFFFFB0];
	v20 =	vadd.f32 v20, v35  }
0x579: {  	v27 =	vadd.f32 v29, v27;
	v21 =	vsub.f32 v21, v31;
	v29 =	vld [tilespmem:s30+$0x30]  }
0x57a: {  	v20 =	vsub.f32 v20, v32;
	v31 =	vld [tilespmem:s28+$0x280];
	(xrf2) =	vadd.scan.msk.f32 $0xffff, v26  }
0x57b: {  	v19 =	vand.u32 $0x7FFFFFFF, v19;
	v21 =	vand.u32 $0x7FFFFFFF, v21;
	v16 =	vadd.f32 v16, v33;
	v26 =	vld [tilespmem:s28+$0x300]  }
0x57c: {  	v21 =	vadd.f32 v22, v21;
	v20 =	vand.u32 $0x7FFFFFFF, v20;
	v13 =	vadd.f32 v13, v28;
	v22 =	vld [tilespmem:s30+$0x280]  }
0x57d: {  	v18 =	vand.u32 $0x7FFFFFFF, v18;
	v16 =	vsub.f32 v16, v30;
	v19 =	vadd.f32 v19, v20;
	v20 =	vld [tilespmem:s30+$0x300];
	(xrf2) =	vadd.scan.msk.f32 $0xffff, v27  }
0x57e: {  	v17 =	vand.u32 $0x7FFFFFFF, v17;
	v18 =	vadd.f32 v18, v21;
	v13 =	vsub.f32 v13, v29;
	v21 =	vld [tilespmem:s28+$0x2B0]  }
0x57f: {  	v16 =	vand.u32 $0x7FFFFFFF, v16;
	v17 =	vadd.f32 v17, v19;
	v10 =	vadd.f32 v10, v31;
	v19 =	vld [tilespmem:s28+$0x330]  }
0x580: {  	v16 =	vadd.f32 v16, v18;
	v13 =	vand.u32 $0x7FFFFFFF, v13;
	v18 =	vld [tilespmem:s30+$0x2B0];
	v8 =	vadd.f32 v8, v26  }
0x581: {  	v13 =	vadd.f32 v13, v17;
	v10 =	vsub.f32 v10, v22  }
0x582: {  	v6 =	vand.u32 $0x7FFFFFFF, v6;
	v4 =	vsub.f32 v7, v4;
	v8 =	vsub.f32 v8, v20;
	(xrf2) =	vadd.scan.msk.f32 $0xffff, v16  }
0x583: {  	v16 =	vand.u32 $0x7FFFFFFF, v9;
	v7 =	vand.u32 $0x7FFFFFFF, v10;
	v2 =	vadd.f32 v2, v21;
	v10 =	vld [tilespmem:s30+$0x330]  }
0x584: {  	v4 =	vand.u32 $0x7FFFFFFF, v4;
	v7 =	vadd.f32 v16, v7;
	v8 =	vand.u32 $0x7FFFFFFF, v8;
	v9, _, _ =	vpop (xrf2)  }
0x585: {  	v5 =	vand.u32 $0x7FFFFFFF, v5;
	v2 =	vsub.f32 v2, v18;
	v4 =	vadd.f32 v4, v8;
	(xrf2) =	vadd.scan.msk.f32 $0xffff, v13  }
0x586: {  	v0 =	vadd.f32 v0, v19;
	v8 =	vbroadcast v9, $0xF;
	v5 =	vadd.f32 v5, v7  }
0x587: {  	v3 =	vbroadcast v3, $0xF;
	v2 =	vand.u32 $0x7FFFFFFF, v2;
	v4 =	vadd.f32 v6, v4;
	v6, _, _ =	vpop (xrf2)  }
0x588: {  	v6 =	vbroadcast v6, $0xF;
	v2 =	vadd.f32 v2, v5;
	v0 =	vsub.f32 v0, v10  }
0x589: {  	v7 =	vbroadcast v34, $0xF;
	v3 =	vsel vm0, v8, v3  }
0x58a: {  	v3 =	vsel vm1, v3, v6;
	v6 =	vbroadcast v25, $0xF;
	v0 =	vand.u32 $0x7FFFFFFF, v0;
	(xrf2) =	vadd.scan.msk.f32 $0xffff, v2  }
0x58b: {  	v2 =	vsel vm2, v3, v7;
	v3 =	vbroadcast v24, $0xF;
	v0 =	vadd.f32 v0, v4  }
0x58c: {  	v4 =	vbroadcast v23, $0xF;
	v2 =	vsel vm3, v2, v6;
	v5, _, _ =	vpop (xrf2)  }
0x58d: {  	v2 =	vsel vm4, v2, v3;
	(xrf2) =	vadd.scan.msk.f32 $0xffff, v0  }
0x58e: {  	v0 =	vsel vm5, v2, v4;
	v2 =	vbroadcast v5, $0xF  }
0x58f: {  	v3, _, _ =	vpop (xrf2)  }
0x590: {  	v3 =	vbroadcast v3, $0xF;
	(xrf2) =	vadd.scan.msk.f32 $0xffff, v1  }
.Ltmp1:
0x591: {  	v0 =	vsel vm6, v0, v2;
	v1 =	vbroadcast v15, $0xF;
	(pc) =	sbr.rel @p0 .LBB2_4-.Ltmp1, $4  }
0x592: {  	v4 =	vbroadcast v14, $0xF;
	v0 =	vsel vm7, v0, v3  }
0x593: {  	v0 =	vsel vm8, v0, v1;
	v1 =	vbroadcast v12, $0xF  }
0x594: {  	v3 =	vsel vm9, v0, v4;
	v0 =	vbroadcast v11, $0xF;
	v2, _, _ =	vpop (xrf2)  }
0x595: {  	v1 =	vsel vm10, v3, v1  }
0x596: {  	_ = 	snop  }
0x597: {  	v2 =	vbroadcast v2, $0xF;
	v3, _, _ =	vpop (xrf2)  }
0x598: {  	v0 =	vsel vm11, v1, v0;
	v62 =	vbroadcast v3, $0xF  }
0x599: {  	v0 =	vsel vm12, v0, v2  }
0x59a: {  	s25 =	sadd.s32 $0x1, s25;
	v0 =	vsel vm13, v0, v62;
	v63, _, _ =	vpop (xrf2)  }
0x59b: {  	s2 =	sand.u32 $0xF0, s26;
	p0 =	sne.s32 s25, s18;
	v0 =	vsel vm14, v0, v63  }
.Ltmp2:
0x59c: {  	s28 =	simm.s32 $0x18300;
	[tilespmem:s2+$0x18400] =	vst v0;
	(pc) =	sbr.rel @p0 .LBB2_1-.Ltmp2, $4  }
0x59d: {  	[hbm4b:s17+s1] =	stream.linear.scatter [tilespmem:s28], [sflag:$0x2], $0x200, $0x38;
	[tilespmem:$0x18500] =	vst v63  }
0x59e: {  	_ =	swait.ge [sflag:s19], $0x200  }
0x59f: {  	s5 =	simm.s32 $0x300;
	[sflag:s19] =	ssyncset.done $0x0  }
0x5a0: {  	s30 =	simm.s32 $0x8300;
	s31 =	simm.s32 $0x10300;
	[sflag:s19] =	ssyncadd.s32 $0xFFFFFE00  }
0x5a1: {  	_ =	sfence.sel $0x180000  }
0x5a2: {  	[bflag:$0x0] =	sbarrier.arrive $0xFFFF  }
0x5a3: {  	_ =	strace $0x90000047  }
0x5a4: {  	s0 =	stileid.u32;
	[bflag:$0x2] =	sbarrier.arrive $0xFFFF  }
0x5a5: {  	p0 =	sne.s32 s0, $0x0;
	s0 =	rddreg [dreg:$0x5]  }
0x5a6: {  	s0 =	sadd.s32 @!p0 $0x100000, s0  }
0x5a7: {  	[sflag:s0] =	ssyncadd.tile.s32 @!p0 $0x1;
	_ =	shalt  }
.Lfunc_end2:
_tile_overlayer_lowered:
.L_overlay_start_2:
0x5a8: {  	(tag) =	ssettag $0x2  }
0x5a9: {  	s0 =	rddreg [dreg:$0x0];
	s2 =	stileid.u32  }
0x5aa: {  	s1 =	rddreg [dreg:$0x1];
	p0 =	sne.s32 s2, $0x0  }
0x5ab: {  	s3 =	rddreg [dreg:$0x2];
	[bflag:$0x3] =	sbarrier.arrive $0xFFFF;
	s2 =	simm.s32 @!p0 $0x1C02  }
0x5ac: {  	[timem:s3], [sflag:s2] =	dma.local @!p0 [hbm:s0], s1  }
0x5ad: {  	s0 =	simm.s32 @!p0 $0x2  }
0x5ae: {  	_ =	swait.ge @!p0 [sflag:s0], s1  }
0x5af: {  	s1 =	ssub.s32 @!p0 $0x0, s1;
	[sflag:s0] =	ssyncset.done @!p0 $0x0  }
0x5b0: {  	[sflag:s0] =	ssyncadd.s32 @!p0 s1  }
0x5b1: {  	[bflag:$0x3] =	sbarrier.arrive $0xFFFF  }
0x5b2: {  	_ =	shalt  }

</sc_bundles>
